<compile_context>
chip_gen: v7x
topology: tpu7x:2x2x1
jax: 0.10.2.dev20260603
libtpu: 0.0.44.dev20260713+nightly
codegen_flags: <defaults>
</compile_context>

<pallas_src>
import functools

import jax
import jax.numpy as jnp
from jax import lax
from jax.experimental import pallas as pl
from jax.experimental.pallas import tpu as pltpu
from jax.experimental.pallas import tpu_sc as plsc

B = 4
S = 4096
H = 768
T = B * S
LANES = 16
NJ = H // LANES
JBLK = 8
NJT = NJ // JBLK

NC = 2
NS = 16
NW = NC * NS
SEQ_BLK = S // NW
CHUNK = 16
NCH = SEQ_BLK // CHUNK
NROUND = B * NCH
NBUF = 4

EPS = 1e-3
INV_H = 1.0 / H


def _rsqrt_vec(v):
    i = plsc.bitcast(v, jnp.int32)
    i = jnp.int32(0x5F3759DF) - (i >> 1)
    y = plsc.bitcast(i, jnp.float32)
    for _ in range(3):
        y = y * (1.5 - 0.5 * v * y * y)
    return y


def kernel(input_token_ids, token_table, pos_table, gamma, beta):
    ids_flat = input_token_ids.reshape(T).astype(jnp.int32)

    mesh = plsc.VectorSubcoreMesh(core_axis_name="c", subcore_axis_name="s")

    @functools.partial(
        pl.kernel,
        mesh=mesh,
        out_type=jax.ShapeDtypeStruct((T, H), jnp.float32),
        compiler_params=pltpu.CompilerParams(needs_layout_passes=False),
        scratch_types=[
            pltpu.VMEM((B * SEQ_BLK,), jnp.int32),
            pltpu.VMEM((NBUF, CHUNK, H), jnp.float32),
            pltpu.VMEM((2, CHUNK, H), jnp.float32),
            pltpu.VMEM((H,), jnp.float32),
            pltpu.VMEM((H,), jnp.float32),
            pltpu.VMEM((LANES, LANES), jnp.float32),
            pltpu.VMEM((LANES, LANES), jnp.float32),
            pltpu.SemaphoreType.DMA,
            pltpu.SemaphoreType.DMA,
            pltpu.SemaphoreType.DMA,
        ],
    )
    def sc_kernel(ids_hbm, tok_hbm, pos_hbm, gamma_hbm, beta_hbm, out_hbm,
                  idx_v, rows_v, pos_v, gamma_v, beta_v, sbuf_v, qbuf_v,
                  gsem, ssem, psem):
        wid = lax.axis_index("s") * NC + lax.axis_index("c")
        s0 = wid * SEQ_BLK

        pltpu.sync_copy(gamma_hbm, gamma_v)
        pltpu.sync_copy(beta_hbm, beta_v)
        for b in range(B):
            pltpu.sync_copy(ids_hbm.at[pl.ds(b * S + s0, SEQ_BLK)],
                            idx_v.at[pl.ds(b * SEQ_BLK, SEQ_BLK)])

        def issue_gather(r):
            c = r // B
            b = lax.rem(r, B)
            k = lax.rem(r, NBUF)
            pltpu.async_copy(
                tok_hbm.at[idx_v.at[pl.ds(b * SEQ_BLK + c * CHUNK, CHUNK)]],
                rows_v.at[k], gsem)

        def issue_pos(c):
            pltpu.async_copy(
                pos_hbm.at[pl.ds(s0 + c * CHUNK, CHUNK)],
                pos_v.at[lax.rem(c, 2)], psem)

        def wait_gather():
            pltpu.make_async_copy(
                tok_hbm.at[idx_v.at[pl.ds(0, CHUNK)]], rows_v.at[0], gsem
            ).wait()

        def wait_store():
            pltpu.make_async_copy(
                rows_v.at[0], out_hbm.at[pl.ds(0, CHUNK)], ssem).wait()

        def wait_pos():
            pltpu.make_async_copy(
                pos_hbm.at[pl.ds(0, CHUNK)], pos_v.at[0], psem).wait()

        issue_pos(0)
        issue_pos(1)
        issue_gather(0)
        issue_gather(1)

        lane = lax.iota(jnp.int32, LANES)

        def round_body(r, _):
            c = r // B
            b = lax.rem(r, B)
            k = lax.rem(r, NBUF)

            @pl.when(r >= 2)
            def _():
                wait_store()

            @pl.when(r + 2 < NROUND)
            def _():
                issue_gather(r + 2)

            @pl.when(b == 0)
            def _():
                wait_pos()

            wait_gather()

            rows = rows_v.at[k]
            pos = pos_v.at[lax.rem(c, 2)]

            def p1(t, _):
                s_acc = jnp.zeros((LANES,), jnp.float32)
                q_acc = jnp.zeros((LANES,), jnp.float32)
                for j in range(NJ):
                    x = (rows[t, pl.ds(j * LANES, LANES)]
                         + pos[t, pl.ds(j * LANES, LANES)])
                    rows[t, pl.ds(j * LANES, LANES)] = x
                    s_acc = s_acc + x
                    q_acc = q_acc + x * x
                sbuf_v[t, :] = s_acc
                qbuf_v[t, :] = q_acc
                return 0

            lax.fori_loop(0, CHUNK, p1, 0)

            s_tot = jnp.zeros((LANES,), jnp.float32)
            q_tot = jnp.zeros((LANES,), jnp.float32)
            for j in range(LANES):
                col = jnp.full((LANES,), j, jnp.int32)
                s_tot = s_tot + plsc.load_gather(sbuf_v, [lane, col])
                q_tot = q_tot + plsc.load_gather(qbuf_v, [lane, col])
            m_all = s_tot * INV_H
            r_all = _rsqrt_vec(q_tot * INV_H - m_all * m_all + EPS)
            scale_all = r_all
            shift_all = -m_all * r_all

            for jt in range(NJT):
                g8 = [gamma_v[pl.ds((jt * JBLK + jj) * LANES, LANES)]
                      for jj in range(JBLK)]
                b8 = [beta_v[pl.ds((jt * JBLK + jj) * LANES, LANES)]
                      for jj in range(JBLK)]

                def p2(t, _):
                    tv = jnp.full((LANES,), 0, jnp.int32) + t
                    sc = jnp.take_along_axis(scale_all, tv, axis=0,
                                             mode="promise_in_bounds")
                    sh = jnp.take_along_axis(shift_all, tv, axis=0,
                                             mode="promise_in_bounds")
                    for jj in range(JBLK):
                        j = jt * JBLK + jj
                        x = rows[t, pl.ds(j * LANES, LANES)]
                        rows[t, pl.ds(j * LANES, LANES)] = (
                            (x * sc + sh) * g8[jj] + b8[jj])
                    return 0

                lax.fori_loop(0, CHUNK, p2, 0, unroll=2)

            pltpu.async_copy(
                rows, out_hbm.at[pl.ds(b * S + s0 + c * CHUNK, CHUNK)], ssem)

            @pl.when(jnp.logical_and(b == B - 1, c + 2 < NCH))
            def _():
                issue_pos(c + 2)

            return 0

        lax.fori_loop(0, NROUND, round_body, 0)

        wait_store()
        wait_store()

    out_flat = sc_kernel(ids_flat, token_table, pos_table, gamma, beta)
    return out_flat.reshape(B, S, H)

# --- scband reference (transcript-rebuilt; emitter-appended) ---
"""Pipeline reference for scband-embedding-layers-41317585387731 (READ-ONLY COPY).

The authoritative reference and input builder live on the scoring server;
editing this copy changes nothing except your own understanding.
"""

import jax, jax.numpy as jnp
import numpy as np

VOCAB = 100000
HIDDEN = 768
MAX_SEQ = 8192
EPS = 1e-3  # keras LayerNormalization default epsilon


def setup_inputs(seed: int = 0) -> dict:
    key = jax.random.key(seed)
    k1, k2, k3 = jax.random.split(key, 3)
    input_token_ids = jax.random.randint(k1, (4, 4096), 0, VOCAB, dtype=jnp.int64 if jax.config.jax_enable_x64 else jnp.int32)
    token_table = jax.random.normal(k2, (VOCAB, HIDDEN), dtype=jnp.float32) * 0.02
    pos_table = jax.random.normal(k3, (MAX_SEQ, HIDDEN), dtype=jnp.float32) * 0.02
    gamma = jnp.ones((HIDDEN,), dtype=jnp.float32)
    beta = jnp.zeros((HIDDEN,), dtype=jnp.float32)
    return {"input_token_ids": input_token_ids, "token_table": token_table, "pos_table": pos_table, "gamma": gamma, "beta": beta}


def reference(input_token_ids, token_table, pos_table, gamma, beta):
    # token embedding lookup (gather)
    tok = jnp.take(token_table, input_token_ids, axis=0)  # [B, S, H]
    seq_len = input_token_ids.shape[1]
    position_ids = jnp.arange(seq_len)  # [S]
    pos = jnp.take(pos_table, position_ids, axis=0)[None, :, :]  # [1, S, H]
    emb = tok + pos
    # LayerNormalization over last axis (keras default), epsilon=1e-3
    mean = jnp.mean(emb, axis=-1, keepdims=True)
    var = jnp.mean(jnp.square(emb - mean), axis=-1, keepdims=True)
    normed = (emb - mean) * jax.lax.rsqrt(var + EPS)
    out = normed * gamma + beta
    # dropout is identity at inference (training=False)
    return out

if __name__ == "__main__":
    import jax
    _d = setup_inputs()
    print(jax.jit(kernel)(*tuple(_d.values())))

</pallas_src>

<mosaic_0001>
#map = affine_map<(d0, d1) -> (0)>
#map1 = affine_map<(d0, d1) -> (0, 0)>
module attributes {stable_mosaic.version = 14 : i64} {
  func.func @sc_kernel(%arg0: i32, %arg1: i32, %arg2: memref<16384xi32, #tpu.memory_space<hbm>>, %arg3: memref<100000x768xf32, #tpu.memory_space<hbm>>, %arg4: memref<8192x768xf32, #tpu.memory_space<hbm>>, %arg5: memref<768xf32, #tpu.memory_space<hbm>>, %arg6: memref<768xf32, #tpu.memory_space<hbm>>, %arg7: memref<16384x768xf32, #tpu.memory_space<hbm>>, %arg8: memref<512xi32, #tpu.memory_space<vmem>>, %arg9: memref<4x16x768xf32, #tpu.memory_space<vmem>>, %arg10: memref<2x16x768xf32, #tpu.memory_space<vmem>>, %arg11: memref<768xf32, #tpu.memory_space<vmem>>, %arg12: memref<768xf32, #tpu.memory_space<vmem>>, %arg13: memref<16x16xf32, #tpu.memory_space<vmem>>, %arg14: memref<16x16xf32, #tpu.memory_space<vmem>>, %arg15: memref<!tpu.dma_semaphore, #tpu.memory_space<semaphore_mem>>, %arg16: memref<!tpu.dma_semaphore, #tpu.memory_space<semaphore_mem>>, %arg17: memref<!tpu.dma_semaphore, #tpu.memory_space<semaphore_mem>>) attributes {dimension_semantics = [#tpu.dimension_semantics<core_parallel>, #tpu.dimension_semantics<subcore_parallel>], iteration_bounds = array<i64: 2, 16>, scalar_prefetch = 0 : i64, scratch_operands = 10 : i64, tpu.core_type = #tpu.core_type<sc_vector_subcore>, window_params = [{transform_indices = #map}, {transform_indices = #map1}, {transform_indices = #map1}, {transform_indices = #map}, {transform_indices = #map}, {transform_indices = #map1}]} {
    %mul3A = arith.constant 2 : i32
    %mul3A_0 = arith.muli %arg1, %mul3A : i32
    %add3A = arith.addi %mul3A_0, %arg0 : i32
    %mul3A_1 = arith.constant 128 : i32
    %mul3A_2 = arith.muli %add3A, %mul3A_1 : i32
    "tpu.region"() ({
      %run_scoped3A = tpu.sem_alloc : memref<!tpu.dma_semaphore, #tpu.memory_space<semaphore_mem>>
      tpu.enqueue_dma source(%arg5 : memref<768xf32, #tpu.memory_space<hbm>>) target(%arg11 : memref<768xf32, #tpu.memory_space<vmem>>) target_semaphore(%run_scoped3A : memref<!tpu.dma_semaphore, #tpu.memory_space<semaphore_mem>>)
      tpu.wait_dma2 semaphore(%run_scoped3A : memref<!tpu.dma_semaphore, #tpu.memory_space<semaphore_mem>>) src(%arg5 : memref<768xf32, #tpu.memory_space<hbm>>) dst(%arg11 : memref<768xf32, #tpu.memory_space<vmem>>)
      tpu.yield
    }) : () -> ()
    "tpu.region"() ({
      %run_scoped3A = tpu.sem_alloc : memref<!tpu.dma_semaphore, #tpu.memory_space<semaphore_mem>>
      tpu.enqueue_dma source(%arg6 : memref<768xf32, #tpu.memory_space<hbm>>) target(%arg12 : memref<768xf32, #tpu.memory_space<vmem>>) target_semaphore(%run_scoped3A : memref<!tpu.dma_semaphore, #tpu.memory_space<semaphore_mem>>)
      tpu.wait_dma2 semaphore(%run_scoped3A : memref<!tpu.dma_semaphore, #tpu.memory_space<semaphore_mem>>) src(%arg6 : memref<768xf32, #tpu.memory_space<hbm>>) dst(%arg12 : memref<768xf32, #tpu.memory_space<vmem>>)
      tpu.yield
    }) : () -> ()
    %add3A_3 = arith.constant 0 : i32
    %add3A_4 = arith.addi %add3A_3, %mul3A_2 : i32
    "tpu.region"() ({
      %run_scoped3A = tpu.sem_alloc : memref<!tpu.dma_semaphore, #tpu.memory_space<semaphore_mem>>
      %dma_start3A_114 = arith.constant 0 : i32
      %dma_start3A_115 = tpu.memref_slice %arg8[%dma_start3A_114] : memref<512xi32, #tpu.memory_space<vmem>> -> memref<128xi32, #tpu.memory_space<vmem>>
      %dma_start3A_116 = tpu.memref_slice %arg2[%add3A_4] : memref<16384xi32, #tpu.memory_space<hbm>> -> memref<128xi32, #tpu.memory_space<hbm>>
      %dma_start3A_117 = arith.constant 0 : i32
      %dma_start3A_118 = tpu.memref_slice %arg8[%dma_start3A_117] : memref<512xi32, #tpu.memory_space<vmem>> -> memref<128xi32, #tpu.memory_space<vmem>>
      %dma_start3A_119 = tpu.memref_slice %arg2[%add3A_4] : memref<16384xi32, #tpu.memory_space<hbm>> -> memref<128xi32, #tpu.memory_space<hbm>>
      tpu.enqueue_dma source(%dma_start3A_119 : memref<128xi32, #tpu.memory_space<hbm>>) target(%dma_start3A_118 : memref<128xi32, #tpu.memory_space<vmem>>) target_semaphore(%run_scoped3A : memref<!tpu.dma_semaphore, #tpu.memory_space<semaphore_mem>>)
      %dma_wait3A_120 = arith.constant 0 : i32
      %dma_wait3A_121 = tpu.memref_slice %arg8[%dma_wait3A_120] : memref<512xi32, #tpu.memory_space<vmem>> -> memref<128xi32, #tpu.memory_space<vmem>>
      %dma_wait3A_122 = tpu.memref_slice %arg2[%add3A_4] : memref<16384xi32, #tpu.memory_space<hbm>> -> memref<128xi32, #tpu.memory_space<hbm>>
      %dma_wait3A_123 = arith.constant 0 : i32
      %dma_wait3A_124 = tpu.memref_slice %arg8[%dma_wait3A_123] : memref<512xi32, #tpu.memory_space<vmem>> -> memref<128xi32, #tpu.memory_space<vmem>>
      %dma_wait3A_125 = tpu.memref_slice %arg2[%add3A_4] : memref<16384xi32, #tpu.memory_space<hbm>> -> memref<128xi32, #tpu.memory_space<hbm>>
      tpu.wait_dma2 semaphore(%run_scoped3A : memref<!tpu.dma_semaphore, #tpu.memory_space<semaphore_mem>>) src(%dma_wait3A_125 : memref<128xi32, #tpu.memory_space<hbm>>) dst(%dma_wait3A_124 : memref<128xi32, #tpu.memory_space<vmem>>)
      tpu.yield
    }) : () -> ()
    %add3A_5 = arith.constant 4096 : i32
    %add3A_6 = arith.addi %add3A_5, %mul3A_2 : i32
    "tpu.region"() ({
      %run_scoped3A = tpu.sem_alloc : memref<!tpu.dma_semaphore, #tpu.memory_space<semaphore_mem>>
      %dma_start3A_114 = arith.constant 128 : i32
      %dma_start3A_115 = tpu.memref_slice %arg8[%dma_start3A_114] : memref<512xi32, #tpu.memory_space<vmem>> -> memref<128xi32, #tpu.memory_space<vmem>>
      %dma_start3A_116 = tpu.memref_slice %arg2[%add3A_6] : memref<16384xi32, #tpu.memory_space<hbm>> -> memref<128xi32, #tpu.memory_space<hbm>>
      %dma_start3A_117 = arith.constant 128 : i32
      %dma_start3A_118 = tpu.memref_slice %arg8[%dma_start3A_117] : memref<512xi32, #tpu.memory_space<vmem>> -> memref<128xi32, #tpu.memory_space<vmem>>
      %dma_start3A_119 = tpu.memref_slice %arg2[%add3A_6] : memref<16384xi32, #tpu.memory_space<hbm>> -> memref<128xi32, #tpu.memory_space<hbm>>
      tpu.enqueue_dma source(%dma_start3A_119 : memref<128xi32, #tpu.memory_space<hbm>>) target(%dma_start3A_118 : memref<128xi32, #tpu.memory_space<vmem>>) target_semaphore(%run_scoped3A : memref<!tpu.dma_semaphore, #tpu.memory_space<semaphore_mem>>)
      %dma_wait3A_120 = arith.constant 128 : i32
      %dma_wait3A_121 = tpu.memref_slice %arg8[%dma_wait3A_120] : memref<512xi32, #tpu.memory_space<vmem>> -> memref<128xi32, #tpu.memory_space<vmem>>
      %dma_wait3A_122 = tpu.memref_slice %arg2[%add3A_6] : memref<16384xi32, #tpu.memory_space<hbm>> -> memref<128xi32, #tpu.memory_space<hbm>>
      %dma_wait3A_123 = arith.constant 128 : i32
      %dma_wait3A_124 = tpu.memref_slice %arg8[%dma_wait3A_123] : memref<512xi32, #tpu.memory_space<vmem>> -> memref<128xi32, #tpu.memory_space<vmem>>
      %dma_wait3A_125 = tpu.memref_slice %arg2[%add3A_6] : memref<16384xi32, #tpu.memory_space<hbm>> -> memref<128xi32, #tpu.memory_space<hbm>>
      tpu.wait_dma2 semaphore(%run_scoped3A : memref<!tpu.dma_semaphore, #tpu.memory_space<semaphore_mem>>) src(%dma_wait3A_125 : memref<128xi32, #tpu.memory_space<hbm>>) dst(%dma_wait3A_124 : memref<128xi32, #tpu.memory_space<vmem>>)
      tpu.yield
    }) : () -> ()
    %add3A_7 = arith.constant 8192 : i32
    %add3A_8 = arith.addi %add3A_7, %mul3A_2 : i32
    "tpu.region"() ({
      %run_scoped3A = tpu.sem_alloc : memref<!tpu.dma_semaphore, #tpu.memory_space<semaphore_mem>>
      %dma_start3A_114 = arith.constant 256 : i32
      %dma_start3A_115 = tpu.memref_slice %arg8[%dma_start3A_114] : memref<512xi32, #tpu.memory_space<vmem>> -> memref<128xi32, #tpu.memory_space<vmem>>
      %dma_start3A_116 = tpu.memref_slice %arg2[%add3A_8] : memref<16384xi32, #tpu.memory_space<hbm>> -> memref<128xi32, #tpu.memory_space<hbm>>
      %dma_start3A_117 = arith.constant 256 : i32
      %dma_start3A_118 = tpu.memref_slice %arg8[%dma_start3A_117] : memref<512xi32, #tpu.memory_space<vmem>> -> memref<128xi32, #tpu.memory_space<vmem>>
      %dma_start3A_119 = tpu.memref_slice %arg2[%add3A_8] : memref<16384xi32, #tpu.memory_space<hbm>> -> memref<128xi32, #tpu.memory_space<hbm>>
      tpu.enqueue_dma source(%dma_start3A_119 : memref<128xi32, #tpu.memory_space<hbm>>) target(%dma_start3A_118 : memref<128xi32, #tpu.memory_space<vmem>>) target_semaphore(%run_scoped3A : memref<!tpu.dma_semaphore, #tpu.memory_space<semaphore_mem>>)
      %dma_wait3A_120 = arith.constant 256 : i32
      %dma_wait3A_121 = tpu.memref_slice %arg8[%dma_wait3A_120] : memref<512xi32, #tpu.memory_space<vmem>> -> memref<128xi32, #tpu.memory_space<vmem>>
      %dma_wait3A_122 = tpu.memref_slice %arg2[%add3A_8] : memref<16384xi32, #tpu.memory_space<hbm>> -> memref<128xi32, #tpu.memory_space<hbm>>
      %dma_wait3A_123 = arith.constant 256 : i32
      %dma_wait3A_124 = tpu.memref_slice %arg8[%dma_wait3A_123] : memref<512xi32, #tpu.memory_space<vmem>> -> memref<128xi32, #tpu.memory_space<vmem>>
      %dma_wait3A_125 = tpu.memref_slice %arg2[%add3A_8] : memref<16384xi32, #tpu.memory_space<hbm>> -> memref<128xi32, #tpu.memory_space<hbm>>
      tpu.wait_dma2 semaphore(%run_scoped3A : memref<!tpu.dma_semaphore, #tpu.memory_space<semaphore_mem>>) src(%dma_wait3A_125 : memref<128xi32, #tpu.memory_space<hbm>>) dst(%dma_wait3A_124 : memref<128xi32, #tpu.memory_space<vmem>>)
      tpu.yield
    }) : () -> ()
    %add3A_9 = arith.constant 12288 : i32
    %add3A_10 = arith.addi %add3A_9, %mul3A_2 : i32
    "tpu.region"() ({
      %run_scoped3A = tpu.sem_alloc : memref<!tpu.dma_semaphore, #tpu.memory_space<semaphore_mem>>
      %dma_start3A_114 = arith.constant 384 : i32
      %dma_start3A_115 = tpu.memref_slice %arg8[%dma_start3A_114] : memref<512xi32, #tpu.memory_space<vmem>> -> memref<128xi32, #tpu.memory_space<vmem>>
      %dma_start3A_116 = tpu.memref_slice %arg2[%add3A_10] : memref<16384xi32, #tpu.memory_space<hbm>> -> memref<128xi32, #tpu.memory_space<hbm>>
      %dma_start3A_117 = arith.constant 384 : i32
      %dma_start3A_118 = tpu.memref_slice %arg8[%dma_start3A_117] : memref<512xi32, #tpu.memory_space<vmem>> -> memref<128xi32, #tpu.memory_space<vmem>>
      %dma_start3A_119 = tpu.memref_slice %arg2[%add3A_10] : memref<16384xi32, #tpu.memory_space<hbm>> -> memref<128xi32, #tpu.memory_space<hbm>>
      tpu.enqueue_dma source(%dma_start3A_119 : memref<128xi32, #tpu.memory_space<hbm>>) target(%dma_start3A_118 : memref<128xi32, #tpu.memory_space<vmem>>) target_semaphore(%run_scoped3A : memref<!tpu.dma_semaphore, #tpu.memory_space<semaphore_mem>>)
      %dma_wait3A_120 = arith.constant 384 : i32
      %dma_wait3A_121 = tpu.memref_slice %arg8[%dma_wait3A_120] : memref<512xi32, #tpu.memory_space<vmem>> -> memref<128xi32, #tpu.memory_space<vmem>>
      %dma_wait3A_122 = tpu.memref_slice %arg2[%add3A_10] : memref<16384xi32, #tpu.memory_space<hbm>> -> memref<128xi32, #tpu.memory_space<hbm>>
      %dma_wait3A_123 = arith.constant 384 : i32
      %dma_wait3A_124 = tpu.memref_slice %arg8[%dma_wait3A_123] : memref<512xi32, #tpu.memory_space<vmem>> -> memref<128xi32, #tpu.memory_space<vmem>>
      %dma_wait3A_125 = tpu.memref_slice %arg2[%add3A_10] : memref<16384xi32, #tpu.memory_space<hbm>> -> memref<128xi32, #tpu.memory_space<hbm>>
      tpu.wait_dma2 semaphore(%run_scoped3A : memref<!tpu.dma_semaphore, #tpu.memory_space<semaphore_mem>>) src(%dma_wait3A_125 : memref<128xi32, #tpu.memory_space<hbm>>) dst(%dma_wait3A_124 : memref<128xi32, #tpu.memory_space<vmem>>)
      tpu.yield
    }) : () -> ()
    %add3A_11 = arith.constant 0 : i32
    %add3A_12 = arith.addi %mul3A_2, %add3A_11 : i32
    %rem3A = arith.constant 0 : i32
    %rem3A_13 = arith.constant 2 : i32
    %rem3A_14 = arith.remsi %rem3A, %rem3A_13 : i32
    %dma_start3A = arith.constant 0 : i32
    %dma_start3A_15 = arith.constant 0 : i32
    %dma_start3A_16 = tpu.memref_slice %arg10[%rem3A_14, %dma_start3A, %dma_start3A_15] : memref<2x16x768xf32, #tpu.memory_space<vmem>> -> memref<1x16x768xf32, #tpu.memory_space<vmem>>
    %dma_start3A_17 = tpu.memref_squeeze %dma_start3A_16 : memref<1x16x768xf32, #tpu.memory_space<vmem>> -> memref<16x768xf32, #tpu.memory_space<vmem>>
    %dma_start3A_18 = arith.constant 0 : i32
    %dma_start3A_19 = tpu.memref_slice %arg4[%add3A_12, %dma_start3A_18] : memref<8192x768xf32, #tpu.memory_space<hbm>> -> memref<16x768xf32, #tpu.memory_space<hbm>>
    %dma_start3A_20 = arith.constant 0 : i32
    %dma_start3A_21 = arith.constant 0 : i32
    %dma_start3A_22 = tpu.memref_slice %arg10[%rem3A_14, %dma_start3A_20, %dma_start3A_21] : memref<2x16x768xf32, #tpu.memory_space<vmem>> -> memref<1x16x768xf32, #tpu.memory_space<vmem>>
    %dma_start3A_23 = tpu.memref_squeeze %dma_start3A_22 : memref<1x16x768xf32, #tpu.memory_space<vmem>> -> memref<16x768xf32, #tpu.memory_space<vmem>>
    %dma_start3A_24 = arith.constant 0 : i32
    %dma_start3A_25 = tpu.memref_slice %arg4[%add3A_12, %dma_start3A_24] : memref<8192x768xf32, #tpu.memory_space<hbm>> -> memref<16x768xf32, #tpu.memory_space<hbm>>
    tpu.enqueue_dma source(%dma_start3A_25 : memref<16x768xf32, #tpu.memory_space<hbm>>) target(%dma_start3A_23 : memref<16x768xf32, #tpu.memory_space<vmem>>) target_semaphore(%arg17 : memref<!tpu.dma_semaphore, #tpu.memory_space<semaphore_mem>>)
    %add3A_26 = arith.constant 16 : i32
    %add3A_27 = arith.addi %mul3A_2, %add3A_26 : i32
    %rem3A_28 = arith.constant 1 : i32
    %rem3A_29 = arith.constant 2 : i32
    %rem3A_30 = arith.remsi %rem3A_28, %rem3A_29 : i32
    %dma_start3A_31 = arith.constant 0 : i32
    %dma_start3A_32 = arith.constant 0 : i32
    %dma_start3A_33 = tpu.memref_slice %arg10[%rem3A_30, %dma_start3A_31, %dma_start3A_32] : memref<2x16x768xf32, #tpu.memory_space<vmem>> -> memref<1x16x768xf32, #tpu.memory_space<vmem>>
    %dma_start3A_34 = tpu.memref_squeeze %dma_start3A_33 : memref<1x16x768xf32, #tpu.memory_space<vmem>> -> memref<16x768xf32, #tpu.memory_space<vmem>>
    %dma_start3A_35 = arith.constant 0 : i32
    %dma_start3A_36 = tpu.memref_slice %arg4[%add3A_27, %dma_start3A_35] : memref<8192x768xf32, #tpu.memory_space<hbm>> -> memref<16x768xf32, #tpu.memory_space<hbm>>
    %dma_start3A_37 = arith.constant 0 : i32
    %dma_start3A_38 = arith.constant 0 : i32
    %dma_start3A_39 = tpu.memref_slice %arg10[%rem3A_30, %dma_start3A_37, %dma_start3A_38] : memref<2x16x768xf32, #tpu.memory_space<vmem>> -> memref<1x16x768xf32, #tpu.memory_space<vmem>>
    %dma_start3A_40 = tpu.memref_squeeze %dma_start3A_39 : memref<1x16x768xf32, #tpu.memory_space<vmem>> -> memref<16x768xf32, #tpu.memory_space<vmem>>
    %dma_start3A_41 = arith.constant 0 : i32
    %dma_start3A_42 = tpu.memref_slice %arg4[%add3A_27, %dma_start3A_41] : memref<8192x768xf32, #tpu.memory_space<hbm>> -> memref<16x768xf32, #tpu.memory_space<hbm>>
    tpu.enqueue_dma source(%dma_start3A_42 : memref<16x768xf32, #tpu.memory_space<hbm>>) target(%dma_start3A_40 : memref<16x768xf32, #tpu.memory_space<vmem>>) target_semaphore(%arg17 : memref<!tpu.dma_semaphore, #tpu.memory_space<semaphore_mem>>)
    %rem3A_43 = arith.constant 0 : i32
    %rem3A_44 = arith.constant 4 : i32
    %rem3A_45 = arith.remsi %rem3A_43, %rem3A_44 : i32
    %rem3A_46 = arith.constant 0 : i32
    %rem3A_47 = arith.constant 4 : i32
    %rem3A_48 = arith.remsi %rem3A_46, %rem3A_47 : i32
    %mul3A_49 = arith.constant 128 : i32
    %mul3A_50 = arith.muli %rem3A_45, %mul3A_49 : i32
    %add3A_51 = arith.constant 0 : i32
    %add3A_52 = arith.addi %mul3A_50, %add3A_51 : i32
    %dma_start3A_53 = arith.constant 0 : i32
    %dma_start3A_54 = arith.constant 0 : i32
    %dma_start3A_55 = tpu.memref_slice %arg9[%rem3A_48, %dma_start3A_53, %dma_start3A_54] : memref<4x16x768xf32, #tpu.memory_space<vmem>> -> memref<1x16x768xf32, #tpu.memory_space<vmem>>
    %dma_start3A_56 = tpu.memref_squeeze %dma_start3A_55 : memref<1x16x768xf32, #tpu.memory_space<vmem>> -> memref<16x768xf32, #tpu.memory_space<vmem>>
    %dma_start3A_57 = tpu.memref_slice %arg8[%add3A_52] : memref<512xi32, #tpu.memory_space<vmem>> -> memref<16xi32, #tpu.memory_space<vmem>>
    %dma_start3A_58 = arith.constant 0 : i32
    %dma_start3A_59 = arith.constant 0 : i32
    %dma_start3A_60 = tpu.memref_slice %arg3[%dma_start3A_58, %dma_start3A_59] : memref<100000x768xf32, #tpu.memory_space<hbm>> -> memref<100000x768xf32, #tpu.memory_space<hbm>>
    tpu.enqueue_indirect_dma source(%dma_start3A_60 : memref<100000x768xf32, #tpu.memory_space<hbm>>) target(%dma_start3A_56 : memref<16x768xf32, #tpu.memory_space<vmem>>) offsets(%dma_start3A_57 : memref<16xi32, #tpu.memory_space<vmem>>) semaphore(%arg15 : memref<!tpu.dma_semaphore, #tpu.memory_space<semaphore_mem>>)
    %rem3A_61 = arith.constant 1 : i32
    %rem3A_62 = arith.constant 4 : i32
    %rem3A_63 = arith.remsi %rem3A_61, %rem3A_62 : i32
    %rem3A_64 = arith.constant 1 : i32
    %rem3A_65 = arith.constant 4 : i32
    %rem3A_66 = arith.remsi %rem3A_64, %rem3A_65 : i32
    %mul3A_67 = arith.constant 128 : i32
    %mul3A_68 = arith.muli %rem3A_63, %mul3A_67 : i32
    %add3A_69 = arith.constant 0 : i32
    %add3A_70 = arith.addi %mul3A_68, %add3A_69 : i32
    %dma_start3A_71 = arith.constant 0 : i32
    %dma_start3A_72 = arith.constant 0 : i32
    %dma_start3A_73 = tpu.memref_slice %arg9[%rem3A_66, %dma_start3A_71, %dma_start3A_72] : memref<4x16x768xf32, #tpu.memory_space<vmem>> -> memref<1x16x768xf32, #tpu.memory_space<vmem>>
    %dma_start3A_74 = tpu.memref_squeeze %dma_start3A_73 : memref<1x16x768xf32, #tpu.memory_space<vmem>> -> memref<16x768xf32, #tpu.memory_space<vmem>>
    %dma_start3A_75 = tpu.memref_slice %arg8[%add3A_70] : memref<512xi32, #tpu.memory_space<vmem>> -> memref<16xi32, #tpu.memory_space<vmem>>
    %dma_start3A_76 = arith.constant 0 : i32
    %dma_start3A_77 = arith.constant 0 : i32
    %dma_start3A_78 = tpu.memref_slice %arg3[%dma_start3A_76, %dma_start3A_77] : memref<100000x768xf32, #tpu.memory_space<hbm>> -> memref<100000x768xf32, #tpu.memory_space<hbm>>
    tpu.enqueue_indirect_dma source(%dma_start3A_78 : memref<100000x768xf32, #tpu.memory_space<hbm>>) target(%dma_start3A_74 : memref<16x768xf32, #tpu.memory_space<vmem>>) offsets(%dma_start3A_75 : memref<16xi32, #tpu.memory_space<vmem>>) semaphore(%arg15 : memref<!tpu.dma_semaphore, #tpu.memory_space<semaphore_mem>>)
    %iota3A = tpu.iota {dimensions = array<i32: 0>} : vector<16xi32>
    %scan3A = arith.constant 0 : i32
    %scan3A_79 = arith.constant 0 : i32
    %scan3A_80 = arith.constant 32 : i32
    %scan3A_81 = arith.addi %scan3A_79, %scan3A_80 : i32
    %scan3A_82 = arith.constant 1 : i32
    %scan3A_83 = scf.for %scan3A_114 = %scan3A_79 to %scan3A_81 step %scan3A_82 iter_args(%scan3A_115 = %scan3A) -> (i32)  : i32 {
      %jit3A = arith.constant 4 : i32
      %div3A = arith.divsi %scan3A_114, %jit3A : i32
      %sign3A = arith.constant 0 : i32
      %sign3A_116 = arith.cmpi sgt, %scan3A_114, %sign3A : i32
      %sign3A_117 = arith.extui %sign3A_116 : i1 to i32
      %sign3A_118 = arith.constant 0 : i32
      %sign3A_119 = arith.cmpi slt, %scan3A_114, %sign3A_118 : i32
      %sign3A_120 = arith.extui %sign3A_119 : i1 to i32
      %sign3A_121 = arith.subi %sign3A_117, %sign3A_120 : i32
      %sign3A_122 = arith.constant 0 : i32
      %sign3A_123 = arith.cmpi sgt, %jit3A, %sign3A_122 : i32
      %sign3A_124 = arith.extui %sign3A_123 : i1 to i32
      %sign3A_125 = arith.constant 0 : i32
      %sign3A_126 = arith.cmpi slt, %jit3A, %sign3A_125 : i32
      %sign3A_127 = arith.extui %sign3A_126 : i1 to i32
      %sign3A_128 = arith.subi %sign3A_124, %sign3A_127 : i32
      %ne3A = arith.cmpi ne, %sign3A_121, %sign3A_128 : i32
      %rem3A_129 = arith.remsi %scan3A_114, %jit3A : i32
      %ne3A_130 = arith.constant 0 : i32
      %ne3A_131 = arith.cmpi ne, %rem3A_129, %ne3A_130 : i32
      %and3A = arith.andi %ne3A, %ne3A_131 : i1
      %sub3A = arith.constant 1 : i32
      %sub3A_132 = arith.subi %div3A, %sub3A : i32
      %select_n3A = arith.select %and3A, %sub3A_132, %div3A : i32
      %rem3A_133 = arith.constant 4 : i32
      %rem3A_134 = arith.remsi %scan3A_114, %rem3A_133 : i32
      %rem3A_135 = arith.constant 4 : i32
      %rem3A_136 = arith.remsi %scan3A_114, %rem3A_135 : i32
      %ge3A = arith.constant 2 : i32
      %ge3A_137 = arith.cmpi sge, %scan3A_114, %ge3A : i32
      %convert_element_type3A = arith.extui %ge3A_137 : i1 to i32
      %cond3A = arith.constant 0 : i32
      %cond3A_138 = arith.cmpi ne, %convert_element_type3A, %cond3A : i32
      scf.if %cond3A_138 {
        %dma_wait3A_575 = arith.constant 0 : i32
        %dma_wait3A_576 = arith.constant 0 : i32
        %dma_wait3A_577 = arith.constant 0 : i32
        %dma_wait3A_578 = tpu.memref_slice %arg9[%dma_wait3A_575, %dma_wait3A_576, %dma_wait3A_577] : memref<4x16x768xf32, #tpu.memory_space<vmem>> -> memref<1x16x768xf32, #tpu.memory_space<vmem>>
        %dma_wait3A_579 = tpu.memref_squeeze %dma_wait3A_578 : memref<1x16x768xf32, #tpu.memory_space<vmem>> -> memref<16x768xf32, #tpu.memory_space<vmem>>
        %dma_wait3A_580 = arith.constant 0 : i32
        %dma_wait3A_581 = arith.constant 0 : i32
        %dma_wait3A_582 = tpu.memref_slice %arg7[%dma_wait3A_580, %dma_wait3A_581] : memref<16384x768xf32, #tpu.memory_space<hbm>> -> memref<16x768xf32, #tpu.memory_space<hbm>>
        %dma_wait3A_583 = arith.constant 0 : i32
        %dma_wait3A_584 = arith.constant 0 : i32
        %dma_wait3A_585 = tpu.memref_slice %arg7[%dma_wait3A_583, %dma_wait3A_584] : memref<16384x768xf32, #tpu.memory_space<hbm>> -> memref<16x768xf32, #tpu.memory_space<hbm>>
        %dma_wait3A_586 = arith.constant 0 : i32
        %dma_wait3A_587 = arith.constant 0 : i32
        %dma_wait3A_588 = tpu.memref_slice %arg9[%dma_wait3A_575, %dma_wait3A_586, %dma_wait3A_587] : memref<4x16x768xf32, #tpu.memory_space<vmem>> -> memref<1x16x768xf32, #tpu.memory_space<vmem>>
        %dma_wait3A_589 = tpu.memref_squeeze %dma_wait3A_588 : memref<1x16x768xf32, #tpu.memory_space<vmem>> -> memref<16x768xf32, #tpu.memory_space<vmem>>
        tpu.wait_dma2 semaphore(%arg16 : memref<!tpu.dma_semaphore, #tpu.memory_space<semaphore_mem>>) src(%dma_wait3A_589 : memref<16x768xf32, #tpu.memory_space<vmem>>) dst(%dma_wait3A_585 : memref<16x768xf32, #tpu.memory_space<hbm>>)
      } else {
      }
      %add3A_139 = arith.constant 2 : i32
      %add3A_140 = arith.addi %scan3A_114, %add3A_139 : i32
      %lt3A = arith.constant 32 : i32
      %lt3A_141 = arith.cmpi slt, %add3A_140, %lt3A : i32
      %convert_element_type3A_142 = arith.extui %lt3A_141 : i1 to i32
      %cond3A_143 = arith.constant 0 : i32
      %cond3A_144 = arith.cmpi ne, %convert_element_type3A_142, %cond3A_143 : i32
      scf.if %cond3A_144 {
        %add3A_575 = arith.constant 2 : i32
        %add3A_576 = arith.addi %scan3A_114, %add3A_575 : i32
        %jit3A_577 = arith.constant 4 : i32
        %div3A_578 = arith.divsi %add3A_576, %jit3A_577 : i32
        %sign3A_579 = arith.constant 0 : i32
        %sign3A_580 = arith.cmpi sgt, %add3A_576, %sign3A_579 : i32
        %sign3A_581 = arith.extui %sign3A_580 : i1 to i32
        %sign3A_582 = arith.constant 0 : i32
        %sign3A_583 = arith.cmpi slt, %add3A_576, %sign3A_582 : i32
        %sign3A_584 = arith.extui %sign3A_583 : i1 to i32
        %sign3A_585 = arith.subi %sign3A_581, %sign3A_584 : i32
        %sign3A_586 = arith.constant 0 : i32
        %sign3A_587 = arith.cmpi sgt, %jit3A_577, %sign3A_586 : i32
        %sign3A_588 = arith.extui %sign3A_587 : i1 to i32
        %sign3A_589 = arith.constant 0 : i32
        %sign3A_590 = arith.cmpi slt, %jit3A_577, %sign3A_589 : i32
        %sign3A_591 = arith.extui %sign3A_590 : i1 to i32
        %sign3A_592 = arith.subi %sign3A_588, %sign3A_591 : i32
        %ne3A_593 = arith.cmpi ne, %sign3A_585, %sign3A_592 : i32
        %rem3A_594 = arith.remsi %add3A_576, %jit3A_577 : i32
        %ne3A_595 = arith.constant 0 : i32
        %ne3A_596 = arith.cmpi ne, %rem3A_594, %ne3A_595 : i32
        %and3A_597 = arith.andi %ne3A_593, %ne3A_596 : i1
        %sub3A_598 = arith.constant 1 : i32
        %sub3A_599 = arith.subi %div3A_578, %sub3A_598 : i32
        %select_n3A_600 = arith.select %and3A_597, %sub3A_599, %div3A_578 : i32
        %rem3A_601 = arith.constant 4 : i32
        %rem3A_602 = arith.remsi %add3A_576, %rem3A_601 : i32
        %rem3A_603 = arith.constant 4 : i32
        %rem3A_604 = arith.remsi %add3A_576, %rem3A_603 : i32
        %mul3A_605 = arith.constant 128 : i32
        %mul3A_606 = arith.muli %rem3A_602, %mul3A_605 : i32
        %mul3A_607 = arith.constant 16 : i32
        %mul3A_608 = arith.muli %select_n3A_600, %mul3A_607 : i32
        %add3A_609 = arith.addi %mul3A_606, %mul3A_608 : i32
        %dma_start3A_610 = arith.constant 0 : i32
        %dma_start3A_611 = arith.constant 0 : i32
        %dma_start3A_612 = tpu.memref_slice %arg9[%rem3A_604, %dma_start3A_610, %dma_start3A_611] : memref<4x16x768xf32, #tpu.memory_space<vmem>> -> memref<1x16x768xf32, #tpu.memory_space<vmem>>
        %dma_start3A_613 = tpu.memref_squeeze %dma_start3A_612 : memref<1x16x768xf32, #tpu.memory_space<vmem>> -> memref<16x768xf32, #tpu.memory_space<vmem>>
        %dma_start3A_614 = tpu.memref_slice %arg8[%add3A_609] : memref<512xi32, #tpu.memory_space<vmem>> -> memref<16xi32, #tpu.memory_space<vmem>>
        %dma_start3A_615 = arith.constant 0 : i32
        %dma_start3A_616 = arith.constant 0 : i32
        %dma_start3A_617 = tpu.memref_slice %arg3[%dma_start3A_615, %dma_start3A_616] : memref<100000x768xf32, #tpu.memory_space<hbm>> -> memref<100000x768xf32, #tpu.memory_space<hbm>>
        tpu.enqueue_indirect_dma source(%dma_start3A_617 : memref<100000x768xf32, #tpu.memory_space<hbm>>) target(%dma_start3A_613 : memref<16x768xf32, #tpu.memory_space<vmem>>) offsets(%dma_start3A_614 : memref<16xi32, #tpu.memory_space<vmem>>) semaphore(%arg15 : memref<!tpu.dma_semaphore, #tpu.memory_space<semaphore_mem>>)
      } else {
      }
      %eq3A = arith.constant 0 : i32
      %eq3A_145 = arith.cmpi eq, %rem3A_134, %eq3A : i32
      %convert_element_type3A_146 = arith.extui %eq3A_145 : i1 to i32
      %cond3A_147 = arith.constant 0 : i32
      %cond3A_148 = arith.cmpi ne, %convert_element_type3A_146, %cond3A_147 : i32
      scf.if %cond3A_148 {
        %dma_wait3A_575 = arith.constant 0 : i32
        %dma_wait3A_576 = arith.constant 0 : i32
        %dma_wait3A_577 = arith.constant 0 : i32
        %dma_wait3A_578 = tpu.memref_slice %arg10[%dma_wait3A_575, %dma_wait3A_576, %dma_wait3A_577] : memref<2x16x768xf32, #tpu.memory_space<vmem>> -> memref<1x16x768xf32, #tpu.memory_space<vmem>>
        %dma_wait3A_579 = tpu.memref_squeeze %dma_wait3A_578 : memref<1x16x768xf32, #tpu.memory_space<vmem>> -> memref<16x768xf32, #tpu.memory_space<vmem>>
        %dma_wait3A_580 = arith.constant 0 : i32
        %dma_wait3A_581 = arith.constant 0 : i32
        %dma_wait3A_582 = tpu.memref_slice %arg4[%dma_wait3A_580, %dma_wait3A_581] : memref<8192x768xf32, #tpu.memory_space<hbm>> -> memref<16x768xf32, #tpu.memory_space<hbm>>
        %dma_wait3A_583 = arith.constant 0 : i32
        %dma_wait3A_584 = arith.constant 0 : i32
        %dma_wait3A_585 = tpu.memref_slice %arg10[%dma_wait3A_575, %dma_wait3A_583, %dma_wait3A_584] : memref<2x16x768xf32, #tpu.memory_space<vmem>> -> memref<1x16x768xf32, #tpu.memory_space<vmem>>
        %dma_wait3A_586 = tpu.memref_squeeze %dma_wait3A_585 : memref<1x16x768xf32, #tpu.memory_space<vmem>> -> memref<16x768xf32, #tpu.memory_space<vmem>>
        %dma_wait3A_587 = arith.constant 0 : i32
        %dma_wait3A_588 = arith.constant 0 : i32
        %dma_wait3A_589 = tpu.memref_slice %arg4[%dma_wait3A_587, %dma_wait3A_588] : memref<8192x768xf32, #tpu.memory_space<hbm>> -> memref<16x768xf32, #tpu.memory_space<hbm>>
        tpu.wait_dma2 semaphore(%arg17 : memref<!tpu.dma_semaphore, #tpu.memory_space<semaphore_mem>>) src(%dma_wait3A_589 : memref<16x768xf32, #tpu.memory_space<hbm>>) dst(%dma_wait3A_586 : memref<16x768xf32, #tpu.memory_space<vmem>>)
      } else {
      }
      %dma_wait3A_149 = arith.constant 0 : i32
      %dma_wait3A_150 = arith.constant 0 : i32
      %dma_wait3A_151 = arith.constant 0 : i32
      %dma_wait3A_152 = tpu.memref_slice %arg9[%dma_wait3A_149, %dma_wait3A_150, %dma_wait3A_151] : memref<4x16x768xf32, #tpu.memory_space<vmem>> -> memref<1x16x768xf32, #tpu.memory_space<vmem>>
      %dma_wait3A_153 = tpu.memref_squeeze %dma_wait3A_152 : memref<1x16x768xf32, #tpu.memory_space<vmem>> -> memref<16x768xf32, #tpu.memory_space<vmem>>
      %dma_wait3A_154 = arith.constant 0 : i32
      %dma_wait3A_155 = tpu.memref_slice %arg8[%dma_wait3A_154] : memref<512xi32, #tpu.memory_space<vmem>> -> memref<16xi32, #tpu.memory_space<vmem>>
      %dma_wait3A_156 = arith.constant 0 : i32
      %dma_wait3A_157 = arith.constant 0 : i32
      %dma_wait3A_158 = tpu.memref_slice %arg3[%dma_wait3A_156, %dma_wait3A_157] : memref<100000x768xf32, #tpu.memory_space<hbm>> -> memref<100000x768xf32, #tpu.memory_space<hbm>>
      tpu.wait_indirect_dma semaphore(%arg15 : memref<!tpu.dma_semaphore, #tpu.memory_space<semaphore_mem>>) src(%dma_wait3A_158 : memref<100000x768xf32, #tpu.memory_space<hbm>>) dst(%dma_wait3A_153 : memref<16x768xf32, #tpu.memory_space<vmem>>)
      %rem3A_159 = arith.constant 2 : i32
      %rem3A_160 = arith.remsi %select_n3A, %rem3A_159 : i32
      %scan3A_161 = arith.constant 0 : i32
      %scan3A_162 = arith.constant 0 : i32
      %scan3A_163 = arith.constant 16 : i32
      %scan3A_164 = arith.addi %scan3A_162, %scan3A_163 : i32
      %scan3A_165 = arith.constant 1 : i32
      %scan3A_166 = scf.for %scan3A_575 = %scan3A_162 to %scan3A_164 step %scan3A_165 iter_args(%scan3A_576 = %scan3A_161) -> (i32)  : i32 {
        %broadcast_in_dim3A_577 = arith.constant 0.000000e+00 : f32
        %broadcast_in_dim3A_578 = vector.broadcast %broadcast_in_dim3A_577 : f32 to vector<16xf32>
        %broadcast_in_dim3A_579 = arith.constant 0.000000e+00 : f32
        %broadcast_in_dim3A_580 = vector.broadcast %broadcast_in_dim3A_579 : f32 to vector<16xf32>
        %get3A_581 = arith.constant 0 : i32
        %get3A_582 = arith.constant 0 : i32
        %get3A_583 = tpu.memref_slice %arg9[%rem3A_136, %get3A_581, %get3A_582] : memref<4x16x768xf32, #tpu.memory_space<vmem>> -> memref<1x16x768xf32, #tpu.memory_space<vmem>>
        %get3A_584 = tpu.memref_squeeze %get3A_583 : memref<1x16x768xf32, #tpu.memory_space<vmem>> -> memref<16x768xf32, #tpu.memory_space<vmem>>
        %get3A_585 = arith.index_cast %scan3A_575 : i32 to index
        %get3A_586 = arith.constant 0 : index
        %get3A_587 = tpu.vector_load %get3A_584[%get3A_585, %get3A_586] {strides = array<i32>} : memref<16x768xf32, #tpu.memory_space<vmem>>, vector<16xf32>,
        %get3A_588 = arith.constant 0 : i32
        %get3A_589 = arith.constant 0 : i32
        %get3A_590 = tpu.memref_slice %arg10[%rem3A_160, %get3A_588, %get3A_589] : memref<2x16x768xf32, #tpu.memory_space<vmem>> -> memref<1x16x768xf32, #tpu.memory_space<vmem>>
        %get3A_591 = tpu.memref_squeeze %get3A_590 : memref<1x16x768xf32, #tpu.memory_space<vmem>> -> memref<16x768xf32, #tpu.memory_space<vmem>>
        %get3A_592 = arith.index_cast %scan3A_575 : i32 to index
        %get3A_593 = arith.constant 0 : index
        %get3A_594 = tpu.vector_load %get3A_591[%get3A_592, %get3A_593] {strides = array<i32>} : memref<16x768xf32, #tpu.memory_space<vmem>>, vector<16xf32>,
        %add3A_595 = arith.addf %get3A_587, %get3A_594 : vector<16xf32>
        %swap3A = arith.constant 0 : i32
        %swap3A_596 = arith.constant 0 : i32
        %swap3A_597 = tpu.memref_slice %arg9[%rem3A_136, %swap3A, %swap3A_596] : memref<4x16x768xf32, #tpu.memory_space<vmem>> -> memref<1x16x768xf32, #tpu.memory_space<vmem>>
        %swap3A_598 = tpu.memref_squeeze %swap3A_597 : memref<1x16x768xf32, #tpu.memory_space<vmem>> -> memref<16x768xf32, #tpu.memory_space<vmem>>
        %swap3A_599 = arith.index_cast %scan3A_575 : i32 to index
        %swap3A_600 = arith.constant 0 : index
        %swap3A_601 = tpu.vector_load %swap3A_598[%swap3A_599, %swap3A_600] {strides = array<i32>} : memref<16x768xf32, #tpu.memory_space<vmem>>, vector<16xf32>,
        tpu.vector_store %swap3A_598[%swap3A_599, %swap3A_600], %add3A_595 {strides = array<i32>} : memref<16x768xf32, #tpu.memory_space<vmem>>, vector<16xf32>,
        %add3A_602 = arith.addf %broadcast_in_dim3A_578, %add3A_595 : vector<16xf32>
        %mul3A_603 = arith.mulf %add3A_595, %add3A_595 : vector<16xf32>
        %add3A_604 = arith.addf %broadcast_in_dim3A_580, %mul3A_603 : vector<16xf32>
        %get3A_605 = arith.constant 0 : i32
        %get3A_606 = arith.constant 0 : i32
        %get3A_607 = tpu.memref_slice %arg9[%rem3A_136, %get3A_605, %get3A_606] : memref<4x16x768xf32, #tpu.memory_space<vmem>> -> memref<1x16x768xf32, #tpu.memory_space<vmem>>
        %get3A_608 = tpu.memref_squeeze %get3A_607 : memref<1x16x768xf32, #tpu.memory_space<vmem>> -> memref<16x768xf32, #tpu.memory_space<vmem>>
        %get3A_609 = arith.index_cast %scan3A_575 : i32 to index
        %get3A_610 = arith.constant 16 : index
        %get3A_611 = tpu.vector_load %get3A_608[%get3A_609, %get3A_610] {strides = array<i32>} : memref<16x768xf32, #tpu.memory_space<vmem>>, vector<16xf32>,
        %get3A_612 = arith.constant 0 : i32
        %get3A_613 = arith.constant 0 : i32
        %get3A_614 = tpu.memref_slice %arg10[%rem3A_160, %get3A_612, %get3A_613] : memref<2x16x768xf32, #tpu.memory_space<vmem>> -> memref<1x16x768xf32, #tpu.memory_space<vmem>>
        %get3A_615 = tpu.memref_squeeze %get3A_614 : memref<1x16x768xf32, #tpu.memory_space<vmem>> -> memref<16x768xf32, #tpu.memory_space<vmem>>
        %get3A_616 = arith.index_cast %scan3A_575 : i32 to index
        %get3A_617 = arith.constant 16 : index
        %get3A_618 = tpu.vector_load %get3A_615[%get3A_616, %get3A_617] {strides = array<i32>} : memref<16x768xf32, #tpu.memory_space<vmem>>, vector<16xf32>,
        %add3A_619 = arith.addf %get3A_611, %get3A_618 : vector<16xf32>
        %swap3A_620 = arith.constant 0 : i32
        %swap3A_621 = arith.constant 0 : i32
        %swap3A_622 = tpu.memref_slice %arg9[%rem3A_136, %swap3A_620, %swap3A_621] : memref<4x16x768xf32, #tpu.memory_space<vmem>> -> memref<1x16x768xf32, #tpu.memory_space<vmem>>
        %swap3A_623 = tpu.memref_squeeze %swap3A_622 : memref<1x16x768xf32, #tpu.memory_space<vmem>> -> memref<16x768xf32, #tpu.memory_space<vmem>>
        %swap3A_624 = arith.index_cast %scan3A_575 : i32 to index
        %swap3A_625 = arith.constant 16 : index
        %swap3A_626 = tpu.vector_load %swap3A_623[%swap3A_624, %swap3A_625] {strides = array<i32>} : memref<16x768xf32, #tpu.memory_space<vmem>>, vector<16xf32>,
        tpu.vector_store %swap3A_623[%swap3A_624, %swap3A_625], %add3A_619 {strides = array<i32>} : memref<16x768xf32, #tpu.memory_space<vmem>>, vector<16xf32>,
        %add3A_627 = arith.addf %add3A_602, %add3A_619 : vector<16xf32>
        %mul3A_628 = arith.mulf %add3A_619, %add3A_619 : vector<16xf32>
        %add3A_629 = arith.addf %add3A_604, %mul3A_628 : vector<16xf32>
        %get3A_630 = arith.constant 0 : i32
        %get3A_631 = arith.constant 0 : i32
        %get3A_632 = tpu.memref_slice %arg9[%rem3A_136, %get3A_630, %get3A_631] : memref<4x16x768xf32, #tpu.memory_space<vmem>> -> memref<1x16x768xf32, #tpu.memory_space<vmem>>
        %get3A_633 = tpu.memref_squeeze %get3A_632 : memref<1x16x768xf32, #tpu.memory_space<vmem>> -> memref<16x768xf32, #tpu.memory_space<vmem>>
        %get3A_634 = arith.index_cast %scan3A_575 : i32 to index
        %get3A_635 = arith.constant 32 : index
        %get3A_636 = tpu.vector_load %get3A_633[%get3A_634, %get3A_635] {strides = array<i32>} : memref<16x768xf32, #tpu.memory_space<vmem>>, vector<16xf32>,
        %get3A_637 = arith.constant 0 : i32
        %get3A_638 = arith.constant 0 : i32
        %get3A_639 = tpu.memref_slice %arg10[%rem3A_160, %get3A_637, %get3A_638] : memref<2x16x768xf32, #tpu.memory_space<vmem>> -> memref<1x16x768xf32, #tpu.memory_space<vmem>>
        %get3A_640 = tpu.memref_squeeze %get3A_639 : memref<1x16x768xf32, #tpu.memory_space<vmem>> -> memref<16x768xf32, #tpu.memory_space<vmem>>
        %get3A_641 = arith.index_cast %scan3A_575 : i32 to index
        %get3A_642 = arith.constant 32 : index
        %get3A_643 = tpu.vector_load %get3A_640[%get3A_641, %get3A_642] {strides = array<i32>} : memref<16x768xf32, #tpu.memory_space<vmem>>, vector<16xf32>,
        %add3A_644 = arith.addf %get3A_636, %get3A_643 : vector<16xf32>
        %swap3A_645 = arith.constant 0 : i32
        %swap3A_646 = arith.constant 0 : i32
        %swap3A_647 = tpu.memref_slice %arg9[%rem3A_136, %swap3A_645, %swap3A_646] : memref<4x16x768xf32, #tpu.memory_space<vmem>> -> memref<1x16x768xf32, #tpu.memory_space<vmem>>
        %swap3A_648 = tpu.memref_squeeze %swap3A_647 : memref<1x16x768xf32, #tpu.memory_space<vmem>> -> memref<16x768xf32, #tpu.memory_space<vmem>>
        %swap3A_649 = arith.index_cast %scan3A_575 : i32 to index
        %swap3A_650 = arith.constant 32 : index
        %swap3A_651 = tpu.vector_load %swap3A_648[%swap3A_649, %swap3A_650] {strides = array<i32>} : memref<16x768xf32, #tpu.memory_space<vmem>>, vector<16xf32>,
        tpu.vector_store %swap3A_648[%swap3A_649, %swap3A_650], %add3A_644 {strides = array<i32>} : memref<16x768xf32, #tpu.memory_space<vmem>>, vector<16xf32>,
        %add3A_652 = arith.addf %add3A_627, %add3A_644 : vector<16xf32>
        %mul3A_653 = arith.mulf %add3A_644, %add3A_644 : vector<16xf32>
        %add3A_654 = arith.addf %add3A_629, %mul3A_653 : vector<16xf32>
        %get3A_655 = arith.constant 0 : i32
        %get3A_656 = arith.constant 0 : i32
        %get3A_657 = tpu.memref_slice %arg9[%rem3A_136, %get3A_655, %get3A_656] : memref<4x16x768xf32, #tpu.memory_space<vmem>> -> memref<1x16x768xf32, #tpu.memory_space<vmem>>
        %get3A_658 = tpu.memref_squeeze %get3A_657 : memref<1x16x768xf32, #tpu.memory_space<vmem>> -> memref<16x768xf32, #tpu.memory_space<vmem>>
        %get3A_659 = arith.index_cast %scan3A_575 : i32 to index
        %get3A_660 = arith.constant 48 : index
        %get3A_661 = tpu.vector_load %get3A_658[%get3A_659, %get3A_660] {strides = array<i32>} : memref<16x768xf32, #tpu.memory_space<vmem>>, vector<16xf32>,
        %get3A_662 = arith.constant 0 : i32
        %get3A_663 = arith.constant 0 : i32
        %get3A_664 = tpu.memref_slice %arg10[%rem3A_160, %get3A_662, %get3A_663] : memref<2x16x768xf32, #tpu.memory_space<vmem>> -> memref<1x16x768xf32, #tpu.memory_space<vmem>>
        %get3A_665 = tpu.memref_squeeze %get3A_664 : memref<1x16x768xf32, #tpu.memory_space<vmem>> -> memref<16x768xf32, #tpu.memory_space<vmem>>
        %get3A_666 = arith.index_cast %scan3A_575 : i32 to index
        %get3A_667 = arith.constant 48 : index
        %get3A_668 = tpu.vector_load %get3A_665[%get3A_666, %get3A_667] {strides = array<i32>} : memref<16x768xf32, #tpu.memory_space<vmem>>, vector<16xf32>,
        %add3A_669 = arith.addf %get3A_661, %get3A_668 : vector<16xf32>
        %swap3A_670 = arith.constant 0 : i32
        %swap3A_671 = arith.constant 0 : i32
        %swap3A_672 = tpu.memref_slice %arg9[%rem3A_136, %swap3A_670, %swap3A_671] : memref<4x16x768xf32, #tpu.memory_space<vmem>> -> memref<1x16x768xf32, #tpu.memory_space<vmem>>
        %swap3A_673 = tpu.memref_squeeze %swap3A_672 : memref<1x16x768xf32, #tpu.memory_space<vmem>> -> memref<16x768xf32, #tpu.memory_space<vmem>>
        %swap3A_674 = arith.index_cast %scan3A_575 : i32 to index
        %swap3A_675 = arith.constant 48 : index
        %swap3A_676 = tpu.vector_load %swap3A_673[%swap3A_674, %swap3A_675] {strides = array<i32>} : memref<16x768xf32, #tpu.memory_space<vmem>>, vector<16xf32>,
        tpu.vector_store %swap3A_673[%swap3A_674, %swap3A_675], %add3A_669 {strides = array<i32>} : memref<16x768xf32, #tpu.memory_space<vmem>>, vector<16xf32>,
        %add3A_677 = arith.addf %add3A_652, %add3A_669 : vector<16xf32>
        %mul3A_678 = arith.mulf %add3A_669, %add3A_669 : vector<16xf32>
        %add3A_679 = arith.addf %add3A_654, %mul3A_678 : vector<16xf32>
        %get3A_680 = arith.constant 0 : i32
        %get3A_681 = arith.constant 0 : i32
        %get3A_682 = tpu.memref_slice %arg9[%rem3A_136, %get3A_680, %get3A_681] : memref<4x16x768xf32, #tpu.memory_space<vmem>> -> memref<1x16x768xf32, #tpu.memory_space<vmem>>
        %get3A_683 = tpu.memref_squeeze %get3A_682 : memref<1x16x768xf32, #tpu.memory_space<vmem>> -> memref<16x768xf32, #tpu.memory_space<vmem>>
        %get3A_684 = arith.index_cast %scan3A_575 : i32 to index
        %get3A_685 = arith.constant 64 : index
        %get3A_686 = tpu.vector_load %get3A_683[%get3A_684, %get3A_685] {strides = array<i32>} : memref<16x768xf32, #tpu.memory_space<vmem>>, vector<16xf32>,
        %get3A_687 = arith.constant 0 : i32
        %get3A_688 = arith.constant 0 : i32
        %get3A_689 = tpu.memref_slice %arg10[%rem3A_160, %get3A_687, %get3A_688] : memref<2x16x768xf32, #tpu.memory_space<vmem>> -> memref<1x16x768xf32, #tpu.memory_space<vmem>>
        %get3A_690 = tpu.memref_squeeze %get3A_689 : memref<1x16x768xf32, #tpu.memory_space<vmem>> -> memref<16x768xf32, #tpu.memory_space<vmem>>
        %get3A_691 = arith.index_cast %scan3A_575 : i32 to index
        %get3A_692 = arith.constant 64 : index
        %get3A_693 = tpu.vector_load %get3A_690[%get3A_691, %get3A_692] {strides = array<i32>} : memref<16x768xf32, #tpu.memory_space<vmem>>, vector<16xf32>,
        %add3A_694 = arith.addf %get3A_686, %get3A_693 : vector<16xf32>
        %swap3A_695 = arith.constant 0 : i32
        %swap3A_696 = arith.constant 0 : i32
        %swap3A_697 = tpu.memref_slice %arg9[%rem3A_136, %swap3A_695, %swap3A_696] : memref<4x16x768xf32, #tpu.memory_space<vmem>> -> memref<1x16x768xf32, #tpu.memory_space<vmem>>
        %swap3A_698 = tpu.memref_squeeze %swap3A_697 : memref<1x16x768xf32, #tpu.memory_space<vmem>> -> memref<16x768xf32, #tpu.memory_space<vmem>>
        %swap3A_699 = arith.index_cast %scan3A_575 : i32 to index
        %swap3A_700 = arith.constant 64 : index
        %swap3A_701 = tpu.vector_load %swap3A_698[%swap3A_699, %swap3A_700] {strides = array<i32>} : memref<16x768xf32, #tpu.memory_space<vmem>>, vector<16xf32>,
        tpu.vector_store %swap3A_698[%swap3A_699, %swap3A_700], %add3A_694 {strides = array<i32>} : memref<16x768xf32, #tpu.memory_space<vmem>>, vector<16xf32>,
        %add3A_702 = arith.addf %add3A_677, %add3A_694 : vector<16xf32>
        %mul3A_703 = arith.mulf %add3A_694, %add3A_694 : vector<16xf32>
        %add3A_704 = arith.addf %add3A_679, %mul3A_703 : vector<16xf32>
        %get3A_705 = arith.constant 0 : i32
        %get3A_706 = arith.constant 0 : i32
        %get3A_707 = tpu.memref_slice %arg9[%rem3A_136, %get3A_705, %get3A_706] : memref<4x16x768xf32, #tpu.memory_space<vmem>> -> memref<1x16x768xf32, #tpu.memory_space<vmem>>
        %get3A_708 = tpu.memref_squeeze %get3A_707 : memref<1x16x768xf32, #tpu.memory_space<vmem>> -> memref<16x768xf32, #tpu.memory_space<vmem>>
        %get3A_709 = arith.index_cast %scan3A_575 : i32 to index
        %get3A_710 = arith.constant 80 : index
        %get3A_711 = tpu.vector_load %get3A_708[%get3A_709, %get3A_710] {strides = array<i32>} : memref<16x768xf32, #tpu.memory_space<vmem>>, vector<16xf32>,
        %get3A_712 = arith.constant 0 : i32
        %get3A_713 = arith.constant 0 : i32
        %get3A_714 = tpu.memref_slice %arg10[%rem3A_160, %get3A_712, %get3A_713] : memref<2x16x768xf32, #tpu.memory_space<vmem>> -> memref<1x16x768xf32, #tpu.memory_space<vmem>>
        %get3A_715 = tpu.memref_squeeze %get3A_714 : memref<1x16x768xf32, #tpu.memory_space<vmem>> -> memref<16x768xf32, #tpu.memory_space<vmem>>
        %get3A_716 = arith.index_cast %scan3A_575 : i32 to index
        %get3A_717 = arith.constant 80 : index
        %get3A_718 = tpu.vector_load %get3A_715[%get3A_716, %get3A_717] {strides = array<i32>} : memref<16x768xf32, #tpu.memory_space<vmem>>, vector<16xf32>,
        %add3A_719 = arith.addf %get3A_711, %get3A_718 : vector<16xf32>
        %swap3A_720 = arith.constant 0 : i32
        %swap3A_721 = arith.constant 0 : i32
        %swap3A_722 = tpu.memref_slice %arg9[%rem3A_136, %swap3A_720, %swap3A_721] : memref<4x16x768xf32, #tpu.memory_space<vmem>> -> memref<1x16x768xf32, #tpu.memory_space<vmem>>
        %swap3A_723 = tpu.memref_squeeze %swap3A_722 : memref<1x16x768xf32, #tpu.memory_space<vmem>> -> memref<16x768xf32, #tpu.memory_space<vmem>>
        %swap3A_724 = arith.index_cast %scan3A_575 : i32 to index
        %swap3A_725 = arith.constant 80 : index
        %swap3A_726 = tpu.vector_load %swap3A_723[%swap3A_724, %swap3A_725] {strides = array<i32>} : memref<16x768xf32, #tpu.memory_space<vmem>>, vector<16xf32>,
        tpu.vector_store %swap3A_723[%swap3A_724, %swap3A_725], %add3A_719 {strides = array<i32>} : memref<16x768xf32, #tpu.memory_space<vmem>>, vector<16xf32>,
        %add3A_727 = arith.addf %add3A_702, %add3A_719 : vector<16xf32>
        %mul3A_728 = arith.mulf %add3A_719, %add3A_719 : vector<16xf32>
        %add3A_729 = arith.addf %add3A_704, %mul3A_728 : vector<16xf32>
        %get3A_730 = arith.constant 0 : i32
        %get3A_731 = arith.constant 0 : i32
        %get3A_732 = tpu.memref_slice %arg9[%rem3A_136, %get3A_730, %get3A_731] : memref<4x16x768xf32, #tpu.memory_space<vmem>> -> memref<1x16x768xf32, #tpu.memory_space<vmem>>
        %get3A_733 = tpu.memref_squeeze %get3A_732 : memref<1x16x768xf32, #tpu.memory_space<vmem>> -> memref<16x768xf32, #tpu.memory_space<vmem>>
        %get3A_734 = arith.index_cast %scan3A_575 : i32 to index
        %get3A_735 = arith.constant 96 : index
        %get3A_736 = tpu.vector_load %get3A_733[%get3A_734, %get3A_735] {strides = array<i32>} : memref<16x768xf32, #tpu.memory_space<vmem>>, vector<16xf32>,
        %get3A_737 = arith.constant 0 : i32
        %get3A_738 = arith.constant 0 : i32
        %get3A_739 = tpu.memref_slice %arg10[%rem3A_160, %get3A_737, %get3A_738] : memref<2x16x768xf32, #tpu.memory_space<vmem>> -> memref<1x16x768xf32, #tpu.memory_space<vmem>>
        %get3A_740 = tpu.memref_squeeze %get3A_739 : memref<1x16x768xf32, #tpu.memory_space<vmem>> -> memref<16x768xf32, #tpu.memory_space<vmem>>
        %get3A_741 = arith.index_cast %scan3A_575 : i32 to index
        %get3A_742 = arith.constant 96 : index
        %get3A_743 = tpu.vector_load %get3A_740[%get3A_741, %get3A_742] {strides = array<i32>} : memref<16x768xf32, #tpu.memory_space<vmem>>, vector<16xf32>,
        %add3A_744 = arith.addf %get3A_736, %get3A_743 : vector<16xf32>
        %swap3A_745 = arith.constant 0 : i32
        %swap3A_746 = arith.constant 0 : i32
        %swap3A_747 = tpu.memref_slice %arg9[%rem3A_136, %swap3A_745, %swap3A_746] : memref<4x16x768xf32, #tpu.memory_space<vmem>> -> memref<1x16x768xf32, #tpu.memory_space<vmem>>
        %swap3A_748 = tpu.memref_squeeze %swap3A_747 : memref<1x16x768xf32, #tpu.memory_space<vmem>> -> memref<16x768xf32, #tpu.memory_space<vmem>>
        %swap3A_749 = arith.index_cast %scan3A_575 : i32 to index
        %swap3A_750 = arith.constant 96 : index
        %swap3A_751 = tpu.vector_load %swap3A_748[%swap3A_749, %swap3A_750] {strides = array<i32>} : memref<16x768xf32, #tpu.memory_space<vmem>>, vector<16xf32>,
        tpu.vector_store %swap3A_748[%swap3A_749, %swap3A_750], %add3A_744 {strides = array<i32>} : memref<16x768xf32, #tpu.memory_space<vmem>>, vector<16xf32>,
        %add3A_752 = arith.addf %add3A_727, %add3A_744 : vector<16xf32>
        %mul3A_753 = arith.mulf %add3A_744, %add3A_744 : vector<16xf32>
        %add3A_754 = arith.addf %add3A_729, %mul3A_753 : vector<16xf32>
        %get3A_755 = arith.constant 0 : i32
        %get3A_756 = arith.constant 0 : i32
        %get3A_757 = tpu.memref_slice %arg9[%rem3A_136, %get3A_755, %get3A_756] : memref<4x16x768xf32, #tpu.memory_space<vmem>> -> memref<1x16x768xf32, #tpu.memory_space<vmem>>
        %get3A_758 = tpu.memref_squeeze %get3A_757 : memref<1x16x768xf32, #tpu.memory_space<vmem>> -> memref<16x768xf32, #tpu.memory_space<vmem>>
        %get3A_759 = arith.index_cast %scan3A_575 : i32 to index
        %get3A_760 = arith.constant 112 : index
        %get3A_761 = tpu.vector_load %get3A_758[%get3A_759, %get3A_760] {strides = array<i32>} : memref<16x768xf32, #tpu.memory_space<vmem>>, vector<16xf32>,
        %get3A_762 = arith.constant 0 : i32
        %get3A_763 = arith.constant 0 : i32
        %get3A_764 = tpu.memref_slice %arg10[%rem3A_160, %get3A_762, %get3A_763] : memref<2x16x768xf32, #tpu.memory_space<vmem>> -> memref<1x16x768xf32, #tpu.memory_space<vmem>>
        %get3A_765 = tpu.memref_squeeze %get3A_764 : memref<1x16x768xf32, #tpu.memory_space<vmem>> -> memref<16x768xf32, #tpu.memory_space<vmem>>
        %get3A_766 = arith.index_cast %scan3A_575 : i32 to index
        %get3A_767 = arith.constant 112 : index
        %get3A_768 = tpu.vector_load %get3A_765[%get3A_766, %get3A_767] {strides = array<i32>} : memref<16x768xf32, #tpu.memory_space<vmem>>, vector<16xf32>,
        %add3A_769 = arith.addf %get3A_761, %get3A_768 : vector<16xf32>
        %swap3A_770 = arith.constant 0 : i32
        %swap3A_771 = arith.constant 0 : i32
        %swap3A_772 = tpu.memref_slice %arg9[%rem3A_136, %swap3A_770, %swap3A_771] : memref<4x16x768xf32, #tpu.memory_space<vmem>> -> memref<1x16x768xf32, #tpu.memory_space<vmem>>
        %swap3A_773 = tpu.memref_squeeze %swap3A_772 : memref<1x16x768xf32, #tpu.memory_space<vmem>> -> memref<16x768xf32, #tpu.memory_space<vmem>>
        %swap3A_774 = arith.index_cast %scan3A_575 : i32 to index
        %swap3A_775 = arith.constant 112 : index
        %swap3A_776 = tpu.vector_load %swap3A_773[%swap3A_774, %swap3A_775] {strides = array<i32>} : memref<16x768xf32, #tpu.memory_space<vmem>>, vector<16xf32>,
        tpu.vector_store %swap3A_773[%swap3A_774, %swap3A_775], %add3A_769 {strides = array<i32>} : memref<16x768xf32, #tpu.memory_space<vmem>>, vector<16xf32>,
        %add3A_777 = arith.addf %add3A_752, %add3A_769 : vector<16xf32>
        %mul3A_778 = arith.mulf %add3A_769, %add3A_769 : vector<16xf32>
        %add3A_779 = arith.addf %add3A_754, %mul3A_778 : vector<16xf32>
        %get3A_780 = arith.constant 0 : i32
        %get3A_781 = arith.constant 0 : i32
        %get3A_782 = tpu.memref_slice %arg9[%rem3A_136, %get3A_780, %get3A_781] : memref<4x16x768xf32, #tpu.memory_space<vmem>> -> memref<1x16x768xf32, #tpu.memory_space<vmem>>
        %get3A_783 = tpu.memref_squeeze %get3A_782 : memref<1x16x768xf32, #tpu.memory_space<vmem>> -> memref<16x768xf32, #tpu.memory_space<vmem>>
        %get3A_784 = arith.index_cast %scan3A_575 : i32 to index
        %get3A_785 = arith.constant 128 : index
        %get3A_786 = tpu.vector_load %get3A_783[%get3A_784, %get3A_785] {strides = array<i32>} : memref<16x768xf32, #tpu.memory_space<vmem>>, vector<16xf32>,
        %get3A_787 = arith.constant 0 : i32
        %get3A_788 = arith.constant 0 : i32
        %get3A_789 = tpu.memref_slice %arg10[%rem3A_160, %get3A_787, %get3A_788] : memref<2x16x768xf32, #tpu.memory_space<vmem>> -> memref<1x16x768xf32, #tpu.memory_space<vmem>>
        %get3A_790 = tpu.memref_squeeze %get3A_789 : memref<1x16x768xf32, #tpu.memory_space<vmem>> -> memref<16x768xf32, #tpu.memory_space<vmem>>
        %get3A_791 = arith.index_cast %scan3A_575 : i32 to index
        %get3A_792 = arith.constant 128 : index
        %get3A_793 = tpu.vector_load %get3A_790[%get3A_791, %get3A_792] {strides = array<i32>} : memref<16x768xf32, #tpu.memory_space<vmem>>, vector<16xf32>,
        %add3A_794 = arith.addf %get3A_786, %get3A_793 : vector<16xf32>
        %swap3A_795 = arith.constant 0 : i32
        %swap3A_796 = arith.constant 0 : i32
        %swap3A_797 = tpu.memref_slice %arg9[%rem3A_136, %swap3A_795, %swap3A_796] : memref<4x16x768xf32, #tpu.memory_space<vmem>> -> memref<1x16x768xf32, #tpu.memory_space<vmem>>
        %swap3A_798 = tpu.memref_squeeze %swap3A_797 : memref<1x16x768xf32, #tpu.memory_space<vmem>> -> memref<16x768xf32, #tpu.memory_space<vmem>>
        %swap3A_799 = arith.index_cast %scan3A_575 : i32 to index
        %swap3A_800 = arith.constant 128 : index
        %swap3A_801 = tpu.vector_load %swap3A_798[%swap3A_799, %swap3A_800] {strides = array<i32>} : memref<16x768xf32, #tpu.memory_space<vmem>>, vector<16xf32>,
        tpu.vector_store %swap3A_798[%swap3A_799, %swap3A_800], %add3A_794 {strides = array<i32>} : memref<16x768xf32, #tpu.memory_space<vmem>>, vector<16xf32>,
        %add3A_802 = arith.addf %add3A_777, %add3A_794 : vector<16xf32>
        %mul3A_803 = arith.mulf %add3A_794, %add3A_794 : vector<16xf32>
        %add3A_804 = arith.addf %add3A_779, %mul3A_803 : vector<16xf32>
        %get3A_805 = arith.constant 0 : i32
        %get3A_806 = arith.constant 0 : i32
        %get3A_807 = tpu.memref_slice %arg9[%rem3A_136, %get3A_805, %get3A_806] : memref<4x16x768xf32, #tpu.memory_space<vmem>> -> memref<1x16x768xf32, #tpu.memory_space<vmem>>
        %get3A_808 = tpu.memref_squeeze %get3A_807 : memref<1x16x768xf32, #tpu.memory_space<vmem>> -> memref<16x768xf32, #tpu.memory_space<vmem>>
        %get3A_809 = arith.index_cast %scan3A_575 : i32 to index
        %get3A_810 = arith.constant 144 : index
        %get3A_811 = tpu.vector_load %get3A_808[%get3A_809, %get3A_810] {strides = array<i32>} : memref<16x768xf32, #tpu.memory_space<vmem>>, vector<16xf32>,
        %get3A_812 = arith.constant 0 : i32
        %get3A_813 = arith.constant 0 : i32
        %get3A_814 = tpu.memref_slice %arg10[%rem3A_160, %get3A_812, %get3A_813] : memref<2x16x768xf32, #tpu.memory_space<vmem>> -> memref<1x16x768xf32, #tpu.memory_space<vmem>>
        %get3A_815 = tpu.memref_squeeze %get3A_814 : memref<1x16x768xf32, #tpu.memory_space<vmem>> -> memref<16x768xf32, #tpu.memory_space<vmem>>
        %get3A_816 = arith.index_cast %scan3A_575 : i32 to index
        %get3A_817 = arith.constant 144 : index
        %get3A_818 = tpu.vector_load %get3A_815[%get3A_816, %get3A_817] {strides = array<i32>} : memref<16x768xf32, #tpu.memory_space<vmem>>, vector<16xf32>,
        %add3A_819 = arith.addf %get3A_811, %get3A_818 : vector<16xf32>
        %swap3A_820 = arith.constant 0 : i32
        %swap3A_821 = arith.constant 0 : i32
        %swap3A_822 = tpu.memref_slice %arg9[%rem3A_136, %swap3A_820, %swap3A_821] : memref<4x16x768xf32, #tpu.memory_space<vmem>> -> memref<1x16x768xf32, #tpu.memory_space<vmem>>
        %swap3A_823 = tpu.memref_squeeze %swap3A_822 : memref<1x16x768xf32, #tpu.memory_space<vmem>> -> memref<16x768xf32, #tpu.memory_space<vmem>>
        %swap3A_824 = arith.index_cast %scan3A_575 : i32 to index
        %swap3A_825 = arith.constant 144 : index
        %swap3A_826 = tpu.vector_load %swap3A_823[%swap3A_824, %swap3A_825] {strides = array<i32>} : memref<16x768xf32, #tpu.memory_space<vmem>>, vector<16xf32>,
        tpu.vector_store %swap3A_823[%swap3A_824, %swap3A_825], %add3A_819 {strides = array<i32>} : memref<16x768xf32, #tpu.memory_space<vmem>>, vector<16xf32>,
        %add3A_827 = arith.addf %add3A_802, %add3A_819 : vector<16xf32>
        %mul3A_828 = arith.mulf %add3A_819, %add3A_819 : vector<16xf32>
        %add3A_829 = arith.addf %add3A_804, %mul3A_828 : vector<16xf32>
        %get3A_830 = arith.constant 0 : i32
        %get3A_831 = arith.constant 0 : i32
        %get3A_832 = tpu.memref_slice %arg9[%rem3A_136, %get3A_830, %get3A_831] : memref<4x16x768xf32, #tpu.memory_space<vmem>> -> memref<1x16x768xf32, #tpu.memory_space<vmem>>
        %get3A_833 = tpu.memref_squeeze %get3A_832 : memref<1x16x768xf32, #tpu.memory_space<vmem>> -> memref<16x768xf32, #tpu.memory_space<vmem>>
        %get3A_834 = arith.index_cast %scan3A_575 : i32 to index
        %get3A_835 = arith.constant 160 : index
        %get3A_836 = tpu.vector_load %get3A_833[%get3A_834, %get3A_835] {strides = array<i32>} : memref<16x768xf32, #tpu.memory_space<vmem>>, vector<16xf32>,
        %get3A_837 = arith.constant 0 : i32
        %get3A_838 = arith.constant 0 : i32
        %get3A_839 = tpu.memref_slice %arg10[%rem3A_160, %get3A_837, %get3A_838] : memref<2x16x768xf32, #tpu.memory_space<vmem>> -> memref<1x16x768xf32, #tpu.memory_space<vmem>>
        %get3A_840 = tpu.memref_squeeze %get3A_839 : memref<1x16x768xf32, #tpu.memory_space<vmem>> -> memref<16x768xf32, #tpu.memory_space<vmem>>
        %get3A_841 = arith.index_cast %scan3A_575 : i32 to index
        %get3A_842 = arith.constant 160 : index
        %get3A_843 = tpu.vector_load %get3A_840[%get3A_841, %get3A_842] {strides = array<i32>} : memref<16x768xf32, #tpu.memory_space<vmem>>, vector<16xf32>,
        %add3A_844 = arith.addf %get3A_836, %get3A_843 : vector<16xf32>
        %swap3A_845 = arith.constant 0 : i32
        %swap3A_846 = arith.constant 0 : i32
        %swap3A_847 = tpu.memref_slice %arg9[%rem3A_136, %swap3A_845, %swap3A_846] : memref<4x16x768xf32, #tpu.memory_space<vmem>> -> memref<1x16x768xf32, #tpu.memory_space<vmem>>
        %swap3A_848 = tpu.memref_squeeze %swap3A_847 : memref<1x16x768xf32, #tpu.memory_space<vmem>> -> memref<16x768xf32, #tpu.memory_space<vmem>>
        %swap3A_849 = arith.index_cast %scan3A_575 : i32 to index
        %swap3A_850 = arith.constant 160 : index
        %swap3A_851 = tpu.vector_load %swap3A_848[%swap3A_849, %swap3A_850] {strides = array<i32>} : memref<16x768xf32, #tpu.memory_space<vmem>>, vector<16xf32>,
        tpu.vector_store %swap3A_848[%swap3A_849, %swap3A_850], %add3A_844 {strides = array<i32>} : memref<16x768xf32, #tpu.memory_space<vmem>>, vector<16xf32>,
        %add3A_852 = arith.addf %add3A_827, %add3A_844 : vector<16xf32>
        %mul3A_853 = arith.mulf %add3A_844, %add3A_844 : vector<16xf32>
        %add3A_854 = arith.addf %add3A_829, %mul3A_853 : vector<16xf32>
        %get3A_855 = arith.constant 0 : i32
        %get3A_856 = arith.constant 0 : i32
        %get3A_857 = tpu.memref_slice %arg9[%rem3A_136, %get3A_855, %get3A_856] : memref<4x16x768xf32, #tpu.memory_space<vmem>> -> memref<1x16x768xf32, #tpu.memory_space<vmem>>
        %get3A_858 = tpu.memref_squeeze %get3A_857 : memref<1x16x768xf32, #tpu.memory_space<vmem>> -> memref<16x768xf32, #tpu.memory_space<vmem>>
        %get3A_859 = arith.index_cast %scan3A_575 : i32 to index
        %get3A_860 = arith.constant 176 : index
        %get3A_861 = tpu.vector_load %get3A_858[%get3A_859, %get3A_860] {strides = array<i32>} : memref<16x768xf32, #tpu.memory_space<vmem>>, vector<16xf32>,
        %get3A_862 = arith.constant 0 : i32
        %get3A_863 = arith.constant 0 : i32
        %get3A_864 = tpu.memref_slice %arg10[%rem3A_160, %get3A_862, %get3A_863] : memref<2x16x768xf32, #tpu.memory_space<vmem>> -> memref<1x16x768xf32, #tpu.memory_space<vmem>>
        %get3A_865 = tpu.memref_squeeze %get3A_864 : memref<1x16x768xf32, #tpu.memory_space<vmem>> -> memref<16x768xf32, #tpu.memory_space<vmem>>
        %get3A_866 = arith.index_cast %scan3A_575 : i32 to index
        %get3A_867 = arith.constant 176 : index
        %get3A_868 = tpu.vector_load %get3A_865[%get3A_866, %get3A_867] {strides = array<i32>} : memref<16x768xf32, #tpu.memory_space<vmem>>, vector<16xf32>,
        %add3A_869 = arith.addf %get3A_861, %get3A_868 : vector<16xf32>
        %swap3A_870 = arith.constant 0 : i32
        %swap3A_871 = arith.constant 0 : i32
        %swap3A_872 = tpu.memref_slice %arg9[%rem3A_136, %swap3A_870, %swap3A_871] : memref<4x16x768xf32, #tpu.memory_space<vmem>> -> memref<1x16x768xf32, #tpu.memory_space<vmem>>
        %swap3A_873 = tpu.memref_squeeze %swap3A_872 : memref<1x16x768xf32, #tpu.memory_space<vmem>> -> memref<16x768xf32, #tpu.memory_space<vmem>>
        %swap3A_874 = arith.index_cast %scan3A_575 : i32 to index
        %swap3A_875 = arith.constant 176 : index
        %swap3A_876 = tpu.vector_load %swap3A_873[%swap3A_874, %swap3A_875] {strides = array<i32>} : memref<16x768xf32, #tpu.memory_space<vmem>>, vector<16xf32>,
        tpu.vector_store %swap3A_873[%swap3A_874, %swap3A_875], %add3A_869 {strides = array<i32>} : memref<16x768xf32, #tpu.memory_space<vmem>>, vector<16xf32>,
        %add3A_877 = arith.addf %add3A_852, %add3A_869 : vector<16xf32>
        %mul3A_878 = arith.mulf %add3A_869, %add3A_869 : vector<16xf32>
        %add3A_879 = arith.addf %add3A_854, %mul3A_878 : vector<16xf32>
        %get3A_880 = arith.constant 0 : i32
        %get3A_881 = arith.constant 0 : i32
        %get3A_882 = tpu.memref_slice %arg9[%rem3A_136, %get3A_880, %get3A_881] : memref<4x16x768xf32, #tpu.memory_space<vmem>> -> memref<1x16x768xf32, #tpu.memory_space<vmem>>
        %get3A_883 = tpu.memref_squeeze %get3A_882 : memref<1x16x768xf32, #tpu.memory_space<vmem>> -> memref<16x768xf32, #tpu.memory_space<vmem>>
        %get3A_884 = arith.index_cast %scan3A_575 : i32 to index
        %get3A_885 = arith.constant 192 : index
        %get3A_886 = tpu.vector_load %get3A_883[%get3A_884, %get3A_885] {strides = array<i32>} : memref<16x768xf32, #tpu.memory_space<vmem>>, vector<16xf32>,
        %get3A_887 = arith.constant 0 : i32
        %get3A_888 = arith.constant 0 : i32
        %get3A_889 = tpu.memref_slice %arg10[%rem3A_160, %get3A_887, %get3A_888] : memref<2x16x768xf32, #tpu.memory_space<vmem>> -> memref<1x16x768xf32, #tpu.memory_space<vmem>>
        %get3A_890 = tpu.memref_squeeze %get3A_889 : memref<1x16x768xf32, #tpu.memory_space<vmem>> -> memref<16x768xf32, #tpu.memory_space<vmem>>
        %get3A_891 = arith.index_cast %scan3A_575 : i32 to index
        %get3A_892 = arith.constant 192 : index
        %get3A_893 = tpu.vector_load %get3A_890[%get3A_891, %get3A_892] {strides = array<i32>} : memref<16x768xf32, #tpu.memory_space<vmem>>, vector<16xf32>,
        %add3A_894 = arith.addf %get3A_886, %get3A_893 : vector<16xf32>
        %swap3A_895 = arith.constant 0 : i32
        %swap3A_896 = arith.constant 0 : i32
        %swap3A_897 = tpu.memref_slice %arg9[%rem3A_136, %swap3A_895, %swap3A_896] : memref<4x16x768xf32, #tpu.memory_space<vmem>> -> memref<1x16x768xf32, #tpu.memory_space<vmem>>
        %swap3A_898 = tpu.memref_squeeze %swap3A_897 : memref<1x16x768xf32, #tpu.memory_space<vmem>> -> memref<16x768xf32, #tpu.memory_space<vmem>>
        %swap3A_899 = arith.index_cast %scan3A_575 : i32 to index
        %swap3A_900 = arith.constant 192 : index
        %swap3A_901 = tpu.vector_load %swap3A_898[%swap3A_899, %swap3A_900] {strides = array<i32>} : memref<16x768xf32, #tpu.memory_space<vmem>>, vector<16xf32>,
        tpu.vector_store %swap3A_898[%swap3A_899, %swap3A_900], %add3A_894 {strides = array<i32>} : memref<16x768xf32, #tpu.memory_space<vmem>>, vector<16xf32>,
        %add3A_902 = arith.addf %add3A_877, %add3A_894 : vector<16xf32>
        %mul3A_903 = arith.mulf %add3A_894, %add3A_894 : vector<16xf32>
        %add3A_904 = arith.addf %add3A_879, %mul3A_903 : vector<16xf32>
        %get3A_905 = arith.constant 0 : i32
        %get3A_906 = arith.constant 0 : i32
        %get3A_907 = tpu.memref_slice %arg9[%rem3A_136, %get3A_905, %get3A_906] : memref<4x16x768xf32, #tpu.memory_space<vmem>> -> memref<1x16x768xf32, #tpu.memory_space<vmem>>
        %get3A_908 = tpu.memref_squeeze %get3A_907 : memref<1x16x768xf32, #tpu.memory_space<vmem>> -> memref<16x768xf32, #tpu.memory_space<vmem>>
        %get3A_909 = arith.index_cast %scan3A_575 : i32 to index
        %get3A_910 = arith.constant 208 : index
        %get3A_911 = tpu.vector_load %get3A_908[%get3A_909, %get3A_910] {strides = array<i32>} : memref<16x768xf32, #tpu.memory_space<vmem>>, vector<16xf32>,
        %get3A_912 = arith.constant 0 : i32
        %get3A_913 = arith.constant 0 : i32
        %get3A_914 = tpu.memref_slice %arg10[%rem3A_160, %get3A_912, %get3A_913] : memref<2x16x768xf32, #tpu.memory_space<vmem>> -> memref<1x16x768xf32, #tpu.memory_space<vmem>>
        %get3A_915 = tpu.memref_squeeze %get3A_914 : memref<1x16x768xf32, #tpu.memory_space<vmem>> -> memref<16x768xf32, #tpu.memory_space<vmem>>
        %get3A_916 = arith.index_cast %scan3A_575 : i32 to index
        %get3A_917 = arith.constant 208 : index
        %get3A_918 = tpu.vector_load %get3A_915[%get3A_916, %get3A_917] {strides = array<i32>} : memref<16x768xf32, #tpu.memory_space<vmem>>, vector<16xf32>,
        %add3A_919 = arith.addf %get3A_911, %get3A_918 : vector<16xf32>
        %swap3A_920 = arith.constant 0 : i32
        %swap3A_921 = arith.constant 0 : i32
        %swap3A_922 = tpu.memref_slice %arg9[%rem3A_136, %swap3A_920, %swap3A_921] : memref<4x16x768xf32, #tpu.memory_space<vmem>> -> memref<1x16x768xf32, #tpu.memory_space<vmem>>
        %swap3A_923 = tpu.memref_squeeze %swap3A_922 : memref<1x16x768xf32, #tpu.memory_space<vmem>> -> memref<16x768xf32, #tpu.memory_space<vmem>>
        %swap3A_924 = arith.index_cast %scan3A_575 : i32 to index
        %swap3A_925 = arith.constant 208 : index
        %swap3A_926 = tpu.vector_load %swap3A_923[%swap3A_924, %swap3A_925] {strides = array<i32>} : memref<16x768xf32, #tpu.memory_space<vmem>>, vector<16xf32>,
        tpu.vector_store %swap3A_923[%swap3A_924, %swap3A_925], %add3A_919 {strides = array<i32>} : memref<16x768xf32, #tpu.memory_space<vmem>>, vector<16xf32>,
        %add3A_927 = arith.addf %add3A_902, %add3A_919 : vector<16xf32>
        %mul3A_928 = arith.mulf %add3A_919, %add3A_919 : vector<16xf32>
        %add3A_929 = arith.addf %add3A_904, %mul3A_928 : vector<16xf32>
        %get3A_930 = arith.constant 0 : i32
        %get3A_931 = arith.constant 0 : i32
        %get3A_932 = tpu.memref_slice %arg9[%rem3A_136, %get3A_930, %get3A_931] : memref<4x16x768xf32, #tpu.memory_space<vmem>> -> memref<1x16x768xf32, #tpu.memory_space<vmem>>
        %get3A_933 = tpu.memref_squeeze %get3A_932 : memref<1x16x768xf32, #tpu.memory_space<vmem>> -> memref<16x768xf32, #tpu.memory_space<vmem>>
        %get3A_934 = arith.index_cast %scan3A_575 : i32 to index
        %get3A_935 = arith.constant 224 : index
        %get3A_936 = tpu.vector_load %get3A_933[%get3A_934, %get3A_935] {strides = array<i32>} : memref<16x768xf32, #tpu.memory_space<vmem>>, vector<16xf32>,
        %get3A_937 = arith.constant 0 : i32
        %get3A_938 = arith.constant 0 : i32
        %get3A_939 = tpu.memref_slice %arg10[%rem3A_160, %get3A_937, %get3A_938] : memref<2x16x768xf32, #tpu.memory_space<vmem>> -> memref<1x16x768xf32, #tpu.memory_space<vmem>>
        %get3A_940 = tpu.memref_squeeze %get3A_939 : memref<1x16x768xf32, #tpu.memory_space<vmem>> -> memref<16x768xf32, #tpu.memory_space<vmem>>
        %get3A_941 = arith.index_cast %scan3A_575 : i32 to index
        %get3A_942 = arith.constant 224 : index
        %get3A_943 = tpu.vector_load %get3A_940[%get3A_941, %get3A_942] {strides = array<i32>} : memref<16x768xf32, #tpu.memory_space<vmem>>, vector<16xf32>,
        %add3A_944 = arith.addf %get3A_936, %get3A_943 : vector<16xf32>
        %swap3A_945 = arith.constant 0 : i32
        %swap3A_946 = arith.constant 0 : i32
        %swap3A_947 = tpu.memref_slice %arg9[%rem3A_136, %swap3A_945, %swap3A_946] : memref<4x16x768xf32, #tpu.memory_space<vmem>> -> memref<1x16x768xf32, #tpu.memory_space<vmem>>
        %swap3A_948 = tpu.memref_squeeze %swap3A_947 : memref<1x16x768xf32, #tpu.memory_space<vmem>> -> memref<16x768xf32, #tpu.memory_space<vmem>>
        %swap3A_949 = arith.index_cast %scan3A_575 : i32 to index
        %swap3A_950 = arith.constant 224 : index
        %swap3A_951 = tpu.vector_load %swap3A_948[%swap3A_949, %swap3A_950] {strides = array<i32>} : memref<16x768xf32, #tpu.memory_space<vmem>>, vector<16xf32>,
        tpu.vector_store %swap3A_948[%swap3A_949, %swap3A_950], %add3A_944 {strides = array<i32>} : memref<16x768xf32, #tpu.memory_space<vmem>>, vector<16xf32>,
        %add3A_952 = arith.addf %add3A_927, %add3A_944 : vector<16xf32>
        %mul3A_953 = arith.mulf %add3A_944, %add3A_944 : vector<16xf32>
        %add3A_954 = arith.addf %add3A_929, %mul3A_953 : vector<16xf32>
        %get3A_955 = arith.constant 0 : i32
        %get3A_956 = arith.constant 0 : i32
        %get3A_957 = tpu.memref_slice %arg9[%rem3A_136, %get3A_955, %get3A_956] : memref<4x16x768xf32, #tpu.memory_space<vmem>> -> memref<1x16x768xf32, #tpu.memory_space<vmem>>
        %get3A_958 = tpu.memref_squeeze %get3A_957 : memref<1x16x768xf32, #tpu.memory_space<vmem>> -> memref<16x768xf32, #tpu.memory_space<vmem>>
        %get3A_959 = arith.index_cast %scan3A_575 : i32 to index
        %get3A_960 = arith.constant 240 : index
        %get3A_961 = tpu.vector_load %get3A_958[%get3A_959, %get3A_960] {strides = array<i32>} : memref<16x768xf32, #tpu.memory_space<vmem>>, vector<16xf32>,
        %get3A_962 = arith.constant 0 : i32
        %get3A_963 = arith.constant 0 : i32
        %get3A_964 = tpu.memref_slice %arg10[%rem3A_160, %get3A_962, %get3A_963] : memref<2x16x768xf32, #tpu.memory_space<vmem>> -> memref<1x16x768xf32, #tpu.memory_space<vmem>>
        %get3A_965 = tpu.memref_squeeze %get3A_964 : memref<1x16x768xf32, #tpu.memory_space<vmem>> -> memref<16x768xf32, #tpu.memory_space<vmem>>
        %get3A_966 = arith.index_cast %scan3A_575 : i32 to index
        %get3A_967 = arith.constant 240 : index
        %get3A_968 = tpu.vector_load %get3A_965[%get3A_966, %get3A_967] {strides = array<i32>} : memref<16x768xf32, #tpu.memory_space<vmem>>, vector<16xf32>,
        %add3A_969 = arith.addf %get3A_961, %get3A_968 : vector<16xf32>
        %swap3A_970 = arith.constant 0 : i32
        %swap3A_971 = arith.constant 0 : i32
        %swap3A_972 = tpu.memref_slice %arg9[%rem3A_136, %swap3A_970, %swap3A_971] : memref<4x16x768xf32, #tpu.memory_space<vmem>> -> memref<1x16x768xf32, #tpu.memory_space<vmem>>
        %swap3A_973 = tpu.memref_squeeze %swap3A_972 : memref<1x16x768xf32, #tpu.memory_space<vmem>> -> memref<16x768xf32, #tpu.memory_space<vmem>>
        %swap3A_974 = arith.index_cast %scan3A_575 : i32 to index
        %swap3A_975 = arith.constant 240 : index
        %swap3A_976 = tpu.vector_load %swap3A_973[%swap3A_974, %swap3A_975] {strides = array<i32>} : memref<16x768xf32, #tpu.memory_space<vmem>>, vector<16xf32>,
        tpu.vector_store %swap3A_973[%swap3A_974, %swap3A_975], %add3A_969 {strides = array<i32>} : memref<16x768xf32, #tpu.memory_space<vmem>>, vector<16xf32>,
        %add3A_977 = arith.addf %add3A_952, %add3A_969 : vector<16xf32>
        %mul3A_978 = arith.mulf %add3A_969, %add3A_969 : vector<16xf32>
        %add3A_979 = arith.addf %add3A_954, %mul3A_978 : vector<16xf32>
        %get3A_980 = arith.constant 0 : i32
        %get3A_981 = arith.constant 0 : i32
        %get3A_982 = tpu.memref_slice %arg9[%rem3A_136, %get3A_980, %get3A_981] : memref<4x16x768xf32, #tpu.memory_space<vmem>> -> memref<1x16x768xf32, #tpu.memory_space<vmem>>
        %get3A_983 = tpu.memref_squeeze %get3A_982 : memref<1x16x768xf32, #tpu.memory_space<vmem>> -> memref<16x768xf32, #tpu.memory_space<vmem>>
        %get3A_984 = arith.index_cast %scan3A_575 : i32 to index
        %get3A_985 = arith.constant 256 : index
        %get3A_986 = tpu.vector_load %get3A_983[%get3A_984, %get3A_985] {strides = array<i32>} : memref<16x768xf32, #tpu.memory_space<vmem>>, vector<16xf32>,
        %get3A_987 = arith.constant 0 : i32
        %get3A_988 = arith.constant 0 : i32
        %get3A_989 = tpu.memref_slice %arg10[%rem3A_160, %get3A_987, %get3A_988] : memref<2x16x768xf32, #tpu.memory_space<vmem>> -> memref<1x16x768xf32, #tpu.memory_space<vmem>>
        %get3A_990 = tpu.memref_squeeze %get3A_989 : memref<1x16x768xf32, #tpu.memory_space<vmem>> -> memref<16x768xf32, #tpu.memory_space<vmem>>
        %get3A_991 = arith.index_cast %scan3A_575 : i32 to index
        %get3A_992 = arith.constant 256 : index
        %get3A_993 = tpu.vector_load %get3A_990[%get3A_991, %get3A_992] {strides = array<i32>} : memref<16x768xf32, #tpu.memory_space<vmem>>, vector<16xf32>,
        %add3A_994 = arith.addf %get3A_986, %get3A_993 : vector<16xf32>
        %swap3A_995 = arith.constant 0 : i32
        %swap3A_996 = arith.constant 0 : i32
        %swap3A_997 = tpu.memref_slice %arg9[%rem3A_136, %swap3A_995, %swap3A_996] : memref<4x16x768xf32, #tpu.memory_space<vmem>> -> memref<1x16x768xf32, #tpu.memory_space<vmem>>
        %swap3A_998 = tpu.memref_squeeze %swap3A_997 : memref<1x16x768xf32, #tpu.memory_space<vmem>> -> memref<16x768xf32, #tpu.memory_space<vmem>>
        %swap3A_999 = arith.index_cast %scan3A_575 : i32 to index
        %swap3A_1000 = arith.constant 256 : index
        %swap3A_1001 = tpu.vector_load %swap3A_998[%swap3A_999, %swap3A_1000] {strides = array<i32>} : memref<16x768xf32, #tpu.memory_space<vmem>>, vector<16xf32>,
        tpu.vector_store %swap3A_998[%swap3A_999, %swap3A_1000], %add3A_994 {strides = array<i32>} : memref<16x768xf32, #tpu.memory_space<vmem>>, vector<16xf32>,
        %add3A_1002 = arith.addf %add3A_977, %add3A_994 : vector<16xf32>
        %mul3A_1003 = arith.mulf %add3A_994, %add3A_994 : vector<16xf32>
        %add3A_1004 = arith.addf %add3A_979, %mul3A_1003 : vector<16xf32>
        %get3A_1005 = arith.constant 0 : i32
        %get3A_1006 = arith.constant 0 : i32
        %get3A_1007 = tpu.memref_slice %arg9[%rem3A_136, %get3A_1005, %get3A_1006] : memref<4x16x768xf32, #tpu.memory_space<vmem>> -> memref<1x16x768xf32, #tpu.memory_space<vmem>>
        %get3A_1008 = tpu.memref_squeeze %get3A_1007 : memref<1x16x768xf32, #tpu.memory_space<vmem>> -> memref<16x768xf32, #tpu.memory_space<vmem>>
        %get3A_1009 = arith.index_cast %scan3A_575 : i32 to index
        %get3A_1010 = arith.constant 272 : index
        %get3A_1011 = tpu.vector_load %get3A_1008[%get3A_1009, %get3A_1010] {strides = array<i32>} : memref<16x768xf32, #tpu.memory_space<vmem>>, vector<16xf32>,
        %get3A_1012 = arith.constant 0 : i32
        %get3A_1013 = arith.constant 0 : i32
        %get3A_1014 = tpu.memref_slice %arg10[%rem3A_160, %get3A_1012, %get3A_1013] : memref<2x16x768xf32, #tpu.memory_space<vmem>> -> memref<1x16x768xf32, #tpu.memory_space<vmem>>
        %get3A_1015 = tpu.memref_squeeze %get3A_1014 : memref<1x16x768xf32, #tpu.memory_space<vmem>> -> memref<16x768xf32, #tpu.memory_space<vmem>>
        %get3A_1016 = arith.index_cast %scan3A_575 : i32 to index
        %get3A_1017 = arith.constant 272 : index
        %get3A_1018 = tpu.vector_load %get3A_1015[%get3A_1016, %get3A_1017] {strides = array<i32>} : memref<16x768xf32, #tpu.memory_space<vmem>>, vector<16xf32>,
        %add3A_1019 = arith.addf %get3A_1011, %get3A_1018 : vector<16xf32>
        %swap3A_1020 = arith.constant 0 : i32
        %swap3A_1021 = arith.constant 0 : i32
        %swap3A_1022 = tpu.memref_slice %arg9[%rem3A_136, %swap3A_1020, %swap3A_1021] : memref<4x16x768xf32, #tpu.memory_space<vmem>> -> memref<1x16x768xf32, #tpu.memory_space<vmem>>
        %swap3A_1023 = tpu.memref_squeeze %swap3A_1022 : memref<1x16x768xf32, #tpu.memory_space<vmem>> -> memref<16x768xf32, #tpu.memory_space<vmem>>
        %swap3A_1024 = arith.index_cast %scan3A_575 : i32 to index
        %swap3A_1025 = arith.constant 272 : index
        %swap3A_1026 = tpu.vector_load %swap3A_1023[%swap3A_1024, %swap3A_1025] {strides = array<i32>} : memref<16x768xf32, #tpu.memory_space<vmem>>, vector<16xf32>,
        tpu.vector_store %swap3A_1023[%swap3A_1024, %swap3A_1025], %add3A_1019 {strides = array<i32>} : memref<16x768xf32, #tpu.memory_space<vmem>>, vector<16xf32>,
        %add3A_1027 = arith.addf %add3A_1002, %add3A_1019 : vector<16xf32>
        %mul3A_1028 = arith.mulf %add3A_1019, %add3A_1019 : vector<16xf32>
        %add3A_1029 = arith.addf %add3A_1004, %mul3A_1028 : vector<16xf32>
        %get3A_1030 = arith.constant 0 : i32
        %get3A_1031 = arith.constant 0 : i32
        %get3A_1032 = tpu.memref_slice %arg9[%rem3A_136, %get3A_1030, %get3A_1031] : memref<4x16x768xf32, #tpu.memory_space<vmem>> -> memref<1x16x768xf32, #tpu.memory_space<vmem>>
        %get3A_1033 = tpu.memref_squeeze %get3A_1032 : memref<1x16x768xf32, #tpu.memory_space<vmem>> -> memref<16x768xf32, #tpu.memory_space<vmem>>
        %get3A_1034 = arith.index_cast %scan3A_575 : i32 to index
        %get3A_1035 = arith.constant 288 : index
        %get3A_1036 = tpu.vector_load %get3A_1033[%get3A_1034, %get3A_1035] {strides = array<i32>} : memref<16x768xf32, #tpu.memory_space<vmem>>, vector<16xf32>,
        %get3A_1037 = arith.constant 0 : i32
        %get3A_1038 = arith.constant 0 : i32
        %get3A_1039 = tpu.memref_slice %arg10[%rem3A_160, %get3A_1037, %get3A_1038] : memref<2x16x768xf32, #tpu.memory_space<vmem>> -> memref<1x16x768xf32, #tpu.memory_space<vmem>>
        %get3A_1040 = tpu.memref_squeeze %get3A_1039 : memref<1x16x768xf32, #tpu.memory_space<vmem>> -> memref<16x768xf32, #tpu.memory_space<vmem>>
        %get3A_1041 = arith.index_cast %scan3A_575 : i32 to index
        %get3A_1042 = arith.constant 288 : index
        %get3A_1043 = tpu.vector_load %get3A_1040[%get3A_1041, %get3A_1042] {strides = array<i32>} : memref<16x768xf32, #tpu.memory_space<vmem>>, vector<16xf32>,
        %add3A_1044 = arith.addf %get3A_1036, %get3A_1043 : vector<16xf32>
        %swap3A_1045 = arith.constant 0 : i32
        %swap3A_1046 = arith.constant 0 : i32
        %swap3A_1047 = tpu.memref_slice %arg9[%rem3A_136, %swap3A_1045, %swap3A_1046] : memref<4x16x768xf32, #tpu.memory_space<vmem>> -> memref<1x16x768xf32, #tpu.memory_space<vmem>>
        %swap3A_1048 = tpu.memref_squeeze %swap3A_1047 : memref<1x16x768xf32, #tpu.memory_space<vmem>> -> memref<16x768xf32, #tpu.memory_space<vmem>>
        %swap3A_1049 = arith.index_cast %scan3A_575 : i32 to index
        %swap3A_1050 = arith.constant 288 : index
        %swap3A_1051 = tpu.vector_load %swap3A_1048[%swap3A_1049, %swap3A_1050] {strides = array<i32>} : memref<16x768xf32, #tpu.memory_space<vmem>>, vector<16xf32>,
        tpu.vector_store %swap3A_1048[%swap3A_1049, %swap3A_1050], %add3A_1044 {strides = array<i32>} : memref<16x768xf32, #tpu.memory_space<vmem>>, vector<16xf32>,
        %add3A_1052 = arith.addf %add3A_1027, %add3A_1044 : vector<16xf32>
        %mul3A_1053 = arith.mulf %add3A_1044, %add3A_1044 : vector<16xf32>
        %add3A_1054 = arith.addf %add3A_1029, %mul3A_1053 : vector<16xf32>
        %get3A_1055 = arith.constant 0 : i32
        %get3A_1056 = arith.constant 0 : i32
        %get3A_1057 = tpu.memref_slice %arg9[%rem3A_136, %get3A_1055, %get3A_1056] : memref<4x16x768xf32, #tpu.memory_space<vmem>> -> memref<1x16x768xf32, #tpu.memory_space<vmem>>
        %get3A_1058 = tpu.memref_squeeze %get3A_1057 : memref<1x16x768xf32, #tpu.memory_space<vmem>> -> memref<16x768xf32, #tpu.memory_space<vmem>>
        %get3A_1059 = arith.index_cast %scan3A_575 : i32 to index
        %get3A_1060 = arith.constant 304 : index
        %get3A_1061 = tpu.vector_load %get3A_1058[%get3A_1059, %get3A_1060] {strides = array<i32>} : memref<16x768xf32, #tpu.memory_space<vmem>>, vector<16xf32>,
        %get3A_1062 = arith.constant 0 : i32
        %get3A_1063 = arith.constant 0 : i32
        %get3A_1064 = tpu.memref_slice %arg10[%rem3A_160, %get3A_1062, %get3A_1063] : memref<2x16x768xf32, #tpu.memory_space<vmem>> -> memref<1x16x768xf32, #tpu.memory_space<vmem>>
        %get3A_1065 = tpu.memref_squeeze %get3A_1064 : memref<1x16x768xf32, #tpu.memory_space<vmem>> -> memref<16x768xf32, #tpu.memory_space<vmem>>
        %get3A_1066 = arith.index_cast %scan3A_575 : i32 to index
        %get3A_1067 = arith.constant 304 : index
        %get3A_1068 = tpu.vector_load %get3A_1065[%get3A_1066, %get3A_1067] {strides = array<i32>} : memref<16x768xf32, #tpu.memory_space<vmem>>, vector<16xf32>,
        %add3A_1069 = arith.addf %get3A_1061, %get3A_1068 : vector<16xf32>
        %swap3A_1070 = arith.constant 0 : i32
        %swap3A_1071 = arith.constant 0 : i32
        %swap3A_1072 = tpu.memref_slice %arg9[%rem3A_136, %swap3A_1070, %swap3A_1071] : memref<4x16x768xf32, #tpu.memory_space<vmem>> -> memref<1x16x768xf32, #tpu.memory_space<vmem>>
        %swap3A_1073 = tpu.memref_squeeze %swap3A_1072 : memref<1x16x768xf32, #tpu.memory_space<vmem>> -> memref<16x768xf32, #tpu.memory_space<vmem>>
        %swap3A_1074 = arith.index_cast %scan3A_575 : i32 to index
        %swap3A_1075 = arith.constant 304 : index
        %swap3A_1076 = tpu.vector_load %swap3A_1073[%swap3A_1074, %swap3A_1075] {strides = array<i32>} : memref<16x768xf32, #tpu.memory_space<vmem>>, vector<16xf32>,
        tpu.vector_store %swap3A_1073[%swap3A_1074, %swap3A_1075], %add3A_1069 {strides = array<i32>} : memref<16x768xf32, #tpu.memory_space<vmem>>, vector<16xf32>,
        %add3A_1077 = arith.addf %add3A_1052, %add3A_1069 : vector<16xf32>
        %mul3A_1078 = arith.mulf %add3A_1069, %add3A_1069 : vector<16xf32>
        %add3A_1079 = arith.addf %add3A_1054, %mul3A_1078 : vector<16xf32>
        %get3A_1080 = arith.constant 0 : i32
        %get3A_1081 = arith.constant 0 : i32
        %get3A_1082 = tpu.memref_slice %arg9[%rem3A_136, %get3A_1080, %get3A_1081] : memref<4x16x768xf32, #tpu.memory_space<vmem>> -> memref<1x16x768xf32, #tpu.memory_space<vmem>>
        %get3A_1083 = tpu.memref_squeeze %get3A_1082 : memref<1x16x768xf32, #tpu.memory_space<vmem>> -> memref<16x768xf32, #tpu.memory_space<vmem>>
        %get3A_1084 = arith.index_cast %scan3A_575 : i32 to index
        %get3A_1085 = arith.constant 320 : index
        %get3A_1086 = tpu.vector_load %get3A_1083[%get3A_1084, %get3A_1085] {strides = array<i32>} : memref<16x768xf32, #tpu.memory_space<vmem>>, vector<16xf32>,
        %get3A_1087 = arith.constant 0 : i32
        %get3A_1088 = arith.constant 0 : i32
        %get3A_1089 = tpu.memref_slice %arg10[%rem3A_160, %get3A_1087, %get3A_1088] : memref<2x16x768xf32, #tpu.memory_space<vmem>> -> memref<1x16x768xf32, #tpu.memory_space<vmem>>
        %get3A_1090 = tpu.memref_squeeze %get3A_1089 : memref<1x16x768xf32, #tpu.memory_space<vmem>> -> memref<16x768xf32, #tpu.memory_space<vmem>>
        %get3A_1091 = arith.index_cast %scan3A_575 : i32 to index
        %get3A_1092 = arith.constant 320 : index
        %get3A_1093 = tpu.vector_load %get3A_1090[%get3A_1091, %get3A_1092] {strides = array<i32>} : memref<16x768xf32, #tpu.memory_space<vmem>>, vector<16xf32>,
        %add3A_1094 = arith.addf %get3A_1086, %get3A_1093 : vector<16xf32>
        %swap3A_1095 = arith.constant 0 : i32
        %swap3A_1096 = arith.constant 0 : i32
        %swap3A_1097 = tpu.memref_slice %arg9[%rem3A_136, %swap3A_1095, %swap3A_1096] : memref<4x16x768xf32, #tpu.memory_space<vmem>> -> memref<1x16x768xf32, #tpu.memory_space<vmem>>
        %swap3A_1098 = tpu.memref_squeeze %swap3A_1097 : memref<1x16x768xf32, #tpu.memory_space<vmem>> -> memref<16x768xf32, #tpu.memory_space<vmem>>
        %swap3A_1099 = arith.index_cast %scan3A_575 : i32 to index
        %swap3A_1100 = arith.constant 320 : index
        %swap3A_1101 = tpu.vector_load %swap3A_1098[%swap3A_1099, %swap3A_1100] {strides = array<i32>} : memref<16x768xf32, #tpu.memory_space<vmem>>, vector<16xf32>,
        tpu.vector_store %swap3A_1098[%swap3A_1099, %swap3A_1100], %add3A_1094 {strides = array<i32>} : memref<16x768xf32, #tpu.memory_space<vmem>>, vector<16xf32>,
        %add3A_1102 = arith.addf %add3A_1077, %add3A_1094 : vector<16xf32>
        %mul3A_1103 = arith.mulf %add3A_1094, %add3A_1094 : vector<16xf32>
        %add3A_1104 = arith.addf %add3A_1079, %mul3A_1103 : vector<16xf32>
        %get3A_1105 = arith.constant 0 : i32
        %get3A_1106 = arith.constant 0 : i32
        %get3A_1107 = tpu.memref_slice %arg9[%rem3A_136, %get3A_1105, %get3A_1106] : memref<4x16x768xf32, #tpu.memory_space<vmem>> -> memref<1x16x768xf32, #tpu.memory_space<vmem>>
        %get3A_1108 = tpu.memref_squeeze %get3A_1107 : memref<1x16x768xf32, #tpu.memory_space<vmem>> -> memref<16x768xf32, #tpu.memory_space<vmem>>
        %get3A_1109 = arith.index_cast %scan3A_575 : i32 to index
        %get3A_1110 = arith.constant 336 : index
        %get3A_1111 = tpu.vector_load %get3A_1108[%get3A_1109, %get3A_1110] {strides = array<i32>} : memref<16x768xf32, #tpu.memory_space<vmem>>, vector<16xf32>,
        %get3A_1112 = arith.constant 0 : i32
        %get3A_1113 = arith.constant 0 : i32
        %get3A_1114 = tpu.memref_slice %arg10[%rem3A_160, %get3A_1112, %get3A_1113] : memref<2x16x768xf32, #tpu.memory_space<vmem>> -> memref<1x16x768xf32, #tpu.memory_space<vmem>>
        %get3A_1115 = tpu.memref_squeeze %get3A_1114 : memref<1x16x768xf32, #tpu.memory_space<vmem>> -> memref<16x768xf32, #tpu.memory_space<vmem>>
        %get3A_1116 = arith.index_cast %scan3A_575 : i32 to index
        %get3A_1117 = arith.constant 336 : index
        %get3A_1118 = tpu.vector_load %get3A_1115[%get3A_1116, %get3A_1117] {strides = array<i32>} : memref<16x768xf32, #tpu.memory_space<vmem>>, vector<16xf32>,
        %add3A_1119 = arith.addf %get3A_1111, %get3A_1118 : vector<16xf32>
        %swap3A_1120 = arith.constant 0 : i32
        %swap3A_1121 = arith.constant 0 : i32
        %swap3A_1122 = tpu.memref_slice %arg9[%rem3A_136, %swap3A_1120, %swap3A_1121] : memref<4x16x768xf32, #tpu.memory_space<vmem>> -> memref<1x16x768xf32, #tpu.memory_space<vmem>>
        %swap3A_1123 = tpu.memref_squeeze %swap3A_1122 : memref<1x16x768xf32, #tpu.memory_space<vmem>> -> memref<16x768xf32, #tpu.memory_space<vmem>>
        %swap3A_1124 = arith.index_cast %scan3A_575 : i32 to index
        %swap3A_1125 = arith.constant 336 : index
        %swap3A_1126 = tpu.vector_load %swap3A_1123[%swap3A_1124, %swap3A_1125] {strides = array<i32>} : memref<16x768xf32, #tpu.memory_space<vmem>>, vector<16xf32>,
        tpu.vector_store %swap3A_1123[%swap3A_1124, %swap3A_1125], %add3A_1119 {strides = array<i32>} : memref<16x768xf32, #tpu.memory_space<vmem>>, vector<16xf32>,
        %add3A_1127 = arith.addf %add3A_1102, %add3A_1119 : vector<16xf32>
        %mul3A_1128 = arith.mulf %add3A_1119, %add3A_1119 : vector<16xf32>
        %add3A_1129 = arith.addf %add3A_1104, %mul3A_1128 : vector<16xf32>
        %get3A_1130 = arith.constant 0 : i32
        %get3A_1131 = arith.constant 0 : i32
        %get3A_1132 = tpu.memref_slice %arg9[%rem3A_136, %get3A_1130, %get3A_1131] : memref<4x16x768xf32, #tpu.memory_space<vmem>> -> memref<1x16x768xf32, #tpu.memory_space<vmem>>
        %get3A_1133 = tpu.memref_squeeze %get3A_1132 : memref<1x16x768xf32, #tpu.memory_space<vmem>> -> memref<16x768xf32, #tpu.memory_space<vmem>>
        %get3A_1134 = arith.index_cast %scan3A_575 : i32 to index
        %get3A_1135 = arith.constant 352 : index
        %get3A_1136 = tpu.vector_load %get3A_1133[%get3A_1134, %get3A_1135] {strides = array<i32>} : memref<16x768xf32, #tpu.memory_space<vmem>>, vector<16xf32>,
        %get3A_1137 = arith.constant 0 : i32
        %get3A_1138 = arith.constant 0 : i32
        %get3A_1139 = tpu.memref_slice %arg10[%rem3A_160, %get3A_1137, %get3A_1138] : memref<2x16x768xf32, #tpu.memory_space<vmem>> -> memref<1x16x768xf32, #tpu.memory_space<vmem>>
        %get3A_1140 = tpu.memref_squeeze %get3A_1139 : memref<1x16x768xf32, #tpu.memory_space<vmem>> -> memref<16x768xf32, #tpu.memory_space<vmem>>
        %get3A_1141 = arith.index_cast %scan3A_575 : i32 to index
        %get3A_1142 = arith.constant 352 : index
        %get3A_1143 = tpu.vector_load %get3A_1140[%get3A_1141, %get3A_1142] {strides = array<i32>} : memref<16x768xf32, #tpu.memory_space<vmem>>, vector<16xf32>,
        %add3A_1144 = arith.addf %get3A_1136, %get3A_1143 : vector<16xf32>
        %swap3A_1145 = arith.constant 0 : i32
        %swap3A_1146 = arith.constant 0 : i32
        %swap3A_1147 = tpu.memref_slice %arg9[%rem3A_136, %swap3A_1145, %swap3A_1146] : memref<4x16x768xf32, #tpu.memory_space<vmem>> -> memref<1x16x768xf32, #tpu.memory_space<vmem>>
        %swap3A_1148 = tpu.memref_squeeze %swap3A_1147 : memref<1x16x768xf32, #tpu.memory_space<vmem>> -> memref<16x768xf32, #tpu.memory_space<vmem>>
        %swap3A_1149 = arith.index_cast %scan3A_575 : i32 to index
        %swap3A_1150 = arith.constant 352 : index
        %swap3A_1151 = tpu.vector_load %swap3A_1148[%swap3A_1149, %swap3A_1150] {strides = array<i32>} : memref<16x768xf32, #tpu.memory_space<vmem>>, vector<16xf32>,
        tpu.vector_store %swap3A_1148[%swap3A_1149, %swap3A_1150], %add3A_1144 {strides = array<i32>} : memref<16x768xf32, #tpu.memory_space<vmem>>, vector<16xf32>,
        %add3A_1152 = arith.addf %add3A_1127, %add3A_1144 : vector<16xf32>
        %mul3A_1153 = arith.mulf %add3A_1144, %add3A_1144 : vector<16xf32>
        %add3A_1154 = arith.addf %add3A_1129, %mul3A_1153 : vector<16xf32>
        %get3A_1155 = arith.constant 0 : i32
        %get3A_1156 = arith.constant 0 : i32
        %get3A_1157 = tpu.memref_slice %arg9[%rem3A_136, %get3A_1155, %get3A_1156] : memref<4x16x768xf32, #tpu.memory_space<vmem>> -> memref<1x16x768xf32, #tpu.memory_space<vmem>>
        %get3A_1158 = tpu.memref_squeeze %get3A_1157 : memref<1x16x768xf32, #tpu.memory_space<vmem>> -> memref<16x768xf32, #tpu.memory_space<vmem>>
        %get3A_1159 = arith.index_cast %scan3A_575 : i32 to index
        %get3A_1160 = arith.constant 368 : index
        %get3A_1161 = tpu.vector_load %get3A_1158[%get3A_1159, %get3A_1160] {strides = array<i32>} : memref<16x768xf32, #tpu.memory_space<vmem>>, vector<16xf32>,
        %get3A_1162 = arith.constant 0 : i32
        %get3A_1163 = arith.constant 0 : i32
        %get3A_1164 = tpu.memref_slice %arg10[%rem3A_160, %get3A_1162, %get3A_1163] : memref<2x16x768xf32, #tpu.memory_space<vmem>> -> memref<1x16x768xf32, #tpu.memory_space<vmem>>
        %get3A_1165 = tpu.memref_squeeze %get3A_1164 : memref<1x16x768xf32, #tpu.memory_space<vmem>> -> memref<16x768xf32, #tpu.memory_space<vmem>>
        %get3A_1166 = arith.index_cast %scan3A_575 : i32 to index
        %get3A_1167 = arith.constant 368 : index
        %get3A_1168 = tpu.vector_load %get3A_1165[%get3A_1166, %get3A_1167] {strides = array<i32>} : memref<16x768xf32, #tpu.memory_space<vmem>>, vector<16xf32>,
        %add3A_1169 = arith.addf %get3A_1161, %get3A_1168 : vector<16xf32>
        %swap3A_1170 = arith.constant 0 : i32
        %swap3A_1171 = arith.constant 0 : i32
        %swap3A_1172 = tpu.memref_slice %arg9[%rem3A_136, %swap3A_1170, %swap3A_1171] : memref<4x16x768xf32, #tpu.memory_space<vmem>> -> memref<1x16x768xf32, #tpu.memory_space<vmem>>
        %swap3A_1173 = tpu.memref_squeeze %swap3A_1172 : memref<1x16x768xf32, #tpu.memory_space<vmem>> -> memref<16x768xf32, #tpu.memory_space<vmem>>
        %swap3A_1174 = arith.index_cast %scan3A_575 : i32 to index
        %swap3A_1175 = arith.constant 368 : index
        %swap3A_1176 = tpu.vector_load %swap3A_1173[%swap3A_1174, %swap3A_1175] {strides = array<i32>} : memref<16x768xf32, #tpu.memory_space<vmem>>, vector<16xf32>,
        tpu.vector_store %swap3A_1173[%swap3A_1174, %swap3A_1175], %add3A_1169 {strides = array<i32>} : memref<16x768xf32, #tpu.memory_space<vmem>>, vector<16xf32>,
        %add3A_1177 = arith.addf %add3A_1152, %add3A_1169 : vector<16xf32>
        %mul3A_1178 = arith.mulf %add3A_1169, %add3A_1169 : vector<16xf32>
        %add3A_1179 = arith.addf %add3A_1154, %mul3A_1178 : vector<16xf32>
        %get3A_1180 = arith.constant 0 : i32
        %get3A_1181 = arith.constant 0 : i32
        %get3A_1182 = tpu.memref_slice %arg9[%rem3A_136, %get3A_1180, %get3A_1181] : memref<4x16x768xf32, #tpu.memory_space<vmem>> -> memref<1x16x768xf32, #tpu.memory_space<vmem>>
        %get3A_1183 = tpu.memref_squeeze %get3A_1182 : memref<1x16x768xf32, #tpu.memory_space<vmem>> -> memref<16x768xf32, #tpu.memory_space<vmem>>
        %get3A_1184 = arith.index_cast %scan3A_575 : i32 to index
        %get3A_1185 = arith.constant 384 : index
        %get3A_1186 = tpu.vector_load %get3A_1183[%get3A_1184, %get3A_1185] {strides = array<i32>} : memref<16x768xf32, #tpu.memory_space<vmem>>, vector<16xf32>,
        %get3A_1187 = arith.constant 0 : i32
        %get3A_1188 = arith.constant 0 : i32
        %get3A_1189 = tpu.memref_slice %arg10[%rem3A_160, %get3A_1187, %get3A_1188] : memref<2x16x768xf32, #tpu.memory_space<vmem>> -> memref<1x16x768xf32, #tpu.memory_space<vmem>>
        %get3A_1190 = tpu.memref_squeeze %get3A_1189 : memref<1x16x768xf32, #tpu.memory_space<vmem>> -> memref<16x768xf32, #tpu.memory_space<vmem>>
        %get3A_1191 = arith.index_cast %scan3A_575 : i32 to index
        %get3A_1192 = arith.constant 384 : index
        %get3A_1193 = tpu.vector_load %get3A_1190[%get3A_1191, %get3A_1192] {strides = array<i32>} : memref<16x768xf32, #tpu.memory_space<vmem>>, vector<16xf32>,
        %add3A_1194 = arith.addf %get3A_1186, %get3A_1193 : vector<16xf32>
        %swap3A_1195 = arith.constant 0 : i32
        %swap3A_1196 = arith.constant 0 : i32
        %swap3A_1197 = tpu.memref_slice %arg9[%rem3A_136, %swap3A_1195, %swap3A_1196] : memref<4x16x768xf32, #tpu.memory_space<vmem>> -> memref<1x16x768xf32, #tpu.memory_space<vmem>>
        %swap3A_1198 = tpu.memref_squeeze %swap3A_1197 : memref<1x16x768xf32, #tpu.memory_space<vmem>> -> memref<16x768xf32, #tpu.memory_space<vmem>>
        %swap3A_1199 = arith.index_cast %scan3A_575 : i32 to index
        %swap3A_1200 = arith.constant 384 : index
        %swap3A_1201 = tpu.vector_load %swap3A_1198[%swap3A_1199, %swap3A_1200] {strides = array<i32>} : memref<16x768xf32, #tpu.memory_space<vmem>>, vector<16xf32>,
        tpu.vector_store %swap3A_1198[%swap3A_1199, %swap3A_1200], %add3A_1194 {strides = array<i32>} : memref<16x768xf32, #tpu.memory_space<vmem>>, vector<16xf32>,
        %add3A_1202 = arith.addf %add3A_1177, %add3A_1194 : vector<16xf32>
        %mul3A_1203 = arith.mulf %add3A_1194, %add3A_1194 : vector<16xf32>
        %add3A_1204 = arith.addf %add3A_1179, %mul3A_1203 : vector<16xf32>
        %get3A_1205 = arith.constant 0 : i32
        %get3A_1206 = arith.constant 0 : i32
        %get3A_1207 = tpu.memref_slice %arg9[%rem3A_136, %get3A_1205, %get3A_1206] : memref<4x16x768xf32, #tpu.memory_space<vmem>> -> memref<1x16x768xf32, #tpu.memory_space<vmem>>
        %get3A_1208 = tpu.memref_squeeze %get3A_1207 : memref<1x16x768xf32, #tpu.memory_space<vmem>> -> memref<16x768xf32, #tpu.memory_space<vmem>>
        %get3A_1209 = arith.index_cast %scan3A_575 : i32 to index
        %get3A_1210 = arith.constant 400 : index
        %get3A_1211 = tpu.vector_load %get3A_1208[%get3A_1209, %get3A_1210] {strides = array<i32>} : memref<16x768xf32, #tpu.memory_space<vmem>>, vector<16xf32>,
        %get3A_1212 = arith.constant 0 : i32
        %get3A_1213 = arith.constant 0 : i32
        %get3A_1214 = tpu.memref_slice %arg10[%rem3A_160, %get3A_1212, %get3A_1213] : memref<2x16x768xf32, #tpu.memory_space<vmem>> -> memref<1x16x768xf32, #tpu.memory_space<vmem>>
        %get3A_1215 = tpu.memref_squeeze %get3A_1214 : memref<1x16x768xf32, #tpu.memory_space<vmem>> -> memref<16x768xf32, #tpu.memory_space<vmem>>
        %get3A_1216 = arith.index_cast %scan3A_575 : i32 to index
        %get3A_1217 = arith.constant 400 : index
        %get3A_1218 = tpu.vector_load %get3A_1215[%get3A_1216, %get3A_1217] {strides = array<i32>} : memref<16x768xf32, #tpu.memory_space<vmem>>, vector<16xf32>,
        %add3A_1219 = arith.addf %get3A_1211, %get3A_1218 : vector<16xf32>
        %swap3A_1220 = arith.constant 0 : i32
        %swap3A_1221 = arith.constant 0 : i32
        %swap3A_1222 = tpu.memref_slice %arg9[%rem3A_136, %swap3A_1220, %swap3A_1221] : memref<4x16x768xf32, #tpu.memory_space<vmem>> -> memref<1x16x768xf32, #tpu.memory_space<vmem>>
        %swap3A_1223 = tpu.memref_squeeze %swap3A_1222 : memref<1x16x768xf32, #tpu.memory_space<vmem>> -> memref<16x768xf32, #tpu.memory_space<vmem>>
        %swap3A_1224 = arith.index_cast %scan3A_575 : i32 to index
        %swap3A_1225 = arith.constant 400 : index
        %swap3A_1226 = tpu.vector_load %swap3A_1223[%swap3A_1224, %swap3A_1225] {strides = array<i32>} : memref<16x768xf32, #tpu.memory_space<vmem>>, vector<16xf32>,
        tpu.vector_store %swap3A_1223[%swap3A_1224, %swap3A_1225], %add3A_1219 {strides = array<i32>} : memref<16x768xf32, #tpu.memory_space<vmem>>, vector<16xf32>,
        %add3A_1227 = arith.addf %add3A_1202, %add3A_1219 : vector<16xf32>
        %mul3A_1228 = arith.mulf %add3A_1219, %add3A_1219 : vector<16xf32>
        %add3A_1229 = arith.addf %add3A_1204, %mul3A_1228 : vector<16xf32>
        %get3A_1230 = arith.constant 0 : i32
        %get3A_1231 = arith.constant 0 : i32
        %get3A_1232 = tpu.memref_slice %arg9[%rem3A_136, %get3A_1230, %get3A_1231] : memref<4x16x768xf32, #tpu.memory_space<vmem>> -> memref<1x16x768xf32, #tpu.memory_space<vmem>>
        %get3A_1233 = tpu.memref_squeeze %get3A_1232 : memref<1x16x768xf32, #tpu.memory_space<vmem>> -> memref<16x768xf32, #tpu.memory_space<vmem>>
        %get3A_1234 = arith.index_cast %scan3A_575 : i32 to index
        %get3A_1235 = arith.constant 416 : index
        %get3A_1236 = tpu.vector_load %get3A_1233[%get3A_1234, %get3A_1235] {strides = array<i32>} : memref<16x768xf32, #tpu.memory_space<vmem>>, vector<16xf32>,
        %get3A_1237 = arith.constant 0 : i32
        %get3A_1238 = arith.constant 0 : i32
        %get3A_1239 = tpu.memref_slice %arg10[%rem3A_160, %get3A_1237, %get3A_1238] : memref<2x16x768xf32, #tpu.memory_space<vmem>> -> memref<1x16x768xf32, #tpu.memory_space<vmem>>
        %get3A_1240 = tpu.memref_squeeze %get3A_1239 : memref<1x16x768xf32, #tpu.memory_space<vmem>> -> memref<16x768xf32, #tpu.memory_space<vmem>>
        %get3A_1241 = arith.index_cast %scan3A_575 : i32 to index
        %get3A_1242 = arith.constant 416 : index
        %get3A_1243 = tpu.vector_load %get3A_1240[%get3A_1241, %get3A_1242] {strides = array<i32>} : memref<16x768xf32, #tpu.memory_space<vmem>>, vector<16xf32>,
        %add3A_1244 = arith.addf %get3A_1236, %get3A_1243 : vector<16xf32>
        %swap3A_1245 = arith.constant 0 : i32
        %swap3A_1246 = arith.constant 0 : i32
        %swap3A_1247 = tpu.memref_slice %arg9[%rem3A_136, %swap3A_1245, %swap3A_1246] : memref<4x16x768xf32, #tpu.memory_space<vmem>> -> memref<1x16x768xf32, #tpu.memory_space<vmem>>
        %swap3A_1248 = tpu.memref_squeeze %swap3A_1247 : memref<1x16x768xf32, #tpu.memory_space<vmem>> -> memref<16x768xf32, #tpu.memory_space<vmem>>
        %swap3A_1249 = arith.index_cast %scan3A_575 : i32 to index
        %swap3A_1250 = arith.constant 416 : index
        %swap3A_1251 = tpu.vector_load %swap3A_1248[%swap3A_1249, %swap3A_1250] {strides = array<i32>} : memref<16x768xf32, #tpu.memory_space<vmem>>, vector<16xf32>,
        tpu.vector_store %swap3A_1248[%swap3A_1249, %swap3A_1250], %add3A_1244 {strides = array<i32>} : memref<16x768xf32, #tpu.memory_space<vmem>>, vector<16xf32>,
        %add3A_1252 = arith.addf %add3A_1227, %add3A_1244 : vector<16xf32>
        %mul3A_1253 = arith.mulf %add3A_1244, %add3A_1244 : vector<16xf32>
        %add3A_1254 = arith.addf %add3A_1229, %mul3A_1253 : vector<16xf32>
        %get3A_1255 = arith.constant 0 : i32
        %get3A_1256 = arith.constant 0 : i32
        %get3A_1257 = tpu.memref_slice %arg9[%rem3A_136, %get3A_1255, %get3A_1256] : memref<4x16x768xf32, #tpu.memory_space<vmem>> -> memref<1x16x768xf32, #tpu.memory_space<vmem>>
        %get3A_1258 = tpu.memref_squeeze %get3A_1257 : memref<1x16x768xf32, #tpu.memory_space<vmem>> -> memref<16x768xf32, #tpu.memory_space<vmem>>
        %get3A_1259 = arith.index_cast %scan3A_575 : i32 to index
        %get3A_1260 = arith.constant 432 : index
        %get3A_1261 = tpu.vector_load %get3A_1258[%get3A_1259, %get3A_1260] {strides = array<i32>} : memref<16x768xf32, #tpu.memory_space<vmem>>, vector<16xf32>,
        %get3A_1262 = arith.constant 0 : i32
        %get3A_1263 = arith.constant 0 : i32
        %get3A_1264 = tpu.memref_slice %arg10[%rem3A_160, %get3A_1262, %get3A_1263] : memref<2x16x768xf32, #tpu.memory_space<vmem>> -> memref<1x16x768xf32, #tpu.memory_space<vmem>>
        %get3A_1265 = tpu.memref_squeeze %get3A_1264 : memref<1x16x768xf32, #tpu.memory_space<vmem>> -> memref<16x768xf32, #tpu.memory_space<vmem>>
        %get3A_1266 = arith.index_cast %scan3A_575 : i32 to index
        %get3A_1267 = arith.constant 432 : index
        %get3A_1268 = tpu.vector_load %get3A_1265[%get3A_1266, %get3A_1267] {strides = array<i32>} : memref<16x768xf32, #tpu.memory_space<vmem>>, vector<16xf32>,
        %add3A_1269 = arith.addf %get3A_1261, %get3A_1268 : vector<16xf32>
        %swap3A_1270 = arith.constant 0 : i32
        %swap3A_1271 = arith.constant 0 : i32
        %swap3A_1272 = tpu.memref_slice %arg9[%rem3A_136, %swap3A_1270, %swap3A_1271] : memref<4x16x768xf32, #tpu.memory_space<vmem>> -> memref<1x16x768xf32, #tpu.memory_space<vmem>>
        %swap3A_1273 = tpu.memref_squeeze %swap3A_1272 : memref<1x16x768xf32, #tpu.memory_space<vmem>> -> memref<16x768xf32, #tpu.memory_space<vmem>>
        %swap3A_1274 = arith.index_cast %scan3A_575 : i32 to index
        %swap3A_1275 = arith.constant 432 : index
        %swap3A_1276 = tpu.vector_load %swap3A_1273[%swap3A_1274, %swap3A_1275] {strides = array<i32>} : memref<16x768xf32, #tpu.memory_space<vmem>>, vector<16xf32>,
        tpu.vector_store %swap3A_1273[%swap3A_1274, %swap3A_1275], %add3A_1269 {strides = array<i32>} : memref<16x768xf32, #tpu.memory_space<vmem>>, vector<16xf32>,
        %add3A_1277 = arith.addf %add3A_1252, %add3A_1269 : vector<16xf32>
        %mul3A_1278 = arith.mulf %add3A_1269, %add3A_1269 : vector<16xf32>
        %add3A_1279 = arith.addf %add3A_1254, %mul3A_1278 : vector<16xf32>
        %get3A_1280 = arith.constant 0 : i32
        %get3A_1281 = arith.constant 0 : i32
        %get3A_1282 = tpu.memref_slice %arg9[%rem3A_136, %get3A_1280, %get3A_1281] : memref<4x16x768xf32, #tpu.memory_space<vmem>> -> memref<1x16x768xf32, #tpu.memory_space<vmem>>
        %get3A_1283 = tpu.memref_squeeze %get3A_1282 : memref<1x16x768xf32, #tpu.memory_space<vmem>> -> memref<16x768xf32, #tpu.memory_space<vmem>>
        %get3A_1284 = arith.index_cast %scan3A_575 : i32 to index
        %get3A_1285 = arith.constant 448 : index
        %get3A_1286 = tpu.vector_load %get3A_1283[%get3A_1284, %get3A_1285] {strides = array<i32>} : memref<16x768xf32, #tpu.memory_space<vmem>>, vector<16xf32>,
        %get3A_1287 = arith.constant 0 : i32
        %get3A_1288 = arith.constant 0 : i32
        %get3A_1289 = tpu.memref_slice %arg10[%rem3A_160, %get3A_1287, %get3A_1288] : memref<2x16x768xf32, #tpu.memory_space<vmem>> -> memref<1x16x768xf32, #tpu.memory_space<vmem>>
        %get3A_1290 = tpu.memref_squeeze %get3A_1289 : memref<1x16x768xf32, #tpu.memory_space<vmem>> -> memref<16x768xf32, #tpu.memory_space<vmem>>
        %get3A_1291 = arith.index_cast %scan3A_575 : i32 to index
        %get3A_1292 = arith.constant 448 : index
        %get3A_1293 = tpu.vector_load %get3A_1290[%get3A_1291, %get3A_1292] {strides = array<i32>} : memref<16x768xf32, #tpu.memory_space<vmem>>, vector<16xf32>,
        %add3A_1294 = arith.addf %get3A_1286, %get3A_1293 : vector<16xf32>
        %swap3A_1295 = arith.constant 0 : i32
        %swap3A_1296 = arith.constant 0 : i32
        %swap3A_1297 = tpu.memref_slice %arg9[%rem3A_136, %swap3A_1295, %swap3A_1296] : memref<4x16x768xf32, #tpu.memory_space<vmem>> -> memref<1x16x768xf32, #tpu.memory_space<vmem>>
        %swap3A_1298 = tpu.memref_squeeze %swap3A_1297 : memref<1x16x768xf32, #tpu.memory_space<vmem>> -> memref<16x768xf32, #tpu.memory_space<vmem>>
        %swap3A_1299 = arith.index_cast %scan3A_575 : i32 to index
        %swap3A_1300 = arith.constant 448 : index
        %swap3A_1301 = tpu.vector_load %swap3A_1298[%swap3A_1299, %swap3A_1300] {strides = array<i32>} : memref<16x768xf32, #tpu.memory_space<vmem>>, vector<16xf32>,
        tpu.vector_store %swap3A_1298[%swap3A_1299, %swap3A_1300], %add3A_1294 {strides = array<i32>} : memref<16x768xf32, #tpu.memory_space<vmem>>, vector<16xf32>,
        %add3A_1302 = arith.addf %add3A_1277, %add3A_1294 : vector<16xf32>
        %mul3A_1303 = arith.mulf %add3A_1294, %add3A_1294 : vector<16xf32>
        %add3A_1304 = arith.addf %add3A_1279, %mul3A_1303 : vector<16xf32>
        %get3A_1305 = arith.constant 0 : i32
        %get3A_1306 = arith.constant 0 : i32
        %get3A_1307 = tpu.memref_slice %arg9[%rem3A_136, %get3A_1305, %get3A_1306] : memref<4x16x768xf32, #tpu.memory_space<vmem>> -> memref<1x16x768xf32, #tpu.memory_space<vmem>>
        %get3A_1308 = tpu.memref_squeeze %get3A_1307 : memref<1x16x768xf32, #tpu.memory_space<vmem>> -> memref<16x768xf32, #tpu.memory_space<vmem>>
        %get3A_1309 = arith.index_cast %scan3A_575 : i32 to index
        %get3A_1310 = arith.constant 464 : index
        %get3A_1311 = tpu.vector_load %get3A_1308[%get3A_1309, %get3A_1310] {strides = array<i32>} : memref<16x768xf32, #tpu.memory_space<vmem>>, vector<16xf32>,
        %get3A_1312 = arith.constant 0 : i32
        %get3A_1313 = arith.constant 0 : i32
        %get3A_1314 = tpu.memref_slice %arg10[%rem3A_160, %get3A_1312, %get3A_1313] : memref<2x16x768xf32, #tpu.memory_space<vmem>> -> memref<1x16x768xf32, #tpu.memory_space<vmem>>
        %get3A_1315 = tpu.memref_squeeze %get3A_1314 : memref<1x16x768xf32, #tpu.memory_space<vmem>> -> memref<16x768xf32, #tpu.memory_space<vmem>>
        %get3A_1316 = arith.index_cast %scan3A_575 : i32 to index
        %get3A_1317 = arith.constant 464 : index
        %get3A_1318 = tpu.vector_load %get3A_1315[%get3A_1316, %get3A_1317] {strides = array<i32>} : memref<16x768xf32, #tpu.memory_space<vmem>>, vector<16xf32>,
        %add3A_1319 = arith.addf %get3A_1311, %get3A_1318 : vector<16xf32>
        %swap3A_1320 = arith.constant 0 : i32
        %swap3A_1321 = arith.constant 0 : i32
        %swap3A_1322 = tpu.memref_slice %arg9[%rem3A_136, %swap3A_1320, %swap3A_1321] : memref<4x16x768xf32, #tpu.memory_space<vmem>> -> memref<1x16x768xf32, #tpu.memory_space<vmem>>
        %swap3A_1323 = tpu.memref_squeeze %swap3A_1322 : memref<1x16x768xf32, #tpu.memory_space<vmem>> -> memref<16x768xf32, #tpu.memory_space<vmem>>
        %swap3A_1324 = arith.index_cast %scan3A_575 : i32 to index
        %swap3A_1325 = arith.constant 464 : index
        %swap3A_1326 = tpu.vector_load %swap3A_1323[%swap3A_1324, %swap3A_1325] {strides = array<i32>} : memref<16x768xf32, #tpu.memory_space<vmem>>, vector<16xf32>,
        tpu.vector_store %swap3A_1323[%swap3A_1324, %swap3A_1325], %add3A_1319 {strides = array<i32>} : memref<16x768xf32, #tpu.memory_space<vmem>>, vector<16xf32>,
        %add3A_1327 = arith.addf %add3A_1302, %add3A_1319 : vector<16xf32>
        %mul3A_1328 = arith.mulf %add3A_1319, %add3A_1319 : vector<16xf32>
        %add3A_1329 = arith.addf %add3A_1304, %mul3A_1328 : vector<16xf32>
        %get3A_1330 = arith.constant 0 : i32
        %get3A_1331 = arith.constant 0 : i32
        %get3A_1332 = tpu.memref_slice %arg9[%rem3A_136, %get3A_1330, %get3A_1331] : memref<4x16x768xf32, #tpu.memory_space<vmem>> -> memref<1x16x768xf32, #tpu.memory_space<vmem>>
        %get3A_1333 = tpu.memref_squeeze %get3A_1332 : memref<1x16x768xf32, #tpu.memory_space<vmem>> -> memref<16x768xf32, #tpu.memory_space<vmem>>
        %get3A_1334 = arith.index_cast %scan3A_575 : i32 to index
        %get3A_1335 = arith.constant 480 : index
        %get3A_1336 = tpu.vector_load %get3A_1333[%get3A_1334, %get3A_1335] {strides = array<i32>} : memref<16x768xf32, #tpu.memory_space<vmem>>, vector<16xf32>,
        %get3A_1337 = arith.constant 0 : i32
        %get3A_1338 = arith.constant 0 : i32
        %get3A_1339 = tpu.memref_slice %arg10[%rem3A_160, %get3A_1337, %get3A_1338] : memref<2x16x768xf32, #tpu.memory_space<vmem>> -> memref<1x16x768xf32, #tpu.memory_space<vmem>>
        %get3A_1340 = tpu.memref_squeeze %get3A_1339 : memref<1x16x768xf32, #tpu.memory_space<vmem>> -> memref<16x768xf32, #tpu.memory_space<vmem>>
        %get3A_1341 = arith.index_cast %scan3A_575 : i32 to index
        %get3A_1342 = arith.constant 480 : index
        %get3A_1343 = tpu.vector_load %get3A_1340[%get3A_1341, %get3A_1342] {strides = array<i32>} : memref<16x768xf32, #tpu.memory_space<vmem>>, vector<16xf32>,
        %add3A_1344 = arith.addf %get3A_1336, %get3A_1343 : vector<16xf32>
        %swap3A_1345 = arith.constant 0 : i32
        %swap3A_1346 = arith.constant 0 : i32
        %swap3A_1347 = tpu.memref_slice %arg9[%rem3A_136, %swap3A_1345, %swap3A_1346] : memref<4x16x768xf32, #tpu.memory_space<vmem>> -> memref<1x16x768xf32, #tpu.memory_space<vmem>>
        %swap3A_1348 = tpu.memref_squeeze %swap3A_1347 : memref<1x16x768xf32, #tpu.memory_space<vmem>> -> memref<16x768xf32, #tpu.memory_space<vmem>>
        %swap3A_1349 = arith.index_cast %scan3A_575 : i32 to index
        %swap3A_1350 = arith.constant 480 : index
        %swap3A_1351 = tpu.vector_load %swap3A_1348[%swap3A_1349, %swap3A_1350] {strides = array<i32>} : memref<16x768xf32, #tpu.memory_space<vmem>>, vector<16xf32>,
        tpu.vector_store %swap3A_1348[%swap3A_1349, %swap3A_1350], %add3A_1344 {strides = array<i32>} : memref<16x768xf32, #tpu.memory_space<vmem>>, vector<16xf32>,
        %add3A_1352 = arith.addf %add3A_1327, %add3A_1344 : vector<16xf32>
        %mul3A_1353 = arith.mulf %add3A_1344, %add3A_1344 : vector<16xf32>
        %add3A_1354 = arith.addf %add3A_1329, %mul3A_1353 : vector<16xf32>
        %get3A_1355 = arith.constant 0 : i32
        %get3A_1356 = arith.constant 0 : i32
        %get3A_1357 = tpu.memref_slice %arg9[%rem3A_136, %get3A_1355, %get3A_1356] : memref<4x16x768xf32, #tpu.memory_space<vmem>> -> memref<1x16x768xf32, #tpu.memory_space<vmem>>
        %get3A_1358 = tpu.memref_squeeze %get3A_1357 : memref<1x16x768xf32, #tpu.memory_space<vmem>> -> memref<16x768xf32, #tpu.memory_space<vmem>>
        %get3A_1359 = arith.index_cast %scan3A_575 : i32 to index
        %get3A_1360 = arith.constant 496 : index
        %get3A_1361 = tpu.vector_load %get3A_1358[%get3A_1359, %get3A_1360] {strides = array<i32>} : memref<16x768xf32, #tpu.memory_space<vmem>>, vector<16xf32>,
        %get3A_1362 = arith.constant 0 : i32
        %get3A_1363 = arith.constant 0 : i32
        %get3A_1364 = tpu.memref_slice %arg10[%rem3A_160, %get3A_1362, %get3A_1363] : memref<2x16x768xf32, #tpu.memory_space<vmem>> -> memref<1x16x768xf32, #tpu.memory_space<vmem>>
        %get3A_1365 = tpu.memref_squeeze %get3A_1364 : memref<1x16x768xf32, #tpu.memory_space<vmem>> -> memref<16x768xf32, #tpu.memory_space<vmem>>
        %get3A_1366 = arith.index_cast %scan3A_575 : i32 to index
        %get3A_1367 = arith.constant 496 : index
        %get3A_1368 = tpu.vector_load %get3A_1365[%get3A_1366, %get3A_1367] {strides = array<i32>} : memref<16x768xf32, #tpu.memory_space<vmem>>, vector<16xf32>,
        %add3A_1369 = arith.addf %get3A_1361, %get3A_1368 : vector<16xf32>
        %swap3A_1370 = arith.constant 0 : i32
        %swap3A_1371 = arith.constant 0 : i32
        %swap3A_1372 = tpu.memref_slice %arg9[%rem3A_136, %swap3A_1370, %swap3A_1371] : memref<4x16x768xf32, #tpu.memory_space<vmem>> -> memref<1x16x768xf32, #tpu.memory_space<vmem>>
        %swap3A_1373 = tpu.memref_squeeze %swap3A_1372 : memref<1x16x768xf32, #tpu.memory_space<vmem>> -> memref<16x768xf32, #tpu.memory_space<vmem>>
        %swap3A_1374 = arith.index_cast %scan3A_575 : i32 to index
        %swap3A_1375 = arith.constant 496 : index
        %swap3A_1376 = tpu.vector_load %swap3A_1373[%swap3A_1374, %swap3A_1375] {strides = array<i32>} : memref<16x768xf32, #tpu.memory_space<vmem>>, vector<16xf32>,
        tpu.vector_store %swap3A_1373[%swap3A_1374, %swap3A_1375], %add3A_1369 {strides = array<i32>} : memref<16x768xf32, #tpu.memory_space<vmem>>, vector<16xf32>,
        %add3A_1377 = arith.addf %add3A_1352, %add3A_1369 : vector<16xf32>
        %mul3A_1378 = arith.mulf %add3A_1369, %add3A_1369 : vector<16xf32>
        %add3A_1379 = arith.addf %add3A_1354, %mul3A_1378 : vector<16xf32>
        %get3A_1380 = arith.constant 0 : i32
        %get3A_1381 = arith.constant 0 : i32
        %get3A_1382 = tpu.memref_slice %arg9[%rem3A_136, %get3A_1380, %get3A_1381] : memref<4x16x768xf32, #tpu.memory_space<vmem>> -> memref<1x16x768xf32, #tpu.memory_space<vmem>>
        %get3A_1383 = tpu.memref_squeeze %get3A_1382 : memref<1x16x768xf32, #tpu.memory_space<vmem>> -> memref<16x768xf32, #tpu.memory_space<vmem>>
        %get3A_1384 = arith.index_cast %scan3A_575 : i32 to index
        %get3A_1385 = arith.constant 512 : index
        %get3A_1386 = tpu.vector_load %get3A_1383[%get3A_1384, %get3A_1385] {strides = array<i32>} : memref<16x768xf32, #tpu.memory_space<vmem>>, vector<16xf32>,
        %get3A_1387 = arith.constant 0 : i32
        %get3A_1388 = arith.constant 0 : i32
        %get3A_1389 = tpu.memref_slice %arg10[%rem3A_160, %get3A_1387, %get3A_1388] : memref<2x16x768xf32, #tpu.memory_space<vmem>> -> memref<1x16x768xf32, #tpu.memory_space<vmem>>
        %get3A_1390 = tpu.memref_squeeze %get3A_1389 : memref<1x16x768xf32, #tpu.memory_space<vmem>> -> memref<16x768xf32, #tpu.memory_space<vmem>>
        %get3A_1391 = arith.index_cast %scan3A_575 : i32 to index
        %get3A_1392 = arith.constant 512 : index
        %get3A_1393 = tpu.vector_load %get3A_1390[%get3A_1391, %get3A_1392] {strides = array<i32>} : memref<16x768xf32, #tpu.memory_space<vmem>>, vector<16xf32>,
        %add3A_1394 = arith.addf %get3A_1386, %get3A_1393 : vector<16xf32>
        %swap3A_1395 = arith.constant 0 : i32
        %swap3A_1396 = arith.constant 0 : i32
        %swap3A_1397 = tpu.memref_slice %arg9[%rem3A_136, %swap3A_1395, %swap3A_1396] : memref<4x16x768xf32, #tpu.memory_space<vmem>> -> memref<1x16x768xf32, #tpu.memory_space<vmem>>
        %swap3A_1398 = tpu.memref_squeeze %swap3A_1397 : memref<1x16x768xf32, #tpu.memory_space<vmem>> -> memref<16x768xf32, #tpu.memory_space<vmem>>
        %swap3A_1399 = arith.index_cast %scan3A_575 : i32 to index
        %swap3A_1400 = arith.constant 512 : index
        %swap3A_1401 = tpu.vector_load %swap3A_1398[%swap3A_1399, %swap3A_1400] {strides = array<i32>} : memref<16x768xf32, #tpu.memory_space<vmem>>, vector<16xf32>,
        tpu.vector_store %swap3A_1398[%swap3A_1399, %swap3A_1400], %add3A_1394 {strides = array<i32>} : memref<16x768xf32, #tpu.memory_space<vmem>>, vector<16xf32>,
        %add3A_1402 = arith.addf %add3A_1377, %add3A_1394 : vector<16xf32>
        %mul3A_1403 = arith.mulf %add3A_1394, %add3A_1394 : vector<16xf32>
        %add3A_1404 = arith.addf %add3A_1379, %mul3A_1403 : vector<16xf32>
        %get3A_1405 = arith.constant 0 : i32
        %get3A_1406 = arith.constant 0 : i32
        %get3A_1407 = tpu.memref_slice %arg9[%rem3A_136, %get3A_1405, %get3A_1406] : memref<4x16x768xf32, #tpu.memory_space<vmem>> -> memref<1x16x768xf32, #tpu.memory_space<vmem>>
        %get3A_1408 = tpu.memref_squeeze %get3A_1407 : memref<1x16x768xf32, #tpu.memory_space<vmem>> -> memref<16x768xf32, #tpu.memory_space<vmem>>
        %get3A_1409 = arith.index_cast %scan3A_575 : i32 to index
        %get3A_1410 = arith.constant 528 : index
        %get3A_1411 = tpu.vector_load %get3A_1408[%get3A_1409, %get3A_1410] {strides = array<i32>} : memref<16x768xf32, #tpu.memory_space<vmem>>, vector<16xf32>,
        %get3A_1412 = arith.constant 0 : i32
        %get3A_1413 = arith.constant 0 : i32
        %get3A_1414 = tpu.memref_slice %arg10[%rem3A_160, %get3A_1412, %get3A_1413] : memref<2x16x768xf32, #tpu.memory_space<vmem>> -> memref<1x16x768xf32, #tpu.memory_space<vmem>>
        %get3A_1415 = tpu.memref_squeeze %get3A_1414 : memref<1x16x768xf32, #tpu.memory_space<vmem>> -> memref<16x768xf32, #tpu.memory_space<vmem>>
        %get3A_1416 = arith.index_cast %scan3A_575 : i32 to index
        %get3A_1417 = arith.constant 528 : index
        %get3A_1418 = tpu.vector_load %get3A_1415[%get3A_1416, %get3A_1417] {strides = array<i32>} : memref<16x768xf32, #tpu.memory_space<vmem>>, vector<16xf32>,
        %add3A_1419 = arith.addf %get3A_1411, %get3A_1418 : vector<16xf32>
        %swap3A_1420 = arith.constant 0 : i32
        %swap3A_1421 = arith.constant 0 : i32
        %swap3A_1422 = tpu.memref_slice %arg9[%rem3A_136, %swap3A_1420, %swap3A_1421] : memref<4x16x768xf32, #tpu.memory_space<vmem>> -> memref<1x16x768xf32, #tpu.memory_space<vmem>>
        %swap3A_1423 = tpu.memref_squeeze %swap3A_1422 : memref<1x16x768xf32, #tpu.memory_space<vmem>> -> memref<16x768xf32, #tpu.memory_space<vmem>>
        %swap3A_1424 = arith.index_cast %scan3A_575 : i32 to index
        %swap3A_1425 = arith.constant 528 : index
        %swap3A_1426 = tpu.vector_load %swap3A_1423[%swap3A_1424, %swap3A_1425] {strides = array<i32>} : memref<16x768xf32, #tpu.memory_space<vmem>>, vector<16xf32>,
        tpu.vector_store %swap3A_1423[%swap3A_1424, %swap3A_1425], %add3A_1419 {strides = array<i32>} : memref<16x768xf32, #tpu.memory_space<vmem>>, vector<16xf32>,
        %add3A_1427 = arith.addf %add3A_1402, %add3A_1419 : vector<16xf32>
        %mul3A_1428 = arith.mulf %add3A_1419, %add3A_1419 : vector<16xf32>
        %add3A_1429 = arith.addf %add3A_1404, %mul3A_1428 : vector<16xf32>
        %get3A_1430 = arith.constant 0 : i32
        %get3A_1431 = arith.constant 0 : i32
        %get3A_1432 = tpu.memref_slice %arg9[%rem3A_136, %get3A_1430, %get3A_1431] : memref<4x16x768xf32, #tpu.memory_space<vmem>> -> memref<1x16x768xf32, #tpu.memory_space<vmem>>
        %get3A_1433 = tpu.memref_squeeze %get3A_1432 : memref<1x16x768xf32, #tpu.memory_space<vmem>> -> memref<16x768xf32, #tpu.memory_space<vmem>>
        %get3A_1434 = arith.index_cast %scan3A_575 : i32 to index
        %get3A_1435 = arith.constant 544 : index
        %get3A_1436 = tpu.vector_load %get3A_1433[%get3A_1434, %get3A_1435] {strides = array<i32>} : memref<16x768xf32, #tpu.memory_space<vmem>>, vector<16xf32>,
        %get3A_1437 = arith.constant 0 : i32
        %get3A_1438 = arith.constant 0 : i32
        %get3A_1439 = tpu.memref_slice %arg10[%rem3A_160, %get3A_1437, %get3A_1438] : memref<2x16x768xf32, #tpu.memory_space<vmem>> -> memref<1x16x768xf32, #tpu.memory_space<vmem>>
        %get3A_1440 = tpu.memref_squeeze %get3A_1439 : memref<1x16x768xf32, #tpu.memory_space<vmem>> -> memref<16x768xf32, #tpu.memory_space<vmem>>
        %get3A_1441 = arith.index_cast %scan3A_575 : i32 to index
        %get3A_1442 = arith.constant 544 : index
        %get3A_1443 = tpu.vector_load %get3A_1440[%get3A_1441, %get3A_1442] {strides = array<i32>} : memref<16x768xf32, #tpu.memory_space<vmem>>, vector<16xf32>,
        %add3A_1444 = arith.addf %get3A_1436, %get3A_1443 : vector<16xf32>
        %swap3A_1445 = arith.constant 0 : i32
        %swap3A_1446 = arith.constant 0 : i32
        %swap3A_1447 = tpu.memref_slice %arg9[%rem3A_136, %swap3A_1445, %swap3A_1446] : memref<4x16x768xf32, #tpu.memory_space<vmem>> -> memref<1x16x768xf32, #tpu.memory_space<vmem>>
        %swap3A_1448 = tpu.memref_squeeze %swap3A_1447 : memref<1x16x768xf32, #tpu.memory_space<vmem>> -> memref<16x768xf32, #tpu.memory_space<vmem>>
        %swap3A_1449 = arith.index_cast %scan3A_575 : i32 to index
        %swap3A_1450 = arith.constant 544 : index
        %swap3A_1451 = tpu.vector_load %swap3A_1448[%swap3A_1449, %swap3A_1450] {strides = array<i32>} : memref<16x768xf32, #tpu.memory_space<vmem>>, vector<16xf32>,
        tpu.vector_store %swap3A_1448[%swap3A_1449, %swap3A_1450], %add3A_1444 {strides = array<i32>} : memref<16x768xf32, #tpu.memory_space<vmem>>, vector<16xf32>,
        %add3A_1452 = arith.addf %add3A_1427, %add3A_1444 : vector<16xf32>
        %mul3A_1453 = arith.mulf %add3A_1444, %add3A_1444 : vector<16xf32>
        %add3A_1454 = arith.addf %add3A_1429, %mul3A_1453 : vector<16xf32>
        %get3A_1455 = arith.constant 0 : i32
        %get3A_1456 = arith.constant 0 : i32
        %get3A_1457 = tpu.memref_slice %arg9[%rem3A_136, %get3A_1455, %get3A_1456] : memref<4x16x768xf32, #tpu.memory_space<vmem>> -> memref<1x16x768xf32, #tpu.memory_space<vmem>>
        %get3A_1458 = tpu.memref_squeeze %get3A_1457 : memref<1x16x768xf32, #tpu.memory_space<vmem>> -> memref<16x768xf32, #tpu.memory_space<vmem>>
        %get3A_1459 = arith.index_cast %scan3A_575 : i32 to index
        %get3A_1460 = arith.constant 560 : index
        %get3A_1461 = tpu.vector_load %get3A_1458[%get3A_1459, %get3A_1460] {strides = array<i32>} : memref<16x768xf32, #tpu.memory_space<vmem>>, vector<16xf32>,
        %get3A_1462 = arith.constant 0 : i32
        %get3A_1463 = arith.constant 0 : i32
        %get3A_1464 = tpu.memref_slice %arg10[%rem3A_160, %get3A_1462, %get3A_1463] : memref<2x16x768xf32, #tpu.memory_space<vmem>> -> memref<1x16x768xf32, #tpu.memory_space<vmem>>
        %get3A_1465 = tpu.memref_squeeze %get3A_1464 : memref<1x16x768xf32, #tpu.memory_space<vmem>> -> memref<16x768xf32, #tpu.memory_space<vmem>>
        %get3A_1466 = arith.index_cast %scan3A_575 : i32 to index
        %get3A_1467 = arith.constant 560 : index
        %get3A_1468 = tpu.vector_load %get3A_1465[%get3A_1466, %get3A_1467] {strides = array<i32>} : memref<16x768xf32, #tpu.memory_space<vmem>>, vector<16xf32>,
        %add3A_1469 = arith.addf %get3A_1461, %get3A_1468 : vector<16xf32>
        %swap3A_1470 = arith.constant 0 : i32
        %swap3A_1471 = arith.constant 0 : i32
        %swap3A_1472 = tpu.memref_slice %arg9[%rem3A_136, %swap3A_1470, %swap3A_1471] : memref<4x16x768xf32, #tpu.memory_space<vmem>> -> memref<1x16x768xf32, #tpu.memory_space<vmem>>
        %swap3A_1473 = tpu.memref_squeeze %swap3A_1472 : memref<1x16x768xf32, #tpu.memory_space<vmem>> -> memref<16x768xf32, #tpu.memory_space<vmem>>
        %swap3A_1474 = arith.index_cast %scan3A_575 : i32 to index
        %swap3A_1475 = arith.constant 560 : index
        %swap3A_1476 = tpu.vector_load %swap3A_1473[%swap3A_1474, %swap3A_1475] {strides = array<i32>} : memref<16x768xf32, #tpu.memory_space<vmem>>, vector<16xf32>,
        tpu.vector_store %swap3A_1473[%swap3A_1474, %swap3A_1475], %add3A_1469 {strides = array<i32>} : memref<16x768xf32, #tpu.memory_space<vmem>>, vector<16xf32>,
        %add3A_1477 = arith.addf %add3A_1452, %add3A_1469 : vector<16xf32>
        %mul3A_1478 = arith.mulf %add3A_1469, %add3A_1469 : vector<16xf32>
        %add3A_1479 = arith.addf %add3A_1454, %mul3A_1478 : vector<16xf32>
        %get3A_1480 = arith.constant 0 : i32
        %get3A_1481 = arith.constant 0 : i32
        %get3A_1482 = tpu.memref_slice %arg9[%rem3A_136, %get3A_1480, %get3A_1481] : memref<4x16x768xf32, #tpu.memory_space<vmem>> -> memref<1x16x768xf32, #tpu.memory_space<vmem>>
        %get3A_1483 = tpu.memref_squeeze %get3A_1482 : memref<1x16x768xf32, #tpu.memory_space<vmem>> -> memref<16x768xf32, #tpu.memory_space<vmem>>
        %get3A_1484 = arith.index_cast %scan3A_575 : i32 to index
        %get3A_1485 = arith.constant 576 : index
        %get3A_1486 = tpu.vector_load %get3A_1483[%get3A_1484, %get3A_1485] {strides = array<i32>} : memref<16x768xf32, #tpu.memory_space<vmem>>, vector<16xf32>,
        %get3A_1487 = arith.constant 0 : i32
        %get3A_1488 = arith.constant 0 : i32
        %get3A_1489 = tpu.memref_slice %arg10[%rem3A_160, %get3A_1487, %get3A_1488] : memref<2x16x768xf32, #tpu.memory_space<vmem>> -> memref<1x16x768xf32, #tpu.memory_space<vmem>>
        %get3A_1490 = tpu.memref_squeeze %get3A_1489 : memref<1x16x768xf32, #tpu.memory_space<vmem>> -> memref<16x768xf32, #tpu.memory_space<vmem>>
        %get3A_1491 = arith.index_cast %scan3A_575 : i32 to index
        %get3A_1492 = arith.constant 576 : index
        %get3A_1493 = tpu.vector_load %get3A_1490[%get3A_1491, %get3A_1492] {strides = array<i32>} : memref<16x768xf32, #tpu.memory_space<vmem>>, vector<16xf32>,
        %add3A_1494 = arith.addf %get3A_1486, %get3A_1493 : vector<16xf32>
        %swap3A_1495 = arith.constant 0 : i32
        %swap3A_1496 = arith.constant 0 : i32
        %swap3A_1497 = tpu.memref_slice %arg9[%rem3A_136, %swap3A_1495, %swap3A_1496] : memref<4x16x768xf32, #tpu.memory_space<vmem>> -> memref<1x16x768xf32, #tpu.memory_space<vmem>>
        %swap3A_1498 = tpu.memref_squeeze %swap3A_1497 : memref<1x16x768xf32, #tpu.memory_space<vmem>> -> memref<16x768xf32, #tpu.memory_space<vmem>>
        %swap3A_1499 = arith.index_cast %scan3A_575 : i32 to index
        %swap3A_1500 = arith.constant 576 : index
        %swap3A_1501 = tpu.vector_load %swap3A_1498[%swap3A_1499, %swap3A_1500] {strides = array<i32>} : memref<16x768xf32, #tpu.memory_space<vmem>>, vector<16xf32>,
        tpu.vector_store %swap3A_1498[%swap3A_1499, %swap3A_1500], %add3A_1494 {strides = array<i32>} : memref<16x768xf32, #tpu.memory_space<vmem>>, vector<16xf32>,
        %add3A_1502 = arith.addf %add3A_1477, %add3A_1494 : vector<16xf32>
        %mul3A_1503 = arith.mulf %add3A_1494, %add3A_1494 : vector<16xf32>
        %add3A_1504 = arith.addf %add3A_1479, %mul3A_1503 : vector<16xf32>
        %get3A_1505 = arith.constant 0 : i32
        %get3A_1506 = arith.constant 0 : i32
        %get3A_1507 = tpu.memref_slice %arg9[%rem3A_136, %get3A_1505, %get3A_1506] : memref<4x16x768xf32, #tpu.memory_space<vmem>> -> memref<1x16x768xf32, #tpu.memory_space<vmem>>
        %get3A_1508 = tpu.memref_squeeze %get3A_1507 : memref<1x16x768xf32, #tpu.memory_space<vmem>> -> memref<16x768xf32, #tpu.memory_space<vmem>>
        %get3A_1509 = arith.index_cast %scan3A_575 : i32 to index
        %get3A_1510 = arith.constant 592 : index
        %get3A_1511 = tpu.vector_load %get3A_1508[%get3A_1509, %get3A_1510] {strides = array<i32>} : memref<16x768xf32, #tpu.memory_space<vmem>>, vector<16xf32>,
        %get3A_1512 = arith.constant 0 : i32
        %get3A_1513 = arith.constant 0 : i32
        %get3A_1514 = tpu.memref_slice %arg10[%rem3A_160, %get3A_1512, %get3A_1513] : memref<2x16x768xf32, #tpu.memory_space<vmem>> -> memref<1x16x768xf32, #tpu.memory_space<vmem>>
        %get3A_1515 = tpu.memref_squeeze %get3A_1514 : memref<1x16x768xf32, #tpu.memory_space<vmem>> -> memref<16x768xf32, #tpu.memory_space<vmem>>
        %get3A_1516 = arith.index_cast %scan3A_575 : i32 to index
        %get3A_1517 = arith.constant 592 : index
        %get3A_1518 = tpu.vector_load %get3A_1515[%get3A_1516, %get3A_1517] {strides = array<i32>} : memref<16x768xf32, #tpu.memory_space<vmem>>, vector<16xf32>,
        %add3A_1519 = arith.addf %get3A_1511, %get3A_1518 : vector<16xf32>
        %swap3A_1520 = arith.constant 0 : i32
        %swap3A_1521 = arith.constant 0 : i32
        %swap3A_1522 = tpu.memref_slice %arg9[%rem3A_136, %swap3A_1520, %swap3A_1521] : memref<4x16x768xf32, #tpu.memory_space<vmem>> -> memref<1x16x768xf32, #tpu.memory_space<vmem>>
        %swap3A_1523 = tpu.memref_squeeze %swap3A_1522 : memref<1x16x768xf32, #tpu.memory_space<vmem>> -> memref<16x768xf32, #tpu.memory_space<vmem>>
        %swap3A_1524 = arith.index_cast %scan3A_575 : i32 to index
        %swap3A_1525 = arith.constant 592 : index
        %swap3A_1526 = tpu.vector_load %swap3A_1523[%swap3A_1524, %swap3A_1525] {strides = array<i32>} : memref<16x768xf32, #tpu.memory_space<vmem>>, vector<16xf32>,
        tpu.vector_store %swap3A_1523[%swap3A_1524, %swap3A_1525], %add3A_1519 {strides = array<i32>} : memref<16x768xf32, #tpu.memory_space<vmem>>, vector<16xf32>,
        %add3A_1527 = arith.addf %add3A_1502, %add3A_1519 : vector<16xf32>
        %mul3A_1528 = arith.mulf %add3A_1519, %add3A_1519 : vector<16xf32>
        %add3A_1529 = arith.addf %add3A_1504, %mul3A_1528 : vector<16xf32>
        %get3A_1530 = arith.constant 0 : i32
        %get3A_1531 = arith.constant 0 : i32
        %get3A_1532 = tpu.memref_slice %arg9[%rem3A_136, %get3A_1530, %get3A_1531] : memref<4x16x768xf32, #tpu.memory_space<vmem>> -> memref<1x16x768xf32, #tpu.memory_space<vmem>>
        %get3A_1533 = tpu.memref_squeeze %get3A_1532 : memref<1x16x768xf32, #tpu.memory_space<vmem>> -> memref<16x768xf32, #tpu.memory_space<vmem>>
        %get3A_1534 = arith.index_cast %scan3A_575 : i32 to index
        %get3A_1535 = arith.constant 608 : index
        %get3A_1536 = tpu.vector_load %get3A_1533[%get3A_1534, %get3A_1535] {strides = array<i32>} : memref<16x768xf32, #tpu.memory_space<vmem>>, vector<16xf32>,
        %get3A_1537 = arith.constant 0 : i32
        %get3A_1538 = arith.constant 0 : i32
        %get3A_1539 = tpu.memref_slice %arg10[%rem3A_160, %get3A_1537, %get3A_1538] : memref<2x16x768xf32, #tpu.memory_space<vmem>> -> memref<1x16x768xf32, #tpu.memory_space<vmem>>
        %get3A_1540 = tpu.memref_squeeze %get3A_1539 : memref<1x16x768xf32, #tpu.memory_space<vmem>> -> memref<16x768xf32, #tpu.memory_space<vmem>>
        %get3A_1541 = arith.index_cast %scan3A_575 : i32 to index
        %get3A_1542 = arith.constant 608 : index
        %get3A_1543 = tpu.vector_load %get3A_1540[%get3A_1541, %get3A_1542] {strides = array<i32>} : memref<16x768xf32, #tpu.memory_space<vmem>>, vector<16xf32>,
        %add3A_1544 = arith.addf %get3A_1536, %get3A_1543 : vector<16xf32>
        %swap3A_1545 = arith.constant 0 : i32
        %swap3A_1546 = arith.constant 0 : i32
        %swap3A_1547 = tpu.memref_slice %arg9[%rem3A_136, %swap3A_1545, %swap3A_1546] : memref<4x16x768xf32, #tpu.memory_space<vmem>> -> memref<1x16x768xf32, #tpu.memory_space<vmem>>
        %swap3A_1548 = tpu.memref_squeeze %swap3A_1547 : memref<1x16x768xf32, #tpu.memory_space<vmem>> -> memref<16x768xf32, #tpu.memory_space<vmem>>
        %swap3A_1549 = arith.index_cast %scan3A_575 : i32 to index
        %swap3A_1550 = arith.constant 608 : index
        %swap3A_1551 = tpu.vector_load %swap3A_1548[%swap3A_1549, %swap3A_1550] {strides = array<i32>} : memref<16x768xf32, #tpu.memory_space<vmem>>, vector<16xf32>,
        tpu.vector_store %swap3A_1548[%swap3A_1549, %swap3A_1550], %add3A_1544 {strides = array<i32>} : memref<16x768xf32, #tpu.memory_space<vmem>>, vector<16xf32>,
        %add3A_1552 = arith.addf %add3A_1527, %add3A_1544 : vector<16xf32>
        %mul3A_1553 = arith.mulf %add3A_1544, %add3A_1544 : vector<16xf32>
        %add3A_1554 = arith.addf %add3A_1529, %mul3A_1553 : vector<16xf32>
        %get3A_1555 = arith.constant 0 : i32
        %get3A_1556 = arith.constant 0 : i32
        %get3A_1557 = tpu.memref_slice %arg9[%rem3A_136, %get3A_1555, %get3A_1556] : memref<4x16x768xf32, #tpu.memory_space<vmem>> -> memref<1x16x768xf32, #tpu.memory_space<vmem>>
        %get3A_1558 = tpu.memref_squeeze %get3A_1557 : memref<1x16x768xf32, #tpu.memory_space<vmem>> -> memref<16x768xf32, #tpu.memory_space<vmem>>
        %get3A_1559 = arith.index_cast %scan3A_575 : i32 to index
        %get3A_1560 = arith.constant 624 : index
        %get3A_1561 = tpu.vector_load %get3A_1558[%get3A_1559, %get3A_1560] {strides = array<i32>} : memref<16x768xf32, #tpu.memory_space<vmem>>, vector<16xf32>,
        %get3A_1562 = arith.constant 0 : i32
        %get3A_1563 = arith.constant 0 : i32
        %get3A_1564 = tpu.memref_slice %arg10[%rem3A_160, %get3A_1562, %get3A_1563] : memref<2x16x768xf32, #tpu.memory_space<vmem>> -> memref<1x16x768xf32, #tpu.memory_space<vmem>>
        %get3A_1565 = tpu.memref_squeeze %get3A_1564 : memref<1x16x768xf32, #tpu.memory_space<vmem>> -> memref<16x768xf32, #tpu.memory_space<vmem>>
        %get3A_1566 = arith.index_cast %scan3A_575 : i32 to index
        %get3A_1567 = arith.constant 624 : index
        %get3A_1568 = tpu.vector_load %get3A_1565[%get3A_1566, %get3A_1567] {strides = array<i32>} : memref<16x768xf32, #tpu.memory_space<vmem>>, vector<16xf32>,
        %add3A_1569 = arith.addf %get3A_1561, %get3A_1568 : vector<16xf32>
        %swap3A_1570 = arith.constant 0 : i32
        %swap3A_1571 = arith.constant 0 : i32
        %swap3A_1572 = tpu.memref_slice %arg9[%rem3A_136, %swap3A_1570, %swap3A_1571] : memref<4x16x768xf32, #tpu.memory_space<vmem>> -> memref<1x16x768xf32, #tpu.memory_space<vmem>>
        %swap3A_1573 = tpu.memref_squeeze %swap3A_1572 : memref<1x16x768xf32, #tpu.memory_space<vmem>> -> memref<16x768xf32, #tpu.memory_space<vmem>>
        %swap3A_1574 = arith.index_cast %scan3A_575 : i32 to index
        %swap3A_1575 = arith.constant 624 : index
        %swap3A_1576 = tpu.vector_load %swap3A_1573[%swap3A_1574, %swap3A_1575] {strides = array<i32>} : memref<16x768xf32, #tpu.memory_space<vmem>>, vector<16xf32>,
        tpu.vector_store %swap3A_1573[%swap3A_1574, %swap3A_1575], %add3A_1569 {strides = array<i32>} : memref<16x768xf32, #tpu.memory_space<vmem>>, vector<16xf32>,
        %add3A_1577 = arith.addf %add3A_1552, %add3A_1569 : vector<16xf32>
        %mul3A_1578 = arith.mulf %add3A_1569, %add3A_1569 : vector<16xf32>
        %add3A_1579 = arith.addf %add3A_1554, %mul3A_1578 : vector<16xf32>
        %get3A_1580 = arith.constant 0 : i32
        %get3A_1581 = arith.constant 0 : i32
        %get3A_1582 = tpu.memref_slice %arg9[%rem3A_136, %get3A_1580, %get3A_1581] : memref<4x16x768xf32, #tpu.memory_space<vmem>> -> memref<1x16x768xf32, #tpu.memory_space<vmem>>
        %get3A_1583 = tpu.memref_squeeze %get3A_1582 : memref<1x16x768xf32, #tpu.memory_space<vmem>> -> memref<16x768xf32, #tpu.memory_space<vmem>>
        %get3A_1584 = arith.index_cast %scan3A_575 : i32 to index
        %get3A_1585 = arith.constant 640 : index
        %get3A_1586 = tpu.vector_load %get3A_1583[%get3A_1584, %get3A_1585] {strides = array<i32>} : memref<16x768xf32, #tpu.memory_space<vmem>>, vector<16xf32>,
        %get3A_1587 = arith.constant 0 : i32
        %get3A_1588 = arith.constant 0 : i32
        %get3A_1589 = tpu.memref_slice %arg10[%rem3A_160, %get3A_1587, %get3A_1588] : memref<2x16x768xf32, #tpu.memory_space<vmem>> -> memref<1x16x768xf32, #tpu.memory_space<vmem>>
        %get3A_1590 = tpu.memref_squeeze %get3A_1589 : memref<1x16x768xf32, #tpu.memory_space<vmem>> -> memref<16x768xf32, #tpu.memory_space<vmem>>
        %get3A_1591 = arith.index_cast %scan3A_575 : i32 to index
        %get3A_1592 = arith.constant 640 : index
        %get3A_1593 = tpu.vector_load %get3A_1590[%get3A_1591, %get3A_1592] {strides = array<i32>} : memref<16x768xf32, #tpu.memory_space<vmem>>, vector<16xf32>,
        %add3A_1594 = arith.addf %get3A_1586, %get3A_1593 : vector<16xf32>
        %swap3A_1595 = arith.constant 0 : i32
        %swap3A_1596 = arith.constant 0 : i32
        %swap3A_1597 = tpu.memref_slice %arg9[%rem3A_136, %swap3A_1595, %swap3A_1596] : memref<4x16x768xf32, #tpu.memory_space<vmem>> -> memref<1x16x768xf32, #tpu.memory_space<vmem>>
        %swap3A_1598 = tpu.memref_squeeze %swap3A_1597 : memref<1x16x768xf32, #tpu.memory_space<vmem>> -> memref<16x768xf32, #tpu.memory_space<vmem>>
        %swap3A_1599 = arith.index_cast %scan3A_575 : i32 to index
        %swap3A_1600 = arith.constant 640 : index
        %swap3A_1601 = tpu.vector_load %swap3A_1598[%swap3A_1599, %swap3A_1600] {strides = array<i32>} : memref<16x768xf32, #tpu.memory_space<vmem>>, vector<16xf32>,
        tpu.vector_store %swap3A_1598[%swap3A_1599, %swap3A_1600], %add3A_1594 {strides = array<i32>} : memref<16x768xf32, #tpu.memory_space<vmem>>, vector<16xf32>,
        %add3A_1602 = arith.addf %add3A_1577, %add3A_1594 : vector<16xf32>
        %mul3A_1603 = arith.mulf %add3A_1594, %add3A_1594 : vector<16xf32>
        %add3A_1604 = arith.addf %add3A_1579, %mul3A_1603 : vector<16xf32>
        %get3A_1605 = arith.constant 0 : i32
        %get3A_1606 = arith.constant 0 : i32
        %get3A_1607 = tpu.memref_slice %arg9[%rem3A_136, %get3A_1605, %get3A_1606] : memref<4x16x768xf32, #tpu.memory_space<vmem>> -> memref<1x16x768xf32, #tpu.memory_space<vmem>>
        %get3A_1608 = tpu.memref_squeeze %get3A_1607 : memref<1x16x768xf32, #tpu.memory_space<vmem>> -> memref<16x768xf32, #tpu.memory_space<vmem>>
        %get3A_1609 = arith.index_cast %scan3A_575 : i32 to index
        %get3A_1610 = arith.constant 656 : index
        %get3A_1611 = tpu.vector_load %get3A_1608[%get3A_1609, %get3A_1610] {strides = array<i32>} : memref<16x768xf32, #tpu.memory_space<vmem>>, vector<16xf32>,
        %get3A_1612 = arith.constant 0 : i32
        %get3A_1613 = arith.constant 0 : i32
        %get3A_1614 = tpu.memref_slice %arg10[%rem3A_160, %get3A_1612, %get3A_1613] : memref<2x16x768xf32, #tpu.memory_space<vmem>> -> memref<1x16x768xf32, #tpu.memory_space<vmem>>
        %get3A_1615 = tpu.memref_squeeze %get3A_1614 : memref<1x16x768xf32, #tpu.memory_space<vmem>> -> memref<16x768xf32, #tpu.memory_space<vmem>>
        %get3A_1616 = arith.index_cast %scan3A_575 : i32 to index
        %get3A_1617 = arith.constant 656 : index
        %get3A_1618 = tpu.vector_load %get3A_1615[%get3A_1616, %get3A_1617] {strides = array<i32>} : memref<16x768xf32, #tpu.memory_space<vmem>>, vector<16xf32>,
        %add3A_1619 = arith.addf %get3A_1611, %get3A_1618 : vector<16xf32>
        %swap3A_1620 = arith.constant 0 : i32
        %swap3A_1621 = arith.constant 0 : i32
        %swap3A_1622 = tpu.memref_slice %arg9[%rem3A_136, %swap3A_1620, %swap3A_1621] : memref<4x16x768xf32, #tpu.memory_space<vmem>> -> memref<1x16x768xf32, #tpu.memory_space<vmem>>
        %swap3A_1623 = tpu.memref_squeeze %swap3A_1622 : memref<1x16x768xf32, #tpu.memory_space<vmem>> -> memref<16x768xf32, #tpu.memory_space<vmem>>
        %swap3A_1624 = arith.index_cast %scan3A_575 : i32 to index
        %swap3A_1625 = arith.constant 656 : index
        %swap3A_1626 = tpu.vector_load %swap3A_1623[%swap3A_1624, %swap3A_1625] {strides = array<i32>} : memref<16x768xf32, #tpu.memory_space<vmem>>, vector<16xf32>,
        tpu.vector_store %swap3A_1623[%swap3A_1624, %swap3A_1625], %add3A_1619 {strides = array<i32>} : memref<16x768xf32, #tpu.memory_space<vmem>>, vector<16xf32>,
        %add3A_1627 = arith.addf %add3A_1602, %add3A_1619 : vector<16xf32>
        %mul3A_1628 = arith.mulf %add3A_1619, %add3A_1619 : vector<16xf32>
        %add3A_1629 = arith.addf %add3A_1604, %mul3A_1628 : vector<16xf32>
        %get3A_1630 = arith.constant 0 : i32
        %get3A_1631 = arith.constant 0 : i32
        %get3A_1632 = tpu.memref_slice %arg9[%rem3A_136, %get3A_1630, %get3A_1631] : memref<4x16x768xf32, #tpu.memory_space<vmem>> -> memref<1x16x768xf32, #tpu.memory_space<vmem>>
        %get3A_1633 = tpu.memref_squeeze %get3A_1632 : memref<1x16x768xf32, #tpu.memory_space<vmem>> -> memref<16x768xf32, #tpu.memory_space<vmem>>
        %get3A_1634 = arith.index_cast %scan3A_575 : i32 to index
        %get3A_1635 = arith.constant 672 : index
        %get3A_1636 = tpu.vector_load %get3A_1633[%get3A_1634, %get3A_1635] {strides = array<i32>} : memref<16x768xf32, #tpu.memory_space<vmem>>, vector<16xf32>,
        %get3A_1637 = arith.constant 0 : i32
        %get3A_1638 = arith.constant 0 : i32
        %get3A_1639 = tpu.memref_slice %arg10[%rem3A_160, %get3A_1637, %get3A_1638] : memref<2x16x768xf32, #tpu.memory_space<vmem>> -> memref<1x16x768xf32, #tpu.memory_space<vmem>>
        %get3A_1640 = tpu.memref_squeeze %get3A_1639 : memref<1x16x768xf32, #tpu.memory_space<vmem>> -> memref<16x768xf32, #tpu.memory_space<vmem>>
        %get3A_1641 = arith.index_cast %scan3A_575 : i32 to index
        %get3A_1642 = arith.constant 672 : index
        %get3A_1643 = tpu.vector_load %get3A_1640[%get3A_1641, %get3A_1642] {strides = array<i32>} : memref<16x768xf32, #tpu.memory_space<vmem>>, vector<16xf32>,
        %add3A_1644 = arith.addf %get3A_1636, %get3A_1643 : vector<16xf32>
        %swap3A_1645 = arith.constant 0 : i32
        %swap3A_1646 = arith.constant 0 : i32
        %swap3A_1647 = tpu.memref_slice %arg9[%rem3A_136, %swap3A_1645, %swap3A_1646] : memref<4x16x768xf32, #tpu.memory_space<vmem>> -> memref<1x16x768xf32, #tpu.memory_space<vmem>>
        %swap3A_1648 = tpu.memref_squeeze %swap3A_1647 : memref<1x16x768xf32, #tpu.memory_space<vmem>> -> memref<16x768xf32, #tpu.memory_space<vmem>>
        %swap3A_1649 = arith.index_cast %scan3A_575 : i32 to index
        %swap3A_1650 = arith.constant 672 : index
        %swap3A_1651 = tpu.vector_load %swap3A_1648[%swap3A_1649, %swap3A_1650] {strides = array<i32>} : memref<16x768xf32, #tpu.memory_space<vmem>>, vector<16xf32>,
        tpu.vector_store %swap3A_1648[%swap3A_1649, %swap3A_1650], %add3A_1644 {strides = array<i32>} : memref<16x768xf32, #tpu.memory_space<vmem>>, vector<16xf32>,
        %add3A_1652 = arith.addf %add3A_1627, %add3A_1644 : vector<16xf32>
        %mul3A_1653 = arith.mulf %add3A_1644, %add3A_1644 : vector<16xf32>
        %add3A_1654 = arith.addf %add3A_1629, %mul3A_1653 : vector<16xf32>
        %get3A_1655 = arith.constant 0 : i32
        %get3A_1656 = arith.constant 0 : i32
        %get3A_1657 = tpu.memref_slice %arg9[%rem3A_136, %get3A_1655, %get3A_1656] : memref<4x16x768xf32, #tpu.memory_space<vmem>> -> memref<1x16x768xf32, #tpu.memory_space<vmem>>
        %get3A_1658 = tpu.memref_squeeze %get3A_1657 : memref<1x16x768xf32, #tpu.memory_space<vmem>> -> memref<16x768xf32, #tpu.memory_space<vmem>>
        %get3A_1659 = arith.index_cast %scan3A_575 : i32 to index
        %get3A_1660 = arith.constant 688 : index
        %get3A_1661 = tpu.vector_load %get3A_1658[%get3A_1659, %get3A_1660] {strides = array<i32>} : memref<16x768xf32, #tpu.memory_space<vmem>>, vector<16xf32>,
        %get3A_1662 = arith.constant 0 : i32
        %get3A_1663 = arith.constant 0 : i32
        %get3A_1664 = tpu.memref_slice %arg10[%rem3A_160, %get3A_1662, %get3A_1663] : memref<2x16x768xf32, #tpu.memory_space<vmem>> -> memref<1x16x768xf32, #tpu.memory_space<vmem>>
        %get3A_1665 = tpu.memref_squeeze %get3A_1664 : memref<1x16x768xf32, #tpu.memory_space<vmem>> -> memref<16x768xf32, #tpu.memory_space<vmem>>
        %get3A_1666 = arith.index_cast %scan3A_575 : i32 to index
        %get3A_1667 = arith.constant 688 : index
        %get3A_1668 = tpu.vector_load %get3A_1665[%get3A_1666, %get3A_1667] {strides = array<i32>} : memref<16x768xf32, #tpu.memory_space<vmem>>, vector<16xf32>,
        %add3A_1669 = arith.addf %get3A_1661, %get3A_1668 : vector<16xf32>
        %swap3A_1670 = arith.constant 0 : i32
        %swap3A_1671 = arith.constant 0 : i32
        %swap3A_1672 = tpu.memref_slice %arg9[%rem3A_136, %swap3A_1670, %swap3A_1671] : memref<4x16x768xf32, #tpu.memory_space<vmem>> -> memref<1x16x768xf32, #tpu.memory_space<vmem>>
        %swap3A_1673 = tpu.memref_squeeze %swap3A_1672 : memref<1x16x768xf32, #tpu.memory_space<vmem>> -> memref<16x768xf32, #tpu.memory_space<vmem>>
        %swap3A_1674 = arith.index_cast %scan3A_575 : i32 to index
        %swap3A_1675 = arith.constant 688 : index
        %swap3A_1676 = tpu.vector_load %swap3A_1673[%swap3A_1674, %swap3A_1675] {strides = array<i32>} : memref<16x768xf32, #tpu.memory_space<vmem>>, vector<16xf32>,
        tpu.vector_store %swap3A_1673[%swap3A_1674, %swap3A_1675], %add3A_1669 {strides = array<i32>} : memref<16x768xf32, #tpu.memory_space<vmem>>, vector<16xf32>,
        %add3A_1677 = arith.addf %add3A_1652, %add3A_1669 : vector<16xf32>
        %mul3A_1678 = arith.mulf %add3A_1669, %add3A_1669 : vector<16xf32>
        %add3A_1679 = arith.addf %add3A_1654, %mul3A_1678 : vector<16xf32>
        %get3A_1680 = arith.constant 0 : i32
        %get3A_1681 = arith.constant 0 : i32
        %get3A_1682 = tpu.memref_slice %arg9[%rem3A_136, %get3A_1680, %get3A_1681] : memref<4x16x768xf32, #tpu.memory_space<vmem>> -> memref<1x16x768xf32, #tpu.memory_space<vmem>>
        %get3A_1683 = tpu.memref_squeeze %get3A_1682 : memref<1x16x768xf32, #tpu.memory_space<vmem>> -> memref<16x768xf32, #tpu.memory_space<vmem>>
        %get3A_1684 = arith.index_cast %scan3A_575 : i32 to index
        %get3A_1685 = arith.constant 704 : index
        %get3A_1686 = tpu.vector_load %get3A_1683[%get3A_1684, %get3A_1685] {strides = array<i32>} : memref<16x768xf32, #tpu.memory_space<vmem>>, vector<16xf32>,
        %get3A_1687 = arith.constant 0 : i32
        %get3A_1688 = arith.constant 0 : i32
        %get3A_1689 = tpu.memref_slice %arg10[%rem3A_160, %get3A_1687, %get3A_1688] : memref<2x16x768xf32, #tpu.memory_space<vmem>> -> memref<1x16x768xf32, #tpu.memory_space<vmem>>
        %get3A_1690 = tpu.memref_squeeze %get3A_1689 : memref<1x16x768xf32, #tpu.memory_space<vmem>> -> memref<16x768xf32, #tpu.memory_space<vmem>>
        %get3A_1691 = arith.index_cast %scan3A_575 : i32 to index
        %get3A_1692 = arith.constant 704 : index
        %get3A_1693 = tpu.vector_load %get3A_1690[%get3A_1691, %get3A_1692] {strides = array<i32>} : memref<16x768xf32, #tpu.memory_space<vmem>>, vector<16xf32>,
        %add3A_1694 = arith.addf %get3A_1686, %get3A_1693 : vector<16xf32>
        %swap3A_1695 = arith.constant 0 : i32
        %swap3A_1696 = arith.constant 0 : i32
        %swap3A_1697 = tpu.memref_slice %arg9[%rem3A_136, %swap3A_1695, %swap3A_1696] : memref<4x16x768xf32, #tpu.memory_space<vmem>> -> memref<1x16x768xf32, #tpu.memory_space<vmem>>
        %swap3A_1698 = tpu.memref_squeeze %swap3A_1697 : memref<1x16x768xf32, #tpu.memory_space<vmem>> -> memref<16x768xf32, #tpu.memory_space<vmem>>
        %swap3A_1699 = arith.index_cast %scan3A_575 : i32 to index
        %swap3A_1700 = arith.constant 704 : index
        %swap3A_1701 = tpu.vector_load %swap3A_1698[%swap3A_1699, %swap3A_1700] {strides = array<i32>} : memref<16x768xf32, #tpu.memory_space<vmem>>, vector<16xf32>,
        tpu.vector_store %swap3A_1698[%swap3A_1699, %swap3A_1700], %add3A_1694 {strides = array<i32>} : memref<16x768xf32, #tpu.memory_space<vmem>>, vector<16xf32>,
        %add3A_1702 = arith.addf %add3A_1677, %add3A_1694 : vector<16xf32>
        %mul3A_1703 = arith.mulf %add3A_1694, %add3A_1694 : vector<16xf32>
        %add3A_1704 = arith.addf %add3A_1679, %mul3A_1703 : vector<16xf32>
        %get3A_1705 = arith.constant 0 : i32
        %get3A_1706 = arith.constant 0 : i32
        %get3A_1707 = tpu.memref_slice %arg9[%rem3A_136, %get3A_1705, %get3A_1706] : memref<4x16x768xf32, #tpu.memory_space<vmem>> -> memref<1x16x768xf32, #tpu.memory_space<vmem>>
        %get3A_1708 = tpu.memref_squeeze %get3A_1707 : memref<1x16x768xf32, #tpu.memory_space<vmem>> -> memref<16x768xf32, #tpu.memory_space<vmem>>
        %get3A_1709 = arith.index_cast %scan3A_575 : i32 to index
        %get3A_1710 = arith.constant 720 : index
        %get3A_1711 = tpu.vector_load %get3A_1708[%get3A_1709, %get3A_1710] {strides = array<i32>} : memref<16x768xf32, #tpu.memory_space<vmem>>, vector<16xf32>,
        %get3A_1712 = arith.constant 0 : i32
        %get3A_1713 = arith.constant 0 : i32
        %get3A_1714 = tpu.memref_slice %arg10[%rem3A_160, %get3A_1712, %get3A_1713] : memref<2x16x768xf32, #tpu.memory_space<vmem>> -> memref<1x16x768xf32, #tpu.memory_space<vmem>>
        %get3A_1715 = tpu.memref_squeeze %get3A_1714 : memref<1x16x768xf32, #tpu.memory_space<vmem>> -> memref<16x768xf32, #tpu.memory_space<vmem>>
        %get3A_1716 = arith.index_cast %scan3A_575 : i32 to index
        %get3A_1717 = arith.constant 720 : index
        %get3A_1718 = tpu.vector_load %get3A_1715[%get3A_1716, %get3A_1717] {strides = array<i32>} : memref<16x768xf32, #tpu.memory_space<vmem>>, vector<16xf32>,
        %add3A_1719 = arith.addf %get3A_1711, %get3A_1718 : vector<16xf32>
        %swap3A_1720 = arith.constant 0 : i32
        %swap3A_1721 = arith.constant 0 : i32
        %swap3A_1722 = tpu.memref_slice %arg9[%rem3A_136, %swap3A_1720, %swap3A_1721] : memref<4x16x768xf32, #tpu.memory_space<vmem>> -> memref<1x16x768xf32, #tpu.memory_space<vmem>>
        %swap3A_1723 = tpu.memref_squeeze %swap3A_1722 : memref<1x16x768xf32, #tpu.memory_space<vmem>> -> memref<16x768xf32, #tpu.memory_space<vmem>>
        %swap3A_1724 = arith.index_cast %scan3A_575 : i32 to index
        %swap3A_1725 = arith.constant 720 : index
        %swap3A_1726 = tpu.vector_load %swap3A_1723[%swap3A_1724, %swap3A_1725] {strides = array<i32>} : memref<16x768xf32, #tpu.memory_space<vmem>>, vector<16xf32>,
        tpu.vector_store %swap3A_1723[%swap3A_1724, %swap3A_1725], %add3A_1719 {strides = array<i32>} : memref<16x768xf32, #tpu.memory_space<vmem>>, vector<16xf32>,
        %add3A_1727 = arith.addf %add3A_1702, %add3A_1719 : vector<16xf32>
        %mul3A_1728 = arith.mulf %add3A_1719, %add3A_1719 : vector<16xf32>
        %add3A_1729 = arith.addf %add3A_1704, %mul3A_1728 : vector<16xf32>
        %get3A_1730 = arith.constant 0 : i32
        %get3A_1731 = arith.constant 0 : i32
        %get3A_1732 = tpu.memref_slice %arg9[%rem3A_136, %get3A_1730, %get3A_1731] : memref<4x16x768xf32, #tpu.memory_space<vmem>> -> memref<1x16x768xf32, #tpu.memory_space<vmem>>
        %get3A_1733 = tpu.memref_squeeze %get3A_1732 : memref<1x16x768xf32, #tpu.memory_space<vmem>> -> memref<16x768xf32, #tpu.memory_space<vmem>>
        %get3A_1734 = arith.index_cast %scan3A_575 : i32 to index
        %get3A_1735 = arith.constant 736 : index
        %get3A_1736 = tpu.vector_load %get3A_1733[%get3A_1734, %get3A_1735] {strides = array<i32>} : memref<16x768xf32, #tpu.memory_space<vmem>>, vector<16xf32>,
        %get3A_1737 = arith.constant 0 : i32
        %get3A_1738 = arith.constant 0 : i32
        %get3A_1739 = tpu.memref_slice %arg10[%rem3A_160, %get3A_1737, %get3A_1738] : memref<2x16x768xf32, #tpu.memory_space<vmem>> -> memref<1x16x768xf32, #tpu.memory_space<vmem>>
        %get3A_1740 = tpu.memref_squeeze %get3A_1739 : memref<1x16x768xf32, #tpu.memory_space<vmem>> -> memref<16x768xf32, #tpu.memory_space<vmem>>
        %get3A_1741 = arith.index_cast %scan3A_575 : i32 to index
        %get3A_1742 = arith.constant 736 : index
        %get3A_1743 = tpu.vector_load %get3A_1740[%get3A_1741, %get3A_1742] {strides = array<i32>} : memref<16x768xf32, #tpu.memory_space<vmem>>, vector<16xf32>,
        %add3A_1744 = arith.addf %get3A_1736, %get3A_1743 : vector<16xf32>
        %swap3A_1745 = arith.constant 0 : i32
        %swap3A_1746 = arith.constant 0 : i32
        %swap3A_1747 = tpu.memref_slice %arg9[%rem3A_136, %swap3A_1745, %swap3A_1746] : memref<4x16x768xf32, #tpu.memory_space<vmem>> -> memref<1x16x768xf32, #tpu.memory_space<vmem>>
        %swap3A_1748 = tpu.memref_squeeze %swap3A_1747 : memref<1x16x768xf32, #tpu.memory_space<vmem>> -> memref<16x768xf32, #tpu.memory_space<vmem>>
        %swap3A_1749 = arith.index_cast %scan3A_575 : i32 to index
        %swap3A_1750 = arith.constant 736 : index
        %swap3A_1751 = tpu.vector_load %swap3A_1748[%swap3A_1749, %swap3A_1750] {strides = array<i32>} : memref<16x768xf32, #tpu.memory_space<vmem>>, vector<16xf32>,
        tpu.vector_store %swap3A_1748[%swap3A_1749, %swap3A_1750], %add3A_1744 {strides = array<i32>} : memref<16x768xf32, #tpu.memory_space<vmem>>, vector<16xf32>,
        %add3A_1752 = arith.addf %add3A_1727, %add3A_1744 : vector<16xf32>
        %mul3A_1753 = arith.mulf %add3A_1744, %add3A_1744 : vector<16xf32>
        %add3A_1754 = arith.addf %add3A_1729, %mul3A_1753 : vector<16xf32>
        %get3A_1755 = arith.constant 0 : i32
        %get3A_1756 = arith.constant 0 : i32
        %get3A_1757 = tpu.memref_slice %arg9[%rem3A_136, %get3A_1755, %get3A_1756] : memref<4x16x768xf32, #tpu.memory_space<vmem>> -> memref<1x16x768xf32, #tpu.memory_space<vmem>>
        %get3A_1758 = tpu.memref_squeeze %get3A_1757 : memref<1x16x768xf32, #tpu.memory_space<vmem>> -> memref<16x768xf32, #tpu.memory_space<vmem>>
        %get3A_1759 = arith.index_cast %scan3A_575 : i32 to index
        %get3A_1760 = arith.constant 752 : index
        %get3A_1761 = tpu.vector_load %get3A_1758[%get3A_1759, %get3A_1760] {strides = array<i32>} : memref<16x768xf32, #tpu.memory_space<vmem>>, vector<16xf32>,
        %get3A_1762 = arith.constant 0 : i32
        %get3A_1763 = arith.constant 0 : i32
        %get3A_1764 = tpu.memref_slice %arg10[%rem3A_160, %get3A_1762, %get3A_1763] : memref<2x16x768xf32, #tpu.memory_space<vmem>> -> memref<1x16x768xf32, #tpu.memory_space<vmem>>
        %get3A_1765 = tpu.memref_squeeze %get3A_1764 : memref<1x16x768xf32, #tpu.memory_space<vmem>> -> memref<16x768xf32, #tpu.memory_space<vmem>>
        %get3A_1766 = arith.index_cast %scan3A_575 : i32 to index
        %get3A_1767 = arith.constant 752 : index
        %get3A_1768 = tpu.vector_load %get3A_1765[%get3A_1766, %get3A_1767] {strides = array<i32>} : memref<16x768xf32, #tpu.memory_space<vmem>>, vector<16xf32>,
        %add3A_1769 = arith.addf %get3A_1761, %get3A_1768 : vector<16xf32>
        %swap3A_1770 = arith.constant 0 : i32
        %swap3A_1771 = arith.constant 0 : i32
        %swap3A_1772 = tpu.memref_slice %arg9[%rem3A_136, %swap3A_1770, %swap3A_1771] : memref<4x16x768xf32, #tpu.memory_space<vmem>> -> memref<1x16x768xf32, #tpu.memory_space<vmem>>
        %swap3A_1773 = tpu.memref_squeeze %swap3A_1772 : memref<1x16x768xf32, #tpu.memory_space<vmem>> -> memref<16x768xf32, #tpu.memory_space<vmem>>
        %swap3A_1774 = arith.index_cast %scan3A_575 : i32 to index
        %swap3A_1775 = arith.constant 752 : index
        %swap3A_1776 = tpu.vector_load %swap3A_1773[%swap3A_1774, %swap3A_1775] {strides = array<i32>} : memref<16x768xf32, #tpu.memory_space<vmem>>, vector<16xf32>,
        tpu.vector_store %swap3A_1773[%swap3A_1774, %swap3A_1775], %add3A_1769 {strides = array<i32>} : memref<16x768xf32, #tpu.memory_space<vmem>>, vector<16xf32>,
        %add3A_1777 = arith.addf %add3A_1752, %add3A_1769 : vector<16xf32>
        %mul3A_1778 = arith.mulf %add3A_1769, %add3A_1769 : vector<16xf32>
        %add3A_1779 = arith.addf %add3A_1754, %mul3A_1778 : vector<16xf32>
        %swap3A_1780 = arith.index_cast %scan3A_575 : i32 to index
        %swap3A_1781 = arith.constant 0 : index
        %swap3A_1782 = tpu.vector_load %arg13[%swap3A_1780, %swap3A_1781] {strides = array<i32>} : memref<16x16xf32, #tpu.memory_space<vmem>>, vector<16xf32>,
        tpu.vector_store %arg13[%swap3A_1780, %swap3A_1781], %add3A_1777 {strides = array<i32>} : memref<16x16xf32, #tpu.memory_space<vmem>>, vector<16xf32>,
        %swap3A_1783 = arith.index_cast %scan3A_575 : i32 to index
        %swap3A_1784 = arith.constant 0 : index
        %swap3A_1785 = tpu.vector_load %arg14[%swap3A_1783, %swap3A_1784] {strides = array<i32>} : memref<16x16xf32, #tpu.memory_space<vmem>>, vector<16xf32>,
        tpu.vector_store %arg14[%swap3A_1783, %swap3A_1784], %add3A_1779 {strides = array<i32>} : memref<16x16xf32, #tpu.memory_space<vmem>>, vector<16xf32>,
        %scan3A_1786 = arith.constant 0 : i32
        scf.yield %scan3A_1786 : i32
      }
      %scan3A_167 = arith.constant 16 : i32
      %broadcast_in_dim3A = arith.constant 0.000000e+00 : f32
      %broadcast_in_dim3A_168 = vector.broadcast %broadcast_in_dim3A : f32 to vector<16xf32>
      %broadcast_in_dim3A_169 = arith.constant 0.000000e+00 : f32
      %broadcast_in_dim3A_170 = vector.broadcast %broadcast_in_dim3A_169 : f32 to vector<16xf32>
      %broadcast_in_dim3A_171 = arith.constant 0 : i32
      %broadcast_in_dim3A_172 = vector.broadcast %broadcast_in_dim3A_171 : i32 to vector<16xi32>
      %gather3A = tpu.vector_load_idx %arg13[%iota3A, %broadcast_in_dim3A_172] : memref<16x16xf32, #tpu.memory_space<vmem>>[vector<16xi32>, vector<16xi32>], vector<16xf32>,
      %add3A_173 = arith.addf %broadcast_in_dim3A_168, %gather3A : vector<16xf32>
      %gather3A_174 = tpu.vector_load_idx %arg14[%iota3A, %broadcast_in_dim3A_172] : memref<16x16xf32, #tpu.memory_space<vmem>>[vector<16xi32>, vector<16xi32>], vector<16xf32>,
      %add3A_175 = arith.addf %broadcast_in_dim3A_170, %gather3A_174 : vector<16xf32>
      %broadcast_in_dim3A_176 = arith.constant 1 : i32
      %broadcast_in_dim3A_177 = vector.broadcast %broadcast_in_dim3A_176 : i32 to vector<16xi32>
      %gather3A_178 = tpu.vector_load_idx %arg13[%iota3A, %broadcast_in_dim3A_177] : memref<16x16xf32, #tpu.memory_space<vmem>>[vector<16xi32>, vector<16xi32>], vector<16xf32>,
      %add3A_179 = arith.addf %add3A_173, %gather3A_178 : vector<16xf32>
      %gather3A_180 = tpu.vector_load_idx %arg14[%iota3A, %broadcast_in_dim3A_177] : memref<16x16xf32, #tpu.memory_space<vmem>>[vector<16xi32>, vector<16xi32>], vector<16xf32>,
      %add3A_181 = arith.addf %add3A_175, %gather3A_180 : vector<16xf32>
      %broadcast_in_dim3A_182 = arith.constant 2 : i32
      %broadcast_in_dim3A_183 = vector.broadcast %broadcast_in_dim3A_182 : i32 to vector<16xi32>
      %gather3A_184 = tpu.vector_load_idx %arg13[%iota3A, %broadcast_in_dim3A_183] : memref<16x16xf32, #tpu.memory_space<vmem>>[vector<16xi32>, vector<16xi32>], vector<16xf32>,
      %add3A_185 = arith.addf %add3A_179, %gather3A_184 : vector<16xf32>
      %gather3A_186 = tpu.vector_load_idx %arg14[%iota3A, %broadcast_in_dim3A_183] : memref<16x16xf32, #tpu.memory_space<vmem>>[vector<16xi32>, vector<16xi32>], vector<16xf32>,
      %add3A_187 = arith.addf %add3A_181, %gather3A_186 : vector<16xf32>
      %broadcast_in_dim3A_188 = arith.constant 3 : i32
      %broadcast_in_dim3A_189 = vector.broadcast %broadcast_in_dim3A_188 : i32 to vector<16xi32>
      %gather3A_190 = tpu.vector_load_idx %arg13[%iota3A, %broadcast_in_dim3A_189] : memref<16x16xf32, #tpu.memory_space<vmem>>[vector<16xi32>, vector<16xi32>], vector<16xf32>,
      %add3A_191 = arith.addf %add3A_185, %gather3A_190 : vector<16xf32>
      %gather3A_192 = tpu.vector_load_idx %arg14[%iota3A, %broadcast_in_dim3A_189] : memref<16x16xf32, #tpu.memory_space<vmem>>[vector<16xi32>, vector<16xi32>], vector<16xf32>,
      %add3A_193 = arith.addf %add3A_187, %gather3A_192 : vector<16xf32>
      %broadcast_in_dim3A_194 = arith.constant 4 : i32
      %broadcast_in_dim3A_195 = vector.broadcast %broadcast_in_dim3A_194 : i32 to vector<16xi32>
      %gather3A_196 = tpu.vector_load_idx %arg13[%iota3A, %broadcast_in_dim3A_195] : memref<16x16xf32, #tpu.memory_space<vmem>>[vector<16xi32>, vector<16xi32>], vector<16xf32>,
      %add3A_197 = arith.addf %add3A_191, %gather3A_196 : vector<16xf32>
      %gather3A_198 = tpu.vector_load_idx %arg14[%iota3A, %broadcast_in_dim3A_195] : memref<16x16xf32, #tpu.memory_space<vmem>>[vector<16xi32>, vector<16xi32>], vector<16xf32>,
      %add3A_199 = arith.addf %add3A_193, %gather3A_198 : vector<16xf32>
      %broadcast_in_dim3A_200 = arith.constant 5 : i32
      %broadcast_in_dim3A_201 = vector.broadcast %broadcast_in_dim3A_200 : i32 to vector<16xi32>
      %gather3A_202 = tpu.vector_load_idx %arg13[%iota3A, %broadcast_in_dim3A_201] : memref<16x16xf32, #tpu.memory_space<vmem>>[vector<16xi32>, vector<16xi32>], vector<16xf32>,
      %add3A_203 = arith.addf %add3A_197, %gather3A_202 : vector<16xf32>
      %gather3A_204 = tpu.vector_load_idx %arg14[%iota3A, %broadcast_in_dim3A_201] : memref<16x16xf32, #tpu.memory_space<vmem>>[vector<16xi32>, vector<16xi32>], vector<16xf32>,
      %add3A_205 = arith.addf %add3A_199, %gather3A_204 : vector<16xf32>
      %broadcast_in_dim3A_206 = arith.constant 6 : i32
      %broadcast_in_dim3A_207 = vector.broadcast %broadcast_in_dim3A_206 : i32 to vector<16xi32>
      %gather3A_208 = tpu.vector_load_idx %arg13[%iota3A, %broadcast_in_dim3A_207] : memref<16x16xf32, #tpu.memory_space<vmem>>[vector<16xi32>, vector<16xi32>], vector<16xf32>,
      %add3A_209 = arith.addf %add3A_203, %gather3A_208 : vector<16xf32>
      %gather3A_210 = tpu.vector_load_idx %arg14[%iota3A, %broadcast_in_dim3A_207] : memref<16x16xf32, #tpu.memory_space<vmem>>[vector<16xi32>, vector<16xi32>], vector<16xf32>,
      %add3A_211 = arith.addf %add3A_205, %gather3A_210 : vector<16xf32>
      %broadcast_in_dim3A_212 = arith.constant 7 : i32
      %broadcast_in_dim3A_213 = vector.broadcast %broadcast_in_dim3A_212 : i32 to vector<16xi32>
      %gather3A_214 = tpu.vector_load_idx %arg13[%iota3A, %broadcast_in_dim3A_213] : memref<16x16xf32, #tpu.memory_space<vmem>>[vector<16xi32>, vector<16xi32>], vector<16xf32>,
      %add3A_215 = arith.addf %add3A_209, %gather3A_214 : vector<16xf32>
      %gather3A_216 = tpu.vector_load_idx %arg14[%iota3A, %broadcast_in_dim3A_213] : memref<16x16xf32, #tpu.memory_space<vmem>>[vector<16xi32>, vector<16xi32>], vector<16xf32>,
      %add3A_217 = arith.addf %add3A_211, %gather3A_216 : vector<16xf32>
      %broadcast_in_dim3A_218 = arith.constant 8 : i32
      %broadcast_in_dim3A_219 = vector.broadcast %broadcast_in_dim3A_218 : i32 to vector<16xi32>
      %gather3A_220 = tpu.vector_load_idx %arg13[%iota3A, %broadcast_in_dim3A_219] : memref<16x16xf32, #tpu.memory_space<vmem>>[vector<16xi32>, vector<16xi32>], vector<16xf32>,
      %add3A_221 = arith.addf %add3A_215, %gather3A_220 : vector<16xf32>
      %gather3A_222 = tpu.vector_load_idx %arg14[%iota3A, %broadcast_in_dim3A_219] : memref<16x16xf32, #tpu.memory_space<vmem>>[vector<16xi32>, vector<16xi32>], vector<16xf32>,
      %add3A_223 = arith.addf %add3A_217, %gather3A_222 : vector<16xf32>
      %broadcast_in_dim3A_224 = arith.constant 9 : i32
      %broadcast_in_dim3A_225 = vector.broadcast %broadcast_in_dim3A_224 : i32 to vector<16xi32>
      %gather3A_226 = tpu.vector_load_idx %arg13[%iota3A, %broadcast_in_dim3A_225] : memref<16x16xf32, #tpu.memory_space<vmem>>[vector<16xi32>, vector<16xi32>], vector<16xf32>,
      %add3A_227 = arith.addf %add3A_221, %gather3A_226 : vector<16xf32>
      %gather3A_228 = tpu.vector_load_idx %arg14[%iota3A, %broadcast_in_dim3A_225] : memref<16x16xf32, #tpu.memory_space<vmem>>[vector<16xi32>, vector<16xi32>], vector<16xf32>,
      %add3A_229 = arith.addf %add3A_223, %gather3A_228 : vector<16xf32>
      %broadcast_in_dim3A_230 = arith.constant 10 : i32
      %broadcast_in_dim3A_231 = vector.broadcast %broadcast_in_dim3A_230 : i32 to vector<16xi32>
      %gather3A_232 = tpu.vector_load_idx %arg13[%iota3A, %broadcast_in_dim3A_231] : memref<16x16xf32, #tpu.memory_space<vmem>>[vector<16xi32>, vector<16xi32>], vector<16xf32>,
      %add3A_233 = arith.addf %add3A_227, %gather3A_232 : vector<16xf32>
      %gather3A_234 = tpu.vector_load_idx %arg14[%iota3A, %broadcast_in_dim3A_231] : memref<16x16xf32, #tpu.memory_space<vmem>>[vector<16xi32>, vector<16xi32>], vector<16xf32>,
      %add3A_235 = arith.addf %add3A_229, %gather3A_234 : vector<16xf32>
      %broadcast_in_dim3A_236 = arith.constant 11 : i32
      %broadcast_in_dim3A_237 = vector.broadcast %broadcast_in_dim3A_236 : i32 to vector<16xi32>
      %gather3A_238 = tpu.vector_load_idx %arg13[%iota3A, %broadcast_in_dim3A_237] : memref<16x16xf32, #tpu.memory_space<vmem>>[vector<16xi32>, vector<16xi32>], vector<16xf32>,
      %add3A_239 = arith.addf %add3A_233, %gather3A_238 : vector<16xf32>
      %gather3A_240 = tpu.vector_load_idx %arg14[%iota3A, %broadcast_in_dim3A_237] : memref<16x16xf32, #tpu.memory_space<vmem>>[vector<16xi32>, vector<16xi32>], vector<16xf32>,
      %add3A_241 = arith.addf %add3A_235, %gather3A_240 : vector<16xf32>
      %broadcast_in_dim3A_242 = arith.constant 12 : i32
      %broadcast_in_dim3A_243 = vector.broadcast %broadcast_in_dim3A_242 : i32 to vector<16xi32>
      %gather3A_244 = tpu.vector_load_idx %arg13[%iota3A, %broadcast_in_dim3A_243] : memref<16x16xf32, #tpu.memory_space<vmem>>[vector<16xi32>, vector<16xi32>], vector<16xf32>,
      %add3A_245 = arith.addf %add3A_239, %gather3A_244 : vector<16xf32>
      %gather3A_246 = tpu.vector_load_idx %arg14[%iota3A, %broadcast_in_dim3A_243] : memref<16x16xf32, #tpu.memory_space<vmem>>[vector<16xi32>, vector<16xi32>], vector<16xf32>,
      %add3A_247 = arith.addf %add3A_241, %gather3A_246 : vector<16xf32>
      %broadcast_in_dim3A_248 = arith.constant 13 : i32
      %broadcast_in_dim3A_249 = vector.broadcast %broadcast_in_dim3A_248 : i32 to vector<16xi32>
      %gather3A_250 = tpu.vector_load_idx %arg13[%iota3A, %broadcast_in_dim3A_249] : memref<16x16xf32, #tpu.memory_space<vmem>>[vector<16xi32>, vector<16xi32>], vector<16xf32>,
      %add3A_251 = arith.addf %add3A_245, %gather3A_250 : vector<16xf32>
      %gather3A_252 = tpu.vector_load_idx %arg14[%iota3A, %broadcast_in_dim3A_249] : memref<16x16xf32, #tpu.memory_space<vmem>>[vector<16xi32>, vector<16xi32>], vector<16xf32>,
      %add3A_253 = arith.addf %add3A_247, %gather3A_252 : vector<16xf32>
      %broadcast_in_dim3A_254 = arith.constant 14 : i32
      %broadcast_in_dim3A_255 = vector.broadcast %broadcast_in_dim3A_254 : i32 to vector<16xi32>
      %gather3A_256 = tpu.vector_load_idx %arg13[%iota3A, %broadcast_in_dim3A_255] : memref<16x16xf32, #tpu.memory_space<vmem>>[vector<16xi32>, vector<16xi32>], vector<16xf32>,
      %add3A_257 = arith.addf %add3A_251, %gather3A_256 : vector<16xf32>
      %gather3A_258 = tpu.vector_load_idx %arg14[%iota3A, %broadcast_in_dim3A_255] : memref<16x16xf32, #tpu.memory_space<vmem>>[vector<16xi32>, vector<16xi32>], vector<16xf32>,
      %add3A_259 = arith.addf %add3A_253, %gather3A_258 : vector<16xf32>
      %broadcast_in_dim3A_260 = arith.constant 15 : i32
      %broadcast_in_dim3A_261 = vector.broadcast %broadcast_in_dim3A_260 : i32 to vector<16xi32>
      %gather3A_262 = tpu.vector_load_idx %arg13[%iota3A, %broadcast_in_dim3A_261] : memref<16x16xf32, #tpu.memory_space<vmem>>[vector<16xi32>, vector<16xi32>], vector<16xf32>,
      %add3A_263 = arith.addf %add3A_257, %gather3A_262 : vector<16xf32>
      %gather3A_264 = tpu.vector_load_idx %arg14[%iota3A, %broadcast_in_dim3A_261] : memref<16x16xf32, #tpu.memory_space<vmem>>[vector<16xi32>, vector<16xi32>], vector<16xf32>,
      %add3A_265 = arith.addf %add3A_259, %gather3A_264 : vector<16xf32>
      %mul3A_266 = arith.constant 0.00130208337 : f32
      %mul3A_267 = vector.broadcast %mul3A_266 : f32 to vector<16xf32>
      %mul3A_268 = arith.mulf %add3A_263, %mul3A_267 : vector<16xf32>
      %mul3A_269 = arith.constant 0.00130208337 : f32
      %mul3A_270 = vector.broadcast %mul3A_269 : f32 to vector<16xf32>
      %mul3A_271 = arith.mulf %add3A_265, %mul3A_270 : vector<16xf32>
      %mul3A_272 = arith.mulf %mul3A_268, %mul3A_268 : vector<16xf32>
      %sub3A_273 = arith.subf %mul3A_271, %mul3A_272 : vector<16xf32>
      %add3A_274 = arith.constant 1.000000e-03 : f32
      %add3A_275 = vector.broadcast %add3A_274 : f32 to vector<16xf32>
      %add3A_276 = arith.addf %sub3A_273, %add3A_275 : vector<16xf32>
      %bitcast3A = vector.bitcast %add3A_276 : vector<16xf32> to vector<16xi32>
      %shift_right_arithmetic3A = arith.constant 1 : i32
      %shift_right_arithmetic3A_277 = vector.broadcast %shift_right_arithmetic3A : i32 to vector<16xi32>
      %shift_right_arithmetic3A_278 = arith.shrsi %bitcast3A, %shift_right_arithmetic3A_277 : vector<16xi32>
      %sub3A_279 = arith.constant 1597463007 : i32
      %sub3A_280 = vector.broadcast %sub3A_279 : i32 to vector<16xi32>
      %sub3A_281 = arith.subi %sub3A_280, %shift_right_arithmetic3A_278 : vector<16xi32>
      %bitcast3A_282 = vector.bitcast %sub3A_281 : vector<16xi32> to vector<16xf32>
      %mul3A_283 = arith.constant 5.000000e-01 : f32
      %mul3A_284 = vector.broadcast %mul3A_283 : f32 to vector<16xf32>
      %mul3A_285 = arith.mulf %mul3A_284, %add3A_276 : vector<16xf32>
      %mul3A_286 = arith.mulf %mul3A_285, %bitcast3A_282 : vector<16xf32>
      %mul3A_287 = arith.mulf %mul3A_286, %bitcast3A_282 : vector<16xf32>
      %sub3A_288 = arith.constant 1.500000e+00 : f32
      %sub3A_289 = vector.broadcast %sub3A_288 : f32 to vector<16xf32>
      %sub3A_290 = arith.subf %sub3A_289, %mul3A_287 : vector<16xf32>
      %mul3A_291 = arith.mulf %bitcast3A_282, %sub3A_290 : vector<16xf32>
      %mul3A_292 = arith.constant 5.000000e-01 : f32
      %mul3A_293 = vector.broadcast %mul3A_292 : f32 to vector<16xf32>
      %mul3A_294 = arith.mulf %mul3A_293, %add3A_276 : vector<16xf32>
      %mul3A_295 = arith.mulf %mul3A_294, %mul3A_291 : vector<16xf32>
      %mul3A_296 = arith.mulf %mul3A_295, %mul3A_291 : vector<16xf32>
      %sub3A_297 = arith.constant 1.500000e+00 : f32
      %sub3A_298 = vector.broadcast %sub3A_297 : f32 to vector<16xf32>
      %sub3A_299 = arith.subf %sub3A_298, %mul3A_296 : vector<16xf32>
      %mul3A_300 = arith.mulf %mul3A_291, %sub3A_299 : vector<16xf32>
      %mul3A_301 = arith.constant 5.000000e-01 : f32
      %mul3A_302 = vector.broadcast %mul3A_301 : f32 to vector<16xf32>
      %mul3A_303 = arith.mulf %mul3A_302, %add3A_276 : vector<16xf32>
      %mul3A_304 = arith.mulf %mul3A_303, %mul3A_300 : vector<16xf32>
      %mul3A_305 = arith.mulf %mul3A_304, %mul3A_300 : vector<16xf32>
      %sub3A_306 = arith.constant 1.500000e+00 : f32
      %sub3A_307 = vector.broadcast %sub3A_306 : f32 to vector<16xf32>
      %sub3A_308 = arith.subf %sub3A_307, %mul3A_305 : vector<16xf32>
      %mul3A_309 = arith.mulf %mul3A_300, %sub3A_308 : vector<16xf32>
      %neg3A = arith.constant 0.000000e+00 : f32
      %neg3A_310 = vector.broadcast %neg3A : f32 to vector<16xf32>
      %neg3A_311 = arith.subf %neg3A_310, %mul3A_268 : vector<16xf32>
      %mul3A_312 = arith.mulf %neg3A_311, %mul3A_309 : vector<16xf32>
      %get3A = arith.constant 0 : index
      %get3A_313 = tpu.vector_load %arg11[%get3A] {strides = array<i32>} : memref<768xf32, #tpu.memory_space<vmem>>, vector<16xf32>,
      %get3A_314 = arith.constant 16 : index
      %get3A_315 = tpu.vector_load %arg11[%get3A_314] {strides = array<i32>} : memref<768xf32, #tpu.memory_space<vmem>>, vector<16xf32>,
      %get3A_316 = arith.constant 32 : index
      %get3A_317 = tpu.vector_load %arg11[%get3A_316] {strides = array<i32>} : memref<768xf32, #tpu.memory_space<vmem>>, vector<16xf32>,
      %get3A_318 = arith.constant 48 : index
      %get3A_319 = tpu.vector_load %arg11[%get3A_318] {strides = array<i32>} : memref<768xf32, #tpu.memory_space<vmem>>, vector<16xf32>,
      %get3A_320 = arith.constant 64 : index
      %get3A_321 = tpu.vector_load %arg11[%get3A_320] {strides = array<i32>} : memref<768xf32, #tpu.memory_space<vmem>>, vector<16xf32>,
      %get3A_322 = arith.constant 80 : index
      %get3A_323 = tpu.vector_load %arg11[%get3A_322] {strides = array<i32>} : memref<768xf32, #tpu.memory_space<vmem>>, vector<16xf32>,
      %get3A_324 = arith.constant 96 : index
      %get3A_325 = tpu.vector_load %arg11[%get3A_324] {strides = array<i32>} : memref<768xf32, #tpu.memory_space<vmem>>, vector<16xf32>,
      %get3A_326 = arith.constant 112 : index
      %get3A_327 = tpu.vector_load %arg11[%get3A_326] {strides = array<i32>} : memref<768xf32, #tpu.memory_space<vmem>>, vector<16xf32>,
      %get3A_328 = arith.constant 0 : index
      %get3A_329 = tpu.vector_load %arg12[%get3A_328] {strides = array<i32>} : memref<768xf32, #tpu.memory_space<vmem>>, vector<16xf32>,
      %get3A_330 = arith.constant 16 : index
      %get3A_331 = tpu.vector_load %arg12[%get3A_330] {strides = array<i32>} : memref<768xf32, #tpu.memory_space<vmem>>, vector<16xf32>,
      %get3A_332 = arith.constant 32 : index
      %get3A_333 = tpu.vector_load %arg12[%get3A_332] {strides = array<i32>} : memref<768xf32, #tpu.memory_space<vmem>>, vector<16xf32>,
      %get3A_334 = arith.constant 48 : index
      %get3A_335 = tpu.vector_load %arg12[%get3A_334] {strides = array<i32>} : memref<768xf32, #tpu.memory_space<vmem>>, vector<16xf32>,
      %get3A_336 = arith.constant 64 : index
      %get3A_337 = tpu.vector_load %arg12[%get3A_336] {strides = array<i32>} : memref<768xf32, #tpu.memory_space<vmem>>, vector<16xf32>,
      %get3A_338 = arith.constant 80 : index
      %get3A_339 = tpu.vector_load %arg12[%get3A_338] {strides = array<i32>} : memref<768xf32, #tpu.memory_space<vmem>>, vector<16xf32>,
      %get3A_340 = arith.constant 96 : index
      %get3A_341 = tpu.vector_load %arg12[%get3A_340] {strides = array<i32>} : memref<768xf32, #tpu.memory_space<vmem>>, vector<16xf32>,
      %get3A_342 = arith.constant 112 : index
      %get3A_343 = tpu.vector_load %arg12[%get3A_342] {strides = array<i32>} : memref<768xf32, #tpu.memory_space<vmem>>, vector<16xf32>,
      %scan3A_344 = arith.constant 0 : i32
      %scan3A_345 = arith.constant 0 : i32
      %scan3A_346 = arith.constant 16 : i32
      %scan3A_347 = arith.addi %scan3A_345, %scan3A_346 : i32
      %scan3A_348 = arith.constant 2 : i32
      %scan3A_349 = scf.for %scan3A_575 = %scan3A_345 to %scan3A_347 step %scan3A_348 iter_args(%scan3A_576 = %scan3A_344) -> (i32)  : i32 {
        %broadcast_in_dim3A_577 = arith.constant 0 : i32
        %broadcast_in_dim3A_578 = vector.broadcast %broadcast_in_dim3A_577 : i32 to vector<16xi32>
        %add3A_579 = vector.broadcast %scan3A_575 : i32 to vector<16xi32>
        %add3A_580 = arith.addi %broadcast_in_dim3A_578, %add3A_579 : vector<16xi32>
        %reshape3A = vector.shape_cast %add3A_580 : vector<16xi32> to vector<16x1xi32>
        %gather3A_581 = vector.shape_cast %reshape3A : vector<16x1xi32> to vector<16xi32>
        %gather3A_582 = tpu.dynamic_gather %mul3A_309[%gather3A_581] in [0] : vector<16xf32>, vector<16xi32> -> vector<16xf32>
        %reshape3A_583 = vector.shape_cast %add3A_580 : vector<16xi32> to vector<16x1xi32>
        %gather3A_584 = vector.shape_cast %reshape3A_583 : vector<16x1xi32> to vector<16xi32>
        %gather3A_585 = tpu.dynamic_gather %mul3A_312[%gather3A_584] in [0] : vector<16xf32>, vector<16xi32> -> vector<16xf32>
        %get3A_586 = arith.constant 0 : i32
        %get3A_587 = arith.constant 0 : i32
        %get3A_588 = tpu.memref_slice %arg9[%rem3A_136, %get3A_586, %get3A_587] : memref<4x16x768xf32, #tpu.memory_space<vmem>> -> memref<1x16x768xf32, #tpu.memory_space<vmem>>
        %get3A_589 = tpu.memref_squeeze %get3A_588 : memref<1x16x768xf32, #tpu.memory_space<vmem>> -> memref<16x768xf32, #tpu.memory_space<vmem>>
        %get3A_590 = arith.index_cast %scan3A_575 : i32 to index
        %get3A_591 = arith.constant 0 : index
        %get3A_592 = tpu.vector_load %get3A_589[%get3A_590, %get3A_591] {strides = array<i32>} : memref<16x768xf32, #tpu.memory_space<vmem>>, vector<16xf32>,
        %mul3A_593 = arith.mulf %get3A_592, %gather3A_582 : vector<16xf32>
        %add3A_594 = arith.addf %mul3A_593, %gather3A_585 : vector<16xf32>
        %mul3A_595 = arith.mulf %add3A_594, %get3A_313 : vector<16xf32>
        %add3A_596 = arith.addf %mul3A_595, %get3A_329 : vector<16xf32>
        %swap3A = arith.constant 0 : i32
        %swap3A_597 = arith.constant 0 : i32
        %swap3A_598 = tpu.memref_slice %arg9[%rem3A_136, %swap3A, %swap3A_597] : memref<4x16x768xf32, #tpu.memory_space<vmem>> -> memref<1x16x768xf32, #tpu.memory_space<vmem>>
        %swap3A_599 = tpu.memref_squeeze %swap3A_598 : memref<1x16x768xf32, #tpu.memory_space<vmem>> -> memref<16x768xf32, #tpu.memory_space<vmem>>
        %swap3A_600 = arith.index_cast %scan3A_575 : i32 to index
        %swap3A_601 = arith.constant 0 : index
        %swap3A_602 = tpu.vector_load %swap3A_599[%swap3A_600, %swap3A_601] {strides = array<i32>} : memref<16x768xf32, #tpu.memory_space<vmem>>, vector<16xf32>,
        tpu.vector_store %swap3A_599[%swap3A_600, %swap3A_601], %add3A_596 {strides = array<i32>} : memref<16x768xf32, #tpu.memory_space<vmem>>, vector<16xf32>,
        %get3A_603 = arith.constant 0 : i32
        %get3A_604 = arith.constant 0 : i32
        %get3A_605 = tpu.memref_slice %arg9[%rem3A_136, %get3A_603, %get3A_604] : memref<4x16x768xf32, #tpu.memory_space<vmem>> -> memref<1x16x768xf32, #tpu.memory_space<vmem>>
        %get3A_606 = tpu.memref_squeeze %get3A_605 : memref<1x16x768xf32, #tpu.memory_space<vmem>> -> memref<16x768xf32, #tpu.memory_space<vmem>>
        %get3A_607 = arith.index_cast %scan3A_575 : i32 to index
        %get3A_608 = arith.constant 16 : index
        %get3A_609 = tpu.vector_load %get3A_606[%get3A_607, %get3A_608] {strides = array<i32>} : memref<16x768xf32, #tpu.memory_space<vmem>>, vector<16xf32>,
        %mul3A_610 = arith.mulf %get3A_609, %gather3A_582 : vector<16xf32>
        %add3A_611 = arith.addf %mul3A_610, %gather3A_585 : vector<16xf32>
        %mul3A_612 = arith.mulf %add3A_611, %get3A_315 : vector<16xf32>
        %add3A_613 = arith.addf %mul3A_612, %get3A_331 : vector<16xf32>
        %swap3A_614 = arith.constant 0 : i32
        %swap3A_615 = arith.constant 0 : i32
        %swap3A_616 = tpu.memref_slice %arg9[%rem3A_136, %swap3A_614, %swap3A_615] : memref<4x16x768xf32, #tpu.memory_space<vmem>> -> memref<1x16x768xf32, #tpu.memory_space<vmem>>
        %swap3A_617 = tpu.memref_squeeze %swap3A_616 : memref<1x16x768xf32, #tpu.memory_space<vmem>> -> memref<16x768xf32, #tpu.memory_space<vmem>>
        %swap3A_618 = arith.index_cast %scan3A_575 : i32 to index
        %swap3A_619 = arith.constant 16 : index
        %swap3A_620 = tpu.vector_load %swap3A_617[%swap3A_618, %swap3A_619] {strides = array<i32>} : memref<16x768xf32, #tpu.memory_space<vmem>>, vector<16xf32>,
        tpu.vector_store %swap3A_617[%swap3A_618, %swap3A_619], %add3A_613 {strides = array<i32>} : memref<16x768xf32, #tpu.memory_space<vmem>>, vector<16xf32>,
        %get3A_621 = arith.constant 0 : i32
        %get3A_622 = arith.constant 0 : i32
        %get3A_623 = tpu.memref_slice %arg9[%rem3A_136, %get3A_621, %get3A_622] : memref<4x16x768xf32, #tpu.memory_space<vmem>> -> memref<1x16x768xf32, #tpu.memory_space<vmem>>
        %get3A_624 = tpu.memref_squeeze %get3A_623 : memref<1x16x768xf32, #tpu.memory_space<vmem>> -> memref<16x768xf32, #tpu.memory_space<vmem>>
        %get3A_625 = arith.index_cast %scan3A_575 : i32 to index
        %get3A_626 = arith.constant 32 : index
        %get3A_627 = tpu.vector_load %get3A_624[%get3A_625, %get3A_626] {strides = array<i32>} : memref<16x768xf32, #tpu.memory_space<vmem>>, vector<16xf32>,
        %mul3A_628 = arith.mulf %get3A_627, %gather3A_582 : vector<16xf32>
        %add3A_629 = arith.addf %mul3A_628, %gather3A_585 : vector<16xf32>
        %mul3A_630 = arith.mulf %add3A_629, %get3A_317 : vector<16xf32>
        %add3A_631 = arith.addf %mul3A_630, %get3A_333 : vector<16xf32>
        %swap3A_632 = arith.constant 0 : i32
        %swap3A_633 = arith.constant 0 : i32
        %swap3A_634 = tpu.memref_slice %arg9[%rem3A_136, %swap3A_632, %swap3A_633] : memref<4x16x768xf32, #tpu.memory_space<vmem>> -> memref<1x16x768xf32, #tpu.memory_space<vmem>>
        %swap3A_635 = tpu.memref_squeeze %swap3A_634 : memref<1x16x768xf32, #tpu.memory_space<vmem>> -> memref<16x768xf32, #tpu.memory_space<vmem>>
        %swap3A_636 = arith.index_cast %scan3A_575 : i32 to index
        %swap3A_637 = arith.constant 32 : index
        %swap3A_638 = tpu.vector_load %swap3A_635[%swap3A_636, %swap3A_637] {strides = array<i32>} : memref<16x768xf32, #tpu.memory_space<vmem>>, vector<16xf32>,
        tpu.vector_store %swap3A_635[%swap3A_636, %swap3A_637], %add3A_631 {strides = array<i32>} : memref<16x768xf32, #tpu.memory_space<vmem>>, vector<16xf32>,
        %get3A_639 = arith.constant 0 : i32
        %get3A_640 = arith.constant 0 : i32
        %get3A_641 = tpu.memref_slice %arg9[%rem3A_136, %get3A_639, %get3A_640] : memref<4x16x768xf32, #tpu.memory_space<vmem>> -> memref<1x16x768xf32, #tpu.memory_space<vmem>>
        %get3A_642 = tpu.memref_squeeze %get3A_641 : memref<1x16x768xf32, #tpu.memory_space<vmem>> -> memref<16x768xf32, #tpu.memory_space<vmem>>
        %get3A_643 = arith.index_cast %scan3A_575 : i32 to index
        %get3A_644 = arith.constant 48 : index
        %get3A_645 = tpu.vector_load %get3A_642[%get3A_643, %get3A_644] {strides = array<i32>} : memref<16x768xf32, #tpu.memory_space<vmem>>, vector<16xf32>,
        %mul3A_646 = arith.mulf %get3A_645, %gather3A_582 : vector<16xf32>
        %add3A_647 = arith.addf %mul3A_646, %gather3A_585 : vector<16xf32>
        %mul3A_648 = arith.mulf %add3A_647, %get3A_319 : vector<16xf32>
        %add3A_649 = arith.addf %mul3A_648, %get3A_335 : vector<16xf32>
        %swap3A_650 = arith.constant 0 : i32
        %swap3A_651 = arith.constant 0 : i32
        %swap3A_652 = tpu.memref_slice %arg9[%rem3A_136, %swap3A_650, %swap3A_651] : memref<4x16x768xf32, #tpu.memory_space<vmem>> -> memref<1x16x768xf32, #tpu.memory_space<vmem>>
        %swap3A_653 = tpu.memref_squeeze %swap3A_652 : memref<1x16x768xf32, #tpu.memory_space<vmem>> -> memref<16x768xf32, #tpu.memory_space<vmem>>
        %swap3A_654 = arith.index_cast %scan3A_575 : i32 to index
        %swap3A_655 = arith.constant 48 : index
        %swap3A_656 = tpu.vector_load %swap3A_653[%swap3A_654, %swap3A_655] {strides = array<i32>} : memref<16x768xf32, #tpu.memory_space<vmem>>, vector<16xf32>,
        tpu.vector_store %swap3A_653[%swap3A_654, %swap3A_655], %add3A_649 {strides = array<i32>} : memref<16x768xf32, #tpu.memory_space<vmem>>, vector<16xf32>,
        %get3A_657 = arith.constant 0 : i32
        %get3A_658 = arith.constant 0 : i32
        %get3A_659 = tpu.memref_slice %arg9[%rem3A_136, %get3A_657, %get3A_658] : memref<4x16x768xf32, #tpu.memory_space<vmem>> -> memref<1x16x768xf32, #tpu.memory_space<vmem>>
        %get3A_660 = tpu.memref_squeeze %get3A_659 : memref<1x16x768xf32, #tpu.memory_space<vmem>> -> memref<16x768xf32, #tpu.memory_space<vmem>>
        %get3A_661 = arith.index_cast %scan3A_575 : i32 to index
        %get3A_662 = arith.constant 64 : index
        %get3A_663 = tpu.vector_load %get3A_660[%get3A_661, %get3A_662] {strides = array<i32>} : memref<16x768xf32, #tpu.memory_space<vmem>>, vector<16xf32>,
        %mul3A_664 = arith.mulf %get3A_663, %gather3A_582 : vector<16xf32>
        %add3A_665 = arith.addf %mul3A_664, %gather3A_585 : vector<16xf32>
        %mul3A_666 = arith.mulf %add3A_665, %get3A_321 : vector<16xf32>
        %add3A_667 = arith.addf %mul3A_666, %get3A_337 : vector<16xf32>
        %swap3A_668 = arith.constant 0 : i32
        %swap3A_669 = arith.constant 0 : i32
        %swap3A_670 = tpu.memref_slice %arg9[%rem3A_136, %swap3A_668, %swap3A_669] : memref<4x16x768xf32, #tpu.memory_space<vmem>> -> memref<1x16x768xf32, #tpu.memory_space<vmem>>
        %swap3A_671 = tpu.memref_squeeze %swap3A_670 : memref<1x16x768xf32, #tpu.memory_space<vmem>> -> memref<16x768xf32, #tpu.memory_space<vmem>>
        %swap3A_672 = arith.index_cast %scan3A_575 : i32 to index
        %swap3A_673 = arith.constant 64 : index
        %swap3A_674 = tpu.vector_load %swap3A_671[%swap3A_672, %swap3A_673] {strides = array<i32>} : memref<16x768xf32, #tpu.memory_space<vmem>>, vector<16xf32>,
        tpu.vector_store %swap3A_671[%swap3A_672, %swap3A_673], %add3A_667 {strides = array<i32>} : memref<16x768xf32, #tpu.memory_space<vmem>>, vector<16xf32>,
        %get3A_675 = arith.constant 0 : i32
        %get3A_676 = arith.constant 0 : i32
        %get3A_677 = tpu.memref_slice %arg9[%rem3A_136, %get3A_675, %get3A_676] : memref<4x16x768xf32, #tpu.memory_space<vmem>> -> memref<1x16x768xf32, #tpu.memory_space<vmem>>
        %get3A_678 = tpu.memref_squeeze %get3A_677 : memref<1x16x768xf32, #tpu.memory_space<vmem>> -> memref<16x768xf32, #tpu.memory_space<vmem>>
        %get3A_679 = arith.index_cast %scan3A_575 : i32 to index
        %get3A_680 = arith.constant 80 : index
        %get3A_681 = tpu.vector_load %get3A_678[%get3A_679, %get3A_680] {strides = array<i32>} : memref<16x768xf32, #tpu.memory_space<vmem>>, vector<16xf32>,
        %mul3A_682 = arith.mulf %get3A_681, %gather3A_582 : vector<16xf32>
        %add3A_683 = arith.addf %mul3A_682, %gather3A_585 : vector<16xf32>
        %mul3A_684 = arith.mulf %add3A_683, %get3A_323 : vector<16xf32>
        %add3A_685 = arith.addf %mul3A_684, %get3A_339 : vector<16xf32>
        %swap3A_686 = arith.constant 0 : i32
        %swap3A_687 = arith.constant 0 : i32
        %swap3A_688 = tpu.memref_slice %arg9[%rem3A_136, %swap3A_686, %swap3A_687] : memref<4x16x768xf32, #tpu.memory_space<vmem>> -> memref<1x16x768xf32, #tpu.memory_space<vmem>>
        %swap3A_689 = tpu.memref_squeeze %swap3A_688 : memref<1x16x768xf32, #tpu.memory_space<vmem>> -> memref<16x768xf32, #tpu.memory_space<vmem>>
        %swap3A_690 = arith.index_cast %scan3A_575 : i32 to index
        %swap3A_691 = arith.constant 80 : index
        %swap3A_692 = tpu.vector_load %swap3A_689[%swap3A_690, %swap3A_691] {strides = array<i32>} : memref<16x768xf32, #tpu.memory_space<vmem>>, vector<16xf32>,
        tpu.vector_store %swap3A_689[%swap3A_690, %swap3A_691], %add3A_685 {strides = array<i32>} : memref<16x768xf32, #tpu.memory_space<vmem>>, vector<16xf32>,
        %get3A_693 = arith.constant 0 : i32
        %get3A_694 = arith.constant 0 : i32
        %get3A_695 = tpu.memref_slice %arg9[%rem3A_136, %get3A_693, %get3A_694] : memref<4x16x768xf32, #tpu.memory_space<vmem>> -> memref<1x16x768xf32, #tpu.memory_space<vmem>>
        %get3A_696 = tpu.memref_squeeze %get3A_695 : memref<1x16x768xf32, #tpu.memory_space<vmem>> -> memref<16x768xf32, #tpu.memory_space<vmem>>
        %get3A_697 = arith.index_cast %scan3A_575 : i32 to index
        %get3A_698 = arith.constant 96 : index
        %get3A_699 = tpu.vector_load %get3A_696[%get3A_697, %get3A_698] {strides = array<i32>} : memref<16x768xf32, #tpu.memory_space<vmem>>, vector<16xf32>,
        %mul3A_700 = arith.mulf %get3A_699, %gather3A_582 : vector<16xf32>
        %add3A_701 = arith.addf %mul3A_700, %gather3A_585 : vector<16xf32>
        %mul3A_702 = arith.mulf %add3A_701, %get3A_325 : vector<16xf32>
        %add3A_703 = arith.addf %mul3A_702, %get3A_341 : vector<16xf32>
        %swap3A_704 = arith.constant 0 : i32
        %swap3A_705 = arith.constant 0 : i32
        %swap3A_706 = tpu.memref_slice %arg9[%rem3A_136, %swap3A_704, %swap3A_705] : memref<4x16x768xf32, #tpu.memory_space<vmem>> -> memref<1x16x768xf32, #tpu.memory_space<vmem>>
        %swap3A_707 = tpu.memref_squeeze %swap3A_706 : memref<1x16x768xf32, #tpu.memory_space<vmem>> -> memref<16x768xf32, #tpu.memory_space<vmem>>
        %swap3A_708 = arith.index_cast %scan3A_575 : i32 to index
        %swap3A_709 = arith.constant 96 : index
        %swap3A_710 = tpu.vector_load %swap3A_707[%swap3A_708, %swap3A_709] {strides = array<i32>} : memref<16x768xf32, #tpu.memory_space<vmem>>, vector<16xf32>,
        tpu.vector_store %swap3A_707[%swap3A_708, %swap3A_709], %add3A_703 {strides = array<i32>} : memref<16x768xf32, #tpu.memory_space<vmem>>, vector<16xf32>,
        %get3A_711 = arith.constant 0 : i32
        %get3A_712 = arith.constant 0 : i32
        %get3A_713 = tpu.memref_slice %arg9[%rem3A_136, %get3A_711, %get3A_712] : memref<4x16x768xf32, #tpu.memory_space<vmem>> -> memref<1x16x768xf32, #tpu.memory_space<vmem>>
        %get3A_714 = tpu.memref_squeeze %get3A_713 : memref<1x16x768xf32, #tpu.memory_space<vmem>> -> memref<16x768xf32, #tpu.memory_space<vmem>>
        %get3A_715 = arith.index_cast %scan3A_575 : i32 to index
        %get3A_716 = arith.constant 112 : index
        %get3A_717 = tpu.vector_load %get3A_714[%get3A_715, %get3A_716] {strides = array<i32>} : memref<16x768xf32, #tpu.memory_space<vmem>>, vector<16xf32>,
        %mul3A_718 = arith.mulf %get3A_717, %gather3A_582 : vector<16xf32>
        %add3A_719 = arith.addf %mul3A_718, %gather3A_585 : vector<16xf32>
        %mul3A_720 = arith.mulf %add3A_719, %get3A_327 : vector<16xf32>
        %add3A_721 = arith.addf %mul3A_720, %get3A_343 : vector<16xf32>
        %swap3A_722 = arith.constant 0 : i32
        %swap3A_723 = arith.constant 0 : i32
        %swap3A_724 = tpu.memref_slice %arg9[%rem3A_136, %swap3A_722, %swap3A_723] : memref<4x16x768xf32, #tpu.memory_space<vmem>> -> memref<1x16x768xf32, #tpu.memory_space<vmem>>
        %swap3A_725 = tpu.memref_squeeze %swap3A_724 : memref<1x16x768xf32, #tpu.memory_space<vmem>> -> memref<16x768xf32, #tpu.memory_space<vmem>>
        %swap3A_726 = arith.index_cast %scan3A_575 : i32 to index
        %swap3A_727 = arith.constant 112 : index
        %swap3A_728 = tpu.vector_load %swap3A_725[%swap3A_726, %swap3A_727] {strides = array<i32>} : memref<16x768xf32, #tpu.memory_space<vmem>>, vector<16xf32>,
        tpu.vector_store %swap3A_725[%swap3A_726, %swap3A_727], %add3A_721 {strides = array<i32>} : memref<16x768xf32, #tpu.memory_space<vmem>>, vector<16xf32>,
        %scan3A_729 = arith.constant 0 : i32
        %scan3A_730 = arith.constant 1 : i32
        %scan3A_731 = arith.addi %scan3A_575, %scan3A_730 : i32
        %broadcast_in_dim3A_732 = arith.constant 0 : i32
        %broadcast_in_dim3A_733 = vector.broadcast %broadcast_in_dim3A_732 : i32 to vector<16xi32>
        %add3A_734 = vector.broadcast %scan3A_731 : i32 to vector<16xi32>
        %add3A_735 = arith.addi %broadcast_in_dim3A_733, %add3A_734 : vector<16xi32>
        %reshape3A_736 = vector.shape_cast %add3A_735 : vector<16xi32> to vector<16x1xi32>
        %gather3A_737 = vector.shape_cast %reshape3A_736 : vector<16x1xi32> to vector<16xi32>
        %gather3A_738 = tpu.dynamic_gather %mul3A_309[%gather3A_737] in [0] : vector<16xf32>, vector<16xi32> -> vector<16xf32>
        %reshape3A_739 = vector.shape_cast %add3A_735 : vector<16xi32> to vector<16x1xi32>
        %gather3A_740 = vector.shape_cast %reshape3A_739 : vector<16x1xi32> to vector<16xi32>
        %gather3A_741 = tpu.dynamic_gather %mul3A_312[%gather3A_740] in [0] : vector<16xf32>, vector<16xi32> -> vector<16xf32>
        %get3A_742 = arith.constant 0 : i32
        %get3A_743 = arith.constant 0 : i32
        %get3A_744 = tpu.memref_slice %arg9[%rem3A_136, %get3A_742, %get3A_743] : memref<4x16x768xf32, #tpu.memory_space<vmem>> -> memref<1x16x768xf32, #tpu.memory_space<vmem>>
        %get3A_745 = tpu.memref_squeeze %get3A_744 : memref<1x16x768xf32, #tpu.memory_space<vmem>> -> memref<16x768xf32, #tpu.memory_space<vmem>>
        %get3A_746 = arith.index_cast %scan3A_731 : i32 to index
        %get3A_747 = arith.constant 0 : index
        %get3A_748 = tpu.vector_load %get3A_745[%get3A_746, %get3A_747] {strides = array<i32>} : memref<16x768xf32, #tpu.memory_space<vmem>>, vector<16xf32>,
        %mul3A_749 = arith.mulf %get3A_748, %gather3A_738 : vector<16xf32>
        %add3A_750 = arith.addf %mul3A_749, %gather3A_741 : vector<16xf32>
        %mul3A_751 = arith.mulf %add3A_750, %get3A_313 : vector<16xf32>
        %add3A_752 = arith.addf %mul3A_751, %get3A_329 : vector<16xf32>
        %swap3A_753 = arith.constant 0 : i32
        %swap3A_754 = arith.constant 0 : i32
        %swap3A_755 = tpu.memref_slice %arg9[%rem3A_136, %swap3A_753, %swap3A_754] : memref<4x16x768xf32, #tpu.memory_space<vmem>> -> memref<1x16x768xf32, #tpu.memory_space<vmem>>
        %swap3A_756 = tpu.memref_squeeze %swap3A_755 : memref<1x16x768xf32, #tpu.memory_space<vmem>> -> memref<16x768xf32, #tpu.memory_space<vmem>>
        %swap3A_757 = arith.index_cast %scan3A_731 : i32 to index
        %swap3A_758 = arith.constant 0 : index
        %swap3A_759 = tpu.vector_load %swap3A_756[%swap3A_757, %swap3A_758] {strides = array<i32>} : memref<16x768xf32, #tpu.memory_space<vmem>>, vector<16xf32>,
        tpu.vector_store %swap3A_756[%swap3A_757, %swap3A_758], %add3A_752 {strides = array<i32>} : memref<16x768xf32, #tpu.memory_space<vmem>>, vector<16xf32>,
        %get3A_760 = arith.constant 0 : i32
        %get3A_761 = arith.constant 0 : i32
        %get3A_762 = tpu.memref_slice %arg9[%rem3A_136, %get3A_760, %get3A_761] : memref<4x16x768xf32, #tpu.memory_space<vmem>> -> memref<1x16x768xf32, #tpu.memory_space<vmem>>
        %get3A_763 = tpu.memref_squeeze %get3A_762 : memref<1x16x768xf32, #tpu.memory_space<vmem>> -> memref<16x768xf32, #tpu.memory_space<vmem>>
        %get3A_764 = arith.index_cast %scan3A_731 : i32 to index
        %get3A_765 = arith.constant 16 : index
        %get3A_766 = tpu.vector_load %get3A_763[%get3A_764, %get3A_765] {strides = array<i32>} : memref<16x768xf32, #tpu.memory_space<vmem>>, vector<16xf32>,
        %mul3A_767 = arith.mulf %get3A_766, %gather3A_738 : vector<16xf32>
        %add3A_768 = arith.addf %mul3A_767, %gather3A_741 : vector<16xf32>
        %mul3A_769 = arith.mulf %add3A_768, %get3A_315 : vector<16xf32>
        %add3A_770 = arith.addf %mul3A_769, %get3A_331 : vector<16xf32>
        %swap3A_771 = arith.constant 0 : i32
        %swap3A_772 = arith.constant 0 : i32
        %swap3A_773 = tpu.memref_slice %arg9[%rem3A_136, %swap3A_771, %swap3A_772] : memref<4x16x768xf32, #tpu.memory_space<vmem>> -> memref<1x16x768xf32, #tpu.memory_space<vmem>>
        %swap3A_774 = tpu.memref_squeeze %swap3A_773 : memref<1x16x768xf32, #tpu.memory_space<vmem>> -> memref<16x768xf32, #tpu.memory_space<vmem>>
        %swap3A_775 = arith.index_cast %scan3A_731 : i32 to index
        %swap3A_776 = arith.constant 16 : index
        %swap3A_777 = tpu.vector_load %swap3A_774[%swap3A_775, %swap3A_776] {strides = array<i32>} : memref<16x768xf32, #tpu.memory_space<vmem>>, vector<16xf32>,
        tpu.vector_store %swap3A_774[%swap3A_775, %swap3A_776], %add3A_770 {strides = array<i32>} : memref<16x768xf32, #tpu.memory_space<vmem>>, vector<16xf32>,
        %get3A_778 = arith.constant 0 : i32
        %get3A_779 = arith.constant 0 : i32
        %get3A_780 = tpu.memref_slice %arg9[%rem3A_136, %get3A_778, %get3A_779] : memref<4x16x768xf32, #tpu.memory_space<vmem>> -> memref<1x16x768xf32, #tpu.memory_space<vmem>>
        %get3A_781 = tpu.memref_squeeze %get3A_780 : memref<1x16x768xf32, #tpu.memory_space<vmem>> -> memref<16x768xf32, #tpu.memory_space<vmem>>
        %get3A_782 = arith.index_cast %scan3A_731 : i32 to index
        %get3A_783 = arith.constant 32 : index
        %get3A_784 = tpu.vector_load %get3A_781[%get3A_782, %get3A_783] {strides = array<i32>} : memref<16x768xf32, #tpu.memory_space<vmem>>, vector<16xf32>,
        %mul3A_785 = arith.mulf %get3A_784, %gather3A_738 : vector<16xf32>
        %add3A_786 = arith.addf %mul3A_785, %gather3A_741 : vector<16xf32>
        %mul3A_787 = arith.mulf %add3A_786, %get3A_317 : vector<16xf32>
        %add3A_788 = arith.addf %mul3A_787, %get3A_333 : vector<16xf32>
        %swap3A_789 = arith.constant 0 : i32
        %swap3A_790 = arith.constant 0 : i32
        %swap3A_791 = tpu.memref_slice %arg9[%rem3A_136, %swap3A_789, %swap3A_790] : memref<4x16x768xf32, #tpu.memory_space<vmem>> -> memref<1x16x768xf32, #tpu.memory_space<vmem>>
        %swap3A_792 = tpu.memref_squeeze %swap3A_791 : memref<1x16x768xf32, #tpu.memory_space<vmem>> -> memref<16x768xf32, #tpu.memory_space<vmem>>
        %swap3A_793 = arith.index_cast %scan3A_731 : i32 to index
        %swap3A_794 = arith.constant 32 : index
        %swap3A_795 = tpu.vector_load %swap3A_792[%swap3A_793, %swap3A_794] {strides = array<i32>} : memref<16x768xf32, #tpu.memory_space<vmem>>, vector<16xf32>,
        tpu.vector_store %swap3A_792[%swap3A_793, %swap3A_794], %add3A_788 {strides = array<i32>} : memref<16x768xf32, #tpu.memory_space<vmem>>, vector<16xf32>,
        %get3A_796 = arith.constant 0 : i32
        %get3A_797 = arith.constant 0 : i32
        %get3A_798 = tpu.memref_slice %arg9[%rem3A_136, %get3A_796, %get3A_797] : memref<4x16x768xf32, #tpu.memory_space<vmem>> -> memref<1x16x768xf32, #tpu.memory_space<vmem>>
        %get3A_799 = tpu.memref_squeeze %get3A_798 : memref<1x16x768xf32, #tpu.memory_space<vmem>> -> memref<16x768xf32, #tpu.memory_space<vmem>>
        %get3A_800 = arith.index_cast %scan3A_731 : i32 to index
        %get3A_801 = arith.constant 48 : index
        %get3A_802 = tpu.vector_load %get3A_799[%get3A_800, %get3A_801] {strides = array<i32>} : memref<16x768xf32, #tpu.memory_space<vmem>>, vector<16xf32>,
        %mul3A_803 = arith.mulf %get3A_802, %gather3A_738 : vector<16xf32>
        %add3A_804 = arith.addf %mul3A_803, %gather3A_741 : vector<16xf32>
        %mul3A_805 = arith.mulf %add3A_804, %get3A_319 : vector<16xf32>
        %add3A_806 = arith.addf %mul3A_805, %get3A_335 : vector<16xf32>
        %swap3A_807 = arith.constant 0 : i32
        %swap3A_808 = arith.constant 0 : i32
        %swap3A_809 = tpu.memref_slice %arg9[%rem3A_136, %swap3A_807, %swap3A_808] : memref<4x16x768xf32, #tpu.memory_space<vmem>> -> memref<1x16x768xf32, #tpu.memory_space<vmem>>
        %swap3A_810 = tpu.memref_squeeze %swap3A_809 : memref<1x16x768xf32, #tpu.memory_space<vmem>> -> memref<16x768xf32, #tpu.memory_space<vmem>>
        %swap3A_811 = arith.index_cast %scan3A_731 : i32 to index
        %swap3A_812 = arith.constant 48 : index
        %swap3A_813 = tpu.vector_load %swap3A_810[%swap3A_811, %swap3A_812] {strides = array<i32>} : memref<16x768xf32, #tpu.memory_space<vmem>>, vector<16xf32>,
        tpu.vector_store %swap3A_810[%swap3A_811, %swap3A_812], %add3A_806 {strides = array<i32>} : memref<16x768xf32, #tpu.memory_space<vmem>>, vector<16xf32>,
        %get3A_814 = arith.constant 0 : i32
        %get3A_815 = arith.constant 0 : i32
        %get3A_816 = tpu.memref_slice %arg9[%rem3A_136, %get3A_814, %get3A_815] : memref<4x16x768xf32, #tpu.memory_space<vmem>> -> memref<1x16x768xf32, #tpu.memory_space<vmem>>
        %get3A_817 = tpu.memref_squeeze %get3A_816 : memref<1x16x768xf32, #tpu.memory_space<vmem>> -> memref<16x768xf32, #tpu.memory_space<vmem>>
        %get3A_818 = arith.index_cast %scan3A_731 : i32 to index
        %get3A_819 = arith.constant 64 : index
        %get3A_820 = tpu.vector_load %get3A_817[%get3A_818, %get3A_819] {strides = array<i32>} : memref<16x768xf32, #tpu.memory_space<vmem>>, vector<16xf32>,
        %mul3A_821 = arith.mulf %get3A_820, %gather3A_738 : vector<16xf32>
        %add3A_822 = arith.addf %mul3A_821, %gather3A_741 : vector<16xf32>
        %mul3A_823 = arith.mulf %add3A_822, %get3A_321 : vector<16xf32>
        %add3A_824 = arith.addf %mul3A_823, %get3A_337 : vector<16xf32>
        %swap3A_825 = arith.constant 0 : i32
        %swap3A_826 = arith.constant 0 : i32
        %swap3A_827 = tpu.memref_slice %arg9[%rem3A_136, %swap3A_825, %swap3A_826] : memref<4x16x768xf32, #tpu.memory_space<vmem>> -> memref<1x16x768xf32, #tpu.memory_space<vmem>>
        %swap3A_828 = tpu.memref_squeeze %swap3A_827 : memref<1x16x768xf32, #tpu.memory_space<vmem>> -> memref<16x768xf32, #tpu.memory_space<vmem>>
        %swap3A_829 = arith.index_cast %scan3A_731 : i32 to index
        %swap3A_830 = arith.constant 64 : index
        %swap3A_831 = tpu.vector_load %swap3A_828[%swap3A_829, %swap3A_830] {strides = array<i32>} : memref<16x768xf32, #tpu.memory_space<vmem>>, vector<16xf32>,
        tpu.vector_store %swap3A_828[%swap3A_829, %swap3A_830], %add3A_824 {strides = array<i32>} : memref<16x768xf32, #tpu.memory_space<vmem>>, vector<16xf32>,
        %get3A_832 = arith.constant 0 : i32
        %get3A_833 = arith.constant 0 : i32
        %get3A_834 = tpu.memref_slice %arg9[%rem3A_136, %get3A_832, %get3A_833] : memref<4x16x768xf32, #tpu.memory_space<vmem>> -> memref<1x16x768xf32, #tpu.memory_space<vmem>>
        %get3A_835 = tpu.memref_squeeze %get3A_834 : memref<1x16x768xf32, #tpu.memory_space<vmem>> -> memref<16x768xf32, #tpu.memory_space<vmem>>
        %get3A_836 = arith.index_cast %scan3A_731 : i32 to index
        %get3A_837 = arith.constant 80 : index
        %get3A_838 = tpu.vector_load %get3A_835[%get3A_836, %get3A_837] {strides = array<i32>} : memref<16x768xf32, #tpu.memory_space<vmem>>, vector<16xf32>,
        %mul3A_839 = arith.mulf %get3A_838, %gather3A_738 : vector<16xf32>
        %add3A_840 = arith.addf %mul3A_839, %gather3A_741 : vector<16xf32>
        %mul3A_841 = arith.mulf %add3A_840, %get3A_323 : vector<16xf32>
        %add3A_842 = arith.addf %mul3A_841, %get3A_339 : vector<16xf32>
        %swap3A_843 = arith.constant 0 : i32
        %swap3A_844 = arith.constant 0 : i32
        %swap3A_845 = tpu.memref_slice %arg9[%rem3A_136, %swap3A_843, %swap3A_844] : memref<4x16x768xf32, #tpu.memory_space<vmem>> -> memref<1x16x768xf32, #tpu.memory_space<vmem>>
        %swap3A_846 = tpu.memref_squeeze %swap3A_845 : memref<1x16x768xf32, #tpu.memory_space<vmem>> -> memref<16x768xf32, #tpu.memory_space<vmem>>
        %swap3A_847 = arith.index_cast %scan3A_731 : i32 to index
        %swap3A_848 = arith.constant 80 : index
        %swap3A_849 = tpu.vector_load %swap3A_846[%swap3A_847, %swap3A_848] {strides = array<i32>} : memref<16x768xf32, #tpu.memory_space<vmem>>, vector<16xf32>,
        tpu.vector_store %swap3A_846[%swap3A_847, %swap3A_848], %add3A_842 {strides = array<i32>} : memref<16x768xf32, #tpu.memory_space<vmem>>, vector<16xf32>,
        %get3A_850 = arith.constant 0 : i32
        %get3A_851 = arith.constant 0 : i32
        %get3A_852 = tpu.memref_slice %arg9[%rem3A_136, %get3A_850, %get3A_851] : memref<4x16x768xf32, #tpu.memory_space<vmem>> -> memref<1x16x768xf32, #tpu.memory_space<vmem>>
        %get3A_853 = tpu.memref_squeeze %get3A_852 : memref<1x16x768xf32, #tpu.memory_space<vmem>> -> memref<16x768xf32, #tpu.memory_space<vmem>>
        %get3A_854 = arith.index_cast %scan3A_731 : i32 to index
        %get3A_855 = arith.constant 96 : index
        %get3A_856 = tpu.vector_load %get3A_853[%get3A_854, %get3A_855] {strides = array<i32>} : memref<16x768xf32, #tpu.memory_space<vmem>>, vector<16xf32>,
        %mul3A_857 = arith.mulf %get3A_856, %gather3A_738 : vector<16xf32>
        %add3A_858 = arith.addf %mul3A_857, %gather3A_741 : vector<16xf32>
        %mul3A_859 = arith.mulf %add3A_858, %get3A_325 : vector<16xf32>
        %add3A_860 = arith.addf %mul3A_859, %get3A_341 : vector<16xf32>
        %swap3A_861 = arith.constant 0 : i32
        %swap3A_862 = arith.constant 0 : i32
        %swap3A_863 = tpu.memref_slice %arg9[%rem3A_136, %swap3A_861, %swap3A_862] : memref<4x16x768xf32, #tpu.memory_space<vmem>> -> memref<1x16x768xf32, #tpu.memory_space<vmem>>
        %swap3A_864 = tpu.memref_squeeze %swap3A_863 : memref<1x16x768xf32, #tpu.memory_space<vmem>> -> memref<16x768xf32, #tpu.memory_space<vmem>>
        %swap3A_865 = arith.index_cast %scan3A_731 : i32 to index
        %swap3A_866 = arith.constant 96 : index
        %swap3A_867 = tpu.vector_load %swap3A_864[%swap3A_865, %swap3A_866] {strides = array<i32>} : memref<16x768xf32, #tpu.memory_space<vmem>>, vector<16xf32>,
        tpu.vector_store %swap3A_864[%swap3A_865, %swap3A_866], %add3A_860 {strides = array<i32>} : memref<16x768xf32, #tpu.memory_space<vmem>>, vector<16xf32>,
        %get3A_868 = arith.constant 0 : i32
        %get3A_869 = arith.constant 0 : i32
        %get3A_870 = tpu.memref_slice %arg9[%rem3A_136, %get3A_868, %get3A_869] : memref<4x16x768xf32, #tpu.memory_space<vmem>> -> memref<1x16x768xf32, #tpu.memory_space<vmem>>
        %get3A_871 = tpu.memref_squeeze %get3A_870 : memref<1x16x768xf32, #tpu.memory_space<vmem>> -> memref<16x768xf32, #tpu.memory_space<vmem>>
        %get3A_872 = arith.index_cast %scan3A_731 : i32 to index
        %get3A_873 = arith.constant 112 : index
        %get3A_874 = tpu.vector_load %get3A_871[%get3A_872, %get3A_873] {strides = array<i32>} : memref<16x768xf32, #tpu.memory_space<vmem>>, vector<16xf32>,
        %mul3A_875 = arith.mulf %get3A_874, %gather3A_738 : vector<16xf32>
        %add3A_876 = arith.addf %mul3A_875, %gather3A_741 : vector<16xf32>
        %mul3A_877 = arith.mulf %add3A_876, %get3A_327 : vector<16xf32>
        %add3A_878 = arith.addf %mul3A_877, %get3A_343 : vector<16xf32>
        %swap3A_879 = arith.constant 0 : i32
        %swap3A_880 = arith.constant 0 : i32
        %swap3A_881 = tpu.memref_slice %arg9[%rem3A_136, %swap3A_879, %swap3A_880] : memref<4x16x768xf32, #tpu.memory_space<vmem>> -> memref<1x16x768xf32, #tpu.memory_space<vmem>>
        %swap3A_882 = tpu.memref_squeeze %swap3A_881 : memref<1x16x768xf32, #tpu.memory_space<vmem>> -> memref<16x768xf32, #tpu.memory_space<vmem>>
        %swap3A_883 = arith.index_cast %scan3A_731 : i32 to index
        %swap3A_884 = arith.constant 112 : index
        %swap3A_885 = tpu.vector_load %swap3A_882[%swap3A_883, %swap3A_884] {strides = array<i32>} : memref<16x768xf32, #tpu.memory_space<vmem>>, vector<16xf32>,
        tpu.vector_store %swap3A_882[%swap3A_883, %swap3A_884], %add3A_878 {strides = array<i32>} : memref<16x768xf32, #tpu.memory_space<vmem>>, vector<16xf32>,
        %scan3A_886 = arith.constant 0 : i32
        scf.yield %scan3A_886 : i32
      }
      %scan3A_350 = arith.constant 16 : i32
      %get3A_351 = arith.constant 128 : index
      %get3A_352 = tpu.vector_load %arg11[%get3A_351] {strides = array<i32>} : memref<768xf32, #tpu.memory_space<vmem>>, vector<16xf32>,
      %get3A_353 = arith.constant 144 : index
      %get3A_354 = tpu.vector_load %arg11[%get3A_353] {strides = array<i32>} : memref<768xf32, #tpu.memory_space<vmem>>, vector<16xf32>,
      %get3A_355 = arith.constant 160 : index
      %get3A_356 = tpu.vector_load %arg11[%get3A_355] {strides = array<i32>} : memref<768xf32, #tpu.memory_space<vmem>>, vector<16xf32>,
      %get3A_357 = arith.constant 176 : index
      %get3A_358 = tpu.vector_load %arg11[%get3A_357] {strides = array<i32>} : memref<768xf32, #tpu.memory_space<vmem>>, vector<16xf32>,
      %get3A_359 = arith.constant 192 : index
      %get3A_360 = tpu.vector_load %arg11[%get3A_359] {strides = array<i32>} : memref<768xf32, #tpu.memory_space<vmem>>, vector<16xf32>,
      %get3A_361 = arith.constant 208 : index
      %get3A_362 = tpu.vector_load %arg11[%get3A_361] {strides = array<i32>} : memref<768xf32, #tpu.memory_space<vmem>>, vector<16xf32>,
      %get3A_363 = arith.constant 224 : index
      %get3A_364 = tpu.vector_load %arg11[%get3A_363] {strides = array<i32>} : memref<768xf32, #tpu.memory_space<vmem>>, vector<16xf32>,
      %get3A_365 = arith.constant 240 : index
      %get3A_366 = tpu.vector_load %arg11[%get3A_365] {strides = array<i32>} : memref<768xf32, #tpu.memory_space<vmem>>, vector<16xf32>,
      %get3A_367 = arith.constant 128 : index
      %get3A_368 = tpu.vector_load %arg12[%get3A_367] {strides = array<i32>} : memref<768xf32, #tpu.memory_space<vmem>>, vector<16xf32>,
      %get3A_369 = arith.constant 144 : index
      %get3A_370 = tpu.vector_load %arg12[%get3A_369] {strides = array<i32>} : memref<768xf32, #tpu.memory_space<vmem>>, vector<16xf32>,
      %get3A_371 = arith.constant 160 : index
      %get3A_372 = tpu.vector_load %arg12[%get3A_371] {strides = array<i32>} : memref<768xf32, #tpu.memory_space<vmem>>, vector<16xf32>,
      %get3A_373 = arith.constant 176 : index
      %get3A_374 = tpu.vector_load %arg12[%get3A_373] {strides = array<i32>} : memref<768xf32, #tpu.memory_space<vmem>>, vector<16xf32>,
      %get3A_375 = arith.constant 192 : index
      %get3A_376 = tpu.vector_load %arg12[%get3A_375] {strides = array<i32>} : memref<768xf32, #tpu.memory_space<vmem>>, vector<16xf32>,
      %get3A_377 = arith.constant 208 : index
      %get3A_378 = tpu.vector_load %arg12[%get3A_377] {strides = array<i32>} : memref<768xf32, #tpu.memory_space<vmem>>, vector<16xf32>,
      %get3A_379 = arith.constant 224 : index
      %get3A_380 = tpu.vector_load %arg12[%get3A_379] {strides = array<i32>} : memref<768xf32, #tpu.memory_space<vmem>>, vector<16xf32>,
      %get3A_381 = arith.constant 240 : index
      %get3A_382 = tpu.vector_load %arg12[%get3A_381] {strides = array<i32>} : memref<768xf32, #tpu.memory_space<vmem>>, vector<16xf32>,
      %scan3A_383 = arith.constant 0 : i32
      %scan3A_384 = arith.constant 0 : i32
      %scan3A_385 = arith.constant 16 : i32
      %scan3A_386 = arith.addi %scan3A_384, %scan3A_385 : i32
      %scan3A_387 = arith.constant 2 : i32
      %scan3A_388 = scf.for %scan3A_575 = %scan3A_384 to %scan3A_386 step %scan3A_387 iter_args(%scan3A_576 = %scan3A_383) -> (i32)  : i32 {
        %broadcast_in_dim3A_577 = arith.constant 0 : i32
        %broadcast_in_dim3A_578 = vector.broadcast %broadcast_in_dim3A_577 : i32 to vector<16xi32>
        %add3A_579 = vector.broadcast %scan3A_575 : i32 to vector<16xi32>
        %add3A_580 = arith.addi %broadcast_in_dim3A_578, %add3A_579 : vector<16xi32>
        %reshape3A = vector.shape_cast %add3A_580 : vector<16xi32> to vector<16x1xi32>
        %gather3A_581 = vector.shape_cast %reshape3A : vector<16x1xi32> to vector<16xi32>
        %gather3A_582 = tpu.dynamic_gather %mul3A_309[%gather3A_581] in [0] : vector<16xf32>, vector<16xi32> -> vector<16xf32>
        %reshape3A_583 = vector.shape_cast %add3A_580 : vector<16xi32> to vector<16x1xi32>
        %gather3A_584 = vector.shape_cast %reshape3A_583 : vector<16x1xi32> to vector<16xi32>
        %gather3A_585 = tpu.dynamic_gather %mul3A_312[%gather3A_584] in [0] : vector<16xf32>, vector<16xi32> -> vector<16xf32>
        %get3A_586 = arith.constant 0 : i32
        %get3A_587 = arith.constant 0 : i32
        %get3A_588 = tpu.memref_slice %arg9[%rem3A_136, %get3A_586, %get3A_587] : memref<4x16x768xf32, #tpu.memory_space<vmem>> -> memref<1x16x768xf32, #tpu.memory_space<vmem>>
        %get3A_589 = tpu.memref_squeeze %get3A_588 : memref<1x16x768xf32, #tpu.memory_space<vmem>> -> memref<16x768xf32, #tpu.memory_space<vmem>>
        %get3A_590 = arith.index_cast %scan3A_575 : i32 to index
        %get3A_591 = arith.constant 128 : index
        %get3A_592 = tpu.vector_load %get3A_589[%get3A_590, %get3A_591] {strides = array<i32>} : memref<16x768xf32, #tpu.memory_space<vmem>>, vector<16xf32>,
        %mul3A_593 = arith.mulf %get3A_592, %gather3A_582 : vector<16xf32>
        %add3A_594 = arith.addf %mul3A_593, %gather3A_585 : vector<16xf32>
        %mul3A_595 = arith.mulf %add3A_594, %get3A_352 : vector<16xf32>
        %add3A_596 = arith.addf %mul3A_595, %get3A_368 : vector<16xf32>
        %swap3A = arith.constant 0 : i32
        %swap3A_597 = arith.constant 0 : i32
        %swap3A_598 = tpu.memref_slice %arg9[%rem3A_136, %swap3A, %swap3A_597] : memref<4x16x768xf32, #tpu.memory_space<vmem>> -> memref<1x16x768xf32, #tpu.memory_space<vmem>>
        %swap3A_599 = tpu.memref_squeeze %swap3A_598 : memref<1x16x768xf32, #tpu.memory_space<vmem>> -> memref<16x768xf32, #tpu.memory_space<vmem>>
        %swap3A_600 = arith.index_cast %scan3A_575 : i32 to index
        %swap3A_601 = arith.constant 128 : index
        %swap3A_602 = tpu.vector_load %swap3A_599[%swap3A_600, %swap3A_601] {strides = array<i32>} : memref<16x768xf32, #tpu.memory_space<vmem>>, vector<16xf32>,
        tpu.vector_store %swap3A_599[%swap3A_600, %swap3A_601], %add3A_596 {strides = array<i32>} : memref<16x768xf32, #tpu.memory_space<vmem>>, vector<16xf32>,
        %get3A_603 = arith.constant 0 : i32
        %get3A_604 = arith.constant 0 : i32
        %get3A_605 = tpu.memref_slice %arg9[%rem3A_136, %get3A_603, %get3A_604] : memref<4x16x768xf32, #tpu.memory_space<vmem>> -> memref<1x16x768xf32, #tpu.memory_space<vmem>>
        %get3A_606 = tpu.memref_squeeze %get3A_605 : memref<1x16x768xf32, #tpu.memory_space<vmem>> -> memref<16x768xf32, #tpu.memory_space<vmem>>
        %get3A_607 = arith.index_cast %scan3A_575 : i32 to index
        %get3A_608 = arith.constant 144 : index
        %get3A_609 = tpu.vector_load %get3A_606[%get3A_607, %get3A_608] {strides = array<i32>} : memref<16x768xf32, #tpu.memory_space<vmem>>, vector<16xf32>,
        %mul3A_610 = arith.mulf %get3A_609, %gather3A_582 : vector<16xf32>
        %add3A_611 = arith.addf %mul3A_610, %gather3A_585 : vector<16xf32>
        %mul3A_612 = arith.mulf %add3A_611, %get3A_354 : vector<16xf32>
        %add3A_613 = arith.addf %mul3A_612, %get3A_370 : vector<16xf32>
        %swap3A_614 = arith.constant 0 : i32
        %swap3A_615 = arith.constant 0 : i32
        %swap3A_616 = tpu.memref_slice %arg9[%rem3A_136, %swap3A_614, %swap3A_615] : memref<4x16x768xf32, #tpu.memory_space<vmem>> -> memref<1x16x768xf32, #tpu.memory_space<vmem>>
        %swap3A_617 = tpu.memref_squeeze %swap3A_616 : memref<1x16x768xf32, #tpu.memory_space<vmem>> -> memref<16x768xf32, #tpu.memory_space<vmem>>
        %swap3A_618 = arith.index_cast %scan3A_575 : i32 to index
        %swap3A_619 = arith.constant 144 : index
        %swap3A_620 = tpu.vector_load %swap3A_617[%swap3A_618, %swap3A_619] {strides = array<i32>} : memref<16x768xf32, #tpu.memory_space<vmem>>, vector<16xf32>,
        tpu.vector_store %swap3A_617[%swap3A_618, %swap3A_619], %add3A_613 {strides = array<i32>} : memref<16x768xf32, #tpu.memory_space<vmem>>, vector<16xf32>,
        %get3A_621 = arith.constant 0 : i32
        %get3A_622 = arith.constant 0 : i32
        %get3A_623 = tpu.memref_slice %arg9[%rem3A_136, %get3A_621, %get3A_622] : memref<4x16x768xf32, #tpu.memory_space<vmem>> -> memref<1x16x768xf32, #tpu.memory_space<vmem>>
        %get3A_624 = tpu.memref_squeeze %get3A_623 : memref<1x16x768xf32, #tpu.memory_space<vmem>> -> memref<16x768xf32, #tpu.memory_space<vmem>>
        %get3A_625 = arith.index_cast %scan3A_575 : i32 to index
        %get3A_626 = arith.constant 160 : index
        %get3A_627 = tpu.vector_load %get3A_624[%get3A_625, %get3A_626] {strides = array<i32>} : memref<16x768xf32, #tpu.memory_space<vmem>>, vector<16xf32>,
        %mul3A_628 = arith.mulf %get3A_627, %gather3A_582 : vector<16xf32>
        %add3A_629 = arith.addf %mul3A_628, %gather3A_585 : vector<16xf32>
        %mul3A_630 = arith.mulf %add3A_629, %get3A_356 : vector<16xf32>
        %add3A_631 = arith.addf %mul3A_630, %get3A_372 : vector<16xf32>
        %swap3A_632 = arith.constant 0 : i32
        %swap3A_633 = arith.constant 0 : i32
        %swap3A_634 = tpu.memref_slice %arg9[%rem3A_136, %swap3A_632, %swap3A_633] : memref<4x16x768xf32, #tpu.memory_space<vmem>> -> memref<1x16x768xf32, #tpu.memory_space<vmem>>
        %swap3A_635 = tpu.memref_squeeze %swap3A_634 : memref<1x16x768xf32, #tpu.memory_space<vmem>> -> memref<16x768xf32, #tpu.memory_space<vmem>>
        %swap3A_636 = arith.index_cast %scan3A_575 : i32 to index
        %swap3A_637 = arith.constant 160 : index
        %swap3A_638 = tpu.vector_load %swap3A_635[%swap3A_636, %swap3A_637] {strides = array<i32>} : memref<16x768xf32, #tpu.memory_space<vmem>>, vector<16xf32>,
        tpu.vector_store %swap3A_635[%swap3A_636, %swap3A_637], %add3A_631 {strides = array<i32>} : memref<16x768xf32, #tpu.memory_space<vmem>>, vector<16xf32>,
        %get3A_639 = arith.constant 0 : i32
        %get3A_640 = arith.constant 0 : i32
        %get3A_641 = tpu.memref_slice %arg9[%rem3A_136, %get3A_639, %get3A_640] : memref<4x16x768xf32, #tpu.memory_space<vmem>> -> memref<1x16x768xf32, #tpu.memory_space<vmem>>
        %get3A_642 = tpu.memref_squeeze %get3A_641 : memref<1x16x768xf32, #tpu.memory_space<vmem>> -> memref<16x768xf32, #tpu.memory_space<vmem>>
        %get3A_643 = arith.index_cast %scan3A_575 : i32 to index
        %get3A_644 = arith.constant 176 : index
        %get3A_645 = tpu.vector_load %get3A_642[%get3A_643, %get3A_644] {strides = array<i32>} : memref<16x768xf32, #tpu.memory_space<vmem>>, vector<16xf32>,
        %mul3A_646 = arith.mulf %get3A_645, %gather3A_582 : vector<16xf32>
        %add3A_647 = arith.addf %mul3A_646, %gather3A_585 : vector<16xf32>
        %mul3A_648 = arith.mulf %add3A_647, %get3A_358 : vector<16xf32>
        %add3A_649 = arith.addf %mul3A_648, %get3A_374 : vector<16xf32>
        %swap3A_650 = arith.constant 0 : i32
        %swap3A_651 = arith.constant 0 : i32
        %swap3A_652 = tpu.memref_slice %arg9[%rem3A_136, %swap3A_650, %swap3A_651] : memref<4x16x768xf32, #tpu.memory_space<vmem>> -> memref<1x16x768xf32, #tpu.memory_space<vmem>>
        %swap3A_653 = tpu.memref_squeeze %swap3A_652 : memref<1x16x768xf32, #tpu.memory_space<vmem>> -> memref<16x768xf32, #tpu.memory_space<vmem>>
        %swap3A_654 = arith.index_cast %scan3A_575 : i32 to index
        %swap3A_655 = arith.constant 176 : index
        %swap3A_656 = tpu.vector_load %swap3A_653[%swap3A_654, %swap3A_655] {strides = array<i32>} : memref<16x768xf32, #tpu.memory_space<vmem>>, vector<16xf32>,
        tpu.vector_store %swap3A_653[%swap3A_654, %swap3A_655], %add3A_649 {strides = array<i32>} : memref<16x768xf32, #tpu.memory_space<vmem>>, vector<16xf32>,
        %get3A_657 = arith.constant 0 : i32
        %get3A_658 = arith.constant 0 : i32
        %get3A_659 = tpu.memref_slice %arg9[%rem3A_136, %get3A_657, %get3A_658] : memref<4x16x768xf32, #tpu.memory_space<vmem>> -> memref<1x16x768xf32, #tpu.memory_space<vmem>>
        %get3A_660 = tpu.memref_squeeze %get3A_659 : memref<1x16x768xf32, #tpu.memory_space<vmem>> -> memref<16x768xf32, #tpu.memory_space<vmem>>
        %get3A_661 = arith.index_cast %scan3A_575 : i32 to index
        %get3A_662 = arith.constant 192 : index
        %get3A_663 = tpu.vector_load %get3A_660[%get3A_661, %get3A_662] {strides = array<i32>} : memref<16x768xf32, #tpu.memory_space<vmem>>, vector<16xf32>,
        %mul3A_664 = arith.mulf %get3A_663, %gather3A_582 : vector<16xf32>
        %add3A_665 = arith.addf %mul3A_664, %gather3A_585 : vector<16xf32>
        %mul3A_666 = arith.mulf %add3A_665, %get3A_360 : vector<16xf32>
        %add3A_667 = arith.addf %mul3A_666, %get3A_376 : vector<16xf32>
        %swap3A_668 = arith.constant 0 : i32
        %swap3A_669 = arith.constant 0 : i32
        %swap3A_670 = tpu.memref_slice %arg9[%rem3A_136, %swap3A_668, %swap3A_669] : memref<4x16x768xf32, #tpu.memory_space<vmem>> -> memref<1x16x768xf32, #tpu.memory_space<vmem>>
        %swap3A_671 = tpu.memref_squeeze %swap3A_670 : memref<1x16x768xf32, #tpu.memory_space<vmem>> -> memref<16x768xf32, #tpu.memory_space<vmem>>
        %swap3A_672 = arith.index_cast %scan3A_575 : i32 to index
        %swap3A_673 = arith.constant 192 : index
        %swap3A_674 = tpu.vector_load %swap3A_671[%swap3A_672, %swap3A_673] {strides = array<i32>} : memref<16x768xf32, #tpu.memory_space<vmem>>, vector<16xf32>,
        tpu.vector_store %swap3A_671[%swap3A_672, %swap3A_673], %add3A_667 {strides = array<i32>} : memref<16x768xf32, #tpu.memory_space<vmem>>, vector<16xf32>,
        %get3A_675 = arith.constant 0 : i32
        %get3A_676 = arith.constant 0 : i32
        %get3A_677 = tpu.memref_slice %arg9[%rem3A_136, %get3A_675, %get3A_676] : memref<4x16x768xf32, #tpu.memory_space<vmem>> -> memref<1x16x768xf32, #tpu.memory_space<vmem>>
        %get3A_678 = tpu.memref_squeeze %get3A_677 : memref<1x16x768xf32, #tpu.memory_space<vmem>> -> memref<16x768xf32, #tpu.memory_space<vmem>>
        %get3A_679 = arith.index_cast %scan3A_575 : i32 to index
        %get3A_680 = arith.constant 208 : index
        %get3A_681 = tpu.vector_load %get3A_678[%get3A_679, %get3A_680] {strides = array<i32>} : memref<16x768xf32, #tpu.memory_space<vmem>>, vector<16xf32>,
        %mul3A_682 = arith.mulf %get3A_681, %gather3A_582 : vector<16xf32>
        %add3A_683 = arith.addf %mul3A_682, %gather3A_585 : vector<16xf32>
        %mul3A_684 = arith.mulf %add3A_683, %get3A_362 : vector<16xf32>
        %add3A_685 = arith.addf %mul3A_684, %get3A_378 : vector<16xf32>
        %swap3A_686 = arith.constant 0 : i32
        %swap3A_687 = arith.constant 0 : i32
        %swap3A_688 = tpu.memref_slice %arg9[%rem3A_136, %swap3A_686, %swap3A_687] : memref<4x16x768xf32, #tpu.memory_space<vmem>> -> memref<1x16x768xf32, #tpu.memory_space<vmem>>
        %swap3A_689 = tpu.memref_squeeze %swap3A_688 : memref<1x16x768xf32, #tpu.memory_space<vmem>> -> memref<16x768xf32, #tpu.memory_space<vmem>>
        %swap3A_690 = arith.index_cast %scan3A_575 : i32 to index
        %swap3A_691 = arith.constant 208 : index
        %swap3A_692 = tpu.vector_load %swap3A_689[%swap3A_690, %swap3A_691] {strides = array<i32>} : memref<16x768xf32, #tpu.memory_space<vmem>>, vector<16xf32>,
        tpu.vector_store %swap3A_689[%swap3A_690, %swap3A_691], %add3A_685 {strides = array<i32>} : memref<16x768xf32, #tpu.memory_space<vmem>>, vector<16xf32>,
        %get3A_693 = arith.constant 0 : i32
        %get3A_694 = arith.constant 0 : i32
        %get3A_695 = tpu.memref_slice %arg9[%rem3A_136, %get3A_693, %get3A_694] : memref<4x16x768xf32, #tpu.memory_space<vmem>> -> memref<1x16x768xf32, #tpu.memory_space<vmem>>
        %get3A_696 = tpu.memref_squeeze %get3A_695 : memref<1x16x768xf32, #tpu.memory_space<vmem>> -> memref<16x768xf32, #tpu.memory_space<vmem>>
        %get3A_697 = arith.index_cast %scan3A_575 : i32 to index
        %get3A_698 = arith.constant 224 : index
        %get3A_699 = tpu.vector_load %get3A_696[%get3A_697, %get3A_698] {strides = array<i32>} : memref<16x768xf32, #tpu.memory_space<vmem>>, vector<16xf32>,
        %mul3A_700 = arith.mulf %get3A_699, %gather3A_582 : vector<16xf32>
        %add3A_701 = arith.addf %mul3A_700, %gather3A_585 : vector<16xf32>
        %mul3A_702 = arith.mulf %add3A_701, %get3A_364 : vector<16xf32>
        %add3A_703 = arith.addf %mul3A_702, %get3A_380 : vector<16xf32>
        %swap3A_704 = arith.constant 0 : i32
        %swap3A_705 = arith.constant 0 : i32
        %swap3A_706 = tpu.memref_slice %arg9[%rem3A_136, %swap3A_704, %swap3A_705] : memref<4x16x768xf32, #tpu.memory_space<vmem>> -> memref<1x16x768xf32, #tpu.memory_space<vmem>>
        %swap3A_707 = tpu.memref_squeeze %swap3A_706 : memref<1x16x768xf32, #tpu.memory_space<vmem>> -> memref<16x768xf32, #tpu.memory_space<vmem>>
        %swap3A_708 = arith.index_cast %scan3A_575 : i32 to index
        %swap3A_709 = arith.constant 224 : index
        %swap3A_710 = tpu.vector_load %swap3A_707[%swap3A_708, %swap3A_709] {strides = array<i32>} : memref<16x768xf32, #tpu.memory_space<vmem>>, vector<16xf32>,
        tpu.vector_store %swap3A_707[%swap3A_708, %swap3A_709], %add3A_703 {strides = array<i32>} : memref<16x768xf32, #tpu.memory_space<vmem>>, vector<16xf32>,
        %get3A_711 = arith.constant 0 : i32
        %get3A_712 = arith.constant 0 : i32
        %get3A_713 = tpu.memref_slice %arg9[%rem3A_136, %get3A_711, %get3A_712] : memref<4x16x768xf32, #tpu.memory_space<vmem>> -> memref<1x16x768xf32, #tpu.memory_space<vmem>>
        %get3A_714 = tpu.memref_squeeze %get3A_713 : memref<1x16x768xf32, #tpu.memory_space<vmem>> -> memref<16x768xf32, #tpu.memory_space<vmem>>
        %get3A_715 = arith.index_cast %scan3A_575 : i32 to index
        %get3A_716 = arith.constant 240 : index
        %get3A_717 = tpu.vector_load %get3A_714[%get3A_715, %get3A_716] {strides = array<i32>} : memref<16x768xf32, #tpu.memory_space<vmem>>, vector<16xf32>,
        %mul3A_718 = arith.mulf %get3A_717, %gather3A_582 : vector<16xf32>
        %add3A_719 = arith.addf %mul3A_718, %gather3A_585 : vector<16xf32>
        %mul3A_720 = arith.mulf %add3A_719, %get3A_366 : vector<16xf32>
        %add3A_721 = arith.addf %mul3A_720, %get3A_382 : vector<16xf32>
        %swap3A_722 = arith.constant 0 : i32
        %swap3A_723 = arith.constant 0 : i32
        %swap3A_724 = tpu.memref_slice %arg9[%rem3A_136, %swap3A_722, %swap3A_723] : memref<4x16x768xf32, #tpu.memory_space<vmem>> -> memref<1x16x768xf32, #tpu.memory_space<vmem>>
        %swap3A_725 = tpu.memref_squeeze %swap3A_724 : memref<1x16x768xf32, #tpu.memory_space<vmem>> -> memref<16x768xf32, #tpu.memory_space<vmem>>
        %swap3A_726 = arith.index_cast %scan3A_575 : i32 to index
        %swap3A_727 = arith.constant 240 : index
        %swap3A_728 = tpu.vector_load %swap3A_725[%swap3A_726, %swap3A_727] {strides = array<i32>} : memref<16x768xf32, #tpu.memory_space<vmem>>, vector<16xf32>,
        tpu.vector_store %swap3A_725[%swap3A_726, %swap3A_727], %add3A_721 {strides = array<i32>} : memref<16x768xf32, #tpu.memory_space<vmem>>, vector<16xf32>,
        %scan3A_729 = arith.constant 0 : i32
        %scan3A_730 = arith.constant 1 : i32
        %scan3A_731 = arith.addi %scan3A_575, %scan3A_730 : i32
        %broadcast_in_dim3A_732 = arith.constant 0 : i32
        %broadcast_in_dim3A_733 = vector.broadcast %broadcast_in_dim3A_732 : i32 to vector<16xi32>
        %add3A_734 = vector.broadcast %scan3A_731 : i32 to vector<16xi32>
        %add3A_735 = arith.addi %broadcast_in_dim3A_733, %add3A_734 : vector<16xi32>
        %reshape3A_736 = vector.shape_cast %add3A_735 : vector<16xi32> to vector<16x1xi32>
        %gather3A_737 = vector.shape_cast %reshape3A_736 : vector<16x1xi32> to vector<16xi32>
        %gather3A_738 = tpu.dynamic_gather %mul3A_309[%gather3A_737] in [0] : vector<16xf32>, vector<16xi32> -> vector<16xf32>
        %reshape3A_739 = vector.shape_cast %add3A_735 : vector<16xi32> to vector<16x1xi32>
        %gather3A_740 = vector.shape_cast %reshape3A_739 : vector<16x1xi32> to vector<16xi32>
        %gather3A_741 = tpu.dynamic_gather %mul3A_312[%gather3A_740] in [0] : vector<16xf32>, vector<16xi32> -> vector<16xf32>
        %get3A_742 = arith.constant 0 : i32
        %get3A_743 = arith.constant 0 : i32
        %get3A_744 = tpu.memref_slice %arg9[%rem3A_136, %get3A_742, %get3A_743] : memref<4x16x768xf32, #tpu.memory_space<vmem>> -> memref<1x16x768xf32, #tpu.memory_space<vmem>>
        %get3A_745 = tpu.memref_squeeze %get3A_744 : memref<1x16x768xf32, #tpu.memory_space<vmem>> -> memref<16x768xf32, #tpu.memory_space<vmem>>
        %get3A_746 = arith.index_cast %scan3A_731 : i32 to index
        %get3A_747 = arith.constant 128 : index
        %get3A_748 = tpu.vector_load %get3A_745[%get3A_746, %get3A_747] {strides = array<i32>} : memref<16x768xf32, #tpu.memory_space<vmem>>, vector<16xf32>,
        %mul3A_749 = arith.mulf %get3A_748, %gather3A_738 : vector<16xf32>
        %add3A_750 = arith.addf %mul3A_749, %gather3A_741 : vector<16xf32>
        %mul3A_751 = arith.mulf %add3A_750, %get3A_352 : vector<16xf32>
        %add3A_752 = arith.addf %mul3A_751, %get3A_368 : vector<16xf32>
        %swap3A_753 = arith.constant 0 : i32
        %swap3A_754 = arith.constant 0 : i32
        %swap3A_755 = tpu.memref_slice %arg9[%rem3A_136, %swap3A_753, %swap3A_754] : memref<4x16x768xf32, #tpu.memory_space<vmem>> -> memref<1x16x768xf32, #tpu.memory_space<vmem>>
        %swap3A_756 = tpu.memref_squeeze %swap3A_755 : memref<1x16x768xf32, #tpu.memory_space<vmem>> -> memref<16x768xf32, #tpu.memory_space<vmem>>
        %swap3A_757 = arith.index_cast %scan3A_731 : i32 to index
        %swap3A_758 = arith.constant 128 : index
        %swap3A_759 = tpu.vector_load %swap3A_756[%swap3A_757, %swap3A_758] {strides = array<i32>} : memref<16x768xf32, #tpu.memory_space<vmem>>, vector<16xf32>,
        tpu.vector_store %swap3A_756[%swap3A_757, %swap3A_758], %add3A_752 {strides = array<i32>} : memref<16x768xf32, #tpu.memory_space<vmem>>, vector<16xf32>,
        %get3A_760 = arith.constant 0 : i32
        %get3A_761 = arith.constant 0 : i32
        %get3A_762 = tpu.memref_slice %arg9[%rem3A_136, %get3A_760, %get3A_761] : memref<4x16x768xf32, #tpu.memory_space<vmem>> -> memref<1x16x768xf32, #tpu.memory_space<vmem>>
        %get3A_763 = tpu.memref_squeeze %get3A_762 : memref<1x16x768xf32, #tpu.memory_space<vmem>> -> memref<16x768xf32, #tpu.memory_space<vmem>>
        %get3A_764 = arith.index_cast %scan3A_731 : i32 to index
        %get3A_765 = arith.constant 144 : index
        %get3A_766 = tpu.vector_load %get3A_763[%get3A_764, %get3A_765] {strides = array<i32>} : memref<16x768xf32, #tpu.memory_space<vmem>>, vector<16xf32>,
        %mul3A_767 = arith.mulf %get3A_766, %gather3A_738 : vector<16xf32>
        %add3A_768 = arith.addf %mul3A_767, %gather3A_741 : vector<16xf32>
        %mul3A_769 = arith.mulf %add3A_768, %get3A_354 : vector<16xf32>
        %add3A_770 = arith.addf %mul3A_769, %get3A_370 : vector<16xf32>
        %swap3A_771 = arith.constant 0 : i32
        %swap3A_772 = arith.constant 0 : i32
        %swap3A_773 = tpu.memref_slice %arg9[%rem3A_136, %swap3A_771, %swap3A_772] : memref<4x16x768xf32, #tpu.memory_space<vmem>> -> memref<1x16x768xf32, #tpu.memory_space<vmem>>
        %swap3A_774 = tpu.memref_squeeze %swap3A_773 : memref<1x16x768xf32, #tpu.memory_space<vmem>> -> memref<16x768xf32, #tpu.memory_space<vmem>>
        %swap3A_775 = arith.index_cast %scan3A_731 : i32 to index
        %swap3A_776 = arith.constant 144 : index
        %swap3A_777 = tpu.vector_load %swap3A_774[%swap3A_775, %swap3A_776] {strides = array<i32>} : memref<16x768xf32, #tpu.memory_space<vmem>>, vector<16xf32>,
        tpu.vector_store %swap3A_774[%swap3A_775, %swap3A_776], %add3A_770 {strides = array<i32>} : memref<16x768xf32, #tpu.memory_space<vmem>>, vector<16xf32>,
        %get3A_778 = arith.constant 0 : i32
        %get3A_779 = arith.constant 0 : i32
        %get3A_780 = tpu.memref_slice %arg9[%rem3A_136, %get3A_778, %get3A_779] : memref<4x16x768xf32, #tpu.memory_space<vmem>> -> memref<1x16x768xf32, #tpu.memory_space<vmem>>
        %get3A_781 = tpu.memref_squeeze %get3A_780 : memref<1x16x768xf32, #tpu.memory_space<vmem>> -> memref<16x768xf32, #tpu.memory_space<vmem>>
        %get3A_782 = arith.index_cast %scan3A_731 : i32 to index
        %get3A_783 = arith.constant 160 : index
        %get3A_784 = tpu.vector_load %get3A_781[%get3A_782, %get3A_783] {strides = array<i32>} : memref<16x768xf32, #tpu.memory_space<vmem>>, vector<16xf32>,
        %mul3A_785 = arith.mulf %get3A_784, %gather3A_738 : vector<16xf32>
        %add3A_786 = arith.addf %mul3A_785, %gather3A_741 : vector<16xf32>
        %mul3A_787 = arith.mulf %add3A_786, %get3A_356 : vector<16xf32>
        %add3A_788 = arith.addf %mul3A_787, %get3A_372 : vector<16xf32>
        %swap3A_789 = arith.constant 0 : i32
        %swap3A_790 = arith.constant 0 : i32
        %swap3A_791 = tpu.memref_slice %arg9[%rem3A_136, %swap3A_789, %swap3A_790] : memref<4x16x768xf32, #tpu.memory_space<vmem>> -> memref<1x16x768xf32, #tpu.memory_space<vmem>>
        %swap3A_792 = tpu.memref_squeeze %swap3A_791 : memref<1x16x768xf32, #tpu.memory_space<vmem>> -> memref<16x768xf32, #tpu.memory_space<vmem>>
        %swap3A_793 = arith.index_cast %scan3A_731 : i32 to index
        %swap3A_794 = arith.constant 160 : index
        %swap3A_795 = tpu.vector_load %swap3A_792[%swap3A_793, %swap3A_794] {strides = array<i32>} : memref<16x768xf32, #tpu.memory_space<vmem>>, vector<16xf32>,
        tpu.vector_store %swap3A_792[%swap3A_793, %swap3A_794], %add3A_788 {strides = array<i32>} : memref<16x768xf32, #tpu.memory_space<vmem>>, vector<16xf32>,
        %get3A_796 = arith.constant 0 : i32
        %get3A_797 = arith.constant 0 : i32
        %get3A_798 = tpu.memref_slice %arg9[%rem3A_136, %get3A_796, %get3A_797] : memref<4x16x768xf32, #tpu.memory_space<vmem>> -> memref<1x16x768xf32, #tpu.memory_space<vmem>>
        %get3A_799 = tpu.memref_squeeze %get3A_798 : memref<1x16x768xf32, #tpu.memory_space<vmem>> -> memref<16x768xf32, #tpu.memory_space<vmem>>
        %get3A_800 = arith.index_cast %scan3A_731 : i32 to index
        %get3A_801 = arith.constant 176 : index
        %get3A_802 = tpu.vector_load %get3A_799[%get3A_800, %get3A_801] {strides = array<i32>} : memref<16x768xf32, #tpu.memory_space<vmem>>, vector<16xf32>,
        %mul3A_803 = arith.mulf %get3A_802, %gather3A_738 : vector<16xf32>
        %add3A_804 = arith.addf %mul3A_803, %gather3A_741 : vector<16xf32>
        %mul3A_805 = arith.mulf %add3A_804, %get3A_358 : vector<16xf32>
        %add3A_806 = arith.addf %mul3A_805, %get3A_374 : vector<16xf32>
        %swap3A_807 = arith.constant 0 : i32
        %swap3A_808 = arith.constant 0 : i32
        %swap3A_809 = tpu.memref_slice %arg9[%rem3A_136, %swap3A_807, %swap3A_808] : memref<4x16x768xf32, #tpu.memory_space<vmem>> -> memref<1x16x768xf32, #tpu.memory_space<vmem>>
        %swap3A_810 = tpu.memref_squeeze %swap3A_809 : memref<1x16x768xf32, #tpu.memory_space<vmem>> -> memref<16x768xf32, #tpu.memory_space<vmem>>
        %swap3A_811 = arith.index_cast %scan3A_731 : i32 to index
        %swap3A_812 = arith.constant 176 : index
        %swap3A_813 = tpu.vector_load %swap3A_810[%swap3A_811, %swap3A_812] {strides = array<i32>} : memref<16x768xf32, #tpu.memory_space<vmem>>, vector<16xf32>,
        tpu.vector_store %swap3A_810[%swap3A_811, %swap3A_812], %add3A_806 {strides = array<i32>} : memref<16x768xf32, #tpu.memory_space<vmem>>, vector<16xf32>,
        %get3A_814 = arith.constant 0 : i32
        %get3A_815 = arith.constant 0 : i32
        %get3A_816 = tpu.memref_slice %arg9[%rem3A_136, %get3A_814, %get3A_815] : memref<4x16x768xf32, #tpu.memory_space<vmem>> -> memref<1x16x768xf32, #tpu.memory_space<vmem>>
        %get3A_817 = tpu.memref_squeeze %get3A_816 : memref<1x16x768xf32, #tpu.memory_space<vmem>> -> memref<16x768xf32, #tpu.memory_space<vmem>>
        %get3A_818 = arith.index_cast %scan3A_731 : i32 to index
        %get3A_819 = arith.constant 192 : index
        %get3A_820 = tpu.vector_load %get3A_817[%get3A_818, %get3A_819] {strides = array<i32>} : memref<16x768xf32, #tpu.memory_space<vmem>>, vector<16xf32>,
        %mul3A_821 = arith.mulf %get3A_820, %gather3A_738 : vector<16xf32>
        %add3A_822 = arith.addf %mul3A_821, %gather3A_741 : vector<16xf32>
        %mul3A_823 = arith.mulf %add3A_822, %get3A_360 : vector<16xf32>
        %add3A_824 = arith.addf %mul3A_823, %get3A_376 : vector<16xf32>
        %swap3A_825 = arith.constant 0 : i32
        %swap3A_826 = arith.constant 0 : i32
        %swap3A_827 = tpu.memref_slice %arg9[%rem3A_136, %swap3A_825, %swap3A_826] : memref<4x16x768xf32, #tpu.memory_space<vmem>> -> memref<1x16x768xf32, #tpu.memory_space<vmem>>
        %swap3A_828 = tpu.memref_squeeze %swap3A_827 : memref<1x16x768xf32, #tpu.memory_space<vmem>> -> memref<16x768xf32, #tpu.memory_space<vmem>>
        %swap3A_829 = arith.index_cast %scan3A_731 : i32 to index
        %swap3A_830 = arith.constant 192 : index
        %swap3A_831 = tpu.vector_load %swap3A_828[%swap3A_829, %swap3A_830] {strides = array<i32>} : memref<16x768xf32, #tpu.memory_space<vmem>>, vector<16xf32>,
        tpu.vector_store %swap3A_828[%swap3A_829, %swap3A_830], %add3A_824 {strides = array<i32>} : memref<16x768xf32, #tpu.memory_space<vmem>>, vector<16xf32>,
        %get3A_832 = arith.constant 0 : i32
        %get3A_833 = arith.constant 0 : i32
        %get3A_834 = tpu.memref_slice %arg9[%rem3A_136, %get3A_832, %get3A_833] : memref<4x16x768xf32, #tpu.memory_space<vmem>> -> memref<1x16x768xf32, #tpu.memory_space<vmem>>
        %get3A_835 = tpu.memref_squeeze %get3A_834 : memref<1x16x768xf32, #tpu.memory_space<vmem>> -> memref<16x768xf32, #tpu.memory_space<vmem>>
        %get3A_836 = arith.index_cast %scan3A_731 : i32 to index
        %get3A_837 = arith.constant 208 : index
        %get3A_838 = tpu.vector_load %get3A_835[%get3A_836, %get3A_837] {strides = array<i32>} : memref<16x768xf32, #tpu.memory_space<vmem>>, vector<16xf32>,
        %mul3A_839 = arith.mulf %get3A_838, %gather3A_738 : vector<16xf32>
        %add3A_840 = arith.addf %mul3A_839, %gather3A_741 : vector<16xf32>
        %mul3A_841 = arith.mulf %add3A_840, %get3A_362 : vector<16xf32>
        %add3A_842 = arith.addf %mul3A_841, %get3A_378 : vector<16xf32>
        %swap3A_843 = arith.constant 0 : i32
        %swap3A_844 = arith.constant 0 : i32
        %swap3A_845 = tpu.memref_slice %arg9[%rem3A_136, %swap3A_843, %swap3A_844] : memref<4x16x768xf32, #tpu.memory_space<vmem>> -> memref<1x16x768xf32, #tpu.memory_space<vmem>>
        %swap3A_846 = tpu.memref_squeeze %swap3A_845 : memref<1x16x768xf32, #tpu.memory_space<vmem>> -> memref<16x768xf32, #tpu.memory_space<vmem>>
        %swap3A_847 = arith.index_cast %scan3A_731 : i32 to index
        %swap3A_848 = arith.constant 208 : index
        %swap3A_849 = tpu.vector_load %swap3A_846[%swap3A_847, %swap3A_848] {strides = array<i32>} : memref<16x768xf32, #tpu.memory_space<vmem>>, vector<16xf32>,
        tpu.vector_store %swap3A_846[%swap3A_847, %swap3A_848], %add3A_842 {strides = array<i32>} : memref<16x768xf32, #tpu.memory_space<vmem>>, vector<16xf32>,
        %get3A_850 = arith.constant 0 : i32
        %get3A_851 = arith.constant 0 : i32
        %get3A_852 = tpu.memref_slice %arg9[%rem3A_136, %get3A_850, %get3A_851] : memref<4x16x768xf32, #tpu.memory_space<vmem>> -> memref<1x16x768xf32, #tpu.memory_space<vmem>>
        %get3A_853 = tpu.memref_squeeze %get3A_852 : memref<1x16x768xf32, #tpu.memory_space<vmem>> -> memref<16x768xf32, #tpu.memory_space<vmem>>
        %get3A_854 = arith.index_cast %scan3A_731 : i32 to index
        %get3A_855 = arith.constant 224 : index
        %get3A_856 = tpu.vector_load %get3A_853[%get3A_854, %get3A_855] {strides = array<i32>} : memref<16x768xf32, #tpu.memory_space<vmem>>, vector<16xf32>,
        %mul3A_857 = arith.mulf %get3A_856, %gather3A_738 : vector<16xf32>
        %add3A_858 = arith.addf %mul3A_857, %gather3A_741 : vector<16xf32>
        %mul3A_859 = arith.mulf %add3A_858, %get3A_364 : vector<16xf32>
        %add3A_860 = arith.addf %mul3A_859, %get3A_380 : vector<16xf32>
        %swap3A_861 = arith.constant 0 : i32
        %swap3A_862 = arith.constant 0 : i32
        %swap3A_863 = tpu.memref_slice %arg9[%rem3A_136, %swap3A_861, %swap3A_862] : memref<4x16x768xf32, #tpu.memory_space<vmem>> -> memref<1x16x768xf32, #tpu.memory_space<vmem>>
        %swap3A_864 = tpu.memref_squeeze %swap3A_863 : memref<1x16x768xf32, #tpu.memory_space<vmem>> -> memref<16x768xf32, #tpu.memory_space<vmem>>
        %swap3A_865 = arith.index_cast %scan3A_731 : i32 to index
        %swap3A_866 = arith.constant 224 : index
        %swap3A_867 = tpu.vector_load %swap3A_864[%swap3A_865, %swap3A_866] {strides = array<i32>} : memref<16x768xf32, #tpu.memory_space<vmem>>, vector<16xf32>,
        tpu.vector_store %swap3A_864[%swap3A_865, %swap3A_866], %add3A_860 {strides = array<i32>} : memref<16x768xf32, #tpu.memory_space<vmem>>, vector<16xf32>,
        %get3A_868 = arith.constant 0 : i32
        %get3A_869 = arith.constant 0 : i32
        %get3A_870 = tpu.memref_slice %arg9[%rem3A_136, %get3A_868, %get3A_869] : memref<4x16x768xf32, #tpu.memory_space<vmem>> -> memref<1x16x768xf32, #tpu.memory_space<vmem>>
        %get3A_871 = tpu.memref_squeeze %get3A_870 : memref<1x16x768xf32, #tpu.memory_space<vmem>> -> memref<16x768xf32, #tpu.memory_space<vmem>>
        %get3A_872 = arith.index_cast %scan3A_731 : i32 to index
        %get3A_873 = arith.constant 240 : index
        %get3A_874 = tpu.vector_load %get3A_871[%get3A_872, %get3A_873] {strides = array<i32>} : memref<16x768xf32, #tpu.memory_space<vmem>>, vector<16xf32>,
        %mul3A_875 = arith.mulf %get3A_874, %gather3A_738 : vector<16xf32>
        %add3A_876 = arith.addf %mul3A_875, %gather3A_741 : vector<16xf32>
        %mul3A_877 = arith.mulf %add3A_876, %get3A_366 : vector<16xf32>
        %add3A_878 = arith.addf %mul3A_877, %get3A_382 : vector<16xf32>
        %swap3A_879 = arith.constant 0 : i32
        %swap3A_880 = arith.constant 0 : i32
        %swap3A_881 = tpu.memref_slice %arg9[%rem3A_136, %swap3A_879, %swap3A_880] : memref<4x16x768xf32, #tpu.memory_space<vmem>> -> memref<1x16x768xf32, #tpu.memory_space<vmem>>
        %swap3A_882 = tpu.memref_squeeze %swap3A_881 : memref<1x16x768xf32, #tpu.memory_space<vmem>> -> memref<16x768xf32, #tpu.memory_space<vmem>>
        %swap3A_883 = arith.index_cast %scan3A_731 : i32 to index
        %swap3A_884 = arith.constant 240 : index
        %swap3A_885 = tpu.vector_load %swap3A_882[%swap3A_883, %swap3A_884] {strides = array<i32>} : memref<16x768xf32, #tpu.memory_space<vmem>>, vector<16xf32>,
        tpu.vector_store %swap3A_882[%swap3A_883, %swap3A_884], %add3A_878 {strides = array<i32>} : memref<16x768xf32, #tpu.memory_space<vmem>>, vector<16xf32>,
        %scan3A_886 = arith.constant 0 : i32
        scf.yield %scan3A_886 : i32
      }
      %scan3A_389 = arith.constant 16 : i32
      %get3A_390 = arith.constant 256 : index
      %get3A_391 = tpu.vector_load %arg11[%get3A_390] {strides = array<i32>} : memref<768xf32, #tpu.memory_space<vmem>>, vector<16xf32>,
      %get3A_392 = arith.constant 272 : index
      %get3A_393 = tpu.vector_load %arg11[%get3A_392] {strides = array<i32>} : memref<768xf32, #tpu.memory_space<vmem>>, vector<16xf32>,
      %get3A_394 = arith.constant 288 : index
      %get3A_395 = tpu.vector_load %arg11[%get3A_394] {strides = array<i32>} : memref<768xf32, #tpu.memory_space<vmem>>, vector<16xf32>,
      %get3A_396 = arith.constant 304 : index
      %get3A_397 = tpu.vector_load %arg11[%get3A_396] {strides = array<i32>} : memref<768xf32, #tpu.memory_space<vmem>>, vector<16xf32>,
      %get3A_398 = arith.constant 320 : index
      %get3A_399 = tpu.vector_load %arg11[%get3A_398] {strides = array<i32>} : memref<768xf32, #tpu.memory_space<vmem>>, vector<16xf32>,
      %get3A_400 = arith.constant 336 : index
      %get3A_401 = tpu.vector_load %arg11[%get3A_400] {strides = array<i32>} : memref<768xf32, #tpu.memory_space<vmem>>, vector<16xf32>,
      %get3A_402 = arith.constant 352 : index
      %get3A_403 = tpu.vector_load %arg11[%get3A_402] {strides = array<i32>} : memref<768xf32, #tpu.memory_space<vmem>>, vector<16xf32>,
      %get3A_404 = arith.constant 368 : index
      %get3A_405 = tpu.vector_load %arg11[%get3A_404] {strides = array<i32>} : memref<768xf32, #tpu.memory_space<vmem>>, vector<16xf32>,
      %get3A_406 = arith.constant 256 : index
      %get3A_407 = tpu.vector_load %arg12[%get3A_406] {strides = array<i32>} : memref<768xf32, #tpu.memory_space<vmem>>, vector<16xf32>,
      %get3A_408 = arith.constant 272 : index
      %get3A_409 = tpu.vector_load %arg12[%get3A_408] {strides = array<i32>} : memref<768xf32, #tpu.memory_space<vmem>>, vector<16xf32>,
      %get3A_410 = arith.constant 288 : index
      %get3A_411 = tpu.vector_load %arg12[%get3A_410] {strides = array<i32>} : memref<768xf32, #tpu.memory_space<vmem>>, vector<16xf32>,
      %get3A_412 = arith.constant 304 : index
      %get3A_413 = tpu.vector_load %arg12[%get3A_412] {strides = array<i32>} : memref<768xf32, #tpu.memory_space<vmem>>, vector<16xf32>,
      %get3A_414 = arith.constant 320 : index
      %get3A_415 = tpu.vector_load %arg12[%get3A_414] {strides = array<i32>} : memref<768xf32, #tpu.memory_space<vmem>>, vector<16xf32>,
      %get3A_416 = arith.constant 336 : index
      %get3A_417 = tpu.vector_load %arg12[%get3A_416] {strides = array<i32>} : memref<768xf32, #tpu.memory_space<vmem>>, vector<16xf32>,
      %get3A_418 = arith.constant 352 : index
      %get3A_419 = tpu.vector_load %arg12[%get3A_418] {strides = array<i32>} : memref<768xf32, #tpu.memory_space<vmem>>, vector<16xf32>,
      %get3A_420 = arith.constant 368 : index
      %get3A_421 = tpu.vector_load %arg12[%get3A_420] {strides = array<i32>} : memref<768xf32, #tpu.memory_space<vmem>>, vector<16xf32>,
      %scan3A_422 = arith.constant 0 : i32
      %scan3A_423 = arith.constant 0 : i32
      %scan3A_424 = arith.constant 16 : i32
      %scan3A_425 = arith.addi %scan3A_423, %scan3A_424 : i32
      %scan3A_426 = arith.constant 2 : i32
      %scan3A_427 = scf.for %scan3A_575 = %scan3A_423 to %scan3A_425 step %scan3A_426 iter_args(%scan3A_576 = %scan3A_422) -> (i32)  : i32 {
        %broadcast_in_dim3A_577 = arith.constant 0 : i32
        %broadcast_in_dim3A_578 = vector.broadcast %broadcast_in_dim3A_577 : i32 to vector<16xi32>
        %add3A_579 = vector.broadcast %scan3A_575 : i32 to vector<16xi32>
        %add3A_580 = arith.addi %broadcast_in_dim3A_578, %add3A_579 : vector<16xi32>
        %reshape3A = vector.shape_cast %add3A_580 : vector<16xi32> to vector<16x1xi32>
        %gather3A_581 = vector.shape_cast %reshape3A : vector<16x1xi32> to vector<16xi32>
        %gather3A_582 = tpu.dynamic_gather %mul3A_309[%gather3A_581] in [0] : vector<16xf32>, vector<16xi32> -> vector<16xf32>
        %reshape3A_583 = vector.shape_cast %add3A_580 : vector<16xi32> to vector<16x1xi32>
        %gather3A_584 = vector.shape_cast %reshape3A_583 : vector<16x1xi32> to vector<16xi32>
        %gather3A_585 = tpu.dynamic_gather %mul3A_312[%gather3A_584] in [0] : vector<16xf32>, vector<16xi32> -> vector<16xf32>
        %get3A_586 = arith.constant 0 : i32
        %get3A_587 = arith.constant 0 : i32
        %get3A_588 = tpu.memref_slice %arg9[%rem3A_136, %get3A_586, %get3A_587] : memref<4x16x768xf32, #tpu.memory_space<vmem>> -> memref<1x16x768xf32, #tpu.memory_space<vmem>>
        %get3A_589 = tpu.memref_squeeze %get3A_588 : memref<1x16x768xf32, #tpu.memory_space<vmem>> -> memref<16x768xf32, #tpu.memory_space<vmem>>
        %get3A_590 = arith.index_cast %scan3A_575 : i32 to index
        %get3A_591 = arith.constant 256 : index
        %get3A_592 = tpu.vector_load %get3A_589[%get3A_590, %get3A_591] {strides = array<i32>} : memref<16x768xf32, #tpu.memory_space<vmem>>, vector<16xf32>,
        %mul3A_593 = arith.mulf %get3A_592, %gather3A_582 : vector<16xf32>
        %add3A_594 = arith.addf %mul3A_593, %gather3A_585 : vector<16xf32>
        %mul3A_595 = arith.mulf %add3A_594, %get3A_391 : vector<16xf32>
        %add3A_596 = arith.addf %mul3A_595, %get3A_407 : vector<16xf32>
        %swap3A = arith.constant 0 : i32
        %swap3A_597 = arith.constant 0 : i32
        %swap3A_598 = tpu.memref_slice %arg9[%rem3A_136, %swap3A, %swap3A_597] : memref<4x16x768xf32, #tpu.memory_space<vmem>> -> memref<1x16x768xf32, #tpu.memory_space<vmem>>
        %swap3A_599 = tpu.memref_squeeze %swap3A_598 : memref<1x16x768xf32, #tpu.memory_space<vmem>> -> memref<16x768xf32, #tpu.memory_space<vmem>>
        %swap3A_600 = arith.index_cast %scan3A_575 : i32 to index
        %swap3A_601 = arith.constant 256 : index
        %swap3A_602 = tpu.vector_load %swap3A_599[%swap3A_600, %swap3A_601] {strides = array<i32>} : memref<16x768xf32, #tpu.memory_space<vmem>>, vector<16xf32>,
        tpu.vector_store %swap3A_599[%swap3A_600, %swap3A_601], %add3A_596 {strides = array<i32>} : memref<16x768xf32, #tpu.memory_space<vmem>>, vector<16xf32>,
        %get3A_603 = arith.constant 0 : i32
        %get3A_604 = arith.constant 0 : i32
        %get3A_605 = tpu.memref_slice %arg9[%rem3A_136, %get3A_603, %get3A_604] : memref<4x16x768xf32, #tpu.memory_space<vmem>> -> memref<1x16x768xf32, #tpu.memory_space<vmem>>
        %get3A_606 = tpu.memref_squeeze %get3A_605 : memref<1x16x768xf32, #tpu.memory_space<vmem>> -> memref<16x768xf32, #tpu.memory_space<vmem>>
        %get3A_607 = arith.index_cast %scan3A_575 : i32 to index
        %get3A_608 = arith.constant 272 : index
        %get3A_609 = tpu.vector_load %get3A_606[%get3A_607, %get3A_608] {strides = array<i32>} : memref<16x768xf32, #tpu.memory_space<vmem>>, vector<16xf32>,
        %mul3A_610 = arith.mulf %get3A_609, %gather3A_582 : vector<16xf32>
        %add3A_611 = arith.addf %mul3A_610, %gather3A_585 : vector<16xf32>
        %mul3A_612 = arith.mulf %add3A_611, %get3A_393 : vector<16xf32>
        %add3A_613 = arith.addf %mul3A_612, %get3A_409 : vector<16xf32>
        %swap3A_614 = arith.constant 0 : i32
        %swap3A_615 = arith.constant 0 : i32
        %swap3A_616 = tpu.memref_slice %arg9[%rem3A_136, %swap3A_614, %swap3A_615] : memref<4x16x768xf32, #tpu.memory_space<vmem>> -> memref<1x16x768xf32, #tpu.memory_space<vmem>>
        %swap3A_617 = tpu.memref_squeeze %swap3A_616 : memref<1x16x768xf32, #tpu.memory_space<vmem>> -> memref<16x768xf32, #tpu.memory_space<vmem>>
        %swap3A_618 = arith.index_cast %scan3A_575 : i32 to index
        %swap3A_619 = arith.constant 272 : index
        %swap3A_620 = tpu.vector_load %swap3A_617[%swap3A_618, %swap3A_619] {strides = array<i32>} : memref<16x768xf32, #tpu.memory_space<vmem>>, vector<16xf32>,
        tpu.vector_store %swap3A_617[%swap3A_618, %swap3A_619], %add3A_613 {strides = array<i32>} : memref<16x768xf32, #tpu.memory_space<vmem>>, vector<16xf32>,
        %get3A_621 = arith.constant 0 : i32
        %get3A_622 = arith.constant 0 : i32
        %get3A_623 = tpu.memref_slice %arg9[%rem3A_136, %get3A_621, %get3A_622] : memref<4x16x768xf32, #tpu.memory_space<vmem>> -> memref<1x16x768xf32, #tpu.memory_space<vmem>>
        %get3A_624 = tpu.memref_squeeze %get3A_623 : memref<1x16x768xf32, #tpu.memory_space<vmem>> -> memref<16x768xf32, #tpu.memory_space<vmem>>
        %get3A_625 = arith.index_cast %scan3A_575 : i32 to index
        %get3A_626 = arith.constant 288 : index
        %get3A_627 = tpu.vector_load %get3A_624[%get3A_625, %get3A_626] {strides = array<i32>} : memref<16x768xf32, #tpu.memory_space<vmem>>, vector<16xf32>,
        %mul3A_628 = arith.mulf %get3A_627, %gather3A_582 : vector<16xf32>
        %add3A_629 = arith.addf %mul3A_628, %gather3A_585 : vector<16xf32>
        %mul3A_630 = arith.mulf %add3A_629, %get3A_395 : vector<16xf32>
        %add3A_631 = arith.addf %mul3A_630, %get3A_411 : vector<16xf32>
        %swap3A_632 = arith.constant 0 : i32
        %swap3A_633 = arith.constant 0 : i32
        %swap3A_634 = tpu.memref_slice %arg9[%rem3A_136, %swap3A_632, %swap3A_633] : memref<4x16x768xf32, #tpu.memory_space<vmem>> -> memref<1x16x768xf32, #tpu.memory_space<vmem>>
        %swap3A_635 = tpu.memref_squeeze %swap3A_634 : memref<1x16x768xf32, #tpu.memory_space<vmem>> -> memref<16x768xf32, #tpu.memory_space<vmem>>
        %swap3A_636 = arith.index_cast %scan3A_575 : i32 to index
        %swap3A_637 = arith.constant 288 : index
        %swap3A_638 = tpu.vector_load %swap3A_635[%swap3A_636, %swap3A_637] {strides = array<i32>} : memref<16x768xf32, #tpu.memory_space<vmem>>, vector<16xf32>,
        tpu.vector_store %swap3A_635[%swap3A_636, %swap3A_637], %add3A_631 {strides = array<i32>} : memref<16x768xf32, #tpu.memory_space<vmem>>, vector<16xf32>,
        %get3A_639 = arith.constant 0 : i32
        %get3A_640 = arith.constant 0 : i32
        %get3A_641 = tpu.memref_slice %arg9[%rem3A_136, %get3A_639, %get3A_640] : memref<4x16x768xf32, #tpu.memory_space<vmem>> -> memref<1x16x768xf32, #tpu.memory_space<vmem>>
        %get3A_642 = tpu.memref_squeeze %get3A_641 : memref<1x16x768xf32, #tpu.memory_space<vmem>> -> memref<16x768xf32, #tpu.memory_space<vmem>>
        %get3A_643 = arith.index_cast %scan3A_575 : i32 to index
        %get3A_644 = arith.constant 304 : index
        %get3A_645 = tpu.vector_load %get3A_642[%get3A_643, %get3A_644] {strides = array<i32>} : memref<16x768xf32, #tpu.memory_space<vmem>>, vector<16xf32>,
        %mul3A_646 = arith.mulf %get3A_645, %gather3A_582 : vector<16xf32>
        %add3A_647 = arith.addf %mul3A_646, %gather3A_585 : vector<16xf32>
        %mul3A_648 = arith.mulf %add3A_647, %get3A_397 : vector<16xf32>
        %add3A_649 = arith.addf %mul3A_648, %get3A_413 : vector<16xf32>
        %swap3A_650 = arith.constant 0 : i32
        %swap3A_651 = arith.constant 0 : i32
        %swap3A_652 = tpu.memref_slice %arg9[%rem3A_136, %swap3A_650, %swap3A_651] : memref<4x16x768xf32, #tpu.memory_space<vmem>> -> memref<1x16x768xf32, #tpu.memory_space<vmem>>
        %swap3A_653 = tpu.memref_squeeze %swap3A_652 : memref<1x16x768xf32, #tpu.memory_space<vmem>> -> memref<16x768xf32, #tpu.memory_space<vmem>>
        %swap3A_654 = arith.index_cast %scan3A_575 : i32 to index
        %swap3A_655 = arith.constant 304 : index
        %swap3A_656 = tpu.vector_load %swap3A_653[%swap3A_654, %swap3A_655] {strides = array<i32>} : memref<16x768xf32, #tpu.memory_space<vmem>>, vector<16xf32>,
        tpu.vector_store %swap3A_653[%swap3A_654, %swap3A_655], %add3A_649 {strides = array<i32>} : memref<16x768xf32, #tpu.memory_space<vmem>>, vector<16xf32>,
        %get3A_657 = arith.constant 0 : i32
        %get3A_658 = arith.constant 0 : i32
        %get3A_659 = tpu.memref_slice %arg9[%rem3A_136, %get3A_657, %get3A_658] : memref<4x16x768xf32, #tpu.memory_space<vmem>> -> memref<1x16x768xf32, #tpu.memory_space<vmem>>
        %get3A_660 = tpu.memref_squeeze %get3A_659 : memref<1x16x768xf32, #tpu.memory_space<vmem>> -> memref<16x768xf32, #tpu.memory_space<vmem>>
        %get3A_661 = arith.index_cast %scan3A_575 : i32 to index
        %get3A_662 = arith.constant 320 : index
        %get3A_663 = tpu.vector_load %get3A_660[%get3A_661, %get3A_662] {strides = array<i32>} : memref<16x768xf32, #tpu.memory_space<vmem>>, vector<16xf32>,
        %mul3A_664 = arith.mulf %get3A_663, %gather3A_582 : vector<16xf32>
        %add3A_665 = arith.addf %mul3A_664, %gather3A_585 : vector<16xf32>
        %mul3A_666 = arith.mulf %add3A_665, %get3A_399 : vector<16xf32>
        %add3A_667 = arith.addf %mul3A_666, %get3A_415 : vector<16xf32>
        %swap3A_668 = arith.constant 0 : i32
        %swap3A_669 = arith.constant 0 : i32
        %swap3A_670 = tpu.memref_slice %arg9[%rem3A_136, %swap3A_668, %swap3A_669] : memref<4x16x768xf32, #tpu.memory_space<vmem>> -> memref<1x16x768xf32, #tpu.memory_space<vmem>>
        %swap3A_671 = tpu.memref_squeeze %swap3A_670 : memref<1x16x768xf32, #tpu.memory_space<vmem>> -> memref<16x768xf32, #tpu.memory_space<vmem>>
        %swap3A_672 = arith.index_cast %scan3A_575 : i32 to index
        %swap3A_673 = arith.constant 320 : index
        %swap3A_674 = tpu.vector_load %swap3A_671[%swap3A_672, %swap3A_673] {strides = array<i32>} : memref<16x768xf32, #tpu.memory_space<vmem>>, vector<16xf32>,
        tpu.vector_store %swap3A_671[%swap3A_672, %swap3A_673], %add3A_667 {strides = array<i32>} : memref<16x768xf32, #tpu.memory_space<vmem>>, vector<16xf32>,
        %get3A_675 = arith.constant 0 : i32
        %get3A_676 = arith.constant 0 : i32
        %get3A_677 = tpu.memref_slice %arg9[%rem3A_136, %get3A_675, %get3A_676] : memref<4x16x768xf32, #tpu.memory_space<vmem>> -> memref<1x16x768xf32, #tpu.memory_space<vmem>>
        %get3A_678 = tpu.memref_squeeze %get3A_677 : memref<1x16x768xf32, #tpu.memory_space<vmem>> -> memref<16x768xf32, #tpu.memory_space<vmem>>
        %get3A_679 = arith.index_cast %scan3A_575 : i32 to index
        %get3A_680 = arith.constant 336 : index
        %get3A_681 = tpu.vector_load %get3A_678[%get3A_679, %get3A_680] {strides = array<i32>} : memref<16x768xf32, #tpu.memory_space<vmem>>, vector<16xf32>,
        %mul3A_682 = arith.mulf %get3A_681, %gather3A_582 : vector<16xf32>
        %add3A_683 = arith.addf %mul3A_682, %gather3A_585 : vector<16xf32>
        %mul3A_684 = arith.mulf %add3A_683, %get3A_401 : vector<16xf32>
        %add3A_685 = arith.addf %mul3A_684, %get3A_417 : vector<16xf32>
        %swap3A_686 = arith.constant 0 : i32
        %swap3A_687 = arith.constant 0 : i32
        %swap3A_688 = tpu.memref_slice %arg9[%rem3A_136, %swap3A_686, %swap3A_687] : memref<4x16x768xf32, #tpu.memory_space<vmem>> -> memref<1x16x768xf32, #tpu.memory_space<vmem>>
        %swap3A_689 = tpu.memref_squeeze %swap3A_688 : memref<1x16x768xf32, #tpu.memory_space<vmem>> -> memref<16x768xf32, #tpu.memory_space<vmem>>
        %swap3A_690 = arith.index_cast %scan3A_575 : i32 to index
        %swap3A_691 = arith.constant 336 : index
        %swap3A_692 = tpu.vector_load %swap3A_689[%swap3A_690, %swap3A_691] {strides = array<i32>} : memref<16x768xf32, #tpu.memory_space<vmem>>, vector<16xf32>,
        tpu.vector_store %swap3A_689[%swap3A_690, %swap3A_691], %add3A_685 {strides = array<i32>} : memref<16x768xf32, #tpu.memory_space<vmem>>, vector<16xf32>,
        %get3A_693 = arith.constant 0 : i32
        %get3A_694 = arith.constant 0 : i32
        %get3A_695 = tpu.memref_slice %arg9[%rem3A_136, %get3A_693, %get3A_694] : memref<4x16x768xf32, #tpu.memory_space<vmem>> -> memref<1x16x768xf32, #tpu.memory_space<vmem>>
        %get3A_696 = tpu.memref_squeeze %get3A_695 : memref<1x16x768xf32, #tpu.memory_space<vmem>> -> memref<16x768xf32, #tpu.memory_space<vmem>>
        %get3A_697 = arith.index_cast %scan3A_575 : i32 to index
        %get3A_698 = arith.constant 352 : index
        %get3A_699 = tpu.vector_load %get3A_696[%get3A_697, %get3A_698] {strides = array<i32>} : memref<16x768xf32, #tpu.memory_space<vmem>>, vector<16xf32>,
        %mul3A_700 = arith.mulf %get3A_699, %gather3A_582 : vector<16xf32>
        %add3A_701 = arith.addf %mul3A_700, %gather3A_585 : vector<16xf32>
        %mul3A_702 = arith.mulf %add3A_701, %get3A_403 : vector<16xf32>
        %add3A_703 = arith.addf %mul3A_702, %get3A_419 : vector<16xf32>
        %swap3A_704 = arith.constant 0 : i32
        %swap3A_705 = arith.constant 0 : i32
        %swap3A_706 = tpu.memref_slice %arg9[%rem3A_136, %swap3A_704, %swap3A_705] : memref<4x16x768xf32, #tpu.memory_space<vmem>> -> memref<1x16x768xf32, #tpu.memory_space<vmem>>
        %swap3A_707 = tpu.memref_squeeze %swap3A_706 : memref<1x16x768xf32, #tpu.memory_space<vmem>> -> memref<16x768xf32, #tpu.memory_space<vmem>>
        %swap3A_708 = arith.index_cast %scan3A_575 : i32 to index
        %swap3A_709 = arith.constant 352 : index
        %swap3A_710 = tpu.vector_load %swap3A_707[%swap3A_708, %swap3A_709] {strides = array<i32>} : memref<16x768xf32, #tpu.memory_space<vmem>>, vector<16xf32>,
        tpu.vector_store %swap3A_707[%swap3A_708, %swap3A_709], %add3A_703 {strides = array<i32>} : memref<16x768xf32, #tpu.memory_space<vmem>>, vector<16xf32>,
        %get3A_711 = arith.constant 0 : i32
        %get3A_712 = arith.constant 0 : i32
        %get3A_713 = tpu.memref_slice %arg9[%rem3A_136, %get3A_711, %get3A_712] : memref<4x16x768xf32, #tpu.memory_space<vmem>> -> memref<1x16x768xf32, #tpu.memory_space<vmem>>
        %get3A_714 = tpu.memref_squeeze %get3A_713 : memref<1x16x768xf32, #tpu.memory_space<vmem>> -> memref<16x768xf32, #tpu.memory_space<vmem>>
        %get3A_715 = arith.index_cast %scan3A_575 : i32 to index
        %get3A_716 = arith.constant 368 : index
        %get3A_717 = tpu.vector_load %get3A_714[%get3A_715, %get3A_716] {strides = array<i32>} : memref<16x768xf32, #tpu.memory_space<vmem>>, vector<16xf32>,
        %mul3A_718 = arith.mulf %get3A_717, %gather3A_582 : vector<16xf32>
        %add3A_719 = arith.addf %mul3A_718, %gather3A_585 : vector<16xf32>
        %mul3A_720 = arith.mulf %add3A_719, %get3A_405 : vector<16xf32>
        %add3A_721 = arith.addf %mul3A_720, %get3A_421 : vector<16xf32>
        %swap3A_722 = arith.constant 0 : i32
        %swap3A_723 = arith.constant 0 : i32
        %swap3A_724 = tpu.memref_slice %arg9[%rem3A_136, %swap3A_722, %swap3A_723] : memref<4x16x768xf32, #tpu.memory_space<vmem>> -> memref<1x16x768xf32, #tpu.memory_space<vmem>>
        %swap3A_725 = tpu.memref_squeeze %swap3A_724 : memref<1x16x768xf32, #tpu.memory_space<vmem>> -> memref<16x768xf32, #tpu.memory_space<vmem>>
        %swap3A_726 = arith.index_cast %scan3A_575 : i32 to index
        %swap3A_727 = arith.constant 368 : index
        %swap3A_728 = tpu.vector_load %swap3A_725[%swap3A_726, %swap3A_727] {strides = array<i32>} : memref<16x768xf32, #tpu.memory_space<vmem>>, vector<16xf32>,
        tpu.vector_store %swap3A_725[%swap3A_726, %swap3A_727], %add3A_721 {strides = array<i32>} : memref<16x768xf32, #tpu.memory_space<vmem>>, vector<16xf32>,
        %scan3A_729 = arith.constant 0 : i32
        %scan3A_730 = arith.constant 1 : i32
        %scan3A_731 = arith.addi %scan3A_575, %scan3A_730 : i32
        %broadcast_in_dim3A_732 = arith.constant 0 : i32
        %broadcast_in_dim3A_733 = vector.broadcast %broadcast_in_dim3A_732 : i32 to vector<16xi32>
        %add3A_734 = vector.broadcast %scan3A_731 : i32 to vector<16xi32>
        %add3A_735 = arith.addi %broadcast_in_dim3A_733, %add3A_734 : vector<16xi32>
        %reshape3A_736 = vector.shape_cast %add3A_735 : vector<16xi32> to vector<16x1xi32>
        %gather3A_737 = vector.shape_cast %reshape3A_736 : vector<16x1xi32> to vector<16xi32>
        %gather3A_738 = tpu.dynamic_gather %mul3A_309[%gather3A_737] in [0] : vector<16xf32>, vector<16xi32> -> vector<16xf32>
        %reshape3A_739 = vector.shape_cast %add3A_735 : vector<16xi32> to vector<16x1xi32>
        %gather3A_740 = vector.shape_cast %reshape3A_739 : vector<16x1xi32> to vector<16xi32>
        %gather3A_741 = tpu.dynamic_gather %mul3A_312[%gather3A_740] in [0] : vector<16xf32>, vector<16xi32> -> vector<16xf32>
        %get3A_742 = arith.constant 0 : i32
        %get3A_743 = arith.constant 0 : i32
        %get3A_744 = tpu.memref_slice %arg9[%rem3A_136, %get3A_742, %get3A_743] : memref<4x16x768xf32, #tpu.memory_space<vmem>> -> memref<1x16x768xf32, #tpu.memory_space<vmem>>
        %get3A_745 = tpu.memref_squeeze %get3A_744 : memref<1x16x768xf32, #tpu.memory_space<vmem>> -> memref<16x768xf32, #tpu.memory_space<vmem>>
        %get3A_746 = arith.index_cast %scan3A_731 : i32 to index
        %get3A_747 = arith.constant 256 : index
        %get3A_748 = tpu.vector_load %get3A_745[%get3A_746, %get3A_747] {strides = array<i32>} : memref<16x768xf32, #tpu.memory_space<vmem>>, vector<16xf32>,
        %mul3A_749 = arith.mulf %get3A_748, %gather3A_738 : vector<16xf32>
        %add3A_750 = arith.addf %mul3A_749, %gather3A_741 : vector<16xf32>
        %mul3A_751 = arith.mulf %add3A_750, %get3A_391 : vector<16xf32>
        %add3A_752 = arith.addf %mul3A_751, %get3A_407 : vector<16xf32>
        %swap3A_753 = arith.constant 0 : i32
        %swap3A_754 = arith.constant 0 : i32
        %swap3A_755 = tpu.memref_slice %arg9[%rem3A_136, %swap3A_753, %swap3A_754] : memref<4x16x768xf32, #tpu.memory_space<vmem>> -> memref<1x16x768xf32, #tpu.memory_space<vmem>>
        %swap3A_756 = tpu.memref_squeeze %swap3A_755 : memref<1x16x768xf32, #tpu.memory_space<vmem>> -> memref<16x768xf32, #tpu.memory_space<vmem>>
        %swap3A_757 = arith.index_cast %scan3A_731 : i32 to index
        %swap3A_758 = arith.constant 256 : index
        %swap3A_759 = tpu.vector_load %swap3A_756[%swap3A_757, %swap3A_758] {strides = array<i32>} : memref<16x768xf32, #tpu.memory_space<vmem>>, vector<16xf32>,
        tpu.vector_store %swap3A_756[%swap3A_757, %swap3A_758], %add3A_752 {strides = array<i32>} : memref<16x768xf32, #tpu.memory_space<vmem>>, vector<16xf32>,
        %get3A_760 = arith.constant 0 : i32
        %get3A_761 = arith.constant 0 : i32
        %get3A_762 = tpu.memref_slice %arg9[%rem3A_136, %get3A_760, %get3A_761] : memref<4x16x768xf32, #tpu.memory_space<vmem>> -> memref<1x16x768xf32, #tpu.memory_space<vmem>>
        %get3A_763 = tpu.memref_squeeze %get3A_762 : memref<1x16x768xf32, #tpu.memory_space<vmem>> -> memref<16x768xf32, #tpu.memory_space<vmem>>
        %get3A_764 = arith.index_cast %scan3A_731 : i32 to index
        %get3A_765 = arith.constant 272 : index
        %get3A_766 = tpu.vector_load %get3A_763[%get3A_764, %get3A_765] {strides = array<i32>} : memref<16x768xf32, #tpu.memory_space<vmem>>, vector<16xf32>,
        %mul3A_767 = arith.mulf %get3A_766, %gather3A_738 : vector<16xf32>
        %add3A_768 = arith.addf %mul3A_767, %gather3A_741 : vector<16xf32>
        %mul3A_769 = arith.mulf %add3A_768, %get3A_393 : vector<16xf32>
        %add3A_770 = arith.addf %mul3A_769, %get3A_409 : vector<16xf32>
        %swap3A_771 = arith.constant 0 : i32
        %swap3A_772 = arith.constant 0 : i32
        %swap3A_773 = tpu.memref_slice %arg9[%rem3A_136, %swap3A_771, %swap3A_772] : memref<4x16x768xf32, #tpu.memory_space<vmem>> -> memref<1x16x768xf32, #tpu.memory_space<vmem>>
        %swap3A_774 = tpu.memref_squeeze %swap3A_773 : memref<1x16x768xf32, #tpu.memory_space<vmem>> -> memref<16x768xf32, #tpu.memory_space<vmem>>
        %swap3A_775 = arith.index_cast %scan3A_731 : i32 to index
        %swap3A_776 = arith.constant 272 : index
        %swap3A_777 = tpu.vector_load %swap3A_774[%swap3A_775, %swap3A_776] {strides = array<i32>} : memref<16x768xf32, #tpu.memory_space<vmem>>, vector<16xf32>,
        tpu.vector_store %swap3A_774[%swap3A_775, %swap3A_776], %add3A_770 {strides = array<i32>} : memref<16x768xf32, #tpu.memory_space<vmem>>, vector<16xf32>,
        %get3A_778 = arith.constant 0 : i32
        %get3A_779 = arith.constant 0 : i32
        %get3A_780 = tpu.memref_slice %arg9[%rem3A_136, %get3A_778, %get3A_779] : memref<4x16x768xf32, #tpu.memory_space<vmem>> -> memref<1x16x768xf32, #tpu.memory_space<vmem>>
        %get3A_781 = tpu.memref_squeeze %get3A_780 : memref<1x16x768xf32, #tpu.memory_space<vmem>> -> memref<16x768xf32, #tpu.memory_space<vmem>>
        %get3A_782 = arith.index_cast %scan3A_731 : i32 to index
        %get3A_783 = arith.constant 288 : index
        %get3A_784 = tpu.vector_load %get3A_781[%get3A_782, %get3A_783] {strides = array<i32>} : memref<16x768xf32, #tpu.memory_space<vmem>>, vector<16xf32>,
        %mul3A_785 = arith.mulf %get3A_784, %gather3A_738 : vector<16xf32>
        %add3A_786 = arith.addf %mul3A_785, %gather3A_741 : vector<16xf32>
        %mul3A_787 = arith.mulf %add3A_786, %get3A_395 : vector<16xf32>
        %add3A_788 = arith.addf %mul3A_787, %get3A_411 : vector<16xf32>
        %swap3A_789 = arith.constant 0 : i32
        %swap3A_790 = arith.constant 0 : i32
        %swap3A_791 = tpu.memref_slice %arg9[%rem3A_136, %swap3A_789, %swap3A_790] : memref<4x16x768xf32, #tpu.memory_space<vmem>> -> memref<1x16x768xf32, #tpu.memory_space<vmem>>
        %swap3A_792 = tpu.memref_squeeze %swap3A_791 : memref<1x16x768xf32, #tpu.memory_space<vmem>> -> memref<16x768xf32, #tpu.memory_space<vmem>>
        %swap3A_793 = arith.index_cast %scan3A_731 : i32 to index
        %swap3A_794 = arith.constant 288 : index
        %swap3A_795 = tpu.vector_load %swap3A_792[%swap3A_793, %swap3A_794] {strides = array<i32>} : memref<16x768xf32, #tpu.memory_space<vmem>>, vector<16xf32>,
        tpu.vector_store %swap3A_792[%swap3A_793, %swap3A_794], %add3A_788 {strides = array<i32>} : memref<16x768xf32, #tpu.memory_space<vmem>>, vector<16xf32>,
        %get3A_796 = arith.constant 0 : i32
        %get3A_797 = arith.constant 0 : i32
        %get3A_798 = tpu.memref_slice %arg9[%rem3A_136, %get3A_796, %get3A_797] : memref<4x16x768xf32, #tpu.memory_space<vmem>> -> memref<1x16x768xf32, #tpu.memory_space<vmem>>
        %get3A_799 = tpu.memref_squeeze %get3A_798 : memref<1x16x768xf32, #tpu.memory_space<vmem>> -> memref<16x768xf32, #tpu.memory_space<vmem>>
        %get3A_800 = arith.index_cast %scan3A_731 : i32 to index
        %get3A_801 = arith.constant 304 : index
        %get3A_802 = tpu.vector_load %get3A_799[%get3A_800, %get3A_801] {strides = array<i32>} : memref<16x768xf32, #tpu.memory_space<vmem>>, vector<16xf32>,
        %mul3A_803 = arith.mulf %get3A_802, %gather3A_738 : vector<16xf32>
        %add3A_804 = arith.addf %mul3A_803, %gather3A_741 : vector<16xf32>
        %mul3A_805 = arith.mulf %add3A_804, %get3A_397 : vector<16xf32>
        %add3A_806 = arith.addf %mul3A_805, %get3A_413 : vector<16xf32>
        %swap3A_807 = arith.constant 0 : i32
        %swap3A_808 = arith.constant 0 : i32
        %swap3A_809 = tpu.memref_slice %arg9[%rem3A_136, %swap3A_807, %swap3A_808] : memref<4x16x768xf32, #tpu.memory_space<vmem>> -> memref<1x16x768xf32, #tpu.memory_space<vmem>>
        %swap3A_810 = tpu.memref_squeeze %swap3A_809 : memref<1x16x768xf32, #tpu.memory_space<vmem>> -> memref<16x768xf32, #tpu.memory_space<vmem>>
        %swap3A_811 = arith.index_cast %scan3A_731 : i32 to index
        %swap3A_812 = arith.constant 304 : index
        %swap3A_813 = tpu.vector_load %swap3A_810[%swap3A_811, %swap3A_812] {strides = array<i32>} : memref<16x768xf32, #tpu.memory_space<vmem>>, vector<16xf32>,
        tpu.vector_store %swap3A_810[%swap3A_811, %swap3A_812], %add3A_806 {strides = array<i32>} : memref<16x768xf32, #tpu.memory_space<vmem>>, vector<16xf32>,
        %get3A_814 = arith.constant 0 : i32
        %get3A_815 = arith.constant 0 : i32
        %get3A_816 = tpu.memref_slice %arg9[%rem3A_136, %get3A_814, %get3A_815] : memref<4x16x768xf32, #tpu.memory_space<vmem>> -> memref<1x16x768xf32, #tpu.memory_space<vmem>>
        %get3A_817 = tpu.memref_squeeze %get3A_816 : memref<1x16x768xf32, #tpu.memory_space<vmem>> -> memref<16x768xf32, #tpu.memory_space<vmem>>
        %get3A_818 = arith.index_cast %scan3A_731 : i32 to index
        %get3A_819 = arith.constant 320 : index
        %get3A_820 = tpu.vector_load %get3A_817[%get3A_818, %get3A_819] {strides = array<i32>} : memref<16x768xf32, #tpu.memory_space<vmem>>, vector<16xf32>,
        %mul3A_821 = arith.mulf %get3A_820, %gather3A_738 : vector<16xf32>
        %add3A_822 = arith.addf %mul3A_821, %gather3A_741 : vector<16xf32>
        %mul3A_823 = arith.mulf %add3A_822, %get3A_399 : vector<16xf32>
        %add3A_824 = arith.addf %mul3A_823, %get3A_415 : vector<16xf32>
        %swap3A_825 = arith.constant 0 : i32
        %swap3A_826 = arith.constant 0 : i32
        %swap3A_827 = tpu.memref_slice %arg9[%rem3A_136, %swap3A_825, %swap3A_826] : memref<4x16x768xf32, #tpu.memory_space<vmem>> -> memref<1x16x768xf32, #tpu.memory_space<vmem>>
        %swap3A_828 = tpu.memref_squeeze %swap3A_827 : memref<1x16x768xf32, #tpu.memory_space<vmem>> -> memref<16x768xf32, #tpu.memory_space<vmem>>
        %swap3A_829 = arith.index_cast %scan3A_731 : i32 to index
        %swap3A_830 = arith.constant 320 : index
        %swap3A_831 = tpu.vector_load %swap3A_828[%swap3A_829, %swap3A_830] {strides = array<i32>} : memref<16x768xf32, #tpu.memory_space<vmem>>, vector<16xf32>,
        tpu.vector_store %swap3A_828[%swap3A_829, %swap3A_830], %add3A_824 {strides = array<i32>} : memref<16x768xf32, #tpu.memory_space<vmem>>, vector<16xf32>,
        %get3A_832 = arith.constant 0 : i32
        %get3A_833 = arith.constant 0 : i32
        %get3A_834 = tpu.memref_slice %arg9[%rem3A_136, %get3A_832, %get3A_833] : memref<4x16x768xf32, #tpu.memory_space<vmem>> -> memref<1x16x768xf32, #tpu.memory_space<vmem>>
        %get3A_835 = tpu.memref_squeeze %get3A_834 : memref<1x16x768xf32, #tpu.memory_space<vmem>> -> memref<16x768xf32, #tpu.memory_space<vmem>>
        %get3A_836 = arith.index_cast %scan3A_731 : i32 to index
        %get3A_837 = arith.constant 336 : index
        %get3A_838 = tpu.vector_load %get3A_835[%get3A_836, %get3A_837] {strides = array<i32>} : memref<16x768xf32, #tpu.memory_space<vmem>>, vector<16xf32>,
        %mul3A_839 = arith.mulf %get3A_838, %gather3A_738 : vector<16xf32>
        %add3A_840 = arith.addf %mul3A_839, %gather3A_741 : vector<16xf32>
        %mul3A_841 = arith.mulf %add3A_840, %get3A_401 : vector<16xf32>
        %add3A_842 = arith.addf %mul3A_841, %get3A_417 : vector<16xf32>
        %swap3A_843 = arith.constant 0 : i32
        %swap3A_844 = arith.constant 0 : i32
        %swap3A_845 = tpu.memref_slice %arg9[%rem3A_136, %swap3A_843, %swap3A_844] : memref<4x16x768xf32, #tpu.memory_space<vmem>> -> memref<1x16x768xf32, #tpu.memory_space<vmem>>
        %swap3A_846 = tpu.memref_squeeze %swap3A_845 : memref<1x16x768xf32, #tpu.memory_space<vmem>> -> memref<16x768xf32, #tpu.memory_space<vmem>>
        %swap3A_847 = arith.index_cast %scan3A_731 : i32 to index
        %swap3A_848 = arith.constant 336 : index
        %swap3A_849 = tpu.vector_load %swap3A_846[%swap3A_847, %swap3A_848] {strides = array<i32>} : memref<16x768xf32, #tpu.memory_space<vmem>>, vector<16xf32>,
        tpu.vector_store %swap3A_846[%swap3A_847, %swap3A_848], %add3A_842 {strides = array<i32>} : memref<16x768xf32, #tpu.memory_space<vmem>>, vector<16xf32>,
        %get3A_850 = arith.constant 0 : i32
        %get3A_851 = arith.constant 0 : i32
        %get3A_852 = tpu.memref_slice %arg9[%rem3A_136, %get3A_850, %get3A_851] : memref<4x16x768xf32, #tpu.memory_space<vmem>> -> memref<1x16x768xf32, #tpu.memory_space<vmem>>
        %get3A_853 = tpu.memref_squeeze %get3A_852 : memref<1x16x768xf32, #tpu.memory_space<vmem>> -> memref<16x768xf32, #tpu.memory_space<vmem>>
        %get3A_854 = arith.index_cast %scan3A_731 : i32 to index
        %get3A_855 = arith.constant 352 : index
        %get3A_856 = tpu.vector_load %get3A_853[%get3A_854, %get3A_855] {strides = array<i32>} : memref<16x768xf32, #tpu.memory_space<vmem>>, vector<16xf32>,
        %mul3A_857 = arith.mulf %get3A_856, %gather3A_738 : vector<16xf32>
        %add3A_858 = arith.addf %mul3A_857, %gather3A_741 : vector<16xf32>
        %mul3A_859 = arith.mulf %add3A_858, %get3A_403 : vector<16xf32>
        %add3A_860 = arith.addf %mul3A_859, %get3A_419 : vector<16xf32>
        %swap3A_861 = arith.constant 0 : i32
        %swap3A_862 = arith.constant 0 : i32
        %swap3A_863 = tpu.memref_slice %arg9[%rem3A_136, %swap3A_861, %swap3A_862] : memref<4x16x768xf32, #tpu.memory_space<vmem>> -> memref<1x16x768xf32, #tpu.memory_space<vmem>>
        %swap3A_864 = tpu.memref_squeeze %swap3A_863 : memref<1x16x768xf32, #tpu.memory_space<vmem>> -> memref<16x768xf32, #tpu.memory_space<vmem>>
        %swap3A_865 = arith.index_cast %scan3A_731 : i32 to index
        %swap3A_866 = arith.constant 352 : index
        %swap3A_867 = tpu.vector_load %swap3A_864[%swap3A_865, %swap3A_866] {strides = array<i32>} : memref<16x768xf32, #tpu.memory_space<vmem>>, vector<16xf32>,
        tpu.vector_store %swap3A_864[%swap3A_865, %swap3A_866], %add3A_860 {strides = array<i32>} : memref<16x768xf32, #tpu.memory_space<vmem>>, vector<16xf32>,
        %get3A_868 = arith.constant 0 : i32
        %get3A_869 = arith.constant 0 : i32
        %get3A_870 = tpu.memref_slice %arg9[%rem3A_136, %get3A_868, %get3A_869] : memref<4x16x768xf32, #tpu.memory_space<vmem>> -> memref<1x16x768xf32, #tpu.memory_space<vmem>>
        %get3A_871 = tpu.memref_squeeze %get3A_870 : memref<1x16x768xf32, #tpu.memory_space<vmem>> -> memref<16x768xf32, #tpu.memory_space<vmem>>
        %get3A_872 = arith.index_cast %scan3A_731 : i32 to index
        %get3A_873 = arith.constant 368 : index
        %get3A_874 = tpu.vector_load %get3A_871[%get3A_872, %get3A_873] {strides = array<i32>} : memref<16x768xf32, #tpu.memory_space<vmem>>, vector<16xf32>,
        %mul3A_875 = arith.mulf %get3A_874, %gather3A_738 : vector<16xf32>
        %add3A_876 = arith.addf %mul3A_875, %gather3A_741 : vector<16xf32>
        %mul3A_877 = arith.mulf %add3A_876, %get3A_405 : vector<16xf32>
        %add3A_878 = arith.addf %mul3A_877, %get3A_421 : vector<16xf32>
        %swap3A_879 = arith.constant 0 : i32
        %swap3A_880 = arith.constant 0 : i32
        %swap3A_881 = tpu.memref_slice %arg9[%rem3A_136, %swap3A_879, %swap3A_880] : memref<4x16x768xf32, #tpu.memory_space<vmem>> -> memref<1x16x768xf32, #tpu.memory_space<vmem>>
        %swap3A_882 = tpu.memref_squeeze %swap3A_881 : memref<1x16x768xf32, #tpu.memory_space<vmem>> -> memref<16x768xf32, #tpu.memory_space<vmem>>
        %swap3A_883 = arith.index_cast %scan3A_731 : i32 to index
        %swap3A_884 = arith.constant 368 : index
        %swap3A_885 = tpu.vector_load %swap3A_882[%swap3A_883, %swap3A_884] {strides = array<i32>} : memref<16x768xf32, #tpu.memory_space<vmem>>, vector<16xf32>,
        tpu.vector_store %swap3A_882[%swap3A_883, %swap3A_884], %add3A_878 {strides = array<i32>} : memref<16x768xf32, #tpu.memory_space<vmem>>, vector<16xf32>,
        %scan3A_886 = arith.constant 0 : i32
        scf.yield %scan3A_886 : i32
      }
      %scan3A_428 = arith.constant 16 : i32
      %get3A_429 = arith.constant 384 : index
      %get3A_430 = tpu.vector_load %arg11[%get3A_429] {strides = array<i32>} : memref<768xf32, #tpu.memory_space<vmem>>, vector<16xf32>,
      %get3A_431 = arith.constant 400 : index
      %get3A_432 = tpu.vector_load %arg11[%get3A_431] {strides = array<i32>} : memref<768xf32, #tpu.memory_space<vmem>>, vector<16xf32>,
      %get3A_433 = arith.constant 416 : index
      %get3A_434 = tpu.vector_load %arg11[%get3A_433] {strides = array<i32>} : memref<768xf32, #tpu.memory_space<vmem>>, vector<16xf32>,
      %get3A_435 = arith.constant 432 : index
      %get3A_436 = tpu.vector_load %arg11[%get3A_435] {strides = array<i32>} : memref<768xf32, #tpu.memory_space<vmem>>, vector<16xf32>,
      %get3A_437 = arith.constant 448 : index
      %get3A_438 = tpu.vector_load %arg11[%get3A_437] {strides = array<i32>} : memref<768xf32, #tpu.memory_space<vmem>>, vector<16xf32>,
      %get3A_439 = arith.constant 464 : index
      %get3A_440 = tpu.vector_load %arg11[%get3A_439] {strides = array<i32>} : memref<768xf32, #tpu.memory_space<vmem>>, vector<16xf32>,
      %get3A_441 = arith.constant 480 : index
      %get3A_442 = tpu.vector_load %arg11[%get3A_441] {strides = array<i32>} : memref<768xf32, #tpu.memory_space<vmem>>, vector<16xf32>,
      %get3A_443 = arith.constant 496 : index
      %get3A_444 = tpu.vector_load %arg11[%get3A_443] {strides = array<i32>} : memref<768xf32, #tpu.memory_space<vmem>>, vector<16xf32>,
      %get3A_445 = arith.constant 384 : index
      %get3A_446 = tpu.vector_load %arg12[%get3A_445] {strides = array<i32>} : memref<768xf32, #tpu.memory_space<vmem>>, vector<16xf32>,
      %get3A_447 = arith.constant 400 : index
      %get3A_448 = tpu.vector_load %arg12[%get3A_447] {strides = array<i32>} : memref<768xf32, #tpu.memory_space<vmem>>, vector<16xf32>,
      %get3A_449 = arith.constant 416 : index
      %get3A_450 = tpu.vector_load %arg12[%get3A_449] {strides = array<i32>} : memref<768xf32, #tpu.memory_space<vmem>>, vector<16xf32>,
      %get3A_451 = arith.constant 432 : index
      %get3A_452 = tpu.vector_load %arg12[%get3A_451] {strides = array<i32>} : memref<768xf32, #tpu.memory_space<vmem>>, vector<16xf32>,
      %get3A_453 = arith.constant 448 : index
      %get3A_454 = tpu.vector_load %arg12[%get3A_453] {strides = array<i32>} : memref<768xf32, #tpu.memory_space<vmem>>, vector<16xf32>,
      %get3A_455 = arith.constant 464 : index
      %get3A_456 = tpu.vector_load %arg12[%get3A_455] {strides = array<i32>} : memref<768xf32, #tpu.memory_space<vmem>>, vector<16xf32>,
      %get3A_457 = arith.constant 480 : index
      %get3A_458 = tpu.vector_load %arg12[%get3A_457] {strides = array<i32>} : memref<768xf32, #tpu.memory_space<vmem>>, vector<16xf32>,
      %get3A_459 = arith.constant 496 : index
      %get3A_460 = tpu.vector_load %arg12[%get3A_459] {strides = array<i32>} : memref<768xf32, #tpu.memory_space<vmem>>, vector<16xf32>,
      %scan3A_461 = arith.constant 0 : i32
      %scan3A_462 = arith.constant 0 : i32
      %scan3A_463 = arith.constant 16 : i32
      %scan3A_464 = arith.addi %scan3A_462, %scan3A_463 : i32
      %scan3A_465 = arith.constant 2 : i32
      %scan3A_466 = scf.for %scan3A_575 = %scan3A_462 to %scan3A_464 step %scan3A_465 iter_args(%scan3A_576 = %scan3A_461) -> (i32)  : i32 {
        %broadcast_in_dim3A_577 = arith.constant 0 : i32
        %broadcast_in_dim3A_578 = vector.broadcast %broadcast_in_dim3A_577 : i32 to vector<16xi32>
        %add3A_579 = vector.broadcast %scan3A_575 : i32 to vector<16xi32>
        %add3A_580 = arith.addi %broadcast_in_dim3A_578, %add3A_579 : vector<16xi32>
        %reshape3A = vector.shape_cast %add3A_580 : vector<16xi32> to vector<16x1xi32>
        %gather3A_581 = vector.shape_cast %reshape3A : vector<16x1xi32> to vector<16xi32>
        %gather3A_582 = tpu.dynamic_gather %mul3A_309[%gather3A_581] in [0] : vector<16xf32>, vector<16xi32> -> vector<16xf32>
        %reshape3A_583 = vector.shape_cast %add3A_580 : vector<16xi32> to vector<16x1xi32>
        %gather3A_584 = vector.shape_cast %reshape3A_583 : vector<16x1xi32> to vector<16xi32>
        %gather3A_585 = tpu.dynamic_gather %mul3A_312[%gather3A_584] in [0] : vector<16xf32>, vector<16xi32> -> vector<16xf32>
        %get3A_586 = arith.constant 0 : i32
        %get3A_587 = arith.constant 0 : i32
        %get3A_588 = tpu.memref_slice %arg9[%rem3A_136, %get3A_586, %get3A_587] : memref<4x16x768xf32, #tpu.memory_space<vmem>> -> memref<1x16x768xf32, #tpu.memory_space<vmem>>
        %get3A_589 = tpu.memref_squeeze %get3A_588 : memref<1x16x768xf32, #tpu.memory_space<vmem>> -> memref<16x768xf32, #tpu.memory_space<vmem>>
        %get3A_590 = arith.index_cast %scan3A_575 : i32 to index
        %get3A_591 = arith.constant 384 : index
        %get3A_592 = tpu.vector_load %get3A_589[%get3A_590, %get3A_591] {strides = array<i32>} : memref<16x768xf32, #tpu.memory_space<vmem>>, vector<16xf32>,
        %mul3A_593 = arith.mulf %get3A_592, %gather3A_582 : vector<16xf32>
        %add3A_594 = arith.addf %mul3A_593, %gather3A_585 : vector<16xf32>
        %mul3A_595 = arith.mulf %add3A_594, %get3A_430 : vector<16xf32>
        %add3A_596 = arith.addf %mul3A_595, %get3A_446 : vector<16xf32>
        %swap3A = arith.constant 0 : i32
        %swap3A_597 = arith.constant 0 : i32
        %swap3A_598 = tpu.memref_slice %arg9[%rem3A_136, %swap3A, %swap3A_597] : memref<4x16x768xf32, #tpu.memory_space<vmem>> -> memref<1x16x768xf32, #tpu.memory_space<vmem>>
        %swap3A_599 = tpu.memref_squeeze %swap3A_598 : memref<1x16x768xf32, #tpu.memory_space<vmem>> -> memref<16x768xf32, #tpu.memory_space<vmem>>
        %swap3A_600 = arith.index_cast %scan3A_575 : i32 to index
        %swap3A_601 = arith.constant 384 : index
        %swap3A_602 = tpu.vector_load %swap3A_599[%swap3A_600, %swap3A_601] {strides = array<i32>} : memref<16x768xf32, #tpu.memory_space<vmem>>, vector<16xf32>,
        tpu.vector_store %swap3A_599[%swap3A_600, %swap3A_601], %add3A_596 {strides = array<i32>} : memref<16x768xf32, #tpu.memory_space<vmem>>, vector<16xf32>,
        %get3A_603 = arith.constant 0 : i32
        %get3A_604 = arith.constant 0 : i32
        %get3A_605 = tpu.memref_slice %arg9[%rem3A_136, %get3A_603, %get3A_604] : memref<4x16x768xf32, #tpu.memory_space<vmem>> -> memref<1x16x768xf32, #tpu.memory_space<vmem>>
        %get3A_606 = tpu.memref_squeeze %get3A_605 : memref<1x16x768xf32, #tpu.memory_space<vmem>> -> memref<16x768xf32, #tpu.memory_space<vmem>>
        %get3A_607 = arith.index_cast %scan3A_575 : i32 to index
        %get3A_608 = arith.constant 400 : index
        %get3A_609 = tpu.vector_load %get3A_606[%get3A_607, %get3A_608] {strides = array<i32>} : memref<16x768xf32, #tpu.memory_space<vmem>>, vector<16xf32>,
        %mul3A_610 = arith.mulf %get3A_609, %gather3A_582 : vector<16xf32>
        %add3A_611 = arith.addf %mul3A_610, %gather3A_585 : vector<16xf32>
        %mul3A_612 = arith.mulf %add3A_611, %get3A_432 : vector<16xf32>
        %add3A_613 = arith.addf %mul3A_612, %get3A_448 : vector<16xf32>
        %swap3A_614 = arith.constant 0 : i32
        %swap3A_615 = arith.constant 0 : i32
        %swap3A_616 = tpu.memref_slice %arg9[%rem3A_136, %swap3A_614, %swap3A_615] : memref<4x16x768xf32, #tpu.memory_space<vmem>> -> memref<1x16x768xf32, #tpu.memory_space<vmem>>
        %swap3A_617 = tpu.memref_squeeze %swap3A_616 : memref<1x16x768xf32, #tpu.memory_space<vmem>> -> memref<16x768xf32, #tpu.memory_space<vmem>>
        %swap3A_618 = arith.index_cast %scan3A_575 : i32 to index
        %swap3A_619 = arith.constant 400 : index
        %swap3A_620 = tpu.vector_load %swap3A_617[%swap3A_618, %swap3A_619] {strides = array<i32>} : memref<16x768xf32, #tpu.memory_space<vmem>>, vector<16xf32>,
        tpu.vector_store %swap3A_617[%swap3A_618, %swap3A_619], %add3A_613 {strides = array<i32>} : memref<16x768xf32, #tpu.memory_space<vmem>>, vector<16xf32>,
        %get3A_621 = arith.constant 0 : i32
        %get3A_622 = arith.constant 0 : i32
        %get3A_623 = tpu.memref_slice %arg9[%rem3A_136, %get3A_621, %get3A_622] : memref<4x16x768xf32, #tpu.memory_space<vmem>> -> memref<1x16x768xf32, #tpu.memory_space<vmem>>
        %get3A_624 = tpu.memref_squeeze %get3A_623 : memref<1x16x768xf32, #tpu.memory_space<vmem>> -> memref<16x768xf32, #tpu.memory_space<vmem>>
        %get3A_625 = arith.index_cast %scan3A_575 : i32 to index
        %get3A_626 = arith.constant 416 : index
        %get3A_627 = tpu.vector_load %get3A_624[%get3A_625, %get3A_626] {strides = array<i32>} : memref<16x768xf32, #tpu.memory_space<vmem>>, vector<16xf32>,
        %mul3A_628 = arith.mulf %get3A_627, %gather3A_582 : vector<16xf32>
        %add3A_629 = arith.addf %mul3A_628, %gather3A_585 : vector<16xf32>
        %mul3A_630 = arith.mulf %add3A_629, %get3A_434 : vector<16xf32>
        %add3A_631 = arith.addf %mul3A_630, %get3A_450 : vector<16xf32>
        %swap3A_632 = arith.constant 0 : i32
        %swap3A_633 = arith.constant 0 : i32
        %swap3A_634 = tpu.memref_slice %arg9[%rem3A_136, %swap3A_632, %swap3A_633] : memref<4x16x768xf32, #tpu.memory_space<vmem>> -> memref<1x16x768xf32, #tpu.memory_space<vmem>>
        %swap3A_635 = tpu.memref_squeeze %swap3A_634 : memref<1x16x768xf32, #tpu.memory_space<vmem>> -> memref<16x768xf32, #tpu.memory_space<vmem>>
        %swap3A_636 = arith.index_cast %scan3A_575 : i32 to index
        %swap3A_637 = arith.constant 416 : index
        %swap3A_638 = tpu.vector_load %swap3A_635[%swap3A_636, %swap3A_637] {strides = array<i32>} : memref<16x768xf32, #tpu.memory_space<vmem>>, vector<16xf32>,
        tpu.vector_store %swap3A_635[%swap3A_636, %swap3A_637], %add3A_631 {strides = array<i32>} : memref<16x768xf32, #tpu.memory_space<vmem>>, vector<16xf32>,
        %get3A_639 = arith.constant 0 : i32
        %get3A_640 = arith.constant 0 : i32
        %get3A_641 = tpu.memref_slice %arg9[%rem3A_136, %get3A_639, %get3A_640] : memref<4x16x768xf32, #tpu.memory_space<vmem>> -> memref<1x16x768xf32, #tpu.memory_space<vmem>>
        %get3A_642 = tpu.memref_squeeze %get3A_641 : memref<1x16x768xf32, #tpu.memory_space<vmem>> -> memref<16x768xf32, #tpu.memory_space<vmem>>
        %get3A_643 = arith.index_cast %scan3A_575 : i32 to index
        %get3A_644 = arith.constant 432 : index
        %get3A_645 = tpu.vector_load %get3A_642[%get3A_643, %get3A_644] {strides = array<i32>} : memref<16x768xf32, #tpu.memory_space<vmem>>, vector<16xf32>,
        %mul3A_646 = arith.mulf %get3A_645, %gather3A_582 : vector<16xf32>
        %add3A_647 = arith.addf %mul3A_646, %gather3A_585 : vector<16xf32>
        %mul3A_648 = arith.mulf %add3A_647, %get3A_436 : vector<16xf32>
        %add3A_649 = arith.addf %mul3A_648, %get3A_452 : vector<16xf32>
        %swap3A_650 = arith.constant 0 : i32
        %swap3A_651 = arith.constant 0 : i32
        %swap3A_652 = tpu.memref_slice %arg9[%rem3A_136, %swap3A_650, %swap3A_651] : memref<4x16x768xf32, #tpu.memory_space<vmem>> -> memref<1x16x768xf32, #tpu.memory_space<vmem>>
        %swap3A_653 = tpu.memref_squeeze %swap3A_652 : memref<1x16x768xf32, #tpu.memory_space<vmem>> -> memref<16x768xf32, #tpu.memory_space<vmem>>
        %swap3A_654 = arith.index_cast %scan3A_575 : i32 to index
        %swap3A_655 = arith.constant 432 : index
        %swap3A_656 = tpu.vector_load %swap3A_653[%swap3A_654, %swap3A_655] {strides = array<i32>} : memref<16x768xf32, #tpu.memory_space<vmem>>, vector<16xf32>,
        tpu.vector_store %swap3A_653[%swap3A_654, %swap3A_655], %add3A_649 {strides = array<i32>} : memref<16x768xf32, #tpu.memory_space<vmem>>, vector<16xf32>,
        %get3A_657 = arith.constant 0 : i32
        %get3A_658 = arith.constant 0 : i32
        %get3A_659 = tpu.memref_slice %arg9[%rem3A_136, %get3A_657, %get3A_658] : memref<4x16x768xf32, #tpu.memory_space<vmem>> -> memref<1x16x768xf32, #tpu.memory_space<vmem>>
        %get3A_660 = tpu.memref_squeeze %get3A_659 : memref<1x16x768xf32, #tpu.memory_space<vmem>> -> memref<16x768xf32, #tpu.memory_space<vmem>>
        %get3A_661 = arith.index_cast %scan3A_575 : i32 to index
        %get3A_662 = arith.constant 448 : index
        %get3A_663 = tpu.vector_load %get3A_660[%get3A_661, %get3A_662] {strides = array<i32>} : memref<16x768xf32, #tpu.memory_space<vmem>>, vector<16xf32>,
        %mul3A_664 = arith.mulf %get3A_663, %gather3A_582 : vector<16xf32>
        %add3A_665 = arith.addf %mul3A_664, %gather3A_585 : vector<16xf32>
        %mul3A_666 = arith.mulf %add3A_665, %get3A_438 : vector<16xf32>
        %add3A_667 = arith.addf %mul3A_666, %get3A_454 : vector<16xf32>
        %swap3A_668 = arith.constant 0 : i32
        %swap3A_669 = arith.constant 0 : i32
        %swap3A_670 = tpu.memref_slice %arg9[%rem3A_136, %swap3A_668, %swap3A_669] : memref<4x16x768xf32, #tpu.memory_space<vmem>> -> memref<1x16x768xf32, #tpu.memory_space<vmem>>
        %swap3A_671 = tpu.memref_squeeze %swap3A_670 : memref<1x16x768xf32, #tpu.memory_space<vmem>> -> memref<16x768xf32, #tpu.memory_space<vmem>>
        %swap3A_672 = arith.index_cast %scan3A_575 : i32 to index
        %swap3A_673 = arith.constant 448 : index
        %swap3A_674 = tpu.vector_load %swap3A_671[%swap3A_672, %swap3A_673] {strides = array<i32>} : memref<16x768xf32, #tpu.memory_space<vmem>>, vector<16xf32>,
        tpu.vector_store %swap3A_671[%swap3A_672, %swap3A_673], %add3A_667 {strides = array<i32>} : memref<16x768xf32, #tpu.memory_space<vmem>>, vector<16xf32>,
        %get3A_675 = arith.constant 0 : i32
        %get3A_676 = arith.constant 0 : i32
        %get3A_677 = tpu.memref_slice %arg9[%rem3A_136, %get3A_675, %get3A_676] : memref<4x16x768xf32, #tpu.memory_space<vmem>> -> memref<1x16x768xf32, #tpu.memory_space<vmem>>
        %get3A_678 = tpu.memref_squeeze %get3A_677 : memref<1x16x768xf32, #tpu.memory_space<vmem>> -> memref<16x768xf32, #tpu.memory_space<vmem>>
        %get3A_679 = arith.index_cast %scan3A_575 : i32 to index
        %get3A_680 = arith.constant 464 : index
        %get3A_681 = tpu.vector_load %get3A_678[%get3A_679, %get3A_680] {strides = array<i32>} : memref<16x768xf32, #tpu.memory_space<vmem>>, vector<16xf32>,
        %mul3A_682 = arith.mulf %get3A_681, %gather3A_582 : vector<16xf32>
        %add3A_683 = arith.addf %mul3A_682, %gather3A_585 : vector<16xf32>
        %mul3A_684 = arith.mulf %add3A_683, %get3A_440 : vector<16xf32>
        %add3A_685 = arith.addf %mul3A_684, %get3A_456 : vector<16xf32>
        %swap3A_686 = arith.constant 0 : i32
        %swap3A_687 = arith.constant 0 : i32
        %swap3A_688 = tpu.memref_slice %arg9[%rem3A_136, %swap3A_686, %swap3A_687] : memref<4x16x768xf32, #tpu.memory_space<vmem>> -> memref<1x16x768xf32, #tpu.memory_space<vmem>>
        %swap3A_689 = tpu.memref_squeeze %swap3A_688 : memref<1x16x768xf32, #tpu.memory_space<vmem>> -> memref<16x768xf32, #tpu.memory_space<vmem>>
        %swap3A_690 = arith.index_cast %scan3A_575 : i32 to index
        %swap3A_691 = arith.constant 464 : index
        %swap3A_692 = tpu.vector_load %swap3A_689[%swap3A_690, %swap3A_691] {strides = array<i32>} : memref<16x768xf32, #tpu.memory_space<vmem>>, vector<16xf32>,
        tpu.vector_store %swap3A_689[%swap3A_690, %swap3A_691], %add3A_685 {strides = array<i32>} : memref<16x768xf32, #tpu.memory_space<vmem>>, vector<16xf32>,
        %get3A_693 = arith.constant 0 : i32
        %get3A_694 = arith.constant 0 : i32
        %get3A_695 = tpu.memref_slice %arg9[%rem3A_136, %get3A_693, %get3A_694] : memref<4x16x768xf32, #tpu.memory_space<vmem>> -> memref<1x16x768xf32, #tpu.memory_space<vmem>>
        %get3A_696 = tpu.memref_squeeze %get3A_695 : memref<1x16x768xf32, #tpu.memory_space<vmem>> -> memref<16x768xf32, #tpu.memory_space<vmem>>
        %get3A_697 = arith.index_cast %scan3A_575 : i32 to index
        %get3A_698 = arith.constant 480 : index
        %get3A_699 = tpu.vector_load %get3A_696[%get3A_697, %get3A_698] {strides = array<i32>} : memref<16x768xf32, #tpu.memory_space<vmem>>, vector<16xf32>,
        %mul3A_700 = arith.mulf %get3A_699, %gather3A_582 : vector<16xf32>
        %add3A_701 = arith.addf %mul3A_700, %gather3A_585 : vector<16xf32>
        %mul3A_702 = arith.mulf %add3A_701, %get3A_442 : vector<16xf32>
        %add3A_703 = arith.addf %mul3A_702, %get3A_458 : vector<16xf32>
        %swap3A_704 = arith.constant 0 : i32
        %swap3A_705 = arith.constant 0 : i32
        %swap3A_706 = tpu.memref_slice %arg9[%rem3A_136, %swap3A_704, %swap3A_705] : memref<4x16x768xf32, #tpu.memory_space<vmem>> -> memref<1x16x768xf32, #tpu.memory_space<vmem>>
        %swap3A_707 = tpu.memref_squeeze %swap3A_706 : memref<1x16x768xf32, #tpu.memory_space<vmem>> -> memref<16x768xf32, #tpu.memory_space<vmem>>
        %swap3A_708 = arith.index_cast %scan3A_575 : i32 to index
        %swap3A_709 = arith.constant 480 : index
        %swap3A_710 = tpu.vector_load %swap3A_707[%swap3A_708, %swap3A_709] {strides = array<i32>} : memref<16x768xf32, #tpu.memory_space<vmem>>, vector<16xf32>,
        tpu.vector_store %swap3A_707[%swap3A_708, %swap3A_709], %add3A_703 {strides = array<i32>} : memref<16x768xf32, #tpu.memory_space<vmem>>, vector<16xf32>,
        %get3A_711 = arith.constant 0 : i32
        %get3A_712 = arith.constant 0 : i32
        %get3A_713 = tpu.memref_slice %arg9[%rem3A_136, %get3A_711, %get3A_712] : memref<4x16x768xf32, #tpu.memory_space<vmem>> -> memref<1x16x768xf32, #tpu.memory_space<vmem>>
        %get3A_714 = tpu.memref_squeeze %get3A_713 : memref<1x16x768xf32, #tpu.memory_space<vmem>> -> memref<16x768xf32, #tpu.memory_space<vmem>>
        %get3A_715 = arith.index_cast %scan3A_575 : i32 to index
        %get3A_716 = arith.constant 496 : index
        %get3A_717 = tpu.vector_load %get3A_714[%get3A_715, %get3A_716] {strides = array<i32>} : memref<16x768xf32, #tpu.memory_space<vmem>>, vector<16xf32>,
        %mul3A_718 = arith.mulf %get3A_717, %gather3A_582 : vector<16xf32>
        %add3A_719 = arith.addf %mul3A_718, %gather3A_585 : vector<16xf32>
        %mul3A_720 = arith.mulf %add3A_719, %get3A_444 : vector<16xf32>
        %add3A_721 = arith.addf %mul3A_720, %get3A_460 : vector<16xf32>
        %swap3A_722 = arith.constant 0 : i32
        %swap3A_723 = arith.constant 0 : i32
        %swap3A_724 = tpu.memref_slice %arg9[%rem3A_136, %swap3A_722, %swap3A_723] : memref<4x16x768xf32, #tpu.memory_space<vmem>> -> memref<1x16x768xf32, #tpu.memory_space<vmem>>
        %swap3A_725 = tpu.memref_squeeze %swap3A_724 : memref<1x16x768xf32, #tpu.memory_space<vmem>> -> memref<16x768xf32, #tpu.memory_space<vmem>>
        %swap3A_726 = arith.index_cast %scan3A_575 : i32 to index
        %swap3A_727 = arith.constant 496 : index
        %swap3A_728 = tpu.vector_load %swap3A_725[%swap3A_726, %swap3A_727] {strides = array<i32>} : memref<16x768xf32, #tpu.memory_space<vmem>>, vector<16xf32>,
        tpu.vector_store %swap3A_725[%swap3A_726, %swap3A_727], %add3A_721 {strides = array<i32>} : memref<16x768xf32, #tpu.memory_space<vmem>>, vector<16xf32>,
        %scan3A_729 = arith.constant 0 : i32
        %scan3A_730 = arith.constant 1 : i32
        %scan3A_731 = arith.addi %scan3A_575, %scan3A_730 : i32
        %broadcast_in_dim3A_732 = arith.constant 0 : i32
        %broadcast_in_dim3A_733 = vector.broadcast %broadcast_in_dim3A_732 : i32 to vector<16xi32>
        %add3A_734 = vector.broadcast %scan3A_731 : i32 to vector<16xi32>
        %add3A_735 = arith.addi %broadcast_in_dim3A_733, %add3A_734 : vector<16xi32>
        %reshape3A_736 = vector.shape_cast %add3A_735 : vector<16xi32> to vector<16x1xi32>
        %gather3A_737 = vector.shape_cast %reshape3A_736 : vector<16x1xi32> to vector<16xi32>
        %gather3A_738 = tpu.dynamic_gather %mul3A_309[%gather3A_737] in [0] : vector<16xf32>, vector<16xi32> -> vector<16xf32>
        %reshape3A_739 = vector.shape_cast %add3A_735 : vector<16xi32> to vector<16x1xi32>
        %gather3A_740 = vector.shape_cast %reshape3A_739 : vector<16x1xi32> to vector<16xi32>
        %gather3A_741 = tpu.dynamic_gather %mul3A_312[%gather3A_740] in [0] : vector<16xf32>, vector<16xi32> -> vector<16xf32>
        %get3A_742 = arith.constant 0 : i32
        %get3A_743 = arith.constant 0 : i32
        %get3A_744 = tpu.memref_slice %arg9[%rem3A_136, %get3A_742, %get3A_743] : memref<4x16x768xf32, #tpu.memory_space<vmem>> -> memref<1x16x768xf32, #tpu.memory_space<vmem>>
        %get3A_745 = tpu.memref_squeeze %get3A_744 : memref<1x16x768xf32, #tpu.memory_space<vmem>> -> memref<16x768xf32, #tpu.memory_space<vmem>>
        %get3A_746 = arith.index_cast %scan3A_731 : i32 to index
        %get3A_747 = arith.constant 384 : index
        %get3A_748 = tpu.vector_load %get3A_745[%get3A_746, %get3A_747] {strides = array<i32>} : memref<16x768xf32, #tpu.memory_space<vmem>>, vector<16xf32>,
        %mul3A_749 = arith.mulf %get3A_748, %gather3A_738 : vector<16xf32>
        %add3A_750 = arith.addf %mul3A_749, %gather3A_741 : vector<16xf32>
        %mul3A_751 = arith.mulf %add3A_750, %get3A_430 : vector<16xf32>
        %add3A_752 = arith.addf %mul3A_751, %get3A_446 : vector<16xf32>
        %swap3A_753 = arith.constant 0 : i32
        %swap3A_754 = arith.constant 0 : i32
        %swap3A_755 = tpu.memref_slice %arg9[%rem3A_136, %swap3A_753, %swap3A_754] : memref<4x16x768xf32, #tpu.memory_space<vmem>> -> memref<1x16x768xf32, #tpu.memory_space<vmem>>
        %swap3A_756 = tpu.memref_squeeze %swap3A_755 : memref<1x16x768xf32, #tpu.memory_space<vmem>> -> memref<16x768xf32, #tpu.memory_space<vmem>>
        %swap3A_757 = arith.index_cast %scan3A_731 : i32 to index
        %swap3A_758 = arith.constant 384 : index
        %swap3A_759 = tpu.vector_load %swap3A_756[%swap3A_757, %swap3A_758] {strides = array<i32>} : memref<16x768xf32, #tpu.memory_space<vmem>>, vector<16xf32>,
        tpu.vector_store %swap3A_756[%swap3A_757, %swap3A_758], %add3A_752 {strides = array<i32>} : memref<16x768xf32, #tpu.memory_space<vmem>>, vector<16xf32>,
        %get3A_760 = arith.constant 0 : i32
        %get3A_761 = arith.constant 0 : i32
        %get3A_762 = tpu.memref_slice %arg9[%rem3A_136, %get3A_760, %get3A_761] : memref<4x16x768xf32, #tpu.memory_space<vmem>> -> memref<1x16x768xf32, #tpu.memory_space<vmem>>
        %get3A_763 = tpu.memref_squeeze %get3A_762 : memref<1x16x768xf32, #tpu.memory_space<vmem>> -> memref<16x768xf32, #tpu.memory_space<vmem>>
        %get3A_764 = arith.index_cast %scan3A_731 : i32 to index
        %get3A_765 = arith.constant 400 : index
        %get3A_766 = tpu.vector_load %get3A_763[%get3A_764, %get3A_765] {strides = array<i32>} : memref<16x768xf32, #tpu.memory_space<vmem>>, vector<16xf32>,
        %mul3A_767 = arith.mulf %get3A_766, %gather3A_738 : vector<16xf32>
        %add3A_768 = arith.addf %mul3A_767, %gather3A_741 : vector<16xf32>
        %mul3A_769 = arith.mulf %add3A_768, %get3A_432 : vector<16xf32>
        %add3A_770 = arith.addf %mul3A_769, %get3A_448 : vector<16xf32>
        %swap3A_771 = arith.constant 0 : i32
        %swap3A_772 = arith.constant 0 : i32
        %swap3A_773 = tpu.memref_slice %arg9[%rem3A_136, %swap3A_771, %swap3A_772] : memref<4x16x768xf32, #tpu.memory_space<vmem>> -> memref<1x16x768xf32, #tpu.memory_space<vmem>>
        %swap3A_774 = tpu.memref_squeeze %swap3A_773 : memref<1x16x768xf32, #tpu.memory_space<vmem>> -> memref<16x768xf32, #tpu.memory_space<vmem>>
        %swap3A_775 = arith.index_cast %scan3A_731 : i32 to index
        %swap3A_776 = arith.constant 400 : index
        %swap3A_777 = tpu.vector_load %swap3A_774[%swap3A_775, %swap3A_776] {strides = array<i32>} : memref<16x768xf32, #tpu.memory_space<vmem>>, vector<16xf32>,
        tpu.vector_store %swap3A_774[%swap3A_775, %swap3A_776], %add3A_770 {strides = array<i32>} : memref<16x768xf32, #tpu.memory_space<vmem>>, vector<16xf32>,
        %get3A_778 = arith.constant 0 : i32
        %get3A_779 = arith.constant 0 : i32
        %get3A_780 = tpu.memref_slice %arg9[%rem3A_136, %get3A_778, %get3A_779] : memref<4x16x768xf32, #tpu.memory_space<vmem>> -> memref<1x16x768xf32, #tpu.memory_space<vmem>>
        %get3A_781 = tpu.memref_squeeze %get3A_780 : memref<1x16x768xf32, #tpu.memory_space<vmem>> -> memref<16x768xf32, #tpu.memory_space<vmem>>
        %get3A_782 = arith.index_cast %scan3A_731 : i32 to index
        %get3A_783 = arith.constant 416 : index
        %get3A_784 = tpu.vector_load %get3A_781[%get3A_782, %get3A_783] {strides = array<i32>} : memref<16x768xf32, #tpu.memory_space<vmem>>, vector<16xf32>,
        %mul3A_785 = arith.mulf %get3A_784, %gather3A_738 : vector<16xf32>
        %add3A_786 = arith.addf %mul3A_785, %gather3A_741 : vector<16xf32>
        %mul3A_787 = arith.mulf %add3A_786, %get3A_434 : vector<16xf32>
        %add3A_788 = arith.addf %mul3A_787, %get3A_450 : vector<16xf32>
        %swap3A_789 = arith.constant 0 : i32
        %swap3A_790 = arith.constant 0 : i32
        %swap3A_791 = tpu.memref_slice %arg9[%rem3A_136, %swap3A_789, %swap3A_790] : memref<4x16x768xf32, #tpu.memory_space<vmem>> -> memref<1x16x768xf32, #tpu.memory_space<vmem>>
        %swap3A_792 = tpu.memref_squeeze %swap3A_791 : memref<1x16x768xf32, #tpu.memory_space<vmem>> -> memref<16x768xf32, #tpu.memory_space<vmem>>
        %swap3A_793 = arith.index_cast %scan3A_731 : i32 to index
        %swap3A_794 = arith.constant 416 : index
        %swap3A_795 = tpu.vector_load %swap3A_792[%swap3A_793, %swap3A_794] {strides = array<i32>} : memref<16x768xf32, #tpu.memory_space<vmem>>, vector<16xf32>,
        tpu.vector_store %swap3A_792[%swap3A_793, %swap3A_794], %add3A_788 {strides = array<i32>} : memref<16x768xf32, #tpu.memory_space<vmem>>, vector<16xf32>,
        %get3A_796 = arith.constant 0 : i32
        %get3A_797 = arith.constant 0 : i32
        %get3A_798 = tpu.memref_slice %arg9[%rem3A_136, %get3A_796, %get3A_797] : memref<4x16x768xf32, #tpu.memory_space<vmem>> -> memref<1x16x768xf32, #tpu.memory_space<vmem>>
        %get3A_799 = tpu.memref_squeeze %get3A_798 : memref<1x16x768xf32, #tpu.memory_space<vmem>> -> memref<16x768xf32, #tpu.memory_space<vmem>>
        %get3A_800 = arith.index_cast %scan3A_731 : i32 to index
        %get3A_801 = arith.constant 432 : index
        %get3A_802 = tpu.vector_load %get3A_799[%get3A_800, %get3A_801] {strides = array<i32>} : memref<16x768xf32, #tpu.memory_space<vmem>>, vector<16xf32>,
        %mul3A_803 = arith.mulf %get3A_802, %gather3A_738 : vector<16xf32>
        %add3A_804 = arith.addf %mul3A_803, %gather3A_741 : vector<16xf32>
        %mul3A_805 = arith.mulf %add3A_804, %get3A_436 : vector<16xf32>
        %add3A_806 = arith.addf %mul3A_805, %get3A_452 : vector<16xf32>
        %swap3A_807 = arith.constant 0 : i32
        %swap3A_808 = arith.constant 0 : i32
        %swap3A_809 = tpu.memref_slice %arg9[%rem3A_136, %swap3A_807, %swap3A_808] : memref<4x16x768xf32, #tpu.memory_space<vmem>> -> memref<1x16x768xf32, #tpu.memory_space<vmem>>
        %swap3A_810 = tpu.memref_squeeze %swap3A_809 : memref<1x16x768xf32, #tpu.memory_space<vmem>> -> memref<16x768xf32, #tpu.memory_space<vmem>>
        %swap3A_811 = arith.index_cast %scan3A_731 : i32 to index
        %swap3A_812 = arith.constant 432 : index
        %swap3A_813 = tpu.vector_load %swap3A_810[%swap3A_811, %swap3A_812] {strides = array<i32>} : memref<16x768xf32, #tpu.memory_space<vmem>>, vector<16xf32>,
        tpu.vector_store %swap3A_810[%swap3A_811, %swap3A_812], %add3A_806 {strides = array<i32>} : memref<16x768xf32, #tpu.memory_space<vmem>>, vector<16xf32>,
        %get3A_814 = arith.constant 0 : i32
        %get3A_815 = arith.constant 0 : i32
        %get3A_816 = tpu.memref_slice %arg9[%rem3A_136, %get3A_814, %get3A_815] : memref<4x16x768xf32, #tpu.memory_space<vmem>> -> memref<1x16x768xf32, #tpu.memory_space<vmem>>
        %get3A_817 = tpu.memref_squeeze %get3A_816 : memref<1x16x768xf32, #tpu.memory_space<vmem>> -> memref<16x768xf32, #tpu.memory_space<vmem>>
        %get3A_818 = arith.index_cast %scan3A_731 : i32 to index
        %get3A_819 = arith.constant 448 : index
        %get3A_820 = tpu.vector_load %get3A_817[%get3A_818, %get3A_819] {strides = array<i32>} : memref<16x768xf32, #tpu.memory_space<vmem>>, vector<16xf32>,
        %mul3A_821 = arith.mulf %get3A_820, %gather3A_738 : vector<16xf32>
        %add3A_822 = arith.addf %mul3A_821, %gather3A_741 : vector<16xf32>
        %mul3A_823 = arith.mulf %add3A_822, %get3A_438 : vector<16xf32>
        %add3A_824 = arith.addf %mul3A_823, %get3A_454 : vector<16xf32>
        %swap3A_825 = arith.constant 0 : i32
        %swap3A_826 = arith.constant 0 : i32
        %swap3A_827 = tpu.memref_slice %arg9[%rem3A_136, %swap3A_825, %swap3A_826] : memref<4x16x768xf32, #tpu.memory_space<vmem>> -> memref<1x16x768xf32, #tpu.memory_space<vmem>>
        %swap3A_828 = tpu.memref_squeeze %swap3A_827 : memref<1x16x768xf32, #tpu.memory_space<vmem>> -> memref<16x768xf32, #tpu.memory_space<vmem>>
        %swap3A_829 = arith.index_cast %scan3A_731 : i32 to index
        %swap3A_830 = arith.constant 448 : index
        %swap3A_831 = tpu.vector_load %swap3A_828[%swap3A_829, %swap3A_830] {strides = array<i32>} : memref<16x768xf32, #tpu.memory_space<vmem>>, vector<16xf32>,
        tpu.vector_store %swap3A_828[%swap3A_829, %swap3A_830], %add3A_824 {strides = array<i32>} : memref<16x768xf32, #tpu.memory_space<vmem>>, vector<16xf32>,
        %get3A_832 = arith.constant 0 : i32
        %get3A_833 = arith.constant 0 : i32
        %get3A_834 = tpu.memref_slice %arg9[%rem3A_136, %get3A_832, %get3A_833] : memref<4x16x768xf32, #tpu.memory_space<vmem>> -> memref<1x16x768xf32, #tpu.memory_space<vmem>>
        %get3A_835 = tpu.memref_squeeze %get3A_834 : memref<1x16x768xf32, #tpu.memory_space<vmem>> -> memref<16x768xf32, #tpu.memory_space<vmem>>
        %get3A_836 = arith.index_cast %scan3A_731 : i32 to index
        %get3A_837 = arith.constant 464 : index
        %get3A_838 = tpu.vector_load %get3A_835[%get3A_836, %get3A_837] {strides = array<i32>} : memref<16x768xf32, #tpu.memory_space<vmem>>, vector<16xf32>,
        %mul3A_839 = arith.mulf %get3A_838, %gather3A_738 : vector<16xf32>
        %add3A_840 = arith.addf %mul3A_839, %gather3A_741 : vector<16xf32>
        %mul3A_841 = arith.mulf %add3A_840, %get3A_440 : vector<16xf32>
        %add3A_842 = arith.addf %mul3A_841, %get3A_456 : vector<16xf32>
        %swap3A_843 = arith.constant 0 : i32
        %swap3A_844 = arith.constant 0 : i32
        %swap3A_845 = tpu.memref_slice %arg9[%rem3A_136, %swap3A_843, %swap3A_844] : memref<4x16x768xf32, #tpu.memory_space<vmem>> -> memref<1x16x768xf32, #tpu.memory_space<vmem>>
        %swap3A_846 = tpu.memref_squeeze %swap3A_845 : memref<1x16x768xf32, #tpu.memory_space<vmem>> -> memref<16x768xf32, #tpu.memory_space<vmem>>
        %swap3A_847 = arith.index_cast %scan3A_731 : i32 to index
        %swap3A_848 = arith.constant 464 : index
        %swap3A_849 = tpu.vector_load %swap3A_846[%swap3A_847, %swap3A_848] {strides = array<i32>} : memref<16x768xf32, #tpu.memory_space<vmem>>, vector<16xf32>,
        tpu.vector_store %swap3A_846[%swap3A_847, %swap3A_848], %add3A_842 {strides = array<i32>} : memref<16x768xf32, #tpu.memory_space<vmem>>, vector<16xf32>,
        %get3A_850 = arith.constant 0 : i32
        %get3A_851 = arith.constant 0 : i32
        %get3A_852 = tpu.memref_slice %arg9[%rem3A_136, %get3A_850, %get3A_851] : memref<4x16x768xf32, #tpu.memory_space<vmem>> -> memref<1x16x768xf32, #tpu.memory_space<vmem>>
        %get3A_853 = tpu.memref_squeeze %get3A_852 : memref<1x16x768xf32, #tpu.memory_space<vmem>> -> memref<16x768xf32, #tpu.memory_space<vmem>>
        %get3A_854 = arith.index_cast %scan3A_731 : i32 to index
        %get3A_855 = arith.constant 480 : index
        %get3A_856 = tpu.vector_load %get3A_853[%get3A_854, %get3A_855] {strides = array<i32>} : memref<16x768xf32, #tpu.memory_space<vmem>>, vector<16xf32>,
        %mul3A_857 = arith.mulf %get3A_856, %gather3A_738 : vector<16xf32>
        %add3A_858 = arith.addf %mul3A_857, %gather3A_741 : vector<16xf32>
        %mul3A_859 = arith.mulf %add3A_858, %get3A_442 : vector<16xf32>
        %add3A_860 = arith.addf %mul3A_859, %get3A_458 : vector<16xf32>
        %swap3A_861 = arith.constant 0 : i32
        %swap3A_862 = arith.constant 0 : i32
        %swap3A_863 = tpu.memref_slice %arg9[%rem3A_136, %swap3A_861, %swap3A_862] : memref<4x16x768xf32, #tpu.memory_space<vmem>> -> memref<1x16x768xf32, #tpu.memory_space<vmem>>
        %swap3A_864 = tpu.memref_squeeze %swap3A_863 : memref<1x16x768xf32, #tpu.memory_space<vmem>> -> memref<16x768xf32, #tpu.memory_space<vmem>>
        %swap3A_865 = arith.index_cast %scan3A_731 : i32 to index
        %swap3A_866 = arith.constant 480 : index
        %swap3A_867 = tpu.vector_load %swap3A_864[%swap3A_865, %swap3A_866] {strides = array<i32>} : memref<16x768xf32, #tpu.memory_space<vmem>>, vector<16xf32>,
        tpu.vector_store %swap3A_864[%swap3A_865, %swap3A_866], %add3A_860 {strides = array<i32>} : memref<16x768xf32, #tpu.memory_space<vmem>>, vector<16xf32>,
        %get3A_868 = arith.constant 0 : i32
        %get3A_869 = arith.constant 0 : i32
        %get3A_870 = tpu.memref_slice %arg9[%rem3A_136, %get3A_868, %get3A_869] : memref<4x16x768xf32, #tpu.memory_space<vmem>> -> memref<1x16x768xf32, #tpu.memory_space<vmem>>
        %get3A_871 = tpu.memref_squeeze %get3A_870 : memref<1x16x768xf32, #tpu.memory_space<vmem>> -> memref<16x768xf32, #tpu.memory_space<vmem>>
        %get3A_872 = arith.index_cast %scan3A_731 : i32 to index
        %get3A_873 = arith.constant 496 : index
        %get3A_874 = tpu.vector_load %get3A_871[%get3A_872, %get3A_873] {strides = array<i32>} : memref<16x768xf32, #tpu.memory_space<vmem>>, vector<16xf32>,
        %mul3A_875 = arith.mulf %get3A_874, %gather3A_738 : vector<16xf32>
        %add3A_876 = arith.addf %mul3A_875, %gather3A_741 : vector<16xf32>
        %mul3A_877 = arith.mulf %add3A_876, %get3A_444 : vector<16xf32>
        %add3A_878 = arith.addf %mul3A_877, %get3A_460 : vector<16xf32>
        %swap3A_879 = arith.constant 0 : i32
        %swap3A_880 = arith.constant 0 : i32
        %swap3A_881 = tpu.memref_slice %arg9[%rem3A_136, %swap3A_879, %swap3A_880] : memref<4x16x768xf32, #tpu.memory_space<vmem>> -> memref<1x16x768xf32, #tpu.memory_space<vmem>>
        %swap3A_882 = tpu.memref_squeeze %swap3A_881 : memref<1x16x768xf32, #tpu.memory_space<vmem>> -> memref<16x768xf32, #tpu.memory_space<vmem>>
        %swap3A_883 = arith.index_cast %scan3A_731 : i32 to index
        %swap3A_884 = arith.constant 496 : index
        %swap3A_885 = tpu.vector_load %swap3A_882[%swap3A_883, %swap3A_884] {strides = array<i32>} : memref<16x768xf32, #tpu.memory_space<vmem>>, vector<16xf32>,
        tpu.vector_store %swap3A_882[%swap3A_883, %swap3A_884], %add3A_878 {strides = array<i32>} : memref<16x768xf32, #tpu.memory_space<vmem>>, vector<16xf32>,
        %scan3A_886 = arith.constant 0 : i32
        scf.yield %scan3A_886 : i32
      }
      %scan3A_467 = arith.constant 16 : i32
      %get3A_468 = arith.constant 512 : index
      %get3A_469 = tpu.vector_load %arg11[%get3A_468] {strides = array<i32>} : memref<768xf32, #tpu.memory_space<vmem>>, vector<16xf32>,
      %get3A_470 = arith.constant 528 : index
      %get3A_471 = tpu.vector_load %arg11[%get3A_470] {strides = array<i32>} : memref<768xf32, #tpu.memory_space<vmem>>, vector<16xf32>,
      %get3A_472 = arith.constant 544 : index
      %get3A_473 = tpu.vector_load %arg11[%get3A_472] {strides = array<i32>} : memref<768xf32, #tpu.memory_space<vmem>>, vector<16xf32>,
      %get3A_474 = arith.constant 560 : index
      %get3A_475 = tpu.vector_load %arg11[%get3A_474] {strides = array<i32>} : memref<768xf32, #tpu.memory_space<vmem>>, vector<16xf32>,
      %get3A_476 = arith.constant 576 : index
      %get3A_477 = tpu.vector_load %arg11[%get3A_476] {strides = array<i32>} : memref<768xf32, #tpu.memory_space<vmem>>, vector<16xf32>,
      %get3A_478 = arith.constant 592 : index
      %get3A_479 = tpu.vector_load %arg11[%get3A_478] {strides = array<i32>} : memref<768xf32, #tpu.memory_space<vmem>>, vector<16xf32>,
      %get3A_480 = arith.constant 608 : index
      %get3A_481 = tpu.vector_load %arg11[%get3A_480] {strides = array<i32>} : memref<768xf32, #tpu.memory_space<vmem>>, vector<16xf32>,
      %get3A_482 = arith.constant 624 : index
      %get3A_483 = tpu.vector_load %arg11[%get3A_482] {strides = array<i32>} : memref<768xf32, #tpu.memory_space<vmem>>, vector<16xf32>,
      %get3A_484 = arith.constant 512 : index
      %get3A_485 = tpu.vector_load %arg12[%get3A_484] {strides = array<i32>} : memref<768xf32, #tpu.memory_space<vmem>>, vector<16xf32>,
      %get3A_486 = arith.constant 528 : index
      %get3A_487 = tpu.vector_load %arg12[%get3A_486] {strides = array<i32>} : memref<768xf32, #tpu.memory_space<vmem>>, vector<16xf32>,
      %get3A_488 = arith.constant 544 : index
      %get3A_489 = tpu.vector_load %arg12[%get3A_488] {strides = array<i32>} : memref<768xf32, #tpu.memory_space<vmem>>, vector<16xf32>,
      %get3A_490 = arith.constant 560 : index
      %get3A_491 = tpu.vector_load %arg12[%get3A_490] {strides = array<i32>} : memref<768xf32, #tpu.memory_space<vmem>>, vector<16xf32>,
      %get3A_492 = arith.constant 576 : index
      %get3A_493 = tpu.vector_load %arg12[%get3A_492] {strides = array<i32>} : memref<768xf32, #tpu.memory_space<vmem>>, vector<16xf32>,
      %get3A_494 = arith.constant 592 : index
      %get3A_495 = tpu.vector_load %arg12[%get3A_494] {strides = array<i32>} : memref<768xf32, #tpu.memory_space<vmem>>, vector<16xf32>,
      %get3A_496 = arith.constant 608 : index
      %get3A_497 = tpu.vector_load %arg12[%get3A_496] {strides = array<i32>} : memref<768xf32, #tpu.memory_space<vmem>>, vector<16xf32>,
      %get3A_498 = arith.constant 624 : index
      %get3A_499 = tpu.vector_load %arg12[%get3A_498] {strides = array<i32>} : memref<768xf32, #tpu.memory_space<vmem>>, vector<16xf32>,
      %scan3A_500 = arith.constant 0 : i32
      %scan3A_501 = arith.constant 0 : i32
      %scan3A_502 = arith.constant 16 : i32
      %scan3A_503 = arith.addi %scan3A_501, %scan3A_502 : i32
      %scan3A_504 = arith.constant 2 : i32
      %scan3A_505 = scf.for %scan3A_575 = %scan3A_501 to %scan3A_503 step %scan3A_504 iter_args(%scan3A_576 = %scan3A_500) -> (i32)  : i32 {
        %broadcast_in_dim3A_577 = arith.constant 0 : i32
        %broadcast_in_dim3A_578 = vector.broadcast %broadcast_in_dim3A_577 : i32 to vector<16xi32>
        %add3A_579 = vector.broadcast %scan3A_575 : i32 to vector<16xi32>
        %add3A_580 = arith.addi %broadcast_in_dim3A_578, %add3A_579 : vector<16xi32>
        %reshape3A = vector.shape_cast %add3A_580 : vector<16xi32> to vector<16x1xi32>
        %gather3A_581 = vector.shape_cast %reshape3A : vector<16x1xi32> to vector<16xi32>
        %gather3A_582 = tpu.dynamic_gather %mul3A_309[%gather3A_581] in [0] : vector<16xf32>, vector<16xi32> -> vector<16xf32>
        %reshape3A_583 = vector.shape_cast %add3A_580 : vector<16xi32> to vector<16x1xi32>
        %gather3A_584 = vector.shape_cast %reshape3A_583 : vector<16x1xi32> to vector<16xi32>
        %gather3A_585 = tpu.dynamic_gather %mul3A_312[%gather3A_584] in [0] : vector<16xf32>, vector<16xi32> -> vector<16xf32>
        %get3A_586 = arith.constant 0 : i32
        %get3A_587 = arith.constant 0 : i32
        %get3A_588 = tpu.memref_slice %arg9[%rem3A_136, %get3A_586, %get3A_587] : memref<4x16x768xf32, #tpu.memory_space<vmem>> -> memref<1x16x768xf32, #tpu.memory_space<vmem>>
        %get3A_589 = tpu.memref_squeeze %get3A_588 : memref<1x16x768xf32, #tpu.memory_space<vmem>> -> memref<16x768xf32, #tpu.memory_space<vmem>>
        %get3A_590 = arith.index_cast %scan3A_575 : i32 to index
        %get3A_591 = arith.constant 512 : index
        %get3A_592 = tpu.vector_load %get3A_589[%get3A_590, %get3A_591] {strides = array<i32>} : memref<16x768xf32, #tpu.memory_space<vmem>>, vector<16xf32>,
        %mul3A_593 = arith.mulf %get3A_592, %gather3A_582 : vector<16xf32>
        %add3A_594 = arith.addf %mul3A_593, %gather3A_585 : vector<16xf32>
        %mul3A_595 = arith.mulf %add3A_594, %get3A_469 : vector<16xf32>
        %add3A_596 = arith.addf %mul3A_595, %get3A_485 : vector<16xf32>
        %swap3A = arith.constant 0 : i32
        %swap3A_597 = arith.constant 0 : i32
        %swap3A_598 = tpu.memref_slice %arg9[%rem3A_136, %swap3A, %swap3A_597] : memref<4x16x768xf32, #tpu.memory_space<vmem>> -> memref<1x16x768xf32, #tpu.memory_space<vmem>>
        %swap3A_599 = tpu.memref_squeeze %swap3A_598 : memref<1x16x768xf32, #tpu.memory_space<vmem>> -> memref<16x768xf32, #tpu.memory_space<vmem>>
        %swap3A_600 = arith.index_cast %scan3A_575 : i32 to index
        %swap3A_601 = arith.constant 512 : index
        %swap3A_602 = tpu.vector_load %swap3A_599[%swap3A_600, %swap3A_601] {strides = array<i32>} : memref<16x768xf32, #tpu.memory_space<vmem>>, vector<16xf32>,
        tpu.vector_store %swap3A_599[%swap3A_600, %swap3A_601], %add3A_596 {strides = array<i32>} : memref<16x768xf32, #tpu.memory_space<vmem>>, vector<16xf32>,
        %get3A_603 = arith.constant 0 : i32
        %get3A_604 = arith.constant 0 : i32
        %get3A_605 = tpu.memref_slice %arg9[%rem3A_136, %get3A_603, %get3A_604] : memref<4x16x768xf32, #tpu.memory_space<vmem>> -> memref<1x16x768xf32, #tpu.memory_space<vmem>>
        %get3A_606 = tpu.memref_squeeze %get3A_605 : memref<1x16x768xf32, #tpu.memory_space<vmem>> -> memref<16x768xf32, #tpu.memory_space<vmem>>
        %get3A_607 = arith.index_cast %scan3A_575 : i32 to index
        %get3A_608 = arith.constant 528 : index
        %get3A_609 = tpu.vector_load %get3A_606[%get3A_607, %get3A_608] {strides = array<i32>} : memref<16x768xf32, #tpu.memory_space<vmem>>, vector<16xf32>,
        %mul3A_610 = arith.mulf %get3A_609, %gather3A_582 : vector<16xf32>
        %add3A_611 = arith.addf %mul3A_610, %gather3A_585 : vector<16xf32>
        %mul3A_612 = arith.mulf %add3A_611, %get3A_471 : vector<16xf32>
        %add3A_613 = arith.addf %mul3A_612, %get3A_487 : vector<16xf32>
        %swap3A_614 = arith.constant 0 : i32
        %swap3A_615 = arith.constant 0 : i32
        %swap3A_616 = tpu.memref_slice %arg9[%rem3A_136, %swap3A_614, %swap3A_615] : memref<4x16x768xf32, #tpu.memory_space<vmem>> -> memref<1x16x768xf32, #tpu.memory_space<vmem>>
        %swap3A_617 = tpu.memref_squeeze %swap3A_616 : memref<1x16x768xf32, #tpu.memory_space<vmem>> -> memref<16x768xf32, #tpu.memory_space<vmem>>
        %swap3A_618 = arith.index_cast %scan3A_575 : i32 to index
        %swap3A_619 = arith.constant 528 : index
        %swap3A_620 = tpu.vector_load %swap3A_617[%swap3A_618, %swap3A_619] {strides = array<i32>} : memref<16x768xf32, #tpu.memory_space<vmem>>, vector<16xf32>,
        tpu.vector_store %swap3A_617[%swap3A_618, %swap3A_619], %add3A_613 {strides = array<i32>} : memref<16x768xf32, #tpu.memory_space<vmem>>, vector<16xf32>,
        %get3A_621 = arith.constant 0 : i32
        %get3A_622 = arith.constant 0 : i32
        %get3A_623 = tpu.memref_slice %arg9[%rem3A_136, %get3A_621, %get3A_622] : memref<4x16x768xf32, #tpu.memory_space<vmem>> -> memref<1x16x768xf32, #tpu.memory_space<vmem>>
        %get3A_624 = tpu.memref_squeeze %get3A_623 : memref<1x16x768xf32, #tpu.memory_space<vmem>> -> memref<16x768xf32, #tpu.memory_space<vmem>>
        %get3A_625 = arith.index_cast %scan3A_575 : i32 to index
        %get3A_626 = arith.constant 544 : index
        %get3A_627 = tpu.vector_load %get3A_624[%get3A_625, %get3A_626] {strides = array<i32>} : memref<16x768xf32, #tpu.memory_space<vmem>>, vector<16xf32>,
        %mul3A_628 = arith.mulf %get3A_627, %gather3A_582 : vector<16xf32>
        %add3A_629 = arith.addf %mul3A_628, %gather3A_585 : vector<16xf32>
        %mul3A_630 = arith.mulf %add3A_629, %get3A_473 : vector<16xf32>
        %add3A_631 = arith.addf %mul3A_630, %get3A_489 : vector<16xf32>
        %swap3A_632 = arith.constant 0 : i32
        %swap3A_633 = arith.constant 0 : i32
        %swap3A_634 = tpu.memref_slice %arg9[%rem3A_136, %swap3A_632, %swap3A_633] : memref<4x16x768xf32, #tpu.memory_space<vmem>> -> memref<1x16x768xf32, #tpu.memory_space<vmem>>
        %swap3A_635 = tpu.memref_squeeze %swap3A_634 : memref<1x16x768xf32, #tpu.memory_space<vmem>> -> memref<16x768xf32, #tpu.memory_space<vmem>>
        %swap3A_636 = arith.index_cast %scan3A_575 : i32 to index
        %swap3A_637 = arith.constant 544 : index
        %swap3A_638 = tpu.vector_load %swap3A_635[%swap3A_636, %swap3A_637] {strides = array<i32>} : memref<16x768xf32, #tpu.memory_space<vmem>>, vector<16xf32>,
        tpu.vector_store %swap3A_635[%swap3A_636, %swap3A_637], %add3A_631 {strides = array<i32>} : memref<16x768xf32, #tpu.memory_space<vmem>>, vector<16xf32>,
        %get3A_639 = arith.constant 0 : i32
        %get3A_640 = arith.constant 0 : i32
        %get3A_641 = tpu.memref_slice %arg9[%rem3A_136, %get3A_639, %get3A_640] : memref<4x16x768xf32, #tpu.memory_space<vmem>> -> memref<1x16x768xf32, #tpu.memory_space<vmem>>
        %get3A_642 = tpu.memref_squeeze %get3A_641 : memref<1x16x768xf32, #tpu.memory_space<vmem>> -> memref<16x768xf32, #tpu.memory_space<vmem>>
        %get3A_643 = arith.index_cast %scan3A_575 : i32 to index
        %get3A_644 = arith.constant 560 : index
        %get3A_645 = tpu.vector_load %get3A_642[%get3A_643, %get3A_644] {strides = array<i32>} : memref<16x768xf32, #tpu.memory_space<vmem>>, vector<16xf32>,
        %mul3A_646 = arith.mulf %get3A_645, %gather3A_582 : vector<16xf32>
        %add3A_647 = arith.addf %mul3A_646, %gather3A_585 : vector<16xf32>
        %mul3A_648 = arith.mulf %add3A_647, %get3A_475 : vector<16xf32>
        %add3A_649 = arith.addf %mul3A_648, %get3A_491 : vector<16xf32>
        %swap3A_650 = arith.constant 0 : i32
        %swap3A_651 = arith.constant 0 : i32
        %swap3A_652 = tpu.memref_slice %arg9[%rem3A_136, %swap3A_650, %swap3A_651] : memref<4x16x768xf32, #tpu.memory_space<vmem>> -> memref<1x16x768xf32, #tpu.memory_space<vmem>>
        %swap3A_653 = tpu.memref_squeeze %swap3A_652 : memref<1x16x768xf32, #tpu.memory_space<vmem>> -> memref<16x768xf32, #tpu.memory_space<vmem>>
        %swap3A_654 = arith.index_cast %scan3A_575 : i32 to index
        %swap3A_655 = arith.constant 560 : index
        %swap3A_656 = tpu.vector_load %swap3A_653[%swap3A_654, %swap3A_655] {strides = array<i32>} : memref<16x768xf32, #tpu.memory_space<vmem>>, vector<16xf32>,
        tpu.vector_store %swap3A_653[%swap3A_654, %swap3A_655], %add3A_649 {strides = array<i32>} : memref<16x768xf32, #tpu.memory_space<vmem>>, vector<16xf32>,
        %get3A_657 = arith.constant 0 : i32
        %get3A_658 = arith.constant 0 : i32
        %get3A_659 = tpu.memref_slice %arg9[%rem3A_136, %get3A_657, %get3A_658] : memref<4x16x768xf32, #tpu.memory_space<vmem>> -> memref<1x16x768xf32, #tpu.memory_space<vmem>>
        %get3A_660 = tpu.memref_squeeze %get3A_659 : memref<1x16x768xf32, #tpu.memory_space<vmem>> -> memref<16x768xf32, #tpu.memory_space<vmem>>
        %get3A_661 = arith.index_cast %scan3A_575 : i32 to index
        %get3A_662 = arith.constant 576 : index
        %get3A_663 = tpu.vector_load %get3A_660[%get3A_661, %get3A_662] {strides = array<i32>} : memref<16x768xf32, #tpu.memory_space<vmem>>, vector<16xf32>,
        %mul3A_664 = arith.mulf %get3A_663, %gather3A_582 : vector<16xf32>
        %add3A_665 = arith.addf %mul3A_664, %gather3A_585 : vector<16xf32>
        %mul3A_666 = arith.mulf %add3A_665, %get3A_477 : vector<16xf32>
        %add3A_667 = arith.addf %mul3A_666, %get3A_493 : vector<16xf32>
        %swap3A_668 = arith.constant 0 : i32
        %swap3A_669 = arith.constant 0 : i32
        %swap3A_670 = tpu.memref_slice %arg9[%rem3A_136, %swap3A_668, %swap3A_669] : memref<4x16x768xf32, #tpu.memory_space<vmem>> -> memref<1x16x768xf32, #tpu.memory_space<vmem>>
        %swap3A_671 = tpu.memref_squeeze %swap3A_670 : memref<1x16x768xf32, #tpu.memory_space<vmem>> -> memref<16x768xf32, #tpu.memory_space<vmem>>
        %swap3A_672 = arith.index_cast %scan3A_575 : i32 to index
        %swap3A_673 = arith.constant 576 : index
        %swap3A_674 = tpu.vector_load %swap3A_671[%swap3A_672, %swap3A_673] {strides = array<i32>} : memref<16x768xf32, #tpu.memory_space<vmem>>, vector<16xf32>,
        tpu.vector_store %swap3A_671[%swap3A_672, %swap3A_673], %add3A_667 {strides = array<i32>} : memref<16x768xf32, #tpu.memory_space<vmem>>, vector<16xf32>,
        %get3A_675 = arith.constant 0 : i32
        %get3A_676 = arith.constant 0 : i32
        %get3A_677 = tpu.memref_slice %arg9[%rem3A_136, %get3A_675, %get3A_676] : memref<4x16x768xf32, #tpu.memory_space<vmem>> -> memref<1x16x768xf32, #tpu.memory_space<vmem>>
        %get3A_678 = tpu.memref_squeeze %get3A_677 : memref<1x16x768xf32, #tpu.memory_space<vmem>> -> memref<16x768xf32, #tpu.memory_space<vmem>>
        %get3A_679 = arith.index_cast %scan3A_575 : i32 to index
        %get3A_680 = arith.constant 592 : index
        %get3A_681 = tpu.vector_load %get3A_678[%get3A_679, %get3A_680] {strides = array<i32>} : memref<16x768xf32, #tpu.memory_space<vmem>>, vector<16xf32>,
        %mul3A_682 = arith.mulf %get3A_681, %gather3A_582 : vector<16xf32>
        %add3A_683 = arith.addf %mul3A_682, %gather3A_585 : vector<16xf32>
        %mul3A_684 = arith.mulf %add3A_683, %get3A_479 : vector<16xf32>
        %add3A_685 = arith.addf %mul3A_684, %get3A_495 : vector<16xf32>
        %swap3A_686 = arith.constant 0 : i32
        %swap3A_687 = arith.constant 0 : i32
        %swap3A_688 = tpu.memref_slice %arg9[%rem3A_136, %swap3A_686, %swap3A_687] : memref<4x16x768xf32, #tpu.memory_space<vmem>> -> memref<1x16x768xf32, #tpu.memory_space<vmem>>
        %swap3A_689 = tpu.memref_squeeze %swap3A_688 : memref<1x16x768xf32, #tpu.memory_space<vmem>> -> memref<16x768xf32, #tpu.memory_space<vmem>>
        %swap3A_690 = arith.index_cast %scan3A_575 : i32 to index
        %swap3A_691 = arith.constant 592 : index
        %swap3A_692 = tpu.vector_load %swap3A_689[%swap3A_690, %swap3A_691] {strides = array<i32>} : memref<16x768xf32, #tpu.memory_space<vmem>>, vector<16xf32>,
        tpu.vector_store %swap3A_689[%swap3A_690, %swap3A_691], %add3A_685 {strides = array<i32>} : memref<16x768xf32, #tpu.memory_space<vmem>>, vector<16xf32>,
        %get3A_693 = arith.constant 0 : i32
        %get3A_694 = arith.constant 0 : i32
        %get3A_695 = tpu.memref_slice %arg9[%rem3A_136, %get3A_693, %get3A_694] : memref<4x16x768xf32, #tpu.memory_space<vmem>> -> memref<1x16x768xf32, #tpu.memory_space<vmem>>
        %get3A_696 = tpu.memref_squeeze %get3A_695 : memref<1x16x768xf32, #tpu.memory_space<vmem>> -> memref<16x768xf32, #tpu.memory_space<vmem>>
        %get3A_697 = arith.index_cast %scan3A_575 : i32 to index
        %get3A_698 = arith.constant 608 : index
        %get3A_699 = tpu.vector_load %get3A_696[%get3A_697, %get3A_698] {strides = array<i32>} : memref<16x768xf32, #tpu.memory_space<vmem>>, vector<16xf32>,
        %mul3A_700 = arith.mulf %get3A_699, %gather3A_582 : vector<16xf32>
        %add3A_701 = arith.addf %mul3A_700, %gather3A_585 : vector<16xf32>
        %mul3A_702 = arith.mulf %add3A_701, %get3A_481 : vector<16xf32>
        %add3A_703 = arith.addf %mul3A_702, %get3A_497 : vector<16xf32>
        %swap3A_704 = arith.constant 0 : i32
        %swap3A_705 = arith.constant 0 : i32
        %swap3A_706 = tpu.memref_slice %arg9[%rem3A_136, %swap3A_704, %swap3A_705] : memref<4x16x768xf32, #tpu.memory_space<vmem>> -> memref<1x16x768xf32, #tpu.memory_space<vmem>>
        %swap3A_707 = tpu.memref_squeeze %swap3A_706 : memref<1x16x768xf32, #tpu.memory_space<vmem>> -> memref<16x768xf32, #tpu.memory_space<vmem>>
        %swap3A_708 = arith.index_cast %scan3A_575 : i32 to index
        %swap3A_709 = arith.constant 608 : index
        %swap3A_710 = tpu.vector_load %swap3A_707[%swap3A_708, %swap3A_709] {strides = array<i32>} : memref<16x768xf32, #tpu.memory_space<vmem>>, vector<16xf32>,
        tpu.vector_store %swap3A_707[%swap3A_708, %swap3A_709], %add3A_703 {strides = array<i32>} : memref<16x768xf32, #tpu.memory_space<vmem>>, vector<16xf32>,
        %get3A_711 = arith.constant 0 : i32
        %get3A_712 = arith.constant 0 : i32
        %get3A_713 = tpu.memref_slice %arg9[%rem3A_136, %get3A_711, %get3A_712] : memref<4x16x768xf32, #tpu.memory_space<vmem>> -> memref<1x16x768xf32, #tpu.memory_space<vmem>>
        %get3A_714 = tpu.memref_squeeze %get3A_713 : memref<1x16x768xf32, #tpu.memory_space<vmem>> -> memref<16x768xf32, #tpu.memory_space<vmem>>
        %get3A_715 = arith.index_cast %scan3A_575 : i32 to index
        %get3A_716 = arith.constant 624 : index
        %get3A_717 = tpu.vector_load %get3A_714[%get3A_715, %get3A_716] {strides = array<i32>} : memref<16x768xf32, #tpu.memory_space<vmem>>, vector<16xf32>,
        %mul3A_718 = arith.mulf %get3A_717, %gather3A_582 : vector<16xf32>
        %add3A_719 = arith.addf %mul3A_718, %gather3A_585 : vector<16xf32>
        %mul3A_720 = arith.mulf %add3A_719, %get3A_483 : vector<16xf32>
        %add3A_721 = arith.addf %mul3A_720, %get3A_499 : vector<16xf32>
        %swap3A_722 = arith.constant 0 : i32
        %swap3A_723 = arith.constant 0 : i32
        %swap3A_724 = tpu.memref_slice %arg9[%rem3A_136, %swap3A_722, %swap3A_723] : memref<4x16x768xf32, #tpu.memory_space<vmem>> -> memref<1x16x768xf32, #tpu.memory_space<vmem>>
        %swap3A_725 = tpu.memref_squeeze %swap3A_724 : memref<1x16x768xf32, #tpu.memory_space<vmem>> -> memref<16x768xf32, #tpu.memory_space<vmem>>
        %swap3A_726 = arith.index_cast %scan3A_575 : i32 to index
        %swap3A_727 = arith.constant 624 : index
        %swap3A_728 = tpu.vector_load %swap3A_725[%swap3A_726, %swap3A_727] {strides = array<i32>} : memref<16x768xf32, #tpu.memory_space<vmem>>, vector<16xf32>,
        tpu.vector_store %swap3A_725[%swap3A_726, %swap3A_727], %add3A_721 {strides = array<i32>} : memref<16x768xf32, #tpu.memory_space<vmem>>, vector<16xf32>,
        %scan3A_729 = arith.constant 0 : i32
        %scan3A_730 = arith.constant 1 : i32
        %scan3A_731 = arith.addi %scan3A_575, %scan3A_730 : i32
        %broadcast_in_dim3A_732 = arith.constant 0 : i32
        %broadcast_in_dim3A_733 = vector.broadcast %broadcast_in_dim3A_732 : i32 to vector<16xi32>
        %add3A_734 = vector.broadcast %scan3A_731 : i32 to vector<16xi32>
        %add3A_735 = arith.addi %broadcast_in_dim3A_733, %add3A_734 : vector<16xi32>
        %reshape3A_736 = vector.shape_cast %add3A_735 : vector<16xi32> to vector<16x1xi32>
        %gather3A_737 = vector.shape_cast %reshape3A_736 : vector<16x1xi32> to vector<16xi32>
        %gather3A_738 = tpu.dynamic_gather %mul3A_309[%gather3A_737] in [0] : vector<16xf32>, vector<16xi32> -> vector<16xf32>
        %reshape3A_739 = vector.shape_cast %add3A_735 : vector<16xi32> to vector<16x1xi32>
        %gather3A_740 = vector.shape_cast %reshape3A_739 : vector<16x1xi32> to vector<16xi32>
        %gather3A_741 = tpu.dynamic_gather %mul3A_312[%gather3A_740] in [0] : vector<16xf32>, vector<16xi32> -> vector<16xf32>
        %get3A_742 = arith.constant 0 : i32
        %get3A_743 = arith.constant 0 : i32
        %get3A_744 = tpu.memref_slice %arg9[%rem3A_136, %get3A_742, %get3A_743] : memref<4x16x768xf32, #tpu.memory_space<vmem>> -> memref<1x16x768xf32, #tpu.memory_space<vmem>>
        %get3A_745 = tpu.memref_squeeze %get3A_744 : memref<1x16x768xf32, #tpu.memory_space<vmem>> -> memref<16x768xf32, #tpu.memory_space<vmem>>
        %get3A_746 = arith.index_cast %scan3A_731 : i32 to index
        %get3A_747 = arith.constant 512 : index
        %get3A_748 = tpu.vector_load %get3A_745[%get3A_746, %get3A_747] {strides = array<i32>} : memref<16x768xf32, #tpu.memory_space<vmem>>, vector<16xf32>,
        %mul3A_749 = arith.mulf %get3A_748, %gather3A_738 : vector<16xf32>
        %add3A_750 = arith.addf %mul3A_749, %gather3A_741 : vector<16xf32>
        %mul3A_751 = arith.mulf %add3A_750, %get3A_469 : vector<16xf32>
        %add3A_752 = arith.addf %mul3A_751, %get3A_485 : vector<16xf32>
        %swap3A_753 = arith.constant 0 : i32
        %swap3A_754 = arith.constant 0 : i32
        %swap3A_755 = tpu.memref_slice %arg9[%rem3A_136, %swap3A_753, %swap3A_754] : memref<4x16x768xf32, #tpu.memory_space<vmem>> -> memref<1x16x768xf32, #tpu.memory_space<vmem>>
        %swap3A_756 = tpu.memref_squeeze %swap3A_755 : memref<1x16x768xf32, #tpu.memory_space<vmem>> -> memref<16x768xf32, #tpu.memory_space<vmem>>
        %swap3A_757 = arith.index_cast %scan3A_731 : i32 to index
        %swap3A_758 = arith.constant 512 : index
        %swap3A_759 = tpu.vector_load %swap3A_756[%swap3A_757, %swap3A_758] {strides = array<i32>} : memref<16x768xf32, #tpu.memory_space<vmem>>, vector<16xf32>,
        tpu.vector_store %swap3A_756[%swap3A_757, %swap3A_758], %add3A_752 {strides = array<i32>} : memref<16x768xf32, #tpu.memory_space<vmem>>, vector<16xf32>,
        %get3A_760 = arith.constant 0 : i32
        %get3A_761 = arith.constant 0 : i32
        %get3A_762 = tpu.memref_slice %arg9[%rem3A_136, %get3A_760, %get3A_761] : memref<4x16x768xf32, #tpu.memory_space<vmem>> -> memref<1x16x768xf32, #tpu.memory_space<vmem>>
        %get3A_763 = tpu.memref_squeeze %get3A_762 : memref<1x16x768xf32, #tpu.memory_space<vmem>> -> memref<16x768xf32, #tpu.memory_space<vmem>>
        %get3A_764 = arith.index_cast %scan3A_731 : i32 to index
        %get3A_765 = arith.constant 528 : index
        %get3A_766 = tpu.vector_load %get3A_763[%get3A_764, %get3A_765] {strides = array<i32>} : memref<16x768xf32, #tpu.memory_space<vmem>>, vector<16xf32>,
        %mul3A_767 = arith.mulf %get3A_766, %gather3A_738 : vector<16xf32>
        %add3A_768 = arith.addf %mul3A_767, %gather3A_741 : vector<16xf32>
        %mul3A_769 = arith.mulf %add3A_768, %get3A_471 : vector<16xf32>
        %add3A_770 = arith.addf %mul3A_769, %get3A_487 : vector<16xf32>
        %swap3A_771 = arith.constant 0 : i32
        %swap3A_772 = arith.constant 0 : i32
        %swap3A_773 = tpu.memref_slice %arg9[%rem3A_136, %swap3A_771, %swap3A_772] : memref<4x16x768xf32, #tpu.memory_space<vmem>> -> memref<1x16x768xf32, #tpu.memory_space<vmem>>
        %swap3A_774 = tpu.memref_squeeze %swap3A_773 : memref<1x16x768xf32, #tpu.memory_space<vmem>> -> memref<16x768xf32, #tpu.memory_space<vmem>>
        %swap3A_775 = arith.index_cast %scan3A_731 : i32 to index
        %swap3A_776 = arith.constant 528 : index
        %swap3A_777 = tpu.vector_load %swap3A_774[%swap3A_775, %swap3A_776] {strides = array<i32>} : memref<16x768xf32, #tpu.memory_space<vmem>>, vector<16xf32>,
        tpu.vector_store %swap3A_774[%swap3A_775, %swap3A_776], %add3A_770 {strides = array<i32>} : memref<16x768xf32, #tpu.memory_space<vmem>>, vector<16xf32>,
        %get3A_778 = arith.constant 0 : i32
        %get3A_779 = arith.constant 0 : i32
        %get3A_780 = tpu.memref_slice %arg9[%rem3A_136, %get3A_778, %get3A_779] : memref<4x16x768xf32, #tpu.memory_space<vmem>> -> memref<1x16x768xf32, #tpu.memory_space<vmem>>
        %get3A_781 = tpu.memref_squeeze %get3A_780 : memref<1x16x768xf32, #tpu.memory_space<vmem>> -> memref<16x768xf32, #tpu.memory_space<vmem>>
        %get3A_782 = arith.index_cast %scan3A_731 : i32 to index
        %get3A_783 = arith.constant 544 : index
        %get3A_784 = tpu.vector_load %get3A_781[%get3A_782, %get3A_783] {strides = array<i32>} : memref<16x768xf32, #tpu.memory_space<vmem>>, vector<16xf32>,
        %mul3A_785 = arith.mulf %get3A_784, %gather3A_738 : vector<16xf32>
        %add3A_786 = arith.addf %mul3A_785, %gather3A_741 : vector<16xf32>
        %mul3A_787 = arith.mulf %add3A_786, %get3A_473 : vector<16xf32>
        %add3A_788 = arith.addf %mul3A_787, %get3A_489 : vector<16xf32>
        %swap3A_789 = arith.constant 0 : i32
        %swap3A_790 = arith.constant 0 : i32
        %swap3A_791 = tpu.memref_slice %arg9[%rem3A_136, %swap3A_789, %swap3A_790] : memref<4x16x768xf32, #tpu.memory_space<vmem>> -> memref<1x16x768xf32, #tpu.memory_space<vmem>>
        %swap3A_792 = tpu.memref_squeeze %swap3A_791 : memref<1x16x768xf32, #tpu.memory_space<vmem>> -> memref<16x768xf32, #tpu.memory_space<vmem>>
        %swap3A_793 = arith.index_cast %scan3A_731 : i32 to index
        %swap3A_794 = arith.constant 544 : index
        %swap3A_795 = tpu.vector_load %swap3A_792[%swap3A_793, %swap3A_794] {strides = array<i32>} : memref<16x768xf32, #tpu.memory_space<vmem>>, vector<16xf32>,
        tpu.vector_store %swap3A_792[%swap3A_793, %swap3A_794], %add3A_788 {strides = array<i32>} : memref<16x768xf32, #tpu.memory_space<vmem>>, vector<16xf32>,
        %get3A_796 = arith.constant 0 : i32
        %get3A_797 = arith.constant 0 : i32
        %get3A_798 = tpu.memref_slice %arg9[%rem3A_136, %get3A_796, %get3A_797] : memref<4x16x768xf32, #tpu.memory_space<vmem>> -> memref<1x16x768xf32, #tpu.memory_space<vmem>>
        %get3A_799 = tpu.memref_squeeze %get3A_798 : memref<1x16x768xf32, #tpu.memory_space<vmem>> -> memref<16x768xf32, #tpu.memory_space<vmem>>
        %get3A_800 = arith.index_cast %scan3A_731 : i32 to index
        %get3A_801 = arith.constant 560 : index
        %get3A_802 = tpu.vector_load %get3A_799[%get3A_800, %get3A_801] {strides = array<i32>} : memref<16x768xf32, #tpu.memory_space<vmem>>, vector<16xf32>,
        %mul3A_803 = arith.mulf %get3A_802, %gather3A_738 : vector<16xf32>
        %add3A_804 = arith.addf %mul3A_803, %gather3A_741 : vector<16xf32>
        %mul3A_805 = arith.mulf %add3A_804, %get3A_475 : vector<16xf32>
        %add3A_806 = arith.addf %mul3A_805, %get3A_491 : vector<16xf32>
        %swap3A_807 = arith.constant 0 : i32
        %swap3A_808 = arith.constant 0 : i32
        %swap3A_809 = tpu.memref_slice %arg9[%rem3A_136, %swap3A_807, %swap3A_808] : memref<4x16x768xf32, #tpu.memory_space<vmem>> -> memref<1x16x768xf32, #tpu.memory_space<vmem>>
        %swap3A_810 = tpu.memref_squeeze %swap3A_809 : memref<1x16x768xf32, #tpu.memory_space<vmem>> -> memref<16x768xf32, #tpu.memory_space<vmem>>
        %swap3A_811 = arith.index_cast %scan3A_731 : i32 to index
        %swap3A_812 = arith.constant 560 : index
        %swap3A_813 = tpu.vector_load %swap3A_810[%swap3A_811, %swap3A_812] {strides = array<i32>} : memref<16x768xf32, #tpu.memory_space<vmem>>, vector<16xf32>,
        tpu.vector_store %swap3A_810[%swap3A_811, %swap3A_812], %add3A_806 {strides = array<i32>} : memref<16x768xf32, #tpu.memory_space<vmem>>, vector<16xf32>,
        %get3A_814 = arith.constant 0 : i32
        %get3A_815 = arith.constant 0 : i32
        %get3A_816 = tpu.memref_slice %arg9[%rem3A_136, %get3A_814, %get3A_815] : memref<4x16x768xf32, #tpu.memory_space<vmem>> -> memref<1x16x768xf32, #tpu.memory_space<vmem>>
        %get3A_817 = tpu.memref_squeeze %get3A_816 : memref<1x16x768xf32, #tpu.memory_space<vmem>> -> memref<16x768xf32, #tpu.memory_space<vmem>>
        %get3A_818 = arith.index_cast %scan3A_731 : i32 to index
        %get3A_819 = arith.constant 576 : index
        %get3A_820 = tpu.vector_load %get3A_817[%get3A_818, %get3A_819] {strides = array<i32>} : memref<16x768xf32, #tpu.memory_space<vmem>>, vector<16xf32>,
        %mul3A_821 = arith.mulf %get3A_820, %gather3A_738 : vector<16xf32>
        %add3A_822 = arith.addf %mul3A_821, %gather3A_741 : vector<16xf32>
        %mul3A_823 = arith.mulf %add3A_822, %get3A_477 : vector<16xf32>
        %add3A_824 = arith.addf %mul3A_823, %get3A_493 : vector<16xf32>
        %swap3A_825 = arith.constant 0 : i32
        %swap3A_826 = arith.constant 0 : i32
        %swap3A_827 = tpu.memref_slice %arg9[%rem3A_136, %swap3A_825, %swap3A_826] : memref<4x16x768xf32, #tpu.memory_space<vmem>> -> memref<1x16x768xf32, #tpu.memory_space<vmem>>
        %swap3A_828 = tpu.memref_squeeze %swap3A_827 : memref<1x16x768xf32, #tpu.memory_space<vmem>> -> memref<16x768xf32, #tpu.memory_space<vmem>>
        %swap3A_829 = arith.index_cast %scan3A_731 : i32 to index
        %swap3A_830 = arith.constant 576 : index
        %swap3A_831 = tpu.vector_load %swap3A_828[%swap3A_829, %swap3A_830] {strides = array<i32>} : memref<16x768xf32, #tpu.memory_space<vmem>>, vector<16xf32>,
        tpu.vector_store %swap3A_828[%swap3A_829, %swap3A_830], %add3A_824 {strides = array<i32>} : memref<16x768xf32, #tpu.memory_space<vmem>>, vector<16xf32>,
        %get3A_832 = arith.constant 0 : i32
        %get3A_833 = arith.constant 0 : i32
        %get3A_834 = tpu.memref_slice %arg9[%rem3A_136, %get3A_832, %get3A_833] : memref<4x16x768xf32, #tpu.memory_space<vmem>> -> memref<1x16x768xf32, #tpu.memory_space<vmem>>
        %get3A_835 = tpu.memref_squeeze %get3A_834 : memref<1x16x768xf32, #tpu.memory_space<vmem>> -> memref<16x768xf32, #tpu.memory_space<vmem>>
        %get3A_836 = arith.index_cast %scan3A_731 : i32 to index
        %get3A_837 = arith.constant 592 : index
        %get3A_838 = tpu.vector_load %get3A_835[%get3A_836, %get3A_837] {strides = array<i32>} : memref<16x768xf32, #tpu.memory_space<vmem>>, vector<16xf32>,
        %mul3A_839 = arith.mulf %get3A_838, %gather3A_738 : vector<16xf32>
        %add3A_840 = arith.addf %mul3A_839, %gather3A_741 : vector<16xf32>
        %mul3A_841 = arith.mulf %add3A_840, %get3A_479 : vector<16xf32>
        %add3A_842 = arith.addf %mul3A_841, %get3A_495 : vector<16xf32>
        %swap3A_843 = arith.constant 0 : i32
        %swap3A_844 = arith.constant 0 : i32
        %swap3A_845 = tpu.memref_slice %arg9[%rem3A_136, %swap3A_843, %swap3A_844] : memref<4x16x768xf32, #tpu.memory_space<vmem>> -> memref<1x16x768xf32, #tpu.memory_space<vmem>>
        %swap3A_846 = tpu.memref_squeeze %swap3A_845 : memref<1x16x768xf32, #tpu.memory_space<vmem>> -> memref<16x768xf32, #tpu.memory_space<vmem>>
        %swap3A_847 = arith.index_cast %scan3A_731 : i32 to index
        %swap3A_848 = arith.constant 592 : index
        %swap3A_849 = tpu.vector_load %swap3A_846[%swap3A_847, %swap3A_848] {strides = array<i32>} : memref<16x768xf32, #tpu.memory_space<vmem>>, vector<16xf32>,
        tpu.vector_store %swap3A_846[%swap3A_847, %swap3A_848], %add3A_842 {strides = array<i32>} : memref<16x768xf32, #tpu.memory_space<vmem>>, vector<16xf32>,
        %get3A_850 = arith.constant 0 : i32
        %get3A_851 = arith.constant 0 : i32
        %get3A_852 = tpu.memref_slice %arg9[%rem3A_136, %get3A_850, %get3A_851] : memref<4x16x768xf32, #tpu.memory_space<vmem>> -> memref<1x16x768xf32, #tpu.memory_space<vmem>>
        %get3A_853 = tpu.memref_squeeze %get3A_852 : memref<1x16x768xf32, #tpu.memory_space<vmem>> -> memref<16x768xf32, #tpu.memory_space<vmem>>
        %get3A_854 = arith.index_cast %scan3A_731 : i32 to index
        %get3A_855 = arith.constant 608 : index
        %get3A_856 = tpu.vector_load %get3A_853[%get3A_854, %get3A_855] {strides = array<i32>} : memref<16x768xf32, #tpu.memory_space<vmem>>, vector<16xf32>,
        %mul3A_857 = arith.mulf %get3A_856, %gather3A_738 : vector<16xf32>
        %add3A_858 = arith.addf %mul3A_857, %gather3A_741 : vector<16xf32>
        %mul3A_859 = arith.mulf %add3A_858, %get3A_481 : vector<16xf32>
        %add3A_860 = arith.addf %mul3A_859, %get3A_497 : vector<16xf32>
        %swap3A_861 = arith.constant 0 : i32
        %swap3A_862 = arith.constant 0 : i32
        %swap3A_863 = tpu.memref_slice %arg9[%rem3A_136, %swap3A_861, %swap3A_862] : memref<4x16x768xf32, #tpu.memory_space<vmem>> -> memref<1x16x768xf32, #tpu.memory_space<vmem>>
        %swap3A_864 = tpu.memref_squeeze %swap3A_863 : memref<1x16x768xf32, #tpu.memory_space<vmem>> -> memref<16x768xf32, #tpu.memory_space<vmem>>
        %swap3A_865 = arith.index_cast %scan3A_731 : i32 to index
        %swap3A_866 = arith.constant 608 : index
        %swap3A_867 = tpu.vector_load %swap3A_864[%swap3A_865, %swap3A_866] {strides = array<i32>} : memref<16x768xf32, #tpu.memory_space<vmem>>, vector<16xf32>,
        tpu.vector_store %swap3A_864[%swap3A_865, %swap3A_866], %add3A_860 {strides = array<i32>} : memref<16x768xf32, #tpu.memory_space<vmem>>, vector<16xf32>,
        %get3A_868 = arith.constant 0 : i32
        %get3A_869 = arith.constant 0 : i32
        %get3A_870 = tpu.memref_slice %arg9[%rem3A_136, %get3A_868, %get3A_869] : memref<4x16x768xf32, #tpu.memory_space<vmem>> -> memref<1x16x768xf32, #tpu.memory_space<vmem>>
        %get3A_871 = tpu.memref_squeeze %get3A_870 : memref<1x16x768xf32, #tpu.memory_space<vmem>> -> memref<16x768xf32, #tpu.memory_space<vmem>>
        %get3A_872 = arith.index_cast %scan3A_731 : i32 to index
        %get3A_873 = arith.constant 624 : index
        %get3A_874 = tpu.vector_load %get3A_871[%get3A_872, %get3A_873] {strides = array<i32>} : memref<16x768xf32, #tpu.memory_space<vmem>>, vector<16xf32>,
        %mul3A_875 = arith.mulf %get3A_874, %gather3A_738 : vector<16xf32>
        %add3A_876 = arith.addf %mul3A_875, %gather3A_741 : vector<16xf32>
        %mul3A_877 = arith.mulf %add3A_876, %get3A_483 : vector<16xf32>
        %add3A_878 = arith.addf %mul3A_877, %get3A_499 : vector<16xf32>
        %swap3A_879 = arith.constant 0 : i32
        %swap3A_880 = arith.constant 0 : i32
        %swap3A_881 = tpu.memref_slice %arg9[%rem3A_136, %swap3A_879, %swap3A_880] : memref<4x16x768xf32, #tpu.memory_space<vmem>> -> memref<1x16x768xf32, #tpu.memory_space<vmem>>
        %swap3A_882 = tpu.memref_squeeze %swap3A_881 : memref<1x16x768xf32, #tpu.memory_space<vmem>> -> memref<16x768xf32, #tpu.memory_space<vmem>>
        %swap3A_883 = arith.index_cast %scan3A_731 : i32 to index
        %swap3A_884 = arith.constant 624 : index
        %swap3A_885 = tpu.vector_load %swap3A_882[%swap3A_883, %swap3A_884] {strides = array<i32>} : memref<16x768xf32, #tpu.memory_space<vmem>>, vector<16xf32>,
        tpu.vector_store %swap3A_882[%swap3A_883, %swap3A_884], %add3A_878 {strides = array<i32>} : memref<16x768xf32, #tpu.memory_space<vmem>>, vector<16xf32>,
        %scan3A_886 = arith.constant 0 : i32
        scf.yield %scan3A_886 : i32
      }
      %scan3A_506 = arith.constant 16 : i32
      %get3A_507 = arith.constant 640 : index
      %get3A_508 = tpu.vector_load %arg11[%get3A_507] {strides = array<i32>} : memref<768xf32, #tpu.memory_space<vmem>>, vector<16xf32>,
      %get3A_509 = arith.constant 656 : index
      %get3A_510 = tpu.vector_load %arg11[%get3A_509] {strides = array<i32>} : memref<768xf32, #tpu.memory_space<vmem>>, vector<16xf32>,
      %get3A_511 = arith.constant 672 : index
      %get3A_512 = tpu.vector_load %arg11[%get3A_511] {strides = array<i32>} : memref<768xf32, #tpu.memory_space<vmem>>, vector<16xf32>,
      %get3A_513 = arith.constant 688 : index
      %get3A_514 = tpu.vector_load %arg11[%get3A_513] {strides = array<i32>} : memref<768xf32, #tpu.memory_space<vmem>>, vector<16xf32>,
      %get3A_515 = arith.constant 704 : index
      %get3A_516 = tpu.vector_load %arg11[%get3A_515] {strides = array<i32>} : memref<768xf32, #tpu.memory_space<vmem>>, vector<16xf32>,
      %get3A_517 = arith.constant 720 : index
      %get3A_518 = tpu.vector_load %arg11[%get3A_517] {strides = array<i32>} : memref<768xf32, #tpu.memory_space<vmem>>, vector<16xf32>,
      %get3A_519 = arith.constant 736 : index
      %get3A_520 = tpu.vector_load %arg11[%get3A_519] {strides = array<i32>} : memref<768xf32, #tpu.memory_space<vmem>>, vector<16xf32>,
      %get3A_521 = arith.constant 752 : index
      %get3A_522 = tpu.vector_load %arg11[%get3A_521] {strides = array<i32>} : memref<768xf32, #tpu.memory_space<vmem>>, vector<16xf32>,
      %get3A_523 = arith.constant 640 : index
      %get3A_524 = tpu.vector_load %arg12[%get3A_523] {strides = array<i32>} : memref<768xf32, #tpu.memory_space<vmem>>, vector<16xf32>,
      %get3A_525 = arith.constant 656 : index
      %get3A_526 = tpu.vector_load %arg12[%get3A_525] {strides = array<i32>} : memref<768xf32, #tpu.memory_space<vmem>>, vector<16xf32>,
      %get3A_527 = arith.constant 672 : index
      %get3A_528 = tpu.vector_load %arg12[%get3A_527] {strides = array<i32>} : memref<768xf32, #tpu.memory_space<vmem>>, vector<16xf32>,
      %get3A_529 = arith.constant 688 : index
      %get3A_530 = tpu.vector_load %arg12[%get3A_529] {strides = array<i32>} : memref<768xf32, #tpu.memory_space<vmem>>, vector<16xf32>,
      %get3A_531 = arith.constant 704 : index
      %get3A_532 = tpu.vector_load %arg12[%get3A_531] {strides = array<i32>} : memref<768xf32, #tpu.memory_space<vmem>>, vector<16xf32>,
      %get3A_533 = arith.constant 720 : index
      %get3A_534 = tpu.vector_load %arg12[%get3A_533] {strides = array<i32>} : memref<768xf32, #tpu.memory_space<vmem>>, vector<16xf32>,
      %get3A_535 = arith.constant 736 : index
      %get3A_536 = tpu.vector_load %arg12[%get3A_535] {strides = array<i32>} : memref<768xf32, #tpu.memory_space<vmem>>, vector<16xf32>,
      %get3A_537 = arith.constant 752 : index
      %get3A_538 = tpu.vector_load %arg12[%get3A_537] {strides = array<i32>} : memref<768xf32, #tpu.memory_space<vmem>>, vector<16xf32>,
      %scan3A_539 = arith.constant 0 : i32
      %scan3A_540 = arith.constant 0 : i32
      %scan3A_541 = arith.constant 16 : i32
      %scan3A_542 = arith.addi %scan3A_540, %scan3A_541 : i32
      %scan3A_543 = arith.constant 2 : i32
      %scan3A_544 = scf.for %scan3A_575 = %scan3A_540 to %scan3A_542 step %scan3A_543 iter_args(%scan3A_576 = %scan3A_539) -> (i32)  : i32 {
        %broadcast_in_dim3A_577 = arith.constant 0 : i32
        %broadcast_in_dim3A_578 = vector.broadcast %broadcast_in_dim3A_577 : i32 to vector<16xi32>
        %add3A_579 = vector.broadcast %scan3A_575 : i32 to vector<16xi32>
        %add3A_580 = arith.addi %broadcast_in_dim3A_578, %add3A_579 : vector<16xi32>
        %reshape3A = vector.shape_cast %add3A_580 : vector<16xi32> to vector<16x1xi32>
        %gather3A_581 = vector.shape_cast %reshape3A : vector<16x1xi32> to vector<16xi32>
        %gather3A_582 = tpu.dynamic_gather %mul3A_309[%gather3A_581] in [0] : vector<16xf32>, vector<16xi32> -> vector<16xf32>
        %reshape3A_583 = vector.shape_cast %add3A_580 : vector<16xi32> to vector<16x1xi32>
        %gather3A_584 = vector.shape_cast %reshape3A_583 : vector<16x1xi32> to vector<16xi32>
        %gather3A_585 = tpu.dynamic_gather %mul3A_312[%gather3A_584] in [0] : vector<16xf32>, vector<16xi32> -> vector<16xf32>
        %get3A_586 = arith.constant 0 : i32
        %get3A_587 = arith.constant 0 : i32
        %get3A_588 = tpu.memref_slice %arg9[%rem3A_136, %get3A_586, %get3A_587] : memref<4x16x768xf32, #tpu.memory_space<vmem>> -> memref<1x16x768xf32, #tpu.memory_space<vmem>>
        %get3A_589 = tpu.memref_squeeze %get3A_588 : memref<1x16x768xf32, #tpu.memory_space<vmem>> -> memref<16x768xf32, #tpu.memory_space<vmem>>
        %get3A_590 = arith.index_cast %scan3A_575 : i32 to index
        %get3A_591 = arith.constant 640 : index
        %get3A_592 = tpu.vector_load %get3A_589[%get3A_590, %get3A_591] {strides = array<i32>} : memref<16x768xf32, #tpu.memory_space<vmem>>, vector<16xf32>,
        %mul3A_593 = arith.mulf %get3A_592, %gather3A_582 : vector<16xf32>
        %add3A_594 = arith.addf %mul3A_593, %gather3A_585 : vector<16xf32>
        %mul3A_595 = arith.mulf %add3A_594, %get3A_508 : vector<16xf32>
        %add3A_596 = arith.addf %mul3A_595, %get3A_524 : vector<16xf32>
        %swap3A = arith.constant 0 : i32
        %swap3A_597 = arith.constant 0 : i32
        %swap3A_598 = tpu.memref_slice %arg9[%rem3A_136, %swap3A, %swap3A_597] : memref<4x16x768xf32, #tpu.memory_space<vmem>> -> memref<1x16x768xf32, #tpu.memory_space<vmem>>
        %swap3A_599 = tpu.memref_squeeze %swap3A_598 : memref<1x16x768xf32, #tpu.memory_space<vmem>> -> memref<16x768xf32, #tpu.memory_space<vmem>>
        %swap3A_600 = arith.index_cast %scan3A_575 : i32 to index
        %swap3A_601 = arith.constant 640 : index
        %swap3A_602 = tpu.vector_load %swap3A_599[%swap3A_600, %swap3A_601] {strides = array<i32>} : memref<16x768xf32, #tpu.memory_space<vmem>>, vector<16xf32>,
        tpu.vector_store %swap3A_599[%swap3A_600, %swap3A_601], %add3A_596 {strides = array<i32>} : memref<16x768xf32, #tpu.memory_space<vmem>>, vector<16xf32>,
        %get3A_603 = arith.constant 0 : i32
        %get3A_604 = arith.constant 0 : i32
        %get3A_605 = tpu.memref_slice %arg9[%rem3A_136, %get3A_603, %get3A_604] : memref<4x16x768xf32, #tpu.memory_space<vmem>> -> memref<1x16x768xf32, #tpu.memory_space<vmem>>
        %get3A_606 = tpu.memref_squeeze %get3A_605 : memref<1x16x768xf32, #tpu.memory_space<vmem>> -> memref<16x768xf32, #tpu.memory_space<vmem>>
        %get3A_607 = arith.index_cast %scan3A_575 : i32 to index
        %get3A_608 = arith.constant 656 : index
        %get3A_609 = tpu.vector_load %get3A_606[%get3A_607, %get3A_608] {strides = array<i32>} : memref<16x768xf32, #tpu.memory_space<vmem>>, vector<16xf32>,
        %mul3A_610 = arith.mulf %get3A_609, %gather3A_582 : vector<16xf32>
        %add3A_611 = arith.addf %mul3A_610, %gather3A_585 : vector<16xf32>
        %mul3A_612 = arith.mulf %add3A_611, %get3A_510 : vector<16xf32>
        %add3A_613 = arith.addf %mul3A_612, %get3A_526 : vector<16xf32>
        %swap3A_614 = arith.constant 0 : i32
        %swap3A_615 = arith.constant 0 : i32
        %swap3A_616 = tpu.memref_slice %arg9[%rem3A_136, %swap3A_614, %swap3A_615] : memref<4x16x768xf32, #tpu.memory_space<vmem>> -> memref<1x16x768xf32, #tpu.memory_space<vmem>>
        %swap3A_617 = tpu.memref_squeeze %swap3A_616 : memref<1x16x768xf32, #tpu.memory_space<vmem>> -> memref<16x768xf32, #tpu.memory_space<vmem>>
        %swap3A_618 = arith.index_cast %scan3A_575 : i32 to index
        %swap3A_619 = arith.constant 656 : index
        %swap3A_620 = tpu.vector_load %swap3A_617[%swap3A_618, %swap3A_619] {strides = array<i32>} : memref<16x768xf32, #tpu.memory_space<vmem>>, vector<16xf32>,
        tpu.vector_store %swap3A_617[%swap3A_618, %swap3A_619], %add3A_613 {strides = array<i32>} : memref<16x768xf32, #tpu.memory_space<vmem>>, vector<16xf32>,
        %get3A_621 = arith.constant 0 : i32
        %get3A_622 = arith.constant 0 : i32
        %get3A_623 = tpu.memref_slice %arg9[%rem3A_136, %get3A_621, %get3A_622] : memref<4x16x768xf32, #tpu.memory_space<vmem>> -> memref<1x16x768xf32, #tpu.memory_space<vmem>>
        %get3A_624 = tpu.memref_squeeze %get3A_623 : memref<1x16x768xf32, #tpu.memory_space<vmem>> -> memref<16x768xf32, #tpu.memory_space<vmem>>
        %get3A_625 = arith.index_cast %scan3A_575 : i32 to index
        %get3A_626 = arith.constant 672 : index
        %get3A_627 = tpu.vector_load %get3A_624[%get3A_625, %get3A_626] {strides = array<i32>} : memref<16x768xf32, #tpu.memory_space<vmem>>, vector<16xf32>,
        %mul3A_628 = arith.mulf %get3A_627, %gather3A_582 : vector<16xf32>
        %add3A_629 = arith.addf %mul3A_628, %gather3A_585 : vector<16xf32>
        %mul3A_630 = arith.mulf %add3A_629, %get3A_512 : vector<16xf32>
        %add3A_631 = arith.addf %mul3A_630, %get3A_528 : vector<16xf32>
        %swap3A_632 = arith.constant 0 : i32
        %swap3A_633 = arith.constant 0 : i32
        %swap3A_634 = tpu.memref_slice %arg9[%rem3A_136, %swap3A_632, %swap3A_633] : memref<4x16x768xf32, #tpu.memory_space<vmem>> -> memref<1x16x768xf32, #tpu.memory_space<vmem>>
        %swap3A_635 = tpu.memref_squeeze %swap3A_634 : memref<1x16x768xf32, #tpu.memory_space<vmem>> -> memref<16x768xf32, #tpu.memory_space<vmem>>
        %swap3A_636 = arith.index_cast %scan3A_575 : i32 to index
        %swap3A_637 = arith.constant 672 : index
        %swap3A_638 = tpu.vector_load %swap3A_635[%swap3A_636, %swap3A_637] {strides = array<i32>} : memref<16x768xf32, #tpu.memory_space<vmem>>, vector<16xf32>,
        tpu.vector_store %swap3A_635[%swap3A_636, %swap3A_637], %add3A_631 {strides = array<i32>} : memref<16x768xf32, #tpu.memory_space<vmem>>, vector<16xf32>,
        %get3A_639 = arith.constant 0 : i32
        %get3A_640 = arith.constant 0 : i32
        %get3A_641 = tpu.memref_slice %arg9[%rem3A_136, %get3A_639, %get3A_640] : memref<4x16x768xf32, #tpu.memory_space<vmem>> -> memref<1x16x768xf32, #tpu.memory_space<vmem>>
        %get3A_642 = tpu.memref_squeeze %get3A_641 : memref<1x16x768xf32, #tpu.memory_space<vmem>> -> memref<16x768xf32, #tpu.memory_space<vmem>>
        %get3A_643 = arith.index_cast %scan3A_575 : i32 to index
        %get3A_644 = arith.constant 688 : index
        %get3A_645 = tpu.vector_load %get3A_642[%get3A_643, %get3A_644] {strides = array<i32>} : memref<16x768xf32, #tpu.memory_space<vmem>>, vector<16xf32>,
        %mul3A_646 = arith.mulf %get3A_645, %gather3A_582 : vector<16xf32>
        %add3A_647 = arith.addf %mul3A_646, %gather3A_585 : vector<16xf32>
        %mul3A_648 = arith.mulf %add3A_647, %get3A_514 : vector<16xf32>
        %add3A_649 = arith.addf %mul3A_648, %get3A_530 : vector<16xf32>
        %swap3A_650 = arith.constant 0 : i32
        %swap3A_651 = arith.constant 0 : i32
        %swap3A_652 = tpu.memref_slice %arg9[%rem3A_136, %swap3A_650, %swap3A_651] : memref<4x16x768xf32, #tpu.memory_space<vmem>> -> memref<1x16x768xf32, #tpu.memory_space<vmem>>
        %swap3A_653 = tpu.memref_squeeze %swap3A_652 : memref<1x16x768xf32, #tpu.memory_space<vmem>> -> memref<16x768xf32, #tpu.memory_space<vmem>>
        %swap3A_654 = arith.index_cast %scan3A_575 : i32 to index
        %swap3A_655 = arith.constant 688 : index
        %swap3A_656 = tpu.vector_load %swap3A_653[%swap3A_654, %swap3A_655] {strides = array<i32>} : memref<16x768xf32, #tpu.memory_space<vmem>>, vector<16xf32>,
        tpu.vector_store %swap3A_653[%swap3A_654, %swap3A_655], %add3A_649 {strides = array<i32>} : memref<16x768xf32, #tpu.memory_space<vmem>>, vector<16xf32>,
        %get3A_657 = arith.constant 0 : i32
        %get3A_658 = arith.constant 0 : i32
        %get3A_659 = tpu.memref_slice %arg9[%rem3A_136, %get3A_657, %get3A_658] : memref<4x16x768xf32, #tpu.memory_space<vmem>> -> memref<1x16x768xf32, #tpu.memory_space<vmem>>
        %get3A_660 = tpu.memref_squeeze %get3A_659 : memref<1x16x768xf32, #tpu.memory_space<vmem>> -> memref<16x768xf32, #tpu.memory_space<vmem>>
        %get3A_661 = arith.index_cast %scan3A_575 : i32 to index
        %get3A_662 = arith.constant 704 : index
        %get3A_663 = tpu.vector_load %get3A_660[%get3A_661, %get3A_662] {strides = array<i32>} : memref<16x768xf32, #tpu.memory_space<vmem>>, vector<16xf32>,
        %mul3A_664 = arith.mulf %get3A_663, %gather3A_582 : vector<16xf32>
        %add3A_665 = arith.addf %mul3A_664, %gather3A_585 : vector<16xf32>
        %mul3A_666 = arith.mulf %add3A_665, %get3A_516 : vector<16xf32>
        %add3A_667 = arith.addf %mul3A_666, %get3A_532 : vector<16xf32>
        %swap3A_668 = arith.constant 0 : i32
        %swap3A_669 = arith.constant 0 : i32
        %swap3A_670 = tpu.memref_slice %arg9[%rem3A_136, %swap3A_668, %swap3A_669] : memref<4x16x768xf32, #tpu.memory_space<vmem>> -> memref<1x16x768xf32, #tpu.memory_space<vmem>>
        %swap3A_671 = tpu.memref_squeeze %swap3A_670 : memref<1x16x768xf32, #tpu.memory_space<vmem>> -> memref<16x768xf32, #tpu.memory_space<vmem>>
        %swap3A_672 = arith.index_cast %scan3A_575 : i32 to index
        %swap3A_673 = arith.constant 704 : index
        %swap3A_674 = tpu.vector_load %swap3A_671[%swap3A_672, %swap3A_673] {strides = array<i32>} : memref<16x768xf32, #tpu.memory_space<vmem>>, vector<16xf32>,
        tpu.vector_store %swap3A_671[%swap3A_672, %swap3A_673], %add3A_667 {strides = array<i32>} : memref<16x768xf32, #tpu.memory_space<vmem>>, vector<16xf32>,
        %get3A_675 = arith.constant 0 : i32
        %get3A_676 = arith.constant 0 : i32
        %get3A_677 = tpu.memref_slice %arg9[%rem3A_136, %get3A_675, %get3A_676] : memref<4x16x768xf32, #tpu.memory_space<vmem>> -> memref<1x16x768xf32, #tpu.memory_space<vmem>>
        %get3A_678 = tpu.memref_squeeze %get3A_677 : memref<1x16x768xf32, #tpu.memory_space<vmem>> -> memref<16x768xf32, #tpu.memory_space<vmem>>
        %get3A_679 = arith.index_cast %scan3A_575 : i32 to index
        %get3A_680 = arith.constant 720 : index
        %get3A_681 = tpu.vector_load %get3A_678[%get3A_679, %get3A_680] {strides = array<i32>} : memref<16x768xf32, #tpu.memory_space<vmem>>, vector<16xf32>,
        %mul3A_682 = arith.mulf %get3A_681, %gather3A_582 : vector<16xf32>
        %add3A_683 = arith.addf %mul3A_682, %gather3A_585 : vector<16xf32>
        %mul3A_684 = arith.mulf %add3A_683, %get3A_518 : vector<16xf32>
        %add3A_685 = arith.addf %mul3A_684, %get3A_534 : vector<16xf32>
        %swap3A_686 = arith.constant 0 : i32
        %swap3A_687 = arith.constant 0 : i32
        %swap3A_688 = tpu.memref_slice %arg9[%rem3A_136, %swap3A_686, %swap3A_687] : memref<4x16x768xf32, #tpu.memory_space<vmem>> -> memref<1x16x768xf32, #tpu.memory_space<vmem>>
        %swap3A_689 = tpu.memref_squeeze %swap3A_688 : memref<1x16x768xf32, #tpu.memory_space<vmem>> -> memref<16x768xf32, #tpu.memory_space<vmem>>
        %swap3A_690 = arith.index_cast %scan3A_575 : i32 to index
        %swap3A_691 = arith.constant 720 : index
        %swap3A_692 = tpu.vector_load %swap3A_689[%swap3A_690, %swap3A_691] {strides = array<i32>} : memref<16x768xf32, #tpu.memory_space<vmem>>, vector<16xf32>,
        tpu.vector_store %swap3A_689[%swap3A_690, %swap3A_691], %add3A_685 {strides = array<i32>} : memref<16x768xf32, #tpu.memory_space<vmem>>, vector<16xf32>,
        %get3A_693 = arith.constant 0 : i32
        %get3A_694 = arith.constant 0 : i32
        %get3A_695 = tpu.memref_slice %arg9[%rem3A_136, %get3A_693, %get3A_694] : memref<4x16x768xf32, #tpu.memory_space<vmem>> -> memref<1x16x768xf32, #tpu.memory_space<vmem>>
        %get3A_696 = tpu.memref_squeeze %get3A_695 : memref<1x16x768xf32, #tpu.memory_space<vmem>> -> memref<16x768xf32, #tpu.memory_space<vmem>>
        %get3A_697 = arith.index_cast %scan3A_575 : i32 to index
        %get3A_698 = arith.constant 736 : index
        %get3A_699 = tpu.vector_load %get3A_696[%get3A_697, %get3A_698] {strides = array<i32>} : memref<16x768xf32, #tpu.memory_space<vmem>>, vector<16xf32>,
        %mul3A_700 = arith.mulf %get3A_699, %gather3A_582 : vector<16xf32>
        %add3A_701 = arith.addf %mul3A_700, %gather3A_585 : vector<16xf32>
        %mul3A_702 = arith.mulf %add3A_701, %get3A_520 : vector<16xf32>
        %add3A_703 = arith.addf %mul3A_702, %get3A_536 : vector<16xf32>
        %swap3A_704 = arith.constant 0 : i32
        %swap3A_705 = arith.constant 0 : i32
        %swap3A_706 = tpu.memref_slice %arg9[%rem3A_136, %swap3A_704, %swap3A_705] : memref<4x16x768xf32, #tpu.memory_space<vmem>> -> memref<1x16x768xf32, #tpu.memory_space<vmem>>
        %swap3A_707 = tpu.memref_squeeze %swap3A_706 : memref<1x16x768xf32, #tpu.memory_space<vmem>> -> memref<16x768xf32, #tpu.memory_space<vmem>>
        %swap3A_708 = arith.index_cast %scan3A_575 : i32 to index
        %swap3A_709 = arith.constant 736 : index
        %swap3A_710 = tpu.vector_load %swap3A_707[%swap3A_708, %swap3A_709] {strides = array<i32>} : memref<16x768xf32, #tpu.memory_space<vmem>>, vector<16xf32>,
        tpu.vector_store %swap3A_707[%swap3A_708, %swap3A_709], %add3A_703 {strides = array<i32>} : memref<16x768xf32, #tpu.memory_space<vmem>>, vector<16xf32>,
        %get3A_711 = arith.constant 0 : i32
        %get3A_712 = arith.constant 0 : i32
        %get3A_713 = tpu.memref_slice %arg9[%rem3A_136, %get3A_711, %get3A_712] : memref<4x16x768xf32, #tpu.memory_space<vmem>> -> memref<1x16x768xf32, #tpu.memory_space<vmem>>
        %get3A_714 = tpu.memref_squeeze %get3A_713 : memref<1x16x768xf32, #tpu.memory_space<vmem>> -> memref<16x768xf32, #tpu.memory_space<vmem>>
        %get3A_715 = arith.index_cast %scan3A_575 : i32 to index
        %get3A_716 = arith.constant 752 : index
        %get3A_717 = tpu.vector_load %get3A_714[%get3A_715, %get3A_716] {strides = array<i32>} : memref<16x768xf32, #tpu.memory_space<vmem>>, vector<16xf32>,
        %mul3A_718 = arith.mulf %get3A_717, %gather3A_582 : vector<16xf32>
        %add3A_719 = arith.addf %mul3A_718, %gather3A_585 : vector<16xf32>
        %mul3A_720 = arith.mulf %add3A_719, %get3A_522 : vector<16xf32>
        %add3A_721 = arith.addf %mul3A_720, %get3A_538 : vector<16xf32>
        %swap3A_722 = arith.constant 0 : i32
        %swap3A_723 = arith.constant 0 : i32
        %swap3A_724 = tpu.memref_slice %arg9[%rem3A_136, %swap3A_722, %swap3A_723] : memref<4x16x768xf32, #tpu.memory_space<vmem>> -> memref<1x16x768xf32, #tpu.memory_space<vmem>>
        %swap3A_725 = tpu.memref_squeeze %swap3A_724 : memref<1x16x768xf32, #tpu.memory_space<vmem>> -> memref<16x768xf32, #tpu.memory_space<vmem>>
        %swap3A_726 = arith.index_cast %scan3A_575 : i32 to index
        %swap3A_727 = arith.constant 752 : index
        %swap3A_728 = tpu.vector_load %swap3A_725[%swap3A_726, %swap3A_727] {strides = array<i32>} : memref<16x768xf32, #tpu.memory_space<vmem>>, vector<16xf32>,
        tpu.vector_store %swap3A_725[%swap3A_726, %swap3A_727], %add3A_721 {strides = array<i32>} : memref<16x768xf32, #tpu.memory_space<vmem>>, vector<16xf32>,
        %scan3A_729 = arith.constant 0 : i32
        %scan3A_730 = arith.constant 1 : i32
        %scan3A_731 = arith.addi %scan3A_575, %scan3A_730 : i32
        %broadcast_in_dim3A_732 = arith.constant 0 : i32
        %broadcast_in_dim3A_733 = vector.broadcast %broadcast_in_dim3A_732 : i32 to vector<16xi32>
        %add3A_734 = vector.broadcast %scan3A_731 : i32 to vector<16xi32>
        %add3A_735 = arith.addi %broadcast_in_dim3A_733, %add3A_734 : vector<16xi32>
        %reshape3A_736 = vector.shape_cast %add3A_735 : vector<16xi32> to vector<16x1xi32>
        %gather3A_737 = vector.shape_cast %reshape3A_736 : vector<16x1xi32> to vector<16xi32>
        %gather3A_738 = tpu.dynamic_gather %mul3A_309[%gather3A_737] in [0] : vector<16xf32>, vector<16xi32> -> vector<16xf32>
        %reshape3A_739 = vector.shape_cast %add3A_735 : vector<16xi32> to vector<16x1xi32>
        %gather3A_740 = vector.shape_cast %reshape3A_739 : vector<16x1xi32> to vector<16xi32>
        %gather3A_741 = tpu.dynamic_gather %mul3A_312[%gather3A_740] in [0] : vector<16xf32>, vector<16xi32> -> vector<16xf32>
        %get3A_742 = arith.constant 0 : i32
        %get3A_743 = arith.constant 0 : i32
        %get3A_744 = tpu.memref_slice %arg9[%rem3A_136, %get3A_742, %get3A_743] : memref<4x16x768xf32, #tpu.memory_space<vmem>> -> memref<1x16x768xf32, #tpu.memory_space<vmem>>
        %get3A_745 = tpu.memref_squeeze %get3A_744 : memref<1x16x768xf32, #tpu.memory_space<vmem>> -> memref<16x768xf32, #tpu.memory_space<vmem>>
        %get3A_746 = arith.index_cast %scan3A_731 : i32 to index
        %get3A_747 = arith.constant 640 : index
        %get3A_748 = tpu.vector_load %get3A_745[%get3A_746, %get3A_747] {strides = array<i32>} : memref<16x768xf32, #tpu.memory_space<vmem>>, vector<16xf32>,
        %mul3A_749 = arith.mulf %get3A_748, %gather3A_738 : vector<16xf32>
        %add3A_750 = arith.addf %mul3A_749, %gather3A_741 : vector<16xf32>
        %mul3A_751 = arith.mulf %add3A_750, %get3A_508 : vector<16xf32>
        %add3A_752 = arith.addf %mul3A_751, %get3A_524 : vector<16xf32>
        %swap3A_753 = arith.constant 0 : i32
        %swap3A_754 = arith.constant 0 : i32
        %swap3A_755 = tpu.memref_slice %arg9[%rem3A_136, %swap3A_753, %swap3A_754] : memref<4x16x768xf32, #tpu.memory_space<vmem>> -> memref<1x16x768xf32, #tpu.memory_space<vmem>>
        %swap3A_756 = tpu.memref_squeeze %swap3A_755 : memref<1x16x768xf32, #tpu.memory_space<vmem>> -> memref<16x768xf32, #tpu.memory_space<vmem>>
        %swap3A_757 = arith.index_cast %scan3A_731 : i32 to index
        %swap3A_758 = arith.constant 640 : index
        %swap3A_759 = tpu.vector_load %swap3A_756[%swap3A_757, %swap3A_758] {strides = array<i32>} : memref<16x768xf32, #tpu.memory_space<vmem>>, vector<16xf32>,
        tpu.vector_store %swap3A_756[%swap3A_757, %swap3A_758], %add3A_752 {strides = array<i32>} : memref<16x768xf32, #tpu.memory_space<vmem>>, vector<16xf32>,
        %get3A_760 = arith.constant 0 : i32
        %get3A_761 = arith.constant 0 : i32
        %get3A_762 = tpu.memref_slice %arg9[%rem3A_136, %get3A_760, %get3A_761] : memref<4x16x768xf32, #tpu.memory_space<vmem>> -> memref<1x16x768xf32, #tpu.memory_space<vmem>>
        %get3A_763 = tpu.memref_squeeze %get3A_762 : memref<1x16x768xf32, #tpu.memory_space<vmem>> -> memref<16x768xf32, #tpu.memory_space<vmem>>
        %get3A_764 = arith.index_cast %scan3A_731 : i32 to index
        %get3A_765 = arith.constant 656 : index
        %get3A_766 = tpu.vector_load %get3A_763[%get3A_764, %get3A_765] {strides = array<i32>} : memref<16x768xf32, #tpu.memory_space<vmem>>, vector<16xf32>,
        %mul3A_767 = arith.mulf %get3A_766, %gather3A_738 : vector<16xf32>
        %add3A_768 = arith.addf %mul3A_767, %gather3A_741 : vector<16xf32>
        %mul3A_769 = arith.mulf %add3A_768, %get3A_510 : vector<16xf32>
        %add3A_770 = arith.addf %mul3A_769, %get3A_526 : vector<16xf32>
        %swap3A_771 = arith.constant 0 : i32
        %swap3A_772 = arith.constant 0 : i32
        %swap3A_773 = tpu.memref_slice %arg9[%rem3A_136, %swap3A_771, %swap3A_772] : memref<4x16x768xf32, #tpu.memory_space<vmem>> -> memref<1x16x768xf32, #tpu.memory_space<vmem>>
        %swap3A_774 = tpu.memref_squeeze %swap3A_773 : memref<1x16x768xf32, #tpu.memory_space<vmem>> -> memref<16x768xf32, #tpu.memory_space<vmem>>
        %swap3A_775 = arith.index_cast %scan3A_731 : i32 to index
        %swap3A_776 = arith.constant 656 : index
        %swap3A_777 = tpu.vector_load %swap3A_774[%swap3A_775, %swap3A_776] {strides = array<i32>} : memref<16x768xf32, #tpu.memory_space<vmem>>, vector<16xf32>,
        tpu.vector_store %swap3A_774[%swap3A_775, %swap3A_776], %add3A_770 {strides = array<i32>} : memref<16x768xf32, #tpu.memory_space<vmem>>, vector<16xf32>,
        %get3A_778 = arith.constant 0 : i32
        %get3A_779 = arith.constant 0 : i32
        %get3A_780 = tpu.memref_slice %arg9[%rem3A_136, %get3A_778, %get3A_779] : memref<4x16x768xf32, #tpu.memory_space<vmem>> -> memref<1x16x768xf32, #tpu.memory_space<vmem>>
        %get3A_781 = tpu.memref_squeeze %get3A_780 : memref<1x16x768xf32, #tpu.memory_space<vmem>> -> memref<16x768xf32, #tpu.memory_space<vmem>>
        %get3A_782 = arith.index_cast %scan3A_731 : i32 to index
        %get3A_783 = arith.constant 672 : index
        %get3A_784 = tpu.vector_load %get3A_781[%get3A_782, %get3A_783] {strides = array<i32>} : memref<16x768xf32, #tpu.memory_space<vmem>>, vector<16xf32>,
        %mul3A_785 = arith.mulf %get3A_784, %gather3A_738 : vector<16xf32>
        %add3A_786 = arith.addf %mul3A_785, %gather3A_741 : vector<16xf32>
        %mul3A_787 = arith.mulf %add3A_786, %get3A_512 : vector<16xf32>
        %add3A_788 = arith.addf %mul3A_787, %get3A_528 : vector<16xf32>
        %swap3A_789 = arith.constant 0 : i32
        %swap3A_790 = arith.constant 0 : i32
        %swap3A_791 = tpu.memref_slice %arg9[%rem3A_136, %swap3A_789, %swap3A_790] : memref<4x16x768xf32, #tpu.memory_space<vmem>> -> memref<1x16x768xf32, #tpu.memory_space<vmem>>
        %swap3A_792 = tpu.memref_squeeze %swap3A_791 : memref<1x16x768xf32, #tpu.memory_space<vmem>> -> memref<16x768xf32, #tpu.memory_space<vmem>>
        %swap3A_793 = arith.index_cast %scan3A_731 : i32 to index
        %swap3A_794 = arith.constant 672 : index
        %swap3A_795 = tpu.vector_load %swap3A_792[%swap3A_793, %swap3A_794] {strides = array<i32>} : memref<16x768xf32, #tpu.memory_space<vmem>>, vector<16xf32>,
        tpu.vector_store %swap3A_792[%swap3A_793, %swap3A_794], %add3A_788 {strides = array<i32>} : memref<16x768xf32, #tpu.memory_space<vmem>>, vector<16xf32>,
        %get3A_796 = arith.constant 0 : i32
        %get3A_797 = arith.constant 0 : i32
        %get3A_798 = tpu.memref_slice %arg9[%rem3A_136, %get3A_796, %get3A_797] : memref<4x16x768xf32, #tpu.memory_space<vmem>> -> memref<1x16x768xf32, #tpu.memory_space<vmem>>
        %get3A_799 = tpu.memref_squeeze %get3A_798 : memref<1x16x768xf32, #tpu.memory_space<vmem>> -> memref<16x768xf32, #tpu.memory_space<vmem>>
        %get3A_800 = arith.index_cast %scan3A_731 : i32 to index
        %get3A_801 = arith.constant 688 : index
        %get3A_802 = tpu.vector_load %get3A_799[%get3A_800, %get3A_801] {strides = array<i32>} : memref<16x768xf32, #tpu.memory_space<vmem>>, vector<16xf32>,
        %mul3A_803 = arith.mulf %get3A_802, %gather3A_738 : vector<16xf32>
        %add3A_804 = arith.addf %mul3A_803, %gather3A_741 : vector<16xf32>
        %mul3A_805 = arith.mulf %add3A_804, %get3A_514 : vector<16xf32>
        %add3A_806 = arith.addf %mul3A_805, %get3A_530 : vector<16xf32>
        %swap3A_807 = arith.constant 0 : i32
        %swap3A_808 = arith.constant 0 : i32
        %swap3A_809 = tpu.memref_slice %arg9[%rem3A_136, %swap3A_807, %swap3A_808] : memref<4x16x768xf32, #tpu.memory_space<vmem>> -> memref<1x16x768xf32, #tpu.memory_space<vmem>>
        %swap3A_810 = tpu.memref_squeeze %swap3A_809 : memref<1x16x768xf32, #tpu.memory_space<vmem>> -> memref<16x768xf32, #tpu.memory_space<vmem>>
        %swap3A_811 = arith.index_cast %scan3A_731 : i32 to index
        %swap3A_812 = arith.constant 688 : index
        %swap3A_813 = tpu.vector_load %swap3A_810[%swap3A_811, %swap3A_812] {strides = array<i32>} : memref<16x768xf32, #tpu.memory_space<vmem>>, vector<16xf32>,
        tpu.vector_store %swap3A_810[%swap3A_811, %swap3A_812], %add3A_806 {strides = array<i32>} : memref<16x768xf32, #tpu.memory_space<vmem>>, vector<16xf32>,
        %get3A_814 = arith.constant 0 : i32
        %get3A_815 = arith.constant 0 : i32
        %get3A_816 = tpu.memref_slice %arg9[%rem3A_136, %get3A_814, %get3A_815] : memref<4x16x768xf32, #tpu.memory_space<vmem>> -> memref<1x16x768xf32, #tpu.memory_space<vmem>>
        %get3A_817 = tpu.memref_squeeze %get3A_816 : memref<1x16x768xf32, #tpu.memory_space<vmem>> -> memref<16x768xf32, #tpu.memory_space<vmem>>
        %get3A_818 = arith.index_cast %scan3A_731 : i32 to index
        %get3A_819 = arith.constant 704 : index
        %get3A_820 = tpu.vector_load %get3A_817[%get3A_818, %get3A_819] {strides = array<i32>} : memref<16x768xf32, #tpu.memory_space<vmem>>, vector<16xf32>,
        %mul3A_821 = arith.mulf %get3A_820, %gather3A_738 : vector<16xf32>
        %add3A_822 = arith.addf %mul3A_821, %gather3A_741 : vector<16xf32>
        %mul3A_823 = arith.mulf %add3A_822, %get3A_516 : vector<16xf32>
        %add3A_824 = arith.addf %mul3A_823, %get3A_532 : vector<16xf32>
        %swap3A_825 = arith.constant 0 : i32
        %swap3A_826 = arith.constant 0 : i32
        %swap3A_827 = tpu.memref_slice %arg9[%rem3A_136, %swap3A_825, %swap3A_826] : memref<4x16x768xf32, #tpu.memory_space<vmem>> -> memref<1x16x768xf32, #tpu.memory_space<vmem>>
        %swap3A_828 = tpu.memref_squeeze %swap3A_827 : memref<1x16x768xf32, #tpu.memory_space<vmem>> -> memref<16x768xf32, #tpu.memory_space<vmem>>
        %swap3A_829 = arith.index_cast %scan3A_731 : i32 to index
        %swap3A_830 = arith.constant 704 : index
        %swap3A_831 = tpu.vector_load %swap3A_828[%swap3A_829, %swap3A_830] {strides = array<i32>} : memref<16x768xf32, #tpu.memory_space<vmem>>, vector<16xf32>,
        tpu.vector_store %swap3A_828[%swap3A_829, %swap3A_830], %add3A_824 {strides = array<i32>} : memref<16x768xf32, #tpu.memory_space<vmem>>, vector<16xf32>,
        %get3A_832 = arith.constant 0 : i32
        %get3A_833 = arith.constant 0 : i32
        %get3A_834 = tpu.memref_slice %arg9[%rem3A_136, %get3A_832, %get3A_833] : memref<4x16x768xf32, #tpu.memory_space<vmem>> -> memref<1x16x768xf32, #tpu.memory_space<vmem>>
        %get3A_835 = tpu.memref_squeeze %get3A_834 : memref<1x16x768xf32, #tpu.memory_space<vmem>> -> memref<16x768xf32, #tpu.memory_space<vmem>>
        %get3A_836 = arith.index_cast %scan3A_731 : i32 to index
        %get3A_837 = arith.constant 720 : index
        %get3A_838 = tpu.vector_load %get3A_835[%get3A_836, %get3A_837] {strides = array<i32>} : memref<16x768xf32, #tpu.memory_space<vmem>>, vector<16xf32>,
        %mul3A_839 = arith.mulf %get3A_838, %gather3A_738 : vector<16xf32>
        %add3A_840 = arith.addf %mul3A_839, %gather3A_741 : vector<16xf32>
        %mul3A_841 = arith.mulf %add3A_840, %get3A_518 : vector<16xf32>
        %add3A_842 = arith.addf %mul3A_841, %get3A_534 : vector<16xf32>
        %swap3A_843 = arith.constant 0 : i32
        %swap3A_844 = arith.constant 0 : i32
        %swap3A_845 = tpu.memref_slice %arg9[%rem3A_136, %swap3A_843, %swap3A_844] : memref<4x16x768xf32, #tpu.memory_space<vmem>> -> memref<1x16x768xf32, #tpu.memory_space<vmem>>
        %swap3A_846 = tpu.memref_squeeze %swap3A_845 : memref<1x16x768xf32, #tpu.memory_space<vmem>> -> memref<16x768xf32, #tpu.memory_space<vmem>>
        %swap3A_847 = arith.index_cast %scan3A_731 : i32 to index
        %swap3A_848 = arith.constant 720 : index
        %swap3A_849 = tpu.vector_load %swap3A_846[%swap3A_847, %swap3A_848] {strides = array<i32>} : memref<16x768xf32, #tpu.memory_space<vmem>>, vector<16xf32>,
        tpu.vector_store %swap3A_846[%swap3A_847, %swap3A_848], %add3A_842 {strides = array<i32>} : memref<16x768xf32, #tpu.memory_space<vmem>>, vector<16xf32>,
        %get3A_850 = arith.constant 0 : i32
        %get3A_851 = arith.constant 0 : i32
        %get3A_852 = tpu.memref_slice %arg9[%rem3A_136, %get3A_850, %get3A_851] : memref<4x16x768xf32, #tpu.memory_space<vmem>> -> memref<1x16x768xf32, #tpu.memory_space<vmem>>
        %get3A_853 = tpu.memref_squeeze %get3A_852 : memref<1x16x768xf32, #tpu.memory_space<vmem>> -> memref<16x768xf32, #tpu.memory_space<vmem>>
        %get3A_854 = arith.index_cast %scan3A_731 : i32 to index
        %get3A_855 = arith.constant 736 : index
        %get3A_856 = tpu.vector_load %get3A_853[%get3A_854, %get3A_855] {strides = array<i32>} : memref<16x768xf32, #tpu.memory_space<vmem>>, vector<16xf32>,
        %mul3A_857 = arith.mulf %get3A_856, %gather3A_738 : vector<16xf32>
        %add3A_858 = arith.addf %mul3A_857, %gather3A_741 : vector<16xf32>
        %mul3A_859 = arith.mulf %add3A_858, %get3A_520 : vector<16xf32>
        %add3A_860 = arith.addf %mul3A_859, %get3A_536 : vector<16xf32>
        %swap3A_861 = arith.constant 0 : i32
        %swap3A_862 = arith.constant 0 : i32
        %swap3A_863 = tpu.memref_slice %arg9[%rem3A_136, %swap3A_861, %swap3A_862] : memref<4x16x768xf32, #tpu.memory_space<vmem>> -> memref<1x16x768xf32, #tpu.memory_space<vmem>>
        %swap3A_864 = tpu.memref_squeeze %swap3A_863 : memref<1x16x768xf32, #tpu.memory_space<vmem>> -> memref<16x768xf32, #tpu.memory_space<vmem>>
        %swap3A_865 = arith.index_cast %scan3A_731 : i32 to index
        %swap3A_866 = arith.constant 736 : index
        %swap3A_867 = tpu.vector_load %swap3A_864[%swap3A_865, %swap3A_866] {strides = array<i32>} : memref<16x768xf32, #tpu.memory_space<vmem>>, vector<16xf32>,
        tpu.vector_store %swap3A_864[%swap3A_865, %swap3A_866], %add3A_860 {strides = array<i32>} : memref<16x768xf32, #tpu.memory_space<vmem>>, vector<16xf32>,
        %get3A_868 = arith.constant 0 : i32
        %get3A_869 = arith.constant 0 : i32
        %get3A_870 = tpu.memref_slice %arg9[%rem3A_136, %get3A_868, %get3A_869] : memref<4x16x768xf32, #tpu.memory_space<vmem>> -> memref<1x16x768xf32, #tpu.memory_space<vmem>>
        %get3A_871 = tpu.memref_squeeze %get3A_870 : memref<1x16x768xf32, #tpu.memory_space<vmem>> -> memref<16x768xf32, #tpu.memory_space<vmem>>
        %get3A_872 = arith.index_cast %scan3A_731 : i32 to index
        %get3A_873 = arith.constant 752 : index
        %get3A_874 = tpu.vector_load %get3A_871[%get3A_872, %get3A_873] {strides = array<i32>} : memref<16x768xf32, #tpu.memory_space<vmem>>, vector<16xf32>,
        %mul3A_875 = arith.mulf %get3A_874, %gather3A_738 : vector<16xf32>
        %add3A_876 = arith.addf %mul3A_875, %gather3A_741 : vector<16xf32>
        %mul3A_877 = arith.mulf %add3A_876, %get3A_522 : vector<16xf32>
        %add3A_878 = arith.addf %mul3A_877, %get3A_538 : vector<16xf32>
        %swap3A_879 = arith.constant 0 : i32
        %swap3A_880 = arith.constant 0 : i32
        %swap3A_881 = tpu.memref_slice %arg9[%rem3A_136, %swap3A_879, %swap3A_880] : memref<4x16x768xf32, #tpu.memory_space<vmem>> -> memref<1x16x768xf32, #tpu.memory_space<vmem>>
        %swap3A_882 = tpu.memref_squeeze %swap3A_881 : memref<1x16x768xf32, #tpu.memory_space<vmem>> -> memref<16x768xf32, #tpu.memory_space<vmem>>
        %swap3A_883 = arith.index_cast %scan3A_731 : i32 to index
        %swap3A_884 = arith.constant 752 : index
        %swap3A_885 = tpu.vector_load %swap3A_882[%swap3A_883, %swap3A_884] {strides = array<i32>} : memref<16x768xf32, #tpu.memory_space<vmem>>, vector<16xf32>,
        tpu.vector_store %swap3A_882[%swap3A_883, %swap3A_884], %add3A_878 {strides = array<i32>} : memref<16x768xf32, #tpu.memory_space<vmem>>, vector<16xf32>,
        %scan3A_886 = arith.constant 0 : i32
        scf.yield %scan3A_886 : i32
      }
      %scan3A_545 = arith.constant 16 : i32
      %mul3A_546 = arith.constant 4096 : i32
      %mul3A_547 = arith.muli %rem3A_134, %mul3A_546 : i32
      %add3A_548 = arith.addi %mul3A_547, %mul3A_2 : i32
      %mul3A_549 = arith.constant 16 : i32
      %mul3A_550 = arith.muli %select_n3A, %mul3A_549 : i32
      %add3A_551 = arith.addi %add3A_548, %mul3A_550 : i32
      %dma_start3A_552 = arith.constant 0 : i32
      %dma_start3A_553 = arith.constant 0 : i32
      %dma_start3A_554 = tpu.memref_slice %arg9[%rem3A_136, %dma_start3A_552, %dma_start3A_553] : memref<4x16x768xf32, #tpu.memory_space<vmem>> -> memref<1x16x768xf32, #tpu.memory_space<vmem>>
      %dma_start3A_555 = tpu.memref_squeeze %dma_start3A_554 : memref<1x16x768xf32, #tpu.memory_space<vmem>> -> memref<16x768xf32, #tpu.memory_space<vmem>>
      %dma_start3A_556 = arith.constant 0 : i32
      %dma_start3A_557 = tpu.memref_slice %arg7[%add3A_551, %dma_start3A_556] : memref<16384x768xf32, #tpu.memory_space<hbm>> -> memref<16x768xf32, #tpu.memory_space<hbm>>
      %dma_start3A_558 = arith.constant 0 : i32
      %dma_start3A_559 = tpu.memref_slice %arg7[%add3A_551, %dma_start3A_558] : memref<16384x768xf32, #tpu.memory_space<hbm>> -> memref<16x768xf32, #tpu.memory_space<hbm>>
      %dma_start3A_560 = arith.constant 0 : i32
      %dma_start3A_561 = arith.constant 0 : i32
      %dma_start3A_562 = tpu.memref_slice %arg9[%rem3A_136, %dma_start3A_560, %dma_start3A_561] : memref<4x16x768xf32, #tpu.memory_space<vmem>> -> memref<1x16x768xf32, #tpu.memory_space<vmem>>
      %dma_start3A_563 = tpu.memref_squeeze %dma_start3A_562 : memref<1x16x768xf32, #tpu.memory_space<vmem>> -> memref<16x768xf32, #tpu.memory_space<vmem>>
      tpu.enqueue_dma source(%dma_start3A_563 : memref<16x768xf32, #tpu.memory_space<vmem>>) target(%dma_start3A_559 : memref<16x768xf32, #tpu.memory_space<hbm>>) target_semaphore(%arg16 : memref<!tpu.dma_semaphore, #tpu.memory_space<semaphore_mem>>)
      %eq3A_564 = arith.constant 3 : i32
      %eq3A_565 = arith.cmpi eq, %rem3A_134, %eq3A_564 : i32
      %add3A_566 = arith.constant 2 : i32
      %add3A_567 = arith.addi %select_n3A, %add3A_566 : i32
      %lt3A_568 = arith.constant 8 : i32
      %lt3A_569 = arith.cmpi slt, %add3A_567, %lt3A_568 : i32
      %and3A_570 = arith.andi %eq3A_565, %lt3A_569 : i1
      %convert_element_type3A_571 = arith.extui %and3A_570 : i1 to i32
      %cond3A_572 = arith.constant 0 : i32
      %cond3A_573 = arith.cmpi ne, %convert_element_type3A_571, %cond3A_572 : i32
      scf.if %cond3A_573 {
        %add3A_575 = arith.constant 2 : i32
        %add3A_576 = arith.addi %select_n3A, %add3A_575 : i32
        %mul3A_577 = arith.constant 16 : i32
        %mul3A_578 = arith.muli %add3A_576, %mul3A_577 : i32
        %add3A_579 = arith.addi %mul3A_2, %mul3A_578 : i32
        %rem3A_580 = arith.constant 2 : i32
        %rem3A_581 = arith.remsi %add3A_576, %rem3A_580 : i32
        %dma_start3A_582 = arith.constant 0 : i32
        %dma_start3A_583 = arith.constant 0 : i32
        %dma_start3A_584 = tpu.memref_slice %arg10[%rem3A_581, %dma_start3A_582, %dma_start3A_583] : memref<2x16x768xf32, #tpu.memory_space<vmem>> -> memref<1x16x768xf32, #tpu.memory_space<vmem>>
        %dma_start3A_585 = tpu.memref_squeeze %dma_start3A_584 : memref<1x16x768xf32, #tpu.memory_space<vmem>> -> memref<16x768xf32, #tpu.memory_space<vmem>>
        %dma_start3A_586 = arith.constant 0 : i32
        %dma_start3A_587 = tpu.memref_slice %arg4[%add3A_579, %dma_start3A_586] : memref<8192x768xf32, #tpu.memory_space<hbm>> -> memref<16x768xf32, #tpu.memory_space<hbm>>
        %dma_start3A_588 = arith.constant 0 : i32
        %dma_start3A_589 = arith.constant 0 : i32
        %dma_start3A_590 = tpu.memref_slice %arg10[%rem3A_581, %dma_start3A_588, %dma_start3A_589] : memref<2x16x768xf32, #tpu.memory_space<vmem>> -> memref<1x16x768xf32, #tpu.memory_space<vmem>>
        %dma_start3A_591 = tpu.memref_squeeze %dma_start3A_590 : memref<1x16x768xf32, #tpu.memory_space<vmem>> -> memref<16x768xf32, #tpu.memory_space<vmem>>
        %dma_start3A_592 = arith.constant 0 : i32
        %dma_start3A_593 = tpu.memref_slice %arg4[%add3A_579, %dma_start3A_592] : memref<8192x768xf32, #tpu.memory_space<hbm>> -> memref<16x768xf32, #tpu.memory_space<hbm>>
        tpu.enqueue_dma source(%dma_start3A_593 : memref<16x768xf32, #tpu.memory_space<hbm>>) target(%dma_start3A_591 : memref<16x768xf32, #tpu.memory_space<vmem>>) target_semaphore(%arg17 : memref<!tpu.dma_semaphore, #tpu.memory_space<semaphore_mem>>)
      } else {
      }
      %scan3A_574 = arith.constant 0 : i32
      scf.yield %scan3A_574 : i32
    }
    %scan3A_84 = arith.constant 32 : i32
    %dma_wait3A = arith.constant 0 : i32
    %dma_wait3A_85 = arith.constant 0 : i32
    %dma_wait3A_86 = arith.constant 0 : i32
    %dma_wait3A_87 = tpu.memref_slice %arg9[%dma_wait3A, %dma_wait3A_85, %dma_wait3A_86] : memref<4x16x768xf32, #tpu.memory_space<vmem>> -> memref<1x16x768xf32, #tpu.memory_space<vmem>>
    %dma_wait3A_88 = tpu.memref_squeeze %dma_wait3A_87 : memref<1x16x768xf32, #tpu.memory_space<vmem>> -> memref<16x768xf32, #tpu.memory_space<vmem>>
    %dma_wait3A_89 = arith.constant 0 : i32
    %dma_wait3A_90 = arith.constant 0 : i32
    %dma_wait3A_91 = tpu.memref_slice %arg7[%dma_wait3A_89, %dma_wait3A_90] : memref<16384x768xf32, #tpu.memory_space<hbm>> -> memref<16x768xf32, #tpu.memory_space<hbm>>
    %dma_wait3A_92 = arith.constant 0 : i32
    %dma_wait3A_93 = arith.constant 0 : i32
    %dma_wait3A_94 = tpu.memref_slice %arg7[%dma_wait3A_92, %dma_wait3A_93] : memref<16384x768xf32, #tpu.memory_space<hbm>> -> memref<16x768xf32, #tpu.memory_space<hbm>>
    %dma_wait3A_95 = arith.constant 0 : i32
    %dma_wait3A_96 = arith.constant 0 : i32
    %dma_wait3A_97 = tpu.memref_slice %arg9[%dma_wait3A, %dma_wait3A_95, %dma_wait3A_96] : memref<4x16x768xf32, #tpu.memory_space<vmem>> -> memref<1x16x768xf32, #tpu.memory_space<vmem>>
    %dma_wait3A_98 = tpu.memref_squeeze %dma_wait3A_97 : memref<1x16x768xf32, #tpu.memory_space<vmem>> -> memref<16x768xf32, #tpu.memory_space<vmem>>
    tpu.wait_dma2 semaphore(%arg16 : memref<!tpu.dma_semaphore, #tpu.memory_space<semaphore_mem>>) src(%dma_wait3A_98 : memref<16x768xf32, #tpu.memory_space<vmem>>) dst(%dma_wait3A_94 : memref<16x768xf32, #tpu.memory_space<hbm>>)
    %dma_wait3A_99 = arith.constant 0 : i32
    %dma_wait3A_100 = arith.constant 0 : i32
    %dma_wait3A_101 = arith.constant 0 : i32
    %dma_wait3A_102 = tpu.memref_slice %arg9[%dma_wait3A_99, %dma_wait3A_100, %dma_wait3A_101] : memref<4x16x768xf32, #tpu.memory_space<vmem>> -> memref<1x16x768xf32, #tpu.memory_space<vmem>>
    %dma_wait3A_103 = tpu.memref_squeeze %dma_wait3A_102 : memref<1x16x768xf32, #tpu.memory_space<vmem>> -> memref<16x768xf32, #tpu.memory_space<vmem>>
    %dma_wait3A_104 = arith.constant 0 : i32
    %dma_wait3A_105 = arith.constant 0 : i32
    %dma_wait3A_106 = tpu.memref_slice %arg7[%dma_wait3A_104, %dma_wait3A_105] : memref<16384x768xf32, #tpu.memory_space<hbm>> -> memref<16x768xf32, #tpu.memory_space<hbm>>
    %dma_wait3A_107 = arith.constant 0 : i32
    %dma_wait3A_108 = arith.constant 0 : i32
    %dma_wait3A_109 = tpu.memref_slice %arg7[%dma_wait3A_107, %dma_wait3A_108] : memref<16384x768xf32, #tpu.memory_space<hbm>> -> memref<16x768xf32, #tpu.memory_space<hbm>>
    %dma_wait3A_110 = arith.constant 0 : i32
    %dma_wait3A_111 = arith.constant 0 : i32
    %dma_wait3A_112 = tpu.memref_slice %arg9[%dma_wait3A_99, %dma_wait3A_110, %dma_wait3A_111] : memref<4x16x768xf32, #tpu.memory_space<vmem>> -> memref<1x16x768xf32, #tpu.memory_space<vmem>>
    %dma_wait3A_113 = tpu.memref_squeeze %dma_wait3A_112 : memref<1x16x768xf32, #tpu.memory_space<vmem>> -> memref<16x768xf32, #tpu.memory_space<vmem>>
    tpu.wait_dma2 semaphore(%arg16 : memref<!tpu.dma_semaphore, #tpu.memory_space<semaphore_mem>>) src(%dma_wait3A_113 : memref<16x768xf32, #tpu.memory_space<vmem>>) dst(%dma_wait3A_109 : memref<16x768xf32, #tpu.memory_space<hbm>>)
    return
  }
}

</mosaic_0001>

<sc_bundles>
// kernel: kernel.3.cloned.1.call-start
scs
__scs_entry_jumppad:
0x0: {  	(pc) =	sbr.rel $0x88, $3  }
0x1: {  	(tag) =	ssettag $0x0;
	lr =	simm.s32 $0x1  }
0x2: {  	[smem:$0x3F9C] =	sst lr;
	_ =	strace $0xD0000000  }
0x3: {  	_ = 	snop  }
0x4: {  	_ = 	snop  }
0x5: {  	_ = 	snop  }
0x6: {  	_ = 	snop  }
0x7: {  	_ = 	snop  }
__scs_overlays_trampoline_lowered:
0x8: {  	[smem:$0x3FAB] =	sst s0  }
0x9: {  	[smem:$0x3FAC] =	sst s1  }
0xa: {  	[smem:$0x3FAD] =	sst s2  }
0xb: {  	[smem:$0x3FAE] =	sst s3  }
0xc: {  	[smem:$0x3FAF] =	sst s4  }
0xd: {  	[smem:$0x3FB0] =	sst s5  }
0xe: {  	[smem:$0x3FB1] =	sst s6  }
0xf: {  	[smem:$0x3FB2] =	sst s7  }
0x10: {  	[smem:$0x3FB3] =	sst s8  }
0x11: {  	[smem:$0x3FB4] =	sst s9;
	s0 =	simm.s32 @!p0 $0x0  }
0x12: {  	s1 =	sld [smem:$0x3F9A];
	s0 =	simm.s32 @p0 $0x1  }
0x13: {  	[smem:$0x3FB5] =	sst s0;
	s0 =	simm.s32 @!p1 $0x0  }
0x14: {  	s2 =	sld [smem:$0x3F99];
	s0 =	simm.s32 @p1 $0x1  }
0x15: {  	[smem:$0x3FB6] =	sst s0;
	s0 =	simm.s32 @!p2 $0x0  }
0x16: {  	s3 =	sld [smem:$0x3FDB];
	s0 =	simm.s32 @p2 $0x1  }
0x17: {  	s4 =	simm.s32 $0x1BF5;
	[smem:$0x3FB8] =	sst s0  }
0x18: {  	s0 =	sld [smem:$0x3F9B];
	_ =	swait.ge [sflag:s4], $0x0  }
0x19: {  	s7 =	sld [smem:$0x3F9C]  }
0x1a: {  	s8 =	sadd.s32 $0xFFFFE003, lr  }
0x1b: {  	s9 =	sadd.s32 $0xFFFFFEF7, lr;
	s5 =	simm.s32 $0xFFFFFFFF;
	p2 =	slt.u32 s8, $0xFFFFF086  }
0x1c: {  	p1 =	slt.u32 s9, $0xF7A;
	s5 =	simm.s32 @!p2 $0x0  }
0x1d: {  	s5 =	simm.s32 @p1 $0x1;
	p0 =	seq.s32 s7, s2  }
0x1e: {  	s7 =	smul.u32 @!p0 $0xF7A, s2;
	p2 =	seq.s32 @!p0 s5, $0x0  }
0x1f: {  	s9 =	smul.u32 $0xF7A, s1;
	s8 =	simm.s32 @!p0 $0x1BF5;
	p2 =	por !p2, p0  }
0x20: {  	[sflag:s8] =	ssyncset.s32 @!p0 $0xFFFFF086;
	s6 =	sadd.s32 @!p0 s3, s7;
	s7 =	simm.s32 @!p0 $0x108  }
0x21: {  	s3 =	sadd.s32 s3, s9;
	s6 =	sadd.s32 @!p0 $0x88, s6;
	s7 =	simm.s32 @p2 $0x1082  }
0x22: {  	[simem:s7], [sflag:s8] =	dma.local @!p0 [hbm:s6], $0xF7A  }
0x23: {  	s9 =	sor.u32 $0xD0000000, s2;
	s6 =	simm.s32 $0x108;
	_ =	swait.ge @!p0 [sflag:s8], $0x0  }
0x24: {  	s3 =	sadd.s32 $0x88, s3;
	s6 =	simm.s32 @!p1 $0x1082;
	[sflag:s4] =	ssyncset.s32 $0xFFFFF086  }
0x25: {  	[simem:s6], [sflag:s4] =	dma.local [hbm:s3], $0xF7A  }
0x26: {  	[smem:$0x3F9C] =	sst s1;
	(tag) =	ssettag s2;
	_ =	strace s9  }
0x27: {  	s1 =	sld [smem:$0x3FAC]  }
0x28: {  	s2 =	sld [smem:$0x3FAD]  }
0x29: {  	s4 =	sld [smem:$0x3FAF]  }
0x2a: {  	p0 =	seq.s32 s5, $0x0;
	s5 =	sld [smem:$0x3FB0]  }
0x2b: {  	s6 =	sld [smem:$0x3FB1]  }
0x2c: {  	s7 =	sld [smem:$0x3FB2]  }
0x2d: {  	s3 =	simm.s32 $0x108;
	s8 =	sld [smem:$0x3FB3]  }
0x2e: {  	s3 =	simm.s32 @!p0 $0x1082;
	s9 =	sld [smem:$0x3FB4]  }
0x2f: {  	lr =	sadd.s32 s0, s3;
	s0 =	sld [smem:$0x3FAB]  }
0x30: {  	s3 =	sld [smem:$0x3FAE]  }
0x31: {  	[smem:$0x3FB7] =	sst s10  }
0x32: {  	s10 =	sld [smem:$0x3FB5];
	_ =	sdelay $0x3  }
0x33: {  	p0 =	seq.s32 s10, $0x1;
	s10 =	sld [smem:$0x3FB7];
	_ =	sdelay $0x3  }
0x34: {  	[smem:$0x3FB7] =	sst s10  }
0x35: {  	s10 =	sld [smem:$0x3FB6];
	_ =	sdelay $0x3  }
0x36: {  	p1 =	seq.s32 s10, $0x1;
	s10 =	sld [smem:$0x3FB7];
	_ =	sdelay $0x3  }
0x37: {  	[smem:$0x3FB7] =	sst s10  }
0x38: {  	s10 =	sld [smem:$0x3FB8]  }
0x39: {  	_ = 	snop;
	(pc) =	sbr.ind lr, $3  }
0x3a: {  	_ = 	snop  }
0x3b: {  	_ = 	snop  }
0x3c: {  	p2 =	seq.s32 s10, $0x1;
	s10 =	sld [smem:$0x3FB7]  }
0x3d: {  	_ =	shalt  }
0x3e: {  	_ =	shalt  }
0x3f: {  	_ =	shalt  }
0x40: {  	_ =	shalt  }
0x41: {  	_ =	shalt  }
0x42: {  	_ =	shalt  }
0x43: {  	_ =	shalt  }
0x44: {  	_ =	shalt  }
0x45: {  	_ =	shalt  }
0x46: {  	_ =	shalt  }
0x47: {  	_ =	shalt  }
0x48: {  	_ =	shalt  }
0x49: {  	_ =	shalt  }
0x4a: {  	_ =	shalt  }
0x4b: {  	_ =	shalt  }
0x4c: {  	_ =	shalt  }
0x4d: {  	_ =	shalt  }
0x4e: {  	_ =	shalt  }
0x4f: {  	_ =	shalt  }
0x50: {  	_ =	shalt  }
0x51: {  	_ =	shalt  }
0x52: {  	_ =	shalt  }
0x53: {  	_ =	shalt  }
0x54: {  	_ =	shalt  }
0x55: {  	_ =	shalt  }
0x56: {  	_ =	shalt  }
0x57: {  	_ =	shalt  }
0x58: {  	_ =	shalt  }
0x59: {  	_ =	shalt  }
0x5a: {  	_ =	shalt  }
0x5b: {  	_ =	shalt  }
0x5c: {  	_ =	shalt  }
0x5d: {  	_ =	shalt  }
0x5e: {  	_ =	shalt  }
0x5f: {  	_ =	shalt  }
0x60: {  	_ =	shalt  }
0x61: {  	_ =	shalt  }
0x62: {  	_ =	shalt  }
0x63: {  	_ =	shalt  }
0x64: {  	_ =	shalt  }
0x65: {  	_ =	shalt  }
0x66: {  	_ =	shalt  }
0x67: {  	_ =	shalt  }
0x68: {  	_ =	shalt  }
0x69: {  	_ =	shalt  }
0x6a: {  	_ =	shalt  }
0x6b: {  	_ =	shalt  }
0x6c: {  	_ =	shalt  }
0x6d: {  	_ =	shalt  }
0x6e: {  	_ =	shalt  }
0x6f: {  	_ =	shalt  }
0x70: {  	_ =	shalt  }
0x71: {  	_ =	shalt  }
0x72: {  	_ =	shalt  }
0x73: {  	_ =	shalt  }
0x74: {  	_ =	shalt  }
0x75: {  	_ =	shalt  }
0x76: {  	_ =	shalt  }
0x77: {  	_ =	shalt  }
0x78: {  	_ =	shalt  }
0x79: {  	_ =	shalt  }
0x7a: {  	_ =	shalt  }
0x7b: {  	_ =	shalt  }
0x7c: {  	_ =	shalt  }
0x7d: {  	_ =	shalt  }
0x7e: {  	_ =	shalt  }
0x7f: {  	_ =	shalt  }
0x80: {  	_ =	shalt  }
0x81: {  	_ =	shalt  }
0x82: {  	_ =	shalt  }
0x83: {  	_ =	shalt  }
0x84: {  	_ =	shalt  }
0x85: {  	_ =	shalt  }
0x86: {  	_ =	shalt  }
0x87: {  	_ =	shalt  }
.Lfunc_end0:
.L_simem_size_0:
called_computation_lowered:
.L_overlay_start_0:
0x88: {  	s2 =	sld [smem:$0x3FD9]  }
0x89: {  	s3 =	sld [smem:$0x3FFE];
	_ =	sdelay $0x1  }
0x8a: {  	s1 =	srdreg.scid  }
0x8b: {  	s0 =	sand.u32 $0x1, s1  }
0x8c: {  	s17 =	sshll.u32 s0, $0xA;
	s2 =	sadd.s32 s3, s2  }
0x8d: {  	s2 =	sadd.s32 s2, s17  }
0x8e: {  	[smem:$0x3FC3] =	sst s2  }
0x8f: {  	_ = 	snop  }
0x90: {  	s2 =	sld [smem:$0x3FC8]  }
0x91: {  	s18 =	sld [smem:$0x3FC7]  }
0x92: {  	s4 =	sld [smem:$0x3FC6]  }
0x93: {  	s5 =	sld [smem:$0x3FC5]  }
0x94: {  	s6 =	sld [smem:$0x3FD0];
	(tm) =	ssettm $0x1  }
0x95: {  	s7 =	sld [smem:$0x3FFB];
	_ =	sdelay $0x3  }
0x96: {  	_ =	strace s7  }
0x97: {  	s7 =	sld [smem:$0x3FFC];
	_ =	sdelay $0x3  }
0x98: {  	_ =	strace s7  }
0x99: {  	s7 =	sld [smem:$0x3FFD];
	_ =	sdelay $0x3  }
0x9a: {  	_ =	strace s7  }
0x9b: {  	_ =	strace $0x8FFFFFFF  }
0x9c: {  	s19 =	sld [smem:$0x3FDB];
	_ =	sdelay $0x1  }
0x9d: {  	s8 =	simm.s32 $_scs_section_size  }
0x9e: {  	s9 =	simm.s32 $_size__tile_overlayer_lowered;
	s10 =	simm.s32 $_tile_overlayer_lowered  }
0x9f: {  	s22 =	simm.s32 $0x1BFF;
	s21 =	sshll.u32 s10, $0x1;
	s7 =	sadd.s32 s8, s19  }
0xa0: {  	s11 =	simm.s32 $0x0;
	s20 =	sshll.u32 s9, $0x1;
	s9 =	sadd.s32 s21, s7  }
0xa1: {  	[timem:s11], [sflag:s22] =	dma.local [hbm:s9], s20  }
0xa2: {  	_ =	swait.ge [sflag:s22], s20  }
0xa3: {  	s8 =	ssub.s32 $0x0, s20;
	[sflag:s22] =	ssyncset.done $0x0  }
0xa4: {  	[sflag:s22] =	ssyncadd.s32 s8;
	_ =	sdelay $0x1  }
0xa5: {  	s23 =	simm.s32 $0x1B8B  }
0xa6: {  	_ =	swait.ge [sflag:s23], $0x1  }
0xa7: {  	[sflag:s23] =	ssyncset.done $0x0  }
0xa8: {  	s25 =	simm.s32 $0x1B8E;
	s24 =	sld [smem:$0x3FFE];
	[sflag:s23] =	ssyncadd.s32 $0xFFFFFFFF  }
0xa9: {  	s26 =	simm.s32 $execute0_lowered;
	[smem:$0x3FD2] =	sst s25  }
0xaa: {  	s9 =	sshll.u32 s26, $0x1;
	_ =	strace $0x80000046;
	[dreg:$0x1] =	wrdreg $0xFFFFFFFF  }
0xab: {  	s28 =	simm.s32 $_size_execute0_lowered;
	s7 =	sadd.s32 s7, s9;
	[dreg:$0x0] =	wrdreg $0x0  }
0xac: {  	s9 =	sshll.u32 s28, $0x1;
	[dreg:$0x2] =	wrdreg s7  }
0xad: {  	[dreg:$0x3] =	wrdreg s9  }
0xae: {  	[dreg:$0x4] =	wrdreg $0xC0  }
0xaf: {  	_ =	task [dreg:s11], $0x5FFFF  }
0xb0: {  	[dreg:$0x1] =	wrdreg $0xFFFFFFFF  }
0xb1: {  	[dreg:$0x0] =	wrdreg $0x60  }
0xb2: {  	[dreg:$0x2] =	wrdreg s24  }
0xb3: {  	[dreg:$0x3] =	wrdreg s2  }
0xb4: {  	[dreg:$0x4] =	wrdreg s18  }
0xb5: {  	[dreg:$0x5] =	wrdreg s4  }
0xb6: {  	[dreg:$0x6] =	wrdreg s5  }
0xb7: {  	[dreg:$0x7] =	wrdreg s6  }
0xb8: {  	[dreg:$0x8] =	wrdreg $0x9  }
0xb9: {  	_ =	task.clear_ibuf [dreg:s11], $0x9FFFF;
	_ =	strace $0x90000046  }
0xba: {  	s29 =	simm.s32 $0x9;
	_ =	strace $0x80000048  }
0xbb: {  	_ =	swait.ge [sflag:s29], $0x1  }
0xbc: {  	[sflag:s29] =	ssyncadd.s32 $0xFFFFFFFF  }
0xbd: {  	_ =	strace $0x90000048  }
0xbe: {  	_ =	sfence  }
0xbf: {  	s30 =	sld [smem:$0x0];
	_ =	sdelay $0x2  }
0xc0: {  	s31 =	sshll.u32 s1, $0xD;
	s1 =	sshrl.u32 s1, $0x2  }
0xc1: {  	s3 =	sand.u32 $0x4000, s31;
	s1 =	sadd.s32 s1, s30  }
0xc2: {  	s0 =	sor.u32 s3, s0;
	s1 =	sshll.u32 s1, $0x11  }
0xc3: {  	s0 =	sor.u32 s1, s0  }
0xc4: {  	s0 =	sadd.s32 $0x8F2B, s0  }
0xc5: {  	[sflag:s0] =	ssyncadd.remote.s32 $0x1  }
0xc6: {  	_ =	sfence.sel $0xFFFF  }
0xc7: {  	[dreg:$0x0] =	wrdreg $0xFFFFFFFF;
	(pc) =	sbr.abs _section_cstart, $3  }
0xc8: {  	[dreg:$0x1] =	wrdreg $0xFFFFFFFF  }
0xc9: {  	_ =	task.clear_ibuf [dreg:s11], $0x2FFFF;
	_ =	strace $0x9FFFFFFF  }
0xca: {  	(tm) =	ssettm $0x7FFFFFFF  }
0xcb: {  	_ =	shalt  }
tec
execute0_lowered:
.L_overlay_start_1:
0x0: {  	(tag) =	ssettag $0x1  }
0x1: {  	s0 =	rddreg [dreg:$0x0]  }
0x2: {  	s1 =	rddreg [dreg:$0x1]  }
0x3: {  	s2 =	rddreg [dreg:$0x2]  }
0x4: {  	s6 =	rddreg [dreg:$0x5]  }
0x5: {  	s3 =	srdreg.scid;
	s4 =	stileid.u32;
	s7 =	simm.s32 $0x0  }
0x6: {  	s20 =	simm.s32 $0x4;
	s24 =	simm.s32 $0x1;
	s25 =	simm.s32 $0x12800  }
0x7: {  	s28 =	simm.s32 $0x2;
	s29 =	simm.s32 $0x0;
	s3 =	sand.u32 $0x1, s3  }
0x8: {  	s4 =	sshll.u32 s4, $0x8;
	[smem:$0x7FF] =	sst s7;
	s15 =	sadd.s32 $0x100, s1  }
0x9: {  	s16 =	sadd.s32 $0x200, s1;
	s5 =	sshll.u32 s3, $0x7;
	s3 =	ssub.s32 $0x2, s3  }
0xa: {  	_ =	strace $0x80000047;
	s8 =	sor.u32 s5, s4;
	s26 =	sshrl.u32 s3, $0x1  }
0xb: {  	s4 =	sshrl.u32 s8, $0x3;
	s3 =	ssub.s32 s3, s26;
	s17 =	sor.u32 $0x20, s8  }
0xc: {  	s26 =	simm.s32 $0x13000;
	s0 =	sadd.s32 s4, s0;
	s4 =	smul.u32 $0x300, s4  }
0xd: {  	v0 =	vlaneseq.u32;
	s18 =	smax.u32 s3, $0x1;
	s30 =	sadd.s32 $0x400, s0;
	s31 =	sadd.s32 $0x600, s0  }
0xe: {  	vm0 =	vmmov $0xffff;
	v2 =	vshrl.u32 v0, $0x3;
	s11 =	sadd.s32 $0x800, s0;
	[dreg:$0x7] =	wrdreg s30;
	s13 =	sadd.s32 s2, s4  }
0xf: {  	v1 =	vand.u32 $0x7, v0;
	v3 =	vor.u32 $0x8, v0;
	v2 =	vmul.u32 $0x8, v2;
	s12 =	sadd.s32 $0xA00, s0;
	[dreg:$0x8] =	wrdreg s31;
	s14 =	sadd.s32 $0x600, s13  }
.LBB2_1:
0x10: {  	s0 =	rddreg [dreg:$0x3];
	s3 =	simm.s32 $0x12200  }
0x11: {  	[tilespmem:s3], [sflag:$0x4] =	stream.linear.gather [hbm4b:s0+s7], $0x300, $0x38;
	[tilespmem:$0x13800] =	vst v63  }
0x12: {  	_ =	swait.ge [sflag:s20], $0x300  }
0x13: {  	[sflag:s20] =	ssyncset.done $0x0  }
0x14: {  	[sflag:s20] =	ssyncadd.s32 $0xFFFFFD00  }
0x15: {  	s31 =	simm.s32 $0x12500;
	s23 =	rddreg [dreg:$0x4]  }
0x16: {  	[tilespmem:s31], [sflag:$0x4] =	stream.linear.gather [hbm4b:s23+s7], $0x300, $0x38;
	[tilespmem:$0x13800] =	vst v63  }
0x17: {  	_ =	swait.ge [sflag:s20], $0x300  }
0x18: {  	[sflag:s20] =	ssyncset.done $0x0  }
0x19: {  	s4 =	rddreg [dreg:$0x7];
	[sflag:s20] =	ssyncadd.s32 $0xFFFFFD00  }
0x1a: {  	[tilespmem:s7], [sflag:$0x4] =	stream.linear.gather [hbm4b:s4+s7], $0x80, $0x38;
	[tilespmem:$0x13800] =	vst v63  }
0x1b: {  	_ =	swait.ge [sflag:s20], $0x80  }
0x1c: {  	[sflag:s20] =	ssyncset.done $0x0  }
0x1d: {  	s9 =	simm.s32 $0x80;
	s5 =	rddreg [dreg:$0x8];
	[sflag:s20] =	ssyncadd.s32 $0xFFFFFF80  }
0x1e: {  	[tilespmem:s9], [sflag:$0x4] =	stream.linear.gather [hbm4b:s5+s7], $0x80, $0x38;
	[tilespmem:$0x13800] =	vst v63  }
0x1f: {  	_ =	swait.ge [sflag:s20], $0x80  }
0x20: {  	[sflag:s20] =	ssyncset.done $0x0  }
0x21: {  	s10 =	simm.s32 $0x100;
	[sflag:s20] =	ssyncadd.s32 $0xFFFFFF80  }
0x22: {  	[tilespmem:s10], [sflag:$0x4] =	stream.linear.gather [hbm4b:s11+s7], $0x80, $0x38;
	[tilespmem:$0x13800] =	vst v63  }
0x23: {  	_ =	swait.ge [sflag:s20], $0x80  }
0x24: {  	[sflag:s20] =	ssyncset.done $0x0  }
0x25: {  	s19 =	simm.s32 $0x180;
	[sflag:s20] =	ssyncadd.s32 $0xFFFFFF80  }
0x26: {  	[tilespmem:s19], [sflag:$0x4] =	stream.linear.gather [hbm4b:s12+s7], $0x80, $0x38;
	[tilespmem:$0x13800] =	vst v63  }
0x27: {  	_ =	swait.ge [sflag:s20], $0x80  }
0x28: {  	[sflag:s20] =	ssyncset.done $0x0  }
0x29: {  	s21 =	simm.s32 $0xC200;
	[sflag:s20] =	ssyncadd.s32 $0xFFFFFF80  }
0x2a: {  	[tilespmem:s21], [sflag:$0x3] =	stream.linear.gather [hbm4b:s13+s7], $0x3000, $0x38;
	[tilespmem:$0x13800] =	vst v63  }
0x2b: {  	s22 =	simm.s32 $0xF200  }
0x2c: {  	[tilespmem:s22], [sflag:$0x3] =	stream.linear.gather [hbm4b:s14+s7], $0x3000, $0x38;
	[tilespmem:$0x13800] =	vst v63  }
0x2d: {  	v4 =	vld [tilespmem:$0x0];
	_ =	sdelay $0x4  }
0x2e: {  	v5 =	vshrl.u32 v4, $0x3  }
0x2f: {  	v5 =	vmul.u32 $0x30, v5  }
0x30: {  	v4 =	vand.u32 $0x7, v4  }
0x31: {  	v4 =	vor.u32 v4, v5  }
0x32: {  	v5 =	vperm.xlane v4, v1;
	_ =	sdelay $0x1  }
0x33: {  	v5 =	vadd.s32 v2, v5;
	_ =	sdelay $0x3  }
0x34: {  	s23 =	simm.s32 $0x200;
	v4 =	vperm.xlane v4, v3  }
0x35: {  	[tilespmem:s23], [sflag:$0x1] =	stream.indirect_vreg.gather [hbm4b:s1+s7], $0x80, v5, vm0, $0xb8;
	[tilespmem:$0x13800] =	vst v63  }
0x36: {  	s31 =	simm.s32 $0xA00;
	v4 =	vadd.s32 v2, v4  }
0x37: {  	[tilespmem:s31], [sflag:$0x1] =	stream.indirect_vreg.gather [hbm4b:s15+s7], $0x80, v5, vm0, $0xb8;
	[tilespmem:$0x13800] =	vst v63  }
0x38: {  	s3 =	simm.s32 $0x1200  }
0x39: {  	[tilespmem:s3], [sflag:$0x1] =	stream.indirect_vreg.gather [hbm4b:s16+s7], $0x80, v5, vm0, $0xb8;
	[tilespmem:$0x13800] =	vst v63  }
0x3a: {  	s4 =	simm.s32 $0x1A00  }
0x3b: {  	[tilespmem:s4], [sflag:$0x1] =	stream.indirect_vreg.gather [hbm4b:s1+s7], $0x80, v4, vm0, $0xb8;
	[tilespmem:$0x13800] =	vst v63  }
0x3c: {  	s5 =	simm.s32 $0x2200  }
0x3d: {  	[tilespmem:s5], [sflag:$0x1] =	stream.indirect_vreg.gather [hbm4b:s15+s7], $0x80, v4, vm0, $0xb8;
	[tilespmem:$0x13800] =	vst v63  }
0x3e: {  	s9 =	simm.s32 $0x2A00  }
0x3f: {  	[tilespmem:s9], [sflag:$0x1] =	stream.indirect_vreg.gather [hbm4b:s16+s7], $0x80, v4, vm0, $0xb8;
	[tilespmem:$0x13800] =	vst v63  }
0x40: {  	v4 =	vld [tilespmem:$0x80];
	_ =	sdelay $0x4  }
0x41: {  	v5 =	vshrl.u32 v4, $0x3  }
0x42: {  	v5 =	vmul.u32 $0x30, v5  }
0x43: {  	v4 =	vand.u32 $0x7, v4  }
0x44: {  	v4 =	vor.u32 v4, v5  }
0x45: {  	v5 =	vperm.xlane v4, v1;
	_ =	sdelay $0x1  }
0x46: {  	v5 =	vadd.s32 v2, v5;
	_ =	sdelay $0x3  }
0x47: {  	s10 =	simm.s32 $0x3200;
	v4 =	vperm.xlane v4, v3  }
0x48: {  	[tilespmem:s10], [sflag:$0x1] =	stream.indirect_vreg.gather [hbm4b:s1+s7], $0x80, v5, vm0, $0xb8;
	[tilespmem:$0x13800] =	vst v63  }
0x49: {  	s19 =	simm.s32 $0x3A00;
	v4 =	vadd.s32 v2, v4  }
0x4a: {  	[tilespmem:s19], [sflag:$0x1] =	stream.indirect_vreg.gather [hbm4b:s15+s7], $0x80, v5, vm0, $0xb8;
	[tilespmem:$0x13800] =	vst v63  }
0x4b: {  	s21 =	simm.s32 $0x4200  }
0x4c: {  	[tilespmem:s21], [sflag:$0x1] =	stream.indirect_vreg.gather [hbm4b:s16+s7], $0x80, v5, vm0, $0xb8;
	[tilespmem:$0x13800] =	vst v63  }
0x4d: {  	s22 =	simm.s32 $0x4A00  }
0x4e: {  	[tilespmem:s22], [sflag:$0x1] =	stream.indirect_vreg.gather [hbm4b:s1+s7], $0x80, v4, vm0, $0xb8;
	[tilespmem:$0x13800] =	vst v63  }
0x4f: {  	s23 =	simm.s32 $0x5200  }
0x50: {  	[tilespmem:s23], [sflag:$0x1] =	stream.indirect_vreg.gather [hbm4b:s15+s7], $0x80, v4, vm0, $0xb8;
	[tilespmem:$0x13800] =	vst v63  }
0x51: {  	s30 =	simm.s32 $0x0;
	s31 =	simm.s32 $0x5A00  }
0x52: {  	[tilespmem:s31], [sflag:$0x1] =	stream.indirect_vreg.gather [hbm4b:s16+s7], $0x80, v4, vm0, $0xb8;
	[tilespmem:$0x13800] =	vst v63  }
.LBB2_2:
0x53: {  	p0 =	slt.u32 s30, $0x2  }
0x54: {  	s0 =	simm.s32 @!p0 $0x2  }
0x55: {  	p1 =	sgt.u32 @!p0 s30, $0x1D;
	_ =	swait.ge @!p0 [sflag:s0], $0x3000  }
0x56: {  	p1 =	por p0, !p1;
	[sflag:s0] =	ssyncset.done @!p0 $0x0  }
0x57: {  	[sflag:s0] =	ssyncadd.s32 @!p0 $0xFFFFD000;
	s0 =	sadd.s32 @p1 $0x2, s30  }
0x58: {  	s3 =	sand.u32 @p1 $0x3, s0;
	s0 =	sshll.u32 @p1 s0, $0x2  }
0x59: {  	s4 =	sshll.u32 @p1 s3, $0x7;
	s0 =	sand.u32 @p1 $0xF0, s0  }
0x5a: {  	s0 =	sadd.s32 @p1 s0, s4  }
0x5b: {  	v4 =	vld @p1 [tilespmem:s0+$0x0];
	_ =	sdelay $0x4  }
0x5c: {  	v5 =	vshrl.u32 @p1 v4, $0x3  }
0x5d: {  	v5 =	vmul.u32 @p1 $0x30, v5  }
0x5e: {  	v4 =	vand.u32 @p1 $0x7, v4  }
0x5f: {  	v4 =	vor.u32 @p1 v4, v5  }
0x60: {  	v5 =	vperm.xlane @p1 v4, v1;
	_ =	sdelay $0x1  }
0x61: {  	v5 =	vadd.s32 @p1 v2, v5  }
0x62: {  	s0 =	smul.u32 @p1 $0xC000, s3;
	_ =	sdelay $0x1  }
0x63: {  	s0 =	sshrl.u32 @p1 s0, $0x2  }
0x64: {  	s3 =	sor.u32 @p1 $0x200, s0;
	v4 =	vperm.xlane @p1 v4, v3  }
0x65: {  	[tilespmem:s3], [sflag:$0x1] =	stream.indirect_vreg.gather @p1 [hbm4b:s1+s7], $0x80, v5, vm0, $0xb8;
	[tilespmem:$0x13800] =	vst v63  }
0x66: {  	v4 =	vadd.s32 @p1 v2, v4;
	s3 =	sor.u32 @p1 $0xA00, s0  }
0x67: {  	[tilespmem:s3], [sflag:$0x1] =	stream.indirect_vreg.gather @p1 [hbm4b:s15+s7], $0x80, v5, vm0, $0xb8;
	[tilespmem:$0x13800] =	vst v63  }
0x68: {  	s3 =	sadd.s32 @p1 $0x1200, s0  }
0x69: {  	[tilespmem:s3], [sflag:$0x1] =	stream.indirect_vreg.gather @p1 [hbm4b:s16+s7], $0x80, v5, vm0, $0xb8;
	[tilespmem:$0x13800] =	vst v63  }
0x6a: {  	s3 =	sadd.s32 @p1 $0x1A00, s0  }
0x6b: {  	[tilespmem:s3], [sflag:$0x1] =	stream.indirect_vreg.gather @p1 [hbm4b:s1+s7], $0x80, v4, vm0, $0xb8;
	[tilespmem:$0x13800] =	vst v63  }
0x6c: {  	s4 =	sand.u32 $0x3, s30;
	s3 =	sadd.s32 @p1 $0x2200, s0  }
0x6d: {  	[tilespmem:s3], [sflag:$0x1] =	stream.indirect_vreg.gather @p1 [hbm4b:s15+s7], $0x80, v4, vm0, $0xb8;
	[tilespmem:$0x13800] =	vst v63  }
0x6e: {  	p0 =	sne.s32 s4, $0x0;
	s0 =	sadd.s32 @p1 $0x2A00, s0  }
0x6f: {  	[tilespmem:s0], [sflag:$0x1] =	stream.indirect_vreg.gather @p1 [hbm4b:s16+s7], $0x80, v4, vm0, $0xb8;
	[tilespmem:$0x13800] =	vst v63  }
0x70: {  	s0 =	simm.s32 @!p0 $0x3  }
0x71: {  	s31 =	simm.s32 $0xF200;
	s19 =	simm.s32 $0x12800;
	_ =	swait.ge @!p0 [sflag:s0], $0x3000  }
0x72: {  	s23 =	smul.u32 $0xC000, s4;
	s3 =	sshrl.u32 s30, $0x2;
	[sflag:s0] =	ssyncset.done @!p0 $0x0  }
0x73: {  	s21 =	simm.s32 $0x0;
	s5 =	sand.u32 $0x1, s3;
	[sflag:s0] =	ssyncadd.s32 @!p0 $0xFFFFD000  }
0x74: {  	s0 =	sshrl.u32 s23, $0x2;
	p0 =	seq.s32 s5, $0x1;
	_ =	swait.ge [sflag:s24], $0x3000  }
0x75: {  	s0 =	sor.u32 $0x200, s0;
	s31 =	simm.s32 @!p0 $0xC200;
	[sflag:s24] =	ssyncset.done $0x0  }
0x76: {  	s22 =	simm.s32 $0x0;
	s5 =	simm.s32 $0x13000;
	v4 =	vmov s0;
	v5 =	vmov s31;
	[sflag:s24] =	ssyncadd.s32 $0xFFFFD000  }
.LBB2_3:
0x77: {  	s9 =	sshrl.u32 s22, $0x3  }
0x78: {  	s9 =	smul.u32 $0x1800, s9  }
0x79: {  	s23 =	sand.u32 $0x380, s21  }
0x7a: {  	s23 =	sor.u32 s23, s9  }
0x7b: {  	v6 =	vld.idx.msk [tilespmem:v4+s23+$0x0 ss:$0x1], $0xffff  }
0x7c: {  	v7 =	vld.idx.msk [tilespmem:v5+s23+$0x0 ss:$0x1], $0xffff;
	_ =	sdelay $0x4  }
0x7d: {  	v6 =	vadd.f32 v7, v6;
	_ =	sdelay $0x1  }
0x7e: {  	s9 =	sor.u32 $0x10, s23;
	[tilespmem:v4+s23+$0x0 ss:$0x1] =	vst.idx.msk $0xffff, v6  }
0x7f: {  	v7 =	vld.idx.msk [tilespmem:v4+s9+$0x0 ss:$0x1], $0xffff  }
0x80: {  	v8 =	vld.idx.msk [tilespmem:v5+s9+$0x0 ss:$0x1], $0xffff;
	_ =	sdelay $0x4  }
0x81: {  	v7 =	vadd.f32 v8, v7;
	_ =	sdelay $0x1  }
0x82: {  	s10 =	sor.u32 $0x20, s23;
	[tilespmem:v4+s9+$0x0 ss:$0x1] =	vst.idx.msk $0xffff, v7  }
0x83: {  	v19 =	vld.idx.msk [tilespmem:v4+s10+$0x0 ss:$0x1], $0xffff  }
0x84: {  	v9 =	vld.idx.msk [tilespmem:v5+s10+$0x0 ss:$0x1], $0xffff;
	_ =	sdelay $0x4  }
0x85: {  	v8 =	vadd.f32 v9, v19;
	_ =	sdelay $0x1  }
0x86: {  	[tilespmem:v4+s10+$0x0 ss:$0x1] =	vst.idx.msk $0xffff, v8;
	s10 =	sor.u32 $0x30, s23  }
0x87: {  	v20 =	vld.idx.msk [tilespmem:v4+s10+$0x0 ss:$0x1], $0xffff  }
0x88: {  	v10 =	vld.idx.msk [tilespmem:v5+s10+$0x0 ss:$0x1], $0xffff;
	_ =	sdelay $0x4  }
0x89: {  	v9 =	vadd.f32 v10, v20;
	_ =	sdelay $0x1  }
0x8a: {  	[tilespmem:v4+s10+$0x0 ss:$0x1] =	vst.idx.msk $0xffff, v9;
	s10 =	sor.u32 $0x40, s23  }
0x8b: {  	v21 =	vld.idx.msk [tilespmem:v4+s10+$0x0 ss:$0x1], $0xffff  }
0x8c: {  	v11 =	vld.idx.msk [tilespmem:v5+s10+$0x0 ss:$0x1], $0xffff;
	_ =	sdelay $0x4  }
0x8d: {  	v10 =	vadd.f32 v11, v21;
	_ =	sdelay $0x1  }
0x8e: {  	[tilespmem:v4+s10+$0x0 ss:$0x1] =	vst.idx.msk $0xffff, v10;
	s10 =	sor.u32 $0x50, s23  }
0x8f: {  	v22 =	vld.idx.msk [tilespmem:v4+s10+$0x0 ss:$0x1], $0xffff  }
0x90: {  	v12 =	vld.idx.msk [tilespmem:v5+s10+$0x0 ss:$0x1], $0xffff;
	_ =	sdelay $0x4  }
0x91: {  	v11 =	vadd.f32 v12, v22;
	_ =	sdelay $0x1  }
0x92: {  	[tilespmem:v4+s10+$0x0 ss:$0x1] =	vst.idx.msk $0xffff, v11;
	s10 =	sor.u32 $0x60, s23  }
0x93: {  	v23 =	vld.idx.msk [tilespmem:v4+s10+$0x0 ss:$0x1], $0xffff  }
0x94: {  	v13 =	vld.idx.msk [tilespmem:v5+s10+$0x0 ss:$0x1], $0xffff;
	_ =	sdelay $0x4  }
0x95: {  	v13 =	vadd.f32 v13, v23;
	_ =	sdelay $0x1  }
0x96: {  	s9 =	sor.u32 $0x70, s23;
	[tilespmem:v4+s10+$0x0 ss:$0x1] =	vst.idx.msk $0xffff, v13  }
0x97: {  	v24 =	vld.idx.msk [tilespmem:v4+s9+$0x0 ss:$0x1], $0xffff  }
0x98: {  	v14 =	vld.idx.msk [tilespmem:v5+s9+$0x0 ss:$0x1], $0xffff;
	_ =	sdelay $0x4  }
0x99: {  	v12 =	vadd.f32 v14, v24  }
0x9a: {  	s10 =	sor.u32 $0x400, s23  }
0x9b: {  	v25 =	vld.idx.msk [tilespmem:v4+s10+$0x0 ss:$0x1], $0xffff;
	[tilespmem:v4+s9+$0x0 ss:$0x1] =	vst.idx.msk $0xffff, v12  }
0x9c: {  	v15 =	vld.idx.msk [tilespmem:v5+s10+$0x0 ss:$0x1], $0xffff;
	_ =	sdelay $0x4  }
0x9d: {  	v14 =	vadd.f32 v15, v25;
	_ =	sdelay $0x1  }
0x9e: {  	[tilespmem:v4+s10+$0x0 ss:$0x1] =	vst.idx.msk $0xffff, v14;
	s10 =	sor.u32 $0x410, s23  }
0x9f: {  	v26 =	vld.idx.msk [tilespmem:v4+s10+$0x0 ss:$0x1], $0xffff  }
0xa0: {  	v16 =	vld.idx.msk [tilespmem:v5+s10+$0x0 ss:$0x1], $0xffff;
	_ =	sdelay $0x4  }
0xa1: {  	v15 =	vadd.f32 v16, v26;
	_ =	sdelay $0x1  }
0xa2: {  	[tilespmem:v4+s10+$0x0 ss:$0x1] =	vst.idx.msk $0xffff, v15;
	s10 =	sor.u32 $0x420, s23  }
0xa3: {  	v27 =	vld.idx.msk [tilespmem:v4+s10+$0x0 ss:$0x1], $0xffff  }
0xa4: {  	v17 =	vld.idx.msk [tilespmem:v5+s10+$0x0 ss:$0x1], $0xffff;
	_ =	sdelay $0x4  }
0xa5: {  	v16 =	vadd.f32 v17, v27;
	_ =	sdelay $0x1  }
0xa6: {  	[tilespmem:v4+s10+$0x0 ss:$0x1] =	vst.idx.msk $0xffff, v16;
	s10 =	sor.u32 $0x430, s23  }
0xa7: {  	v28 =	vld.idx.msk [tilespmem:v4+s10+$0x0 ss:$0x1], $0xffff  }
0xa8: {  	v18 =	vld.idx.msk [tilespmem:v5+s10+$0x0 ss:$0x1], $0xffff;
	_ =	sdelay $0x4  }
0xa9: {  	v17 =	vadd.f32 v18, v28;
	_ =	sdelay $0x1  }
0xaa: {  	[tilespmem:v4+s10+$0x0 ss:$0x1] =	vst.idx.msk $0xffff, v17;
	s10 =	sor.u32 $0x440, s23  }
0xab: {  	v29 =	vld.idx.msk [tilespmem:v4+s10+$0x0 ss:$0x1], $0xffff  }
0xac: {  	v19 =	vld.idx.msk [tilespmem:v5+s10+$0x0 ss:$0x1], $0xffff;
	_ =	sdelay $0x4  }
0xad: {  	v18 =	vadd.f32 v19, v29;
	_ =	sdelay $0x1  }
0xae: {  	[tilespmem:v4+s10+$0x0 ss:$0x1] =	vst.idx.msk $0xffff, v18;
	s10 =	sor.u32 $0x450, s23  }
0xaf: {  	v30 =	vld.idx.msk [tilespmem:v4+s10+$0x0 ss:$0x1], $0xffff  }
0xb0: {  	v20 =	vld.idx.msk [tilespmem:v5+s10+$0x0 ss:$0x1], $0xffff;
	_ =	sdelay $0x4  }
0xb1: {  	v19 =	vadd.f32 v20, v30;
	_ =	sdelay $0x1  }
0xb2: {  	[tilespmem:v4+s10+$0x0 ss:$0x1] =	vst.idx.msk $0xffff, v19;
	s10 =	sor.u32 $0x460, s23  }
0xb3: {  	v31 =	vld.idx.msk [tilespmem:v4+s10+$0x0 ss:$0x1], $0xffff  }
0xb4: {  	v21 =	vld.idx.msk [tilespmem:v5+s10+$0x0 ss:$0x1], $0xffff;
	_ =	sdelay $0x4  }
0xb5: {  	v20 =	vadd.f32 v21, v31;
	_ =	sdelay $0x1  }
0xb6: {  	[tilespmem:v4+s10+$0x0 ss:$0x1] =	vst.idx.msk $0xffff, v20;
	s10 =	sor.u32 $0x470, s23  }
0xb7: {  	v32 =	vld.idx.msk [tilespmem:v4+s10+$0x0 ss:$0x1], $0xffff  }
0xb8: {  	v22 =	vld.idx.msk [tilespmem:v5+s10+$0x0 ss:$0x1], $0xffff;
	_ =	sdelay $0x4  }
0xb9: {  	v22 =	vadd.f32 v22, v32;
	_ =	sdelay $0x1  }
0xba: {  	[tilespmem:v4+s10+$0x0 ss:$0x1] =	vst.idx.msk $0xffff, v22;
	s10 =	sadd.s32 $0x800, s23  }
0xbb: {  	v33 =	vld.idx.msk [tilespmem:v4+s10+$0x0 ss:$0x1], $0xffff  }
0xbc: {  	v23 =	vld.idx.msk [tilespmem:v5+s10+$0x0 ss:$0x1], $0xffff;
	_ =	sdelay $0x4  }
0xbd: {  	v21 =	vadd.f32 v23, v33;
	_ =	sdelay $0x1  }
0xbe: {  	[tilespmem:v4+s10+$0x0 ss:$0x1] =	vst.idx.msk $0xffff, v21;
	s10 =	sadd.s32 $0x810, s23  }
0xbf: {  	v34 =	vld.idx.msk [tilespmem:v4+s10+$0x0 ss:$0x1], $0xffff  }
0xc0: {  	v24 =	vld.idx.msk [tilespmem:v5+s10+$0x0 ss:$0x1], $0xffff;
	_ =	sdelay $0x4  }
0xc1: {  	v23 =	vadd.f32 v24, v34;
	_ =	sdelay $0x1  }
0xc2: {  	[tilespmem:v4+s10+$0x0 ss:$0x1] =	vst.idx.msk $0xffff, v23;
	s10 =	sadd.s32 $0x820, s23  }
0xc3: {  	v35 =	vld.idx.msk [tilespmem:v4+s10+$0x0 ss:$0x1], $0xffff  }
0xc4: {  	v25 =	vld.idx.msk [tilespmem:v5+s10+$0x0 ss:$0x1], $0xffff;
	_ =	sdelay $0x4  }
0xc5: {  	v24 =	vadd.f32 v25, v35;
	_ =	sdelay $0x1  }
0xc6: {  	[tilespmem:v4+s10+$0x0 ss:$0x1] =	vst.idx.msk $0xffff, v24;
	s10 =	sadd.s32 $0x830, s23  }
0xc7: {  	v36 =	vld.idx.msk [tilespmem:v4+s10+$0x0 ss:$0x1], $0xffff  }
0xc8: {  	v26 =	vld.idx.msk [tilespmem:v5+s10+$0x0 ss:$0x1], $0xffff;
	_ =	sdelay $0x4  }
0xc9: {  	v25 =	vadd.f32 v26, v36;
	_ =	sdelay $0x1  }
0xca: {  	[tilespmem:v4+s10+$0x0 ss:$0x1] =	vst.idx.msk $0xffff, v25;
	s10 =	sadd.s32 $0x840, s23  }
0xcb: {  	v37 =	vld.idx.msk [tilespmem:v4+s10+$0x0 ss:$0x1], $0xffff  }
0xcc: {  	v27 =	vld.idx.msk [tilespmem:v5+s10+$0x0 ss:$0x1], $0xffff;
	_ =	sdelay $0x4  }
0xcd: {  	v26 =	vadd.f32 v27, v37;
	_ =	sdelay $0x1  }
0xce: {  	[tilespmem:v4+s10+$0x0 ss:$0x1] =	vst.idx.msk $0xffff, v26;
	s10 =	sadd.s32 $0x850, s23  }
0xcf: {  	v38 =	vld.idx.msk [tilespmem:v4+s10+$0x0 ss:$0x1], $0xffff  }
0xd0: {  	v28 =	vld.idx.msk [tilespmem:v5+s10+$0x0 ss:$0x1], $0xffff;
	_ =	sdelay $0x4  }
0xd1: {  	v27 =	vadd.f32 v28, v38;
	_ =	sdelay $0x1  }
0xd2: {  	[tilespmem:v4+s10+$0x0 ss:$0x1] =	vst.idx.msk $0xffff, v27;
	s10 =	sadd.s32 $0x860, s23  }
0xd3: {  	v39 =	vld.idx.msk [tilespmem:v4+s10+$0x0 ss:$0x1], $0xffff  }
0xd4: {  	v29 =	vld.idx.msk [tilespmem:v5+s10+$0x0 ss:$0x1], $0xffff;
	_ =	sdelay $0x4  }
0xd5: {  	v28 =	vadd.f32 v29, v39;
	_ =	sdelay $0x1  }
0xd6: {  	[tilespmem:v4+s10+$0x0 ss:$0x1] =	vst.idx.msk $0xffff, v28;
	s10 =	sadd.s32 $0x870, s23  }
0xd7: {  	v40 =	vld.idx.msk [tilespmem:v4+s10+$0x0 ss:$0x1], $0xffff  }
0xd8: {  	v30 =	vld.idx.msk [tilespmem:v5+s10+$0x0 ss:$0x1], $0xffff;
	_ =	sdelay $0x4  }
0xd9: {  	v29 =	vadd.f32 v30, v40;
	_ =	sdelay $0x1  }
0xda: {  	[tilespmem:v4+s10+$0x0 ss:$0x1] =	vst.idx.msk $0xffff, v29;
	s10 =	sadd.s32 $0xC00, s23  }
0xdb: {  	v41 =	vld.idx.msk [tilespmem:v4+s10+$0x0 ss:$0x1], $0xffff  }
0xdc: {  	v31 =	vld.idx.msk [tilespmem:v5+s10+$0x0 ss:$0x1], $0xffff;
	_ =	sdelay $0x4  }
0xdd: {  	v31 =	vadd.f32 v31, v41;
	_ =	sdelay $0x1  }
0xde: {  	[tilespmem:v4+s10+$0x0 ss:$0x1] =	vst.idx.msk $0xffff, v31;
	s10 =	sadd.s32 $0xC10, s23  }
0xdf: {  	v42 =	vld.idx.msk [tilespmem:v4+s10+$0x0 ss:$0x1], $0xffff  }
0xe0: {  	v32 =	vld.idx.msk [tilespmem:v5+s10+$0x0 ss:$0x1], $0xffff;
	_ =	sdelay $0x4  }
0xe1: {  	v30 =	vadd.f32 v32, v42;
	_ =	sdelay $0x1  }
0xe2: {  	[tilespmem:v4+s10+$0x0 ss:$0x1] =	vst.idx.msk $0xffff, v30;
	s10 =	sadd.s32 $0xC20, s23  }
0xe3: {  	v43 =	vld.idx.msk [tilespmem:v4+s10+$0x0 ss:$0x1], $0xffff  }
0xe4: {  	v33 =	vld.idx.msk [tilespmem:v5+s10+$0x0 ss:$0x1], $0xffff;
	_ =	sdelay $0x4  }
0xe5: {  	v32 =	vadd.f32 v33, v43;
	_ =	sdelay $0x1  }
0xe6: {  	[tilespmem:v4+s10+$0x0 ss:$0x1] =	vst.idx.msk $0xffff, v32;
	s10 =	sadd.s32 $0xC30, s23  }
0xe7: {  	v44 =	vld.idx.msk [tilespmem:v4+s10+$0x0 ss:$0x1], $0xffff  }
0xe8: {  	v34 =	vld.idx.msk [tilespmem:v5+s10+$0x0 ss:$0x1], $0xffff;
	_ =	sdelay $0x4  }
0xe9: {  	v33 =	vadd.f32 v34, v44;
	_ =	sdelay $0x1  }
0xea: {  	[tilespmem:v4+s10+$0x0 ss:$0x1] =	vst.idx.msk $0xffff, v33;
	s10 =	sadd.s32 $0xC40, s23  }
0xeb: {  	v45 =	vld.idx.msk [tilespmem:v4+s10+$0x0 ss:$0x1], $0xffff  }
0xec: {  	v35 =	vld.idx.msk [tilespmem:v5+s10+$0x0 ss:$0x1], $0xffff;
	_ =	sdelay $0x4  }
0xed: {  	v34 =	vadd.f32 v35, v45;
	_ =	sdelay $0x1  }
0xee: {  	[tilespmem:v4+s10+$0x0 ss:$0x1] =	vst.idx.msk $0xffff, v34;
	s10 =	sadd.s32 $0xC50, s23  }
0xef: {  	v46 =	vld.idx.msk [tilespmem:v4+s10+$0x0 ss:$0x1], $0xffff  }
0xf0: {  	v36 =	vld.idx.msk [tilespmem:v5+s10+$0x0 ss:$0x1], $0xffff;
	_ =	sdelay $0x4  }
0xf1: {  	v35 =	vadd.f32 v36, v46;
	_ =	sdelay $0x1  }
0xf2: {  	[tilespmem:v4+s10+$0x0 ss:$0x1] =	vst.idx.msk $0xffff, v35;
	s10 =	sadd.s32 $0xC60, s23  }
0xf3: {  	v47 =	vld.idx.msk [tilespmem:v4+s10+$0x0 ss:$0x1], $0xffff  }
0xf4: {  	v37 =	vld.idx.msk [tilespmem:v5+s10+$0x0 ss:$0x1], $0xffff;
	_ =	sdelay $0x4  }
0xf5: {  	v36 =	vadd.f32 v37, v47;
	_ =	sdelay $0x1  }
0xf6: {  	[tilespmem:v4+s10+$0x0 ss:$0x1] =	vst.idx.msk $0xffff, v36;
	s10 =	sadd.s32 $0xC70, s23  }
0xf7: {  	v48 =	vld.idx.msk [tilespmem:v4+s10+$0x0 ss:$0x1], $0xffff  }
0xf8: {  	v38 =	vld.idx.msk [tilespmem:v5+s10+$0x0 ss:$0x1], $0xffff;
	_ =	sdelay $0x4  }
0xf9: {  	v37 =	vadd.f32 v38, v48;
	_ =	sdelay $0x1  }
0xfa: {  	[tilespmem:v4+s10+$0x0 ss:$0x1] =	vst.idx.msk $0xffff, v37;
	s10 =	sadd.s32 $0x1000, s23  }
0xfb: {  	v49 =	vld.idx.msk [tilespmem:v4+s10+$0x0 ss:$0x1], $0xffff  }
0xfc: {  	v39 =	vld.idx.msk [tilespmem:v5+s10+$0x0 ss:$0x1], $0xffff;
	_ =	sdelay $0x4  }
0xfd: {  	v38 =	vadd.f32 v39, v49;
	_ =	sdelay $0x1  }
0xfe: {  	[tilespmem:v4+s10+$0x0 ss:$0x1] =	vst.idx.msk $0xffff, v38;
	s10 =	sadd.s32 $0x1010, s23  }
0xff: {  	v50 =	vld.idx.msk [tilespmem:v4+s10+$0x0 ss:$0x1], $0xffff  }
0x100: {  	v40 =	vld.idx.msk [tilespmem:v5+s10+$0x0 ss:$0x1], $0xffff;
	_ =	sdelay $0x4  }
0x101: {  	v40 =	vadd.f32 v40, v50;
	_ =	sdelay $0x1  }
0x102: {  	[tilespmem:v4+s10+$0x0 ss:$0x1] =	vst.idx.msk $0xffff, v40;
	s10 =	sadd.s32 $0x1020, s23  }
0x103: {  	v51 =	vld.idx.msk [tilespmem:v4+s10+$0x0 ss:$0x1], $0xffff  }
0x104: {  	v41 =	vld.idx.msk [tilespmem:v5+s10+$0x0 ss:$0x1], $0xffff;
	_ =	sdelay $0x4  }
0x105: {  	v39 =	vadd.f32 v41, v51;
	_ =	sdelay $0x1  }
0x106: {  	[tilespmem:v4+s10+$0x0 ss:$0x1] =	vst.idx.msk $0xffff, v39;
	s10 =	sadd.s32 $0x1030, s23  }
0x107: {  	v52 =	vld.idx.msk [tilespmem:v4+s10+$0x0 ss:$0x1], $0xffff  }
0x108: {  	v42 =	vld.idx.msk [tilespmem:v5+s10+$0x0 ss:$0x1], $0xffff;
	_ =	sdelay $0x4  }
0x109: {  	v41 =	vadd.f32 v42, v52;
	_ =	sdelay $0x1  }
0x10a: {  	[tilespmem:v4+s10+$0x0 ss:$0x1] =	vst.idx.msk $0xffff, v41;
	s10 =	sadd.s32 $0x1040, s23  }
0x10b: {  	v53 =	vld.idx.msk [tilespmem:v4+s10+$0x0 ss:$0x1], $0xffff  }
0x10c: {  	v43 =	vld.idx.msk [tilespmem:v5+s10+$0x0 ss:$0x1], $0xffff;
	_ =	sdelay $0x4  }
0x10d: {  	v42 =	vadd.f32 v43, v53;
	_ =	sdelay $0x1  }
0x10e: {  	[tilespmem:v4+s10+$0x0 ss:$0x1] =	vst.idx.msk $0xffff, v42;
	s10 =	sadd.s32 $0x1050, s23  }
0x10f: {  	v54 =	vld.idx.msk [tilespmem:v4+s10+$0x0 ss:$0x1], $0xffff  }
0x110: {  	v44 =	vld.idx.msk [tilespmem:v5+s10+$0x0 ss:$0x1], $0xffff;
	_ =	sdelay $0x3  }
0x111: {  	v45 =	vadd.f32 $0.0e+00, v6  }
0x112: {  	v55 =	vmul.f32 v7, v7;
	v46 =	vmul.f32 v6, v6;
	v6 =	vadd.f32 v44, v54  }
0x113: {  	v7 =	vadd.f32 v7, v45  }
0x114: {  	v56 =	vmul.f32 v8, v8;
	v43 =	vadd.f32 v55, v46;
	[tilespmem:v4+s10+$0x0 ss:$0x1] =	vst.idx.msk $0xffff, v6;
	s10 =	sadd.s32 $0x1060, s23  }
0x115: {  	v7 =	vadd.f32 v8, v7;
	v57 =	vld.idx.msk [tilespmem:v4+s10+$0x0 ss:$0x1], $0xffff  }
0x116: {  	v58 =	vmul.f32 v9, v9;
	v43 =	vadd.f32 v56, v43;
	v59 =	vld.idx.msk [tilespmem:v5+s10+$0x0 ss:$0x1], $0xffff  }
0x117: {  	v7 =	vadd.f32 v9, v7  }
0x118: {  	v61 =	vmul.f32 v10, v10;
	v60 =	vadd.f32 v58, v43  }
0x119: {  	v7 =	vadd.f32 v10, v7  }
0x11a: {  	v62 =	vmul.f32 v11, v11;
	v9 =	vadd.f32 v61, v60  }
0x11b: {  	v11 =	vadd.f32 v11, v7;
	v7 =	vadd.f32 v59, v57  }
0x11c: {  	v43 =	vmul.f32 v13, v13;
	v63 =	vadd.f32 v62, v9  }
0x11d: {  	v44 =	vadd.f32 v13, v11;
	[tilespmem:v4+s10+$0x0 ss:$0x1] =	vst.idx.msk $0xffff, v7;
	s10 =	sadd.s32 $0x1070, s23  }
0x11e: {  	v45 =	vmul.f32 v12, v12;
	v8 =	vadd.f32 v43, v63;
	v46 =	vld.idx.msk [tilespmem:v4+s10+$0x0 ss:$0x1], $0xffff  }
0x11f: {  	v10 =	vadd.f32 v12, v44;
	v47 =	vld.idx.msk [tilespmem:v5+s10+$0x0 ss:$0x1], $0xffff  }
0x120: {  	v48 =	vmul.f32 v14, v14;
	v8 =	vadd.f32 v45, v8  }
0x121: {  	v10 =	vadd.f32 v14, v10  }
0x122: {  	v49 =	vmul.f32 v15, v15;
	v8 =	vadd.f32 v48, v8  }
0x123: {  	v10 =	vadd.f32 v15, v10  }
0x124: {  	v50 =	vmul.f32 v16, v16;
	v8 =	vadd.f32 v49, v8;
	v9 =	vadd.f32 v47, v46  }
0x125: {  	v10 =	vadd.f32 v16, v10  }
0x126: {  	v51 =	vmul.f32 v17, v17;
	v8 =	vadd.f32 v50, v8;
	[tilespmem:v4+s10+$0x0 ss:$0x1] =	vst.idx.msk $0xffff, v9;
	s10 =	sadd.s32 $0x1400, s23  }
0x127: {  	v10 =	vadd.f32 v17, v10;
	v52 =	vld.idx.msk [tilespmem:v4+s10+$0x0 ss:$0x1], $0xffff  }
0x128: {  	v53 =	vmul.f32 v18, v18;
	v8 =	vadd.f32 v51, v8;
	v54 =	vld.idx.msk [tilespmem:v5+s10+$0x0 ss:$0x1], $0xffff  }
0x129: {  	v10 =	vadd.f32 v18, v10  }
0x12a: {  	v55 =	vmul.f32 v19, v19;
	v8 =	vadd.f32 v53, v8  }
0x12b: {  	v10 =	vadd.f32 v19, v10  }
0x12c: {  	v56 =	vmul.f32 v20, v20;
	v8 =	vadd.f32 v55, v8  }
0x12d: {  	v10 =	vadd.f32 v20, v10;
	v12 =	vadd.f32 v54, v52  }
0x12e: {  	v57 =	vmul.f32 v22, v22;
	v8 =	vadd.f32 v56, v8  }
0x12f: {  	v10 =	vadd.f32 v22, v10;
	[tilespmem:v4+s10+$0x0 ss:$0x1] =	vst.idx.msk $0xffff, v12;
	s10 =	sadd.s32 $0x1410, s23  }
0x130: {  	v58 =	vmul.f32 v21, v21;
	v8 =	vadd.f32 v57, v8;
	v59 =	vld.idx.msk [tilespmem:v4+s10+$0x0 ss:$0x1], $0xffff  }
0x131: {  	v10 =	vadd.f32 v21, v10;
	v60 =	vld.idx.msk [tilespmem:v5+s10+$0x0 ss:$0x1], $0xffff  }
0x132: {  	v61 =	vmul.f32 v23, v23;
	v8 =	vadd.f32 v58, v8  }
0x133: {  	v10 =	vadd.f32 v23, v10  }
0x134: {  	v62 =	vmul.f32 v24, v24;
	v8 =	vadd.f32 v61, v8  }
0x135: {  	v10 =	vadd.f32 v24, v10  }
0x136: {  	v17 =	vmul.f32 v25, v25;
	v8 =	vadd.f32 v62, v8;
	v63 =	vadd.f32 v60, v59  }
0x137: {  	v10 =	vadd.f32 v25, v10  }
0x138: {  	v18 =	vmul.f32 v26, v26;
	v8 =	vadd.f32 v17, v8;
	[tilespmem:v4+s10+$0x0 ss:$0x1] =	vst.idx.msk $0xffff, v63;
	s10 =	sadd.s32 $0x1420, s23  }
0x139: {  	v10 =	vadd.f32 v26, v10;
	v19 =	vld.idx.msk [tilespmem:v4+s10+$0x0 ss:$0x1], $0xffff  }
0x13a: {  	v20 =	vmul.f32 v27, v27;
	v8 =	vadd.f32 v18, v8;
	v21 =	vld.idx.msk [tilespmem:v5+s10+$0x0 ss:$0x1], $0xffff  }
0x13b: {  	v10 =	vadd.f32 v27, v10  }
0x13c: {  	v22 =	vmul.f32 v28, v28;
	v8 =	vadd.f32 v20, v8  }
0x13d: {  	v10 =	vadd.f32 v28, v10  }
0x13e: {  	v23 =	vmul.f32 v29, v29;
	v8 =	vadd.f32 v22, v8  }
0x13f: {  	v10 =	vadd.f32 v29, v10;
	v14 =	vadd.f32 v21, v19  }
0x140: {  	v24 =	vmul.f32 v31, v31;
	v8 =	vadd.f32 v23, v8  }
0x141: {  	v10 =	vadd.f32 v31, v10;
	[tilespmem:v4+s10+$0x0 ss:$0x1] =	vst.idx.msk $0xffff, v14;
	s10 =	sadd.s32 $0x1430, s23  }
0x142: {  	v25 =	vmul.f32 v30, v30;
	v8 =	vadd.f32 v24, v8;
	v26 =	vld.idx.msk [tilespmem:v4+s10+$0x0 ss:$0x1], $0xffff  }
0x143: {  	v10 =	vadd.f32 v30, v10;
	v27 =	vld.idx.msk [tilespmem:v5+s10+$0x0 ss:$0x1], $0xffff  }
0x144: {  	v28 =	vmul.f32 v32, v32;
	v8 =	vadd.f32 v25, v8  }
0x145: {  	v10 =	vadd.f32 v32, v10  }
0x146: {  	v29 =	vmul.f32 v33, v33;
	v8 =	vadd.f32 v28, v8  }
0x147: {  	v10 =	vadd.f32 v33, v10  }
0x148: {  	v31 =	vmul.f32 v34, v34;
	v8 =	vadd.f32 v29, v8;
	v30 =	vadd.f32 v27, v26  }
0x149: {  	v10 =	vadd.f32 v34, v10  }
0x14a: {  	v32 =	vmul.f32 v35, v35;
	v8 =	vadd.f32 v31, v8;
	[tilespmem:v4+s10+$0x0 ss:$0x1] =	vst.idx.msk $0xffff, v30;
	s10 =	sadd.s32 $0x1440, s23  }
0x14b: {  	v10 =	vadd.f32 v35, v10;
	v33 =	vld.idx.msk [tilespmem:v4+s10+$0x0 ss:$0x1], $0xffff  }
0x14c: {  	v34 =	vmul.f32 v36, v36;
	v8 =	vadd.f32 v32, v8;
	v35 =	vld.idx.msk [tilespmem:v5+s10+$0x0 ss:$0x1], $0xffff  }
0x14d: {  	v10 =	vadd.f32 v36, v10  }
0x14e: {  	v36 =	vmul.f32 v37, v37;
	v8 =	vadd.f32 v34, v8  }
0x14f: {  	v10 =	vadd.f32 v37, v10  }
0x150: {  	v37 =	vmul.f32 v38, v38;
	v8 =	vadd.f32 v36, v8  }
0x151: {  	v10 =	vadd.f32 v38, v10;
	v16 =	vadd.f32 v35, v33  }
0x152: {  	v38 =	vmul.f32 v40, v40;
	v8 =	vadd.f32 v37, v8  }
0x153: {  	v10 =	vadd.f32 v40, v10;
	[tilespmem:v4+s10+$0x0 ss:$0x1] =	vst.idx.msk $0xffff, v16;
	s10 =	sadd.s32 $0x1450, s23  }
0x154: {  	v43 =	vmul.f32 v39, v39;
	v8 =	vadd.f32 v38, v8;
	v44 =	vld.idx.msk [tilespmem:v4+s10+$0x0 ss:$0x1], $0xffff  }
0x155: {  	v10 =	vadd.f32 v39, v10;
	v45 =	vld.idx.msk [tilespmem:v5+s10+$0x0 ss:$0x1], $0xffff  }
0x156: {  	v46 =	vmul.f32 v41, v41;
	v8 =	vadd.f32 v43, v8  }
0x157: {  	v10 =	vadd.f32 v41, v10  }
0x158: {  	v47 =	vmul.f32 v42, v42;
	v8 =	vadd.f32 v46, v8  }
0x159: {  	v10 =	vadd.f32 v42, v10  }
0x15a: {  	v49 =	vmul.f32 v6, v6;
	v8 =	vadd.f32 v47, v8;
	v48 =	vadd.f32 v45, v44  }
0x15b: {  	v6 =	vadd.f32 v6, v10  }
0x15c: {  	v50 =	vmul.f32 v7, v7;
	v8 =	vadd.f32 v49, v8;
	[tilespmem:v4+s10+$0x0 ss:$0x1] =	vst.idx.msk $0xffff, v48;
	s10 =	sadd.s32 $0x1460, s23  }
0x15d: {  	v6 =	vadd.f32 v7, v6;
	v7 =	vld.idx.msk [tilespmem:v4+s10+$0x0 ss:$0x1], $0xffff  }
0x15e: {  	v51 =	vmul.f32 v9, v9;
	v8 =	vadd.f32 v50, v8;
	v52 =	vld.idx.msk [tilespmem:v5+s10+$0x0 ss:$0x1], $0xffff  }
0x15f: {  	v6 =	vadd.f32 v9, v6  }
0x160: {  	v53 =	vmul.f32 v12, v12;
	v8 =	vadd.f32 v51, v8  }
0x161: {  	v6 =	vadd.f32 v12, v6  }
0x162: {  	v54 =	vmul.f32 v63, v63;
	v8 =	vadd.f32 v53, v8  }
0x163: {  	v6 =	vadd.f32 v63, v6;
	v7 =	vadd.f32 v52, v7  }
0x164: {  	v55 =	vmul.f32 v14, v14;
	v8 =	vadd.f32 v54, v8  }
0x165: {  	s23 =	sadd.s32 $0x1470, s23;
	v6 =	vadd.f32 v14, v6;
	[tilespmem:v4+s10+$0x0 ss:$0x1] =	vst.idx.msk $0xffff, v7  }
0x166: {  	v56 =	vmul.f32 v30, v30;
	v8 =	vadd.f32 v55, v8;
	v57 =	vld.idx.msk [tilespmem:v4+s23+$0x0 ss:$0x1], $0xffff  }
0x167: {  	v6 =	vadd.f32 v30, v6;
	v58 =	vld.idx.msk [tilespmem:v5+s23+$0x0 ss:$0x1], $0xffff  }
0x168: {  	v59 =	vmul.f32 v16, v16;
	v8 =	vadd.f32 v56, v8  }
0x169: {  	v6 =	vadd.f32 v16, v6  }
0x16a: {  	v60 =	vmul.f32 v48, v48;
	v8 =	vadd.f32 v59, v8  }
0x16b: {  	v6 =	vadd.f32 v48, v6  }
0x16c: {  	v62 =	vmul.f32 v7, v7;
	v8 =	vadd.f32 v60, v8;
	v61 =	vadd.f32 v58, v57  }
0x16d: {  	p0 =	sne.s32 s22, $0xF;
	v6 =	vadd.f32 v7, v6  }
.Ltmp0:
0x16e: {  	v7 =	vadd.f32 v62, v8;
	v63 =	vmul.f32 v61, v61;
	(pc) =	sbr.rel @p0 .LBB2_3-.Ltmp0, $4  }
0x16f: {  	v6 =	vadd.f32 v61, v6  }
0x170: {  	[tilespmem:v4+s23+$0x0 ss:$0x1] =	vst.idx.msk $0xffff, v61;
	v7 =	vadd.f32 v63, v7  }
0x171: {  	s21 =	sadd.s32 $0x80, s21;
	[tilespmem:s19+$0x0] =	vst v6  }
0x172: {  	s22 =	sadd.s32 $0x1, s22;
	s19 =	sadd.s32 $0x80, s19;
	[tilespmem:s5+$0x0] =	vst v7;
	s5 =	sadd.s32 $0x80, s5  }
0x173: {  	v4 =	vmul.u32 $0x80, v0;
	_ =	sdelay $0x2  }
0x174: {  	v5 =	vor.u32 $0x1, v4;
	_ =	sdelay $0x1  }
0x175: {  	v6 =	vor.u32 $0x2, v4  }
0x176: {  	v7 =	vld.idx.msk [tilespmem:v4+s25+$0x0], $0xffff  }
0x177: {  	v9 =	vor.u32 $0x3, v4;
	v8 =	vld.idx.msk [tilespmem:v4+s26+$0x0], $0xffff  }
0x178: {  	v10 =	vld.idx.msk [tilespmem:v5+s25+$0x0], $0xffff  }
0x179: {  	v11 =	vor.u32 $0x4, v4;
	v5 =	vld.idx.msk [tilespmem:v5+s26+$0x0], $0xffff  }
0x17a: {  	v12 =	vld.idx.msk [tilespmem:v6+s25+$0x0], $0xffff  }
0x17b: {  	v13 =	vor.u32 $0x5, v4;
	v6 =	vld.idx.msk [tilespmem:v6+s26+$0x0], $0xffff;
	v7 =	vadd.f32 $0.0e+00, v7  }
0x17c: {  	v14 =	vld.idx.msk [tilespmem:v9+s25+$0x0], $0xffff  }
0x17d: {  	v9 =	vld.idx.msk [tilespmem:v9+s26+$0x0], $0xffff;
	v8 =	vadd.f32 $0.0e+00, v8;
	v7 =	vadd.f32 v10, v7;
	v10 =	vor.u32 $0x6, v4  }
0x17e: {  	v15 =	vld.idx.msk [tilespmem:v11+s25+$0x0], $0xffff  }
0x17f: {  	v5 =	vadd.f32 v5, v8;
	v8 =	vld.idx.msk [tilespmem:v11+s26+$0x0], $0xffff;
	v11 =	vor.u32 $0x7, v4;
	v7 =	vadd.f32 v12, v7  }
0x180: {  	v12 =	vld.idx.msk [tilespmem:v13+s25+$0x0], $0xffff  }
0x181: {  	v5 =	vadd.f32 v6, v5;
	v6 =	vadd.f32 v14, v7;
	v7 =	vld.idx.msk [tilespmem:v13+s26+$0x0], $0xffff;
	v13 =	vor.u32 $0x8, v4  }
0x182: {  	v14 =	vld.idx.msk [tilespmem:v10+s25+$0x0], $0xffff  }
0x183: {  	v5 =	vadd.f32 v9, v5;
	v9 =	vld.idx.msk [tilespmem:v10+s26+$0x0], $0xffff;
	v10 =	vor.u32 $0x9, v4;
	v6 =	vadd.f32 v15, v6  }
0x184: {  	v15 =	vld.idx.msk [tilespmem:v11+s25+$0x0], $0xffff  }
0x185: {  	v5 =	vadd.f32 v8, v5;
	v8 =	vld.idx.msk [tilespmem:v11+s26+$0x0], $0xffff;
	v11 =	vor.u32 $0xA, v4;
	v6 =	vadd.f32 v12, v6  }
0x186: {  	v12 =	vld.idx.msk [tilespmem:v13+s25+$0x0], $0xffff  }
0x187: {  	v5 =	vadd.f32 v7, v5;
	v7 =	vld.idx.msk [tilespmem:v13+s26+$0x0], $0xffff;
	v13 =	vor.u32 $0xB, v4;
	v6 =	vadd.f32 v14, v6  }
0x188: {  	v14 =	vld.idx.msk [tilespmem:v10+s25+$0x0], $0xffff  }
0x189: {  	v5 =	vadd.f32 v9, v5;
	v9 =	vld.idx.msk [tilespmem:v10+s26+$0x0], $0xffff;
	v10 =	vor.u32 $0xC, v4;
	v6 =	vadd.f32 v15, v6  }
0x18a: {  	v15 =	vld.idx.msk [tilespmem:v11+s25+$0x0], $0xffff  }
0x18b: {  	v5 =	vadd.f32 v8, v5;
	v8 =	vld.idx.msk [tilespmem:v11+s26+$0x0], $0xffff;
	v11 =	vor.u32 $0xD, v4;
	v6 =	vadd.f32 v12, v6  }
0x18c: {  	v12 =	vld.idx.msk [tilespmem:v13+s25+$0x0], $0xffff  }
0x18d: {  	v5 =	vadd.f32 v7, v5;
	v7 =	vld.idx.msk [tilespmem:v13+s26+$0x0], $0xffff;
	v13 =	vor.u32 $0xE, v4;
	v6 =	vadd.f32 v14, v6  }
0x18e: {  	v4 =	vor.u32 $0xF, v4;
	v14 =	vld.idx.msk [tilespmem:v10+s25+$0x0], $0xffff  }
0x18f: {  	v5 =	vadd.f32 v9, v5;
	v9 =	vld.idx.msk [tilespmem:v10+s26+$0x0], $0xffff;
	v6 =	vadd.f32 v15, v6  }
0x190: {  	v10 =	vld.idx.msk [tilespmem:v11+s25+$0x0], $0xffff  }
0x191: {  	v5 =	vadd.f32 v8, v5;
	v8 =	vld.idx.msk [tilespmem:v11+s26+$0x0], $0xffff;
	v6 =	vadd.f32 v12, v6  }
0x192: {  	v11 =	vld.idx.msk [tilespmem:v13+s25+$0x0], $0xffff  }
0x193: {  	v12 =	vld.idx.msk [tilespmem:v4+s25+$0x0], $0xffff;
	v5 =	vadd.f32 v7, v5;
	v6 =	vadd.f32 v14, v6  }
0x194: {  	v7 =	vld.idx.msk [tilespmem:v13+s26+$0x0], $0xffff  }
0x195: {  	v5 =	vadd.f32 v9, v5;
	v6 =	vadd.f32 v10, v6  }
0x196: {  	v4 =	vld.idx.msk [tilespmem:v4+s26+$0x0], $0xffff  }
0x197: {  	v5 =	vadd.f32 v8, v5;
	v6 =	vadd.f32 v11, v6;
	_ =	sdelay $0x1  }
0x198: {  	v5 =	vadd.f32 v7, v5;
	v6 =	vadd.f32 v12, v6;
	_ =	sdelay $0x1  }
0x199: {  	v4 =	vadd.f32 v4, v5;
	v5 =	vmul.f32 $1.302083370e-03, v6;
	_ =	sdelay $0x1  }
0x19a: {  	v4 =	vmul.f32 $1.302083370e-03, v4;
	v6 =	vmul.f32 v5, v5;
	_ =	sdelay $0x1  }
0x19b: {  	v4 =	vsub.f32 v4, v6;
	_ =	sdelay $0x1  }
0x19c: {  	v4 =	vadd.f32 $1.000000050e-03, v4;
	_ =	sdelay $0x1  }
0x19d: {  	v6 =	vshra.s32 v4, $0x1;
	v4 =	vmul.f32 $5.000000000e-01, v4  }
0x19e: {  	v6 =	vsub.s32 $0x5F3759DF, v6  }
0x19f: {  	v7 =	vmul.f32 v6, v4;
	_ =	sdelay $0x1  }
0x1a0: {  	v7 =	vmul.f32 v6, v7;
	_ =	sdelay $0x1  }
0x1a1: {  	v7 =	vsub.f32 $1.500000000e+00, v7  }
0x1a2: {  	s5 =	simm.s32 $0x0  }
0x1a3: {  	s5 =	smul.u32 $0x6000, s5;
	v7 =	vmul.f32 v6, v7;
	_ =	sdelay $0x1  }
0x1a4: {  	s9 =	simm.s32 $0x0;
	s5 =	sshra.s32 s5, $0x2;
	v6 =	vmul.f32 v7, v4  }
0x1a5: {  	s10 =	sand.u32 $0x300, s9;
	s23 =	sadd.s32 s5, s0  }
0x1a6: {  	s19 =	sadd.s32 s10, s23;
	v8 =	vmul.f32 v6, v7  }
0x1a7: {  	v16 =	vld [tilespmem:s19+$0x50]  }
0x1a8: {  	v17 =	vld [tilespmem:s19+$0x40];
	v8 =	vsub.f32 $1.500000000e+00, v8  }
0x1a9: {  	v18 =	vld [tilespmem:s19+$0x10]  }
0x1aa: {  	v20 =	vld [tilespmem:s19+$0x20];
	v15 =	vmul.f32 v8, v7  }
0x1ab: {  	v21 =	vld [tilespmem:s19+$0x30]  }
0x1ac: {  	v23 =	vld [tilespmem:s19+$0x0];
	v4 =	vmul.f32 v15, v4  }
0x1ad: {  	v24 =	vld [tilespmem:s19+$0x60]  }
0x1ae: {  	v26 =	vld [tilespmem:s19+$0x70];
	v4 =	vmul.f32 v4, v15  }
0x1af: {  	v13 =	vld [tilespmem:$0x12220]  }
0x1b0: {  	v14 =	vld [tilespmem:$0x12210];
	v4 =	vsub.f32 $1.500000000e+00, v4  }
0x1b1: {  	v9 =	vld [tilespmem:$0x12500]  }
0x1b2: {  	s21 =	simm.s32 $0x0;
	v10 =	vld [tilespmem:$0x12250];
	v5 =	vsub.f32 $0.0e+00, v5;
	v4 =	vmul.f32 v4, v15  }
0x1b3: {  	v19 =	vmov s21;
	v11 =	vld [tilespmem:$0x12240]  }
0x1b4: {  	v12 =	vld [tilespmem:$0x12230];
	v22 =	vperm.xlane v4, v19;
	v5 =	vmul.f32 v4, v5  }
0x1b5: {  	v6 =	vld [tilespmem:$0x12200]  }
0x1b6: {  	v7 =	vld [tilespmem:$0x12260];
	v16 =	vmul.f32 v16, v22;
	v25 =	vperm.xlane v5, v19  }
0x1b7: {  	v15 =	vld [tilespmem:$0x12550];
	v18 =	vmul.f32 v18, v22;
	v17 =	vmul.f32 v17, v22  }
0x1b8: {  	v19 =	vld [tilespmem:$0x12510];
	v27 =	vmul.f32 v20, v22;
	v23 =	vmul.f32 v23, v22;
	v28 =	vadd.f32 v16, v25  }
0x1b9: {  	v8 =	vld [tilespmem:$0x12270];
	v29 =	vmul.f32 v21, v22;
	v24 =	vmul.f32 v24, v22;
	v18 =	vadd.f32 v18, v25  }
0x1ba: {  	v20 =	vld [tilespmem:$0x12520];
	v22 =	vmul.f32 v26, v22;
	v23 =	vadd.f32 v23, v25;
	v28 =	vmul.f32 v28, v10  }
0x1bb: {  	v21 =	vadd.f32 v17, v25;
	v17 =	vld [tilespmem:$0x12560];
	v26 =	vadd.f32 v27, v25;
	v31 =	vmul.f32 v18, v14  }
0x1bc: {  	v16 =	vld [tilespmem:$0x12540];
	v24 =	vadd.f32 v24, v25;
	v23 =	vmul.f32 v23, v6;
	v28 =	vadd.f32 v28, v15  }
0x1bd: {  	v22 =	vadd.f32 v22, v25;
	v18 =	vld [tilespmem:$0x12570];
	v26 =	vmul.f32 v26, v13;
	v27 =	vadd.f32 v31, v19  }
0x1be: {  	v30 =	vmul.f32 v21, v11;
	v21 =	vld [tilespmem:$0x12530];
	v24 =	vmul.f32 v24, v7;
	v23 =	vadd.f32 v23, v9;
	[tilespmem:s19+$0x50] =	vst v28  }
0x1bf: {  	v25 =	vadd.f32 v29, v25;
	v26 =	vadd.f32 v26, v20;
	[tilespmem:s19+$0x10] =	vst v27  }
0x1c0: {  	v22 =	vmul.f32 v22, v8;
	v24 =	vadd.f32 v24, v17;
	[tilespmem:s19+$0x0] =	vst v23  }
0x1c1: {  	v25 =	vmul.f32 v25, v12;
	v28 =	vadd.f32 v30, v16;
	[tilespmem:s19+$0x20] =	vst v26  }
0x1c2: {  	s5 =	simm.s32 $0x80;
	[tilespmem:s19+$0x60] =	vst v24;
	v22 =	vadd.f32 v22, v18  }
0x1c3: {  	s22 =	sand.u32 $0x380, s5;
	v23 =	vadd.f32 v25, v21;
	[tilespmem:s19+$0x40] =	vst v28  }
0x1c4: {  	s22 =	sadd.s32 s22, s23;
	[tilespmem:s19+$0x70] =	vst v22  }
0x1c5: {  	[tilespmem:s19+$0x30] =	vst v23;
	v23 =	vld [tilespmem:s22+$0x70]  }
0x1c6: {  	s23 =	simm.s32 $0x1;
	v24 =	vld [tilespmem:s22+$0x0]  }
0x1c7: {  	v27 =	vmov s23;
	v26 =	vld [tilespmem:s22+$0x10]  }
0x1c8: {  	s19 =	simm.s32 $0x2;
	v22 =	vperm.xlane v4, v27;
	v25 =	vld [tilespmem:s22+$0x20]  }
.LBB2_5:
0x1c9: {  	p0 =	slt.u32 s19, $0xE  }
0x1ca: {  	v28 =	vld [tilespmem:s22+$0x30];
	s5 =	sadd.s32 $0x100, s5;
	s21 =	smov.u32 s19;
	s19 =	sadd.s32 $0x2, s19  }
0x1cb: {  	v27 =	vperm.xlane v5, v27;
	v29 =	vld [tilespmem:s22+$0x40];
	v23 =	vmul.f32 v23, v22  }
0x1cc: {  	v24 =	vmul.f32 v24, v22;
	v30 =	vld [tilespmem:s22+$0x50]  }
0x1cd: {  	v26 =	vmul.f32 v26, v22;
	v31 =	vld [tilespmem:s22+$0x60];
	v23 =	vadd.f32 v23, v27  }
0x1ce: {  	v24 =	vadd.f32 v24, v27;
	v25 =	vmul.f32 v25, v22  }
0x1cf: {  	v26 =	vadd.f32 v26, v27;
	v28 =	vmul.f32 v28, v22;
	v23 =	vmul.f32 v23, v8  }
0x1d0: {  	v24 =	vmul.f32 v24, v6;
	v25 =	vadd.f32 v25, v27;
	v29 =	vmul.f32 v29, v22  }
0x1d1: {  	v26 =	vmul.f32 v26, v14;
	v28 =	vadd.f32 v28, v27;
	v30 =	vmul.f32 v30, v22  }
0x1d2: {  	v25 =	vmul.f32 v25, v13;
	v29 =	vadd.f32 v29, v27;
	v22 =	vmul.f32 v31, v22  }
0x1d3: {  	v26 =	vadd.f32 v26, v19;
	v28 =	vmul.f32 v28, v12;
	v30 =	vadd.f32 v30, v27  }
0x1d4: {  	v25 =	vadd.f32 v25, v20;
	v29 =	vmul.f32 v29, v11;
	v22 =	vadd.f32 v22, v27  }
0x1d5: {  	v24 =	vadd.f32 v24, v9;
	[tilespmem:s22+$0x10] =	vst v26;
	v26 =	vadd.f32 v28, v21;
	v27 =	vmul.f32 v30, v10  }
0x1d6: {  	s9 =	sshrl.u32 s21, $0x3;
	v23 =	vadd.f32 v23, v18;
	[tilespmem:s22+$0x20] =	vst v25;
	v25 =	vadd.f32 v29, v16;
	v22 =	vmul.f32 v22, v7  }
0x1d7: {  	s9 =	smul.u32 $0x6000, s9;
	[tilespmem:s22+$0x30] =	vst v26;
	v26 =	vadd.f32 v27, v15  }
0x1d8: {  	[tilespmem:s22+$0x40] =	vst v25;
	v22 =	vadd.f32 v22, v17  }
0x1d9: {  	s10 =	sadd.s32 $0xFFFFFF80, s5;
	s9 =	sshra.s32 s9, $0x2;
	[tilespmem:s22+$0x50] =	vst v26  }
0x1da: {  	s10 =	sand.u32 $0x300, s10;
	s23 =	sadd.s32 s9, s0;
	[tilespmem:s22+$0x60] =	vst v22  }
0x1db: {  	s9 =	sadd.s32 s10, s23;
	[tilespmem:s22+$0x0] =	vst v24  }
0x1dc: {  	[tilespmem:s22+$0x70] =	vst v23  }
0x1dd: {  	v22 =	vld [tilespmem:s9+$0x50]  }
0x1de: {  	v23 =	vld [tilespmem:s9+$0x40]  }
0x1df: {  	v24 =	vmov s21;
	v25 =	vld [tilespmem:s9+$0x10]  }
0x1e0: {  	v26 =	vperm.xlane v4, v24;
	v27 =	vld [tilespmem:s9+$0x20]  }
0x1e1: {  	v28 =	vld [tilespmem:s9+$0x30]  }
0x1e2: {  	v29 =	vld [tilespmem:s9+$0x0];
	v22 =	vmul.f32 v22, v26  }
0x1e3: {  	v24 =	vperm.xlane v5, v24;
	v23 =	vmul.f32 v23, v26;
	v30 =	vld [tilespmem:s9+$0x60]  }
0x1e4: {  	v25 =	vmul.f32 v25, v26;
	v31 =	vld [tilespmem:s9+$0x70]  }
0x1e5: {  	v22 =	vadd.f32 v22, v24;
	v27 =	vmul.f32 v27, v26  }
0x1e6: {  	v23 =	vadd.f32 v23, v24;
	v25 =	vadd.f32 v25, v24;
	v28 =	vmul.f32 v28, v26  }
0x1e7: {  	v22 =	vmul.f32 v22, v10;
	v29 =	vmul.f32 v29, v26  }
0x1e8: {  	v27 =	vadd.f32 v27, v24;
	v23 =	vmul.f32 v23, v11;
	v30 =	vmul.f32 v30, v26  }
0x1e9: {  	v25 =	vmul.f32 v25, v14;
	v22 =	vadd.f32 v22, v15;
	v29 =	vadd.f32 v29, v24  }
0x1ea: {  	v28 =	vadd.f32 v28, v24;
	v26 =	vmul.f32 v31, v26;
	v30 =	vadd.f32 v30, v24  }
0x1eb: {  	v27 =	vmul.f32 v27, v13;
	v25 =	vadd.f32 v25, v19;
	v29 =	vmul.f32 v29, v6;
	[tilespmem:s9+$0x50] =	vst v22  }
0x1ec: {  	v22 =	vadd.f32 v23, v16;
	v24 =	vadd.f32 v26, v24;
	v23 =	vmul.f32 v30, v7  }
0x1ed: {  	v26 =	vadd.f32 v29, v9;
	[tilespmem:s9+$0x10] =	vst v25;
	v25 =	vadd.f32 v27, v20;
	v27 =	vmul.f32 v28, v12  }
0x1ee: {  	[tilespmem:s9+$0x40] =	vst v22;
	v22 =	vadd.f32 v23, v17;
	v23 =	vmul.f32 v24, v8  }
0x1ef: {  	[tilespmem:s9+$0x0] =	vst v26;
	v24 =	vadd.f32 v27, v21  }
0x1f0: {  	[tilespmem:s9+$0x60] =	vst v22;
	v22 =	vadd.f32 v23, v18  }
0x1f1: {  	s10 =	sand.u32 $0x380, s5;
	[tilespmem:s9+$0x20] =	vst v25  }
.Ltmp1:
0x1f2: {  	s22 =	sadd.s32 s10, s23;
	[tilespmem:s9+$0x70] =	vst v22;
	(pc) =	sbr.rel @p0 .LBB2_5-.Ltmp1, $4  }
0x1f3: {  	[tilespmem:s9+$0x30] =	vst v24;
	v23 =	vld [tilespmem:s22+$0x70]  }
0x1f4: {  	s9 =	sadd.s32 $0x1, s21;
	v24 =	vld [tilespmem:s22+$0x0]  }
0x1f5: {  	v27 =	vmov s9;
	v26 =	vld [tilespmem:s22+$0x10]  }
0x1f6: {  	v22 =	vperm.xlane v4, v27;
	v25 =	vld [tilespmem:s22+$0x20]  }
0x1f7: {  	v28 =	vld [tilespmem:s22+$0x30]  }
0x1f8: {  	v29 =	vld [tilespmem:s22+$0x40]  }
0x1f9: {  	v30 =	vld [tilespmem:s22+$0x50]  }
0x1fa: {  	v27 =	vperm.xlane v5, v27;
	v31 =	vld [tilespmem:s22+$0x60];
	v26 =	vmul.f32 v26, v22  }
0x1fb: {  	v25 =	vmul.f32 v25, v22  }
0x1fc: {  	v23 =	vmul.f32 v23, v22;
	v26 =	vadd.f32 v26, v27;
	v28 =	vmul.f32 v28, v22  }
0x1fd: {  	v24 =	vmul.f32 v24, v22;
	v29 =	vmul.f32 v29, v22;
	v25 =	vadd.f32 v25, v27  }
0x1fe: {  	v14 =	vmul.f32 v26, v14;
	v26 =	vadd.f32 v28, v27;
	v28 =	vmul.f32 v30, v22  }
0x1ff: {  	v22 =	vmul.f32 v31, v22;
	v13 =	vmul.f32 v25, v13;
	v25 =	vadd.f32 v29, v27  }
0x200: {  	v14 =	vadd.f32 v14, v19;
	v12 =	vmul.f32 v26, v12;
	v19 =	vadd.f32 v28, v27  }
0x201: {  	v13 =	vadd.f32 v13, v20;
	v11 =	vmul.f32 v25, v11;
	v20 =	vadd.f32 v22, v27  }
0x202: {  	v22 =	vadd.f32 v24, v27;
	[tilespmem:s22+$0x10] =	vst v14;
	v12 =	vadd.f32 v12, v21;
	v10 =	vmul.f32 v19, v10  }
0x203: {  	s5 =	simm.s32 $0x0;
	v14 =	vadd.f32 v23, v27;
	[tilespmem:s22+$0x20] =	vst v13;
	v11 =	vadd.f32 v11, v16;
	v7 =	vmul.f32 v20, v7  }
0x204: {  	s5 =	smul.u32 $0x6000, s5;
	v6 =	vmul.f32 v22, v6;
	[tilespmem:s22+$0x30] =	vst v12;
	v10 =	vadd.f32 v10, v15  }
0x205: {  	v8 =	vmul.f32 v14, v8;
	[tilespmem:s22+$0x40] =	vst v11;
	v7 =	vadd.f32 v7, v17  }
0x206: {  	s9 =	simm.s32 $0x0;
	s5 =	sshra.s32 s5, $0x2;
	v6 =	vadd.f32 v6, v9;
	[tilespmem:s22+$0x50] =	vst v10  }
0x207: {  	s10 =	sand.u32 $0x300, s9;
	s21 =	sadd.s32 s5, s0;
	v8 =	vadd.f32 v8, v18;
	[tilespmem:s22+$0x60] =	vst v7  }
0x208: {  	s10 =	sadd.s32 s10, s21;
	[tilespmem:s22+$0x0] =	vst v6  }
0x209: {  	[tilespmem:s22+$0x70] =	vst v8;
	v21 =	vld [tilespmem:s10+$0x430]  }
0x20a: {  	v6 =	vld [tilespmem:$0x12280]  }
0x20b: {  	v14 =	vld [tilespmem:$0x12290]  }
0x20c: {  	v13 =	vld [tilespmem:$0x122A0]  }
0x20d: {  	v12 =	vld [tilespmem:$0x122B0]  }
0x20e: {  	v11 =	vld [tilespmem:$0x122C0]  }
0x20f: {  	v10 =	vld [tilespmem:$0x122D0]  }
0x210: {  	v9 =	vld [tilespmem:$0x122E0]  }
0x211: {  	v7 =	vld [tilespmem:$0x122F0]  }
0x212: {  	v15 =	vld [tilespmem:s10+$0x450]  }
0x213: {  	v16 =	vld [tilespmem:s10+$0x440]  }
0x214: {  	s22 =	simm.s32 $0x0;
	v17 =	vld [tilespmem:s10+$0x410]  }
0x215: {  	v18 =	vmov s22;
	v20 =	vld [tilespmem:s10+$0x420]  }
0x216: {  	v23 =	vld [tilespmem:s10+$0x400];
	v22 =	vperm.xlane v4, v18  }
0x217: {  	v25 =	vld [tilespmem:s10+$0x460]  }
0x218: {  	v27 =	vld [tilespmem:s10+$0x470];
	v26 =	vperm.xlane v5, v18;
	v24 =	vmul.f32 v15, v22  }
0x219: {  	v15 =	vld [tilespmem:$0x125D0];
	v17 =	vmul.f32 v17, v22;
	v18 =	vmul.f32 v16, v22  }
0x21a: {  	v19 =	vld [tilespmem:$0x12590];
	v62 =	vmul.f32 v21, v22;
	v28 =	vmul.f32 v20, v22;
	v24 =	vadd.f32 v24, v26  }
0x21b: {  	v16 =	vld [tilespmem:$0x125C0];
	v21 =	vmul.f32 v23, v22;
	v29 =	vadd.f32 v17, v26;
	v18 =	vadd.f32 v18, v26  }
0x21c: {  	v8 =	vld [tilespmem:$0x12580];
	v23 =	vmul.f32 v24, v10;
	v24 =	vmul.f32 v25, v22  }
0x21d: {  	v17 =	vld [tilespmem:$0x125E0];
	v63 =	vadd.f32 v21, v26;
	v25 =	vmul.f32 v18, v11;
	v29 =	vmul.f32 v29, v14  }
0x21e: {  	v20 =	vld [tilespmem:$0x125A0];
	v22 =	vmul.f32 v27, v22;
	v23 =	vadd.f32 v23, v15;
	v24 =	vadd.f32 v24, v26  }
0x21f: {  	v18 =	vld [tilespmem:$0x125F0];
	v27 =	vadd.f32 v28, v26;
	v28 =	vmul.f32 v63, v6;
	v29 =	vadd.f32 v29, v19  }
0x220: {  	v21 =	vld [tilespmem:$0x125B0];
	v22 =	vadd.f32 v22, v26;
	[tilespmem:s10+$0x450] =	vst v23;
	v23 =	vadd.f32 v25, v16;
	v24 =	vmul.f32 v24, v9  }
0x221: {  	v25 =	vadd.f32 v62, v26;
	v26 =	vmul.f32 v27, v13;
	v27 =	vadd.f32 v28, v8;
	[tilespmem:s10+$0x410] =	vst v29  }
0x222: {  	v22 =	vmul.f32 v22, v7;
	[tilespmem:s10+$0x440] =	vst v23;
	v23 =	vadd.f32 v24, v17  }
0x223: {  	v24 =	vadd.f32 v26, v20;
	v25 =	vmul.f32 v25, v12;
	[tilespmem:s10+$0x400] =	vst v27  }
0x224: {  	s5 =	simm.s32 $0x80;
	v22 =	vadd.f32 v22, v18;
	[tilespmem:s10+$0x460] =	vst v23  }
0x225: {  	s19 =	sand.u32 $0x380, s5;
	v23 =	vadd.f32 v25, v21;
	[tilespmem:s10+$0x420] =	vst v24  }
0x226: {  	s22 =	sadd.s32 s19, s21;
	[tilespmem:s10+$0x470] =	vst v22  }
0x227: {  	[tilespmem:s10+$0x430] =	vst v23;
	v23 =	vld [tilespmem:s22+$0x470]  }
0x228: {  	s23 =	simm.s32 $0x1;
	v24 =	vld [tilespmem:s22+$0x400]  }
0x229: {  	v27 =	vmov s23;
	v26 =	vld [tilespmem:s22+$0x410]  }
0x22a: {  	s19 =	simm.s32 $0x2;
	v22 =	vperm.xlane v4, v27;
	v25 =	vld [tilespmem:s22+$0x420]  }
.LBB2_7:
0x22b: {  	p0 =	slt.u32 s19, $0xE  }
0x22c: {  	v28 =	vld [tilespmem:s22+$0x430];
	s5 =	sadd.s32 $0x100, s5;
	s21 =	smov.u32 s19;
	s19 =	sadd.s32 $0x2, s19  }
0x22d: {  	v27 =	vperm.xlane v5, v27;
	v29 =	vld [tilespmem:s22+$0x440];
	v23 =	vmul.f32 v23, v22  }
0x22e: {  	v24 =	vmul.f32 v24, v22;
	v30 =	vld [tilespmem:s22+$0x450]  }
0x22f: {  	v26 =	vmul.f32 v26, v22;
	v31 =	vld [tilespmem:s22+$0x460];
	v23 =	vadd.f32 v23, v27  }
0x230: {  	v24 =	vadd.f32 v24, v27;
	v25 =	vmul.f32 v25, v22  }
0x231: {  	v26 =	vadd.f32 v26, v27;
	v28 =	vmul.f32 v28, v22;
	v23 =	vmul.f32 v23, v7  }
0x232: {  	v24 =	vmul.f32 v24, v6;
	v25 =	vadd.f32 v25, v27;
	v29 =	vmul.f32 v29, v22  }
0x233: {  	v26 =	vmul.f32 v26, v14;
	v28 =	vadd.f32 v28, v27;
	v30 =	vmul.f32 v30, v22  }
0x234: {  	v25 =	vmul.f32 v25, v13;
	v29 =	vadd.f32 v29, v27;
	v22 =	vmul.f32 v31, v22  }
0x235: {  	v26 =	vadd.f32 v26, v19;
	v28 =	vmul.f32 v28, v12;
	v30 =	vadd.f32 v30, v27  }
0x236: {  	v25 =	vadd.f32 v25, v20;
	v29 =	vmul.f32 v29, v11;
	v22 =	vadd.f32 v22, v27  }
0x237: {  	v24 =	vadd.f32 v24, v8;
	[tilespmem:s22+$0x410] =	vst v26;
	v26 =	vadd.f32 v28, v21;
	v27 =	vmul.f32 v30, v10  }
0x238: {  	s9 =	sshrl.u32 s21, $0x3;
	v23 =	vadd.f32 v23, v18;
	[tilespmem:s22+$0x420] =	vst v25;
	v25 =	vadd.f32 v29, v16;
	v22 =	vmul.f32 v22, v9  }
0x239: {  	s9 =	smul.u32 $0x6000, s9;
	[tilespmem:s22+$0x430] =	vst v26;
	v26 =	vadd.f32 v27, v15  }
0x23a: {  	[tilespmem:s22+$0x440] =	vst v25;
	v22 =	vadd.f32 v22, v17  }
0x23b: {  	s10 =	sadd.s32 $0xFFFFFF80, s5;
	s9 =	sshra.s32 s9, $0x2;
	[tilespmem:s22+$0x450] =	vst v26  }
0x23c: {  	s10 =	sand.u32 $0x300, s10;
	s23 =	sadd.s32 s9, s0;
	[tilespmem:s22+$0x460] =	vst v22  }
0x23d: {  	s9 =	sadd.s32 s10, s23;
	[tilespmem:s22+$0x400] =	vst v24  }
0x23e: {  	[tilespmem:s22+$0x470] =	vst v23  }
0x23f: {  	v22 =	vld [tilespmem:s9+$0x450]  }
0x240: {  	v23 =	vld [tilespmem:s9+$0x440]  }
0x241: {  	v24 =	vmov s21;
	v25 =	vld [tilespmem:s9+$0x410]  }
0x242: {  	v26 =	vperm.xlane v4, v24;
	v27 =	vld [tilespmem:s9+$0x420]  }
0x243: {  	v28 =	vld [tilespmem:s9+$0x430]  }
0x244: {  	v29 =	vld [tilespmem:s9+$0x400];
	v22 =	vmul.f32 v22, v26  }
0x245: {  	v24 =	vperm.xlane v5, v24;
	v23 =	vmul.f32 v23, v26;
	v30 =	vld [tilespmem:s9+$0x460]  }
0x246: {  	v25 =	vmul.f32 v25, v26;
	v31 =	vld [tilespmem:s9+$0x470]  }
0x247: {  	v22 =	vadd.f32 v22, v24;
	v27 =	vmul.f32 v27, v26  }
0x248: {  	v23 =	vadd.f32 v23, v24;
	v25 =	vadd.f32 v25, v24;
	v28 =	vmul.f32 v28, v26  }
0x249: {  	v22 =	vmul.f32 v22, v10;
	v29 =	vmul.f32 v29, v26  }
0x24a: {  	v27 =	vadd.f32 v27, v24;
	v23 =	vmul.f32 v23, v11;
	v30 =	vmul.f32 v30, v26  }
0x24b: {  	v25 =	vmul.f32 v25, v14;
	v22 =	vadd.f32 v22, v15;
	v29 =	vadd.f32 v29, v24  }
0x24c: {  	v28 =	vadd.f32 v28, v24;
	v26 =	vmul.f32 v31, v26;
	v30 =	vadd.f32 v30, v24  }
0x24d: {  	v27 =	vmul.f32 v27, v13;
	v25 =	vadd.f32 v25, v19;
	v29 =	vmul.f32 v29, v6;
	[tilespmem:s9+$0x450] =	vst v22  }
0x24e: {  	v22 =	vadd.f32 v23, v16;
	v24 =	vadd.f32 v26, v24;
	v23 =	vmul.f32 v30, v9  }
0x24f: {  	v26 =	vadd.f32 v29, v8;
	[tilespmem:s9+$0x410] =	vst v25;
	v25 =	vadd.f32 v27, v20;
	v27 =	vmul.f32 v28, v12  }
0x250: {  	[tilespmem:s9+$0x440] =	vst v22;
	v22 =	vadd.f32 v23, v17;
	v23 =	vmul.f32 v24, v7  }
0x251: {  	[tilespmem:s9+$0x400] =	vst v26;
	v24 =	vadd.f32 v27, v21  }
0x252: {  	[tilespmem:s9+$0x460] =	vst v22;
	v22 =	vadd.f32 v23, v18  }
0x253: {  	s10 =	sand.u32 $0x380, s5;
	[tilespmem:s9+$0x420] =	vst v25  }
.Ltmp2:
0x254: {  	s22 =	sadd.s32 s10, s23;
	[tilespmem:s9+$0x470] =	vst v22;
	(pc) =	sbr.rel @p0 .LBB2_7-.Ltmp2, $4  }
0x255: {  	[tilespmem:s9+$0x430] =	vst v24;
	v23 =	vld [tilespmem:s22+$0x470]  }
0x256: {  	s9 =	sadd.s32 $0x1, s21;
	v24 =	vld [tilespmem:s22+$0x400]  }
0x257: {  	v27 =	vmov s9;
	v26 =	vld [tilespmem:s22+$0x410]  }
0x258: {  	v22 =	vperm.xlane v4, v27;
	v25 =	vld [tilespmem:s22+$0x420]  }
0x259: {  	v28 =	vld [tilespmem:s22+$0x430]  }
0x25a: {  	v29 =	vld [tilespmem:s22+$0x440]  }
0x25b: {  	v30 =	vld [tilespmem:s22+$0x450]  }
0x25c: {  	v27 =	vperm.xlane v5, v27;
	v31 =	vld [tilespmem:s22+$0x460];
	v26 =	vmul.f32 v26, v22  }
0x25d: {  	v25 =	vmul.f32 v25, v22  }
0x25e: {  	v23 =	vmul.f32 v23, v22;
	v26 =	vadd.f32 v26, v27;
	v28 =	vmul.f32 v28, v22  }
0x25f: {  	v24 =	vmul.f32 v24, v22;
	v29 =	vmul.f32 v29, v22;
	v25 =	vadd.f32 v25, v27  }
0x260: {  	v14 =	vmul.f32 v26, v14;
	v26 =	vadd.f32 v28, v27;
	v28 =	vmul.f32 v30, v22  }
0x261: {  	v22 =	vmul.f32 v31, v22;
	v13 =	vmul.f32 v25, v13;
	v25 =	vadd.f32 v29, v27  }
0x262: {  	v14 =	vadd.f32 v14, v19;
	v12 =	vmul.f32 v26, v12;
	v19 =	vadd.f32 v28, v27  }
0x263: {  	v13 =	vadd.f32 v13, v20;
	v11 =	vmul.f32 v25, v11;
	v20 =	vadd.f32 v22, v27  }
0x264: {  	s5 =	simm.s32 $0x0;
	v22 =	vadd.f32 v24, v27;
	[tilespmem:s22+$0x410] =	vst v14;
	v12 =	vadd.f32 v12, v21;
	v10 =	vmul.f32 v19, v10  }
0x265: {  	s5 =	smul.u32 $0x6000, s5;
	v14 =	vadd.f32 v23, v27;
	[tilespmem:s22+$0x420] =	vst v13;
	v11 =	vadd.f32 v11, v16;
	v9 =	vmul.f32 v20, v9  }
0x266: {  	v6 =	vmul.f32 v22, v6;
	[tilespmem:s22+$0x430] =	vst v12;
	v10 =	vadd.f32 v10, v15  }
0x267: {  	s5 =	sshra.s32 s5, $0x2;
	v7 =	vmul.f32 v14, v7;
	[tilespmem:s22+$0x440] =	vst v11;
	v9 =	vadd.f32 v9, v17  }
0x268: {  	s9 =	simm.s32 $0x0;
	s5 =	sadd.s32 s5, s0;
	v6 =	vadd.f32 v6, v8;
	[tilespmem:s22+$0x450] =	vst v10  }
0x269: {  	s10 =	sand.u32 $0x300, s9;
	s21 =	sadd.s32 $0x800, s5;
	v7 =	vadd.f32 v7, v18;
	[tilespmem:s22+$0x460] =	vst v9  }
0x26a: {  	s10 =	sadd.s32 s10, s21;
	[tilespmem:s22+$0x400] =	vst v6  }
0x26b: {  	[tilespmem:s22+$0x470] =	vst v7;
	v21 =	vld [tilespmem:s10+$0x30]  }
0x26c: {  	v6 =	vld [tilespmem:$0x12300]  }
0x26d: {  	v14 =	vld [tilespmem:$0x12310]  }
0x26e: {  	v13 =	vld [tilespmem:$0x12320]  }
0x26f: {  	v12 =	vld [tilespmem:$0x12330]  }
0x270: {  	v11 =	vld [tilespmem:$0x12340]  }
0x271: {  	v10 =	vld [tilespmem:$0x12350]  }
0x272: {  	v9 =	vld [tilespmem:$0x12360]  }
0x273: {  	v7 =	vld [tilespmem:$0x12370]  }
0x274: {  	v15 =	vld [tilespmem:s10+$0x50]  }
0x275: {  	v16 =	vld [tilespmem:s10+$0x40]  }
0x276: {  	s22 =	simm.s32 $0x0;
	v17 =	vld [tilespmem:s10+$0x10]  }
0x277: {  	v18 =	vmov s22;
	v20 =	vld [tilespmem:s10+$0x20]  }
0x278: {  	v23 =	vld [tilespmem:s10+$0x0];
	v22 =	vperm.xlane v4, v18  }
0x279: {  	v25 =	vld [tilespmem:s10+$0x60]  }
0x27a: {  	v27 =	vld [tilespmem:s10+$0x70];
	v26 =	vperm.xlane v5, v18;
	v24 =	vmul.f32 v15, v22  }
0x27b: {  	v15 =	vld [tilespmem:$0x12650];
	v17 =	vmul.f32 v17, v22;
	v18 =	vmul.f32 v16, v22  }
0x27c: {  	v19 =	vld [tilespmem:$0x12610];
	v62 =	vmul.f32 v21, v22;
	v28 =	vmul.f32 v20, v22;
	v24 =	vadd.f32 v24, v26  }
0x27d: {  	v16 =	vld [tilespmem:$0x12640];
	v21 =	vmul.f32 v23, v22;
	v29 =	vadd.f32 v17, v26;
	v18 =	vadd.f32 v18, v26  }
0x27e: {  	v8 =	vld [tilespmem:$0x12600];
	v23 =	vmul.f32 v24, v10;
	v24 =	vmul.f32 v25, v22  }
0x27f: {  	v17 =	vld [tilespmem:$0x12660];
	v63 =	vadd.f32 v21, v26;
	v25 =	vmul.f32 v18, v11;
	v29 =	vmul.f32 v29, v14  }
0x280: {  	v20 =	vld [tilespmem:$0x12620];
	v22 =	vmul.f32 v27, v22;
	v23 =	vadd.f32 v23, v15;
	v24 =	vadd.f32 v24, v26  }
0x281: {  	v18 =	vld [tilespmem:$0x12670];
	v27 =	vadd.f32 v28, v26;
	v28 =	vmul.f32 v63, v6;
	v29 =	vadd.f32 v29, v19  }
0x282: {  	v21 =	vld [tilespmem:$0x12630];
	v22 =	vadd.f32 v22, v26;
	[tilespmem:s10+$0x50] =	vst v23;
	v23 =	vadd.f32 v25, v16;
	v24 =	vmul.f32 v24, v9  }
0x283: {  	v25 =	vadd.f32 v62, v26;
	v26 =	vmul.f32 v27, v13;
	v27 =	vadd.f32 v28, v8;
	[tilespmem:s10+$0x10] =	vst v29  }
0x284: {  	v22 =	vmul.f32 v22, v7;
	[tilespmem:s10+$0x40] =	vst v23;
	v23 =	vadd.f32 v24, v17  }
0x285: {  	v24 =	vadd.f32 v26, v20;
	v25 =	vmul.f32 v25, v12;
	[tilespmem:s10+$0x0] =	vst v27  }
0x286: {  	s5 =	simm.s32 $0x80;
	v22 =	vadd.f32 v22, v18;
	[tilespmem:s10+$0x60] =	vst v23  }
0x287: {  	s19 =	sand.u32 $0x380, s5;
	v23 =	vadd.f32 v25, v21;
	[tilespmem:s10+$0x20] =	vst v24  }
0x288: {  	s22 =	sadd.s32 s19, s21;
	[tilespmem:s10+$0x70] =	vst v22  }
0x289: {  	[tilespmem:s10+$0x30] =	vst v23;
	v23 =	vld [tilespmem:s22+$0x70]  }
0x28a: {  	s23 =	simm.s32 $0x1;
	v24 =	vld [tilespmem:s22+$0x0]  }
0x28b: {  	v27 =	vmov s23;
	v26 =	vld [tilespmem:s22+$0x10]  }
0x28c: {  	s19 =	simm.s32 $0x2;
	v22 =	vperm.xlane v4, v27;
	v25 =	vld [tilespmem:s22+$0x20]  }
.LBB2_9:
0x28d: {  	p0 =	slt.u32 s19, $0xE  }
0x28e: {  	v28 =	vld [tilespmem:s22+$0x30];
	s5 =	sadd.s32 $0x100, s5;
	s21 =	smov.u32 s19;
	s19 =	sadd.s32 $0x2, s19  }
0x28f: {  	v27 =	vperm.xlane v5, v27;
	v29 =	vld [tilespmem:s22+$0x40];
	v23 =	vmul.f32 v23, v22  }
0x290: {  	v24 =	vmul.f32 v24, v22;
	v30 =	vld [tilespmem:s22+$0x50]  }
0x291: {  	v26 =	vmul.f32 v26, v22;
	v31 =	vld [tilespmem:s22+$0x60];
	v23 =	vadd.f32 v23, v27  }
0x292: {  	v24 =	vadd.f32 v24, v27;
	v25 =	vmul.f32 v25, v22  }
0x293: {  	v26 =	vadd.f32 v26, v27;
	v28 =	vmul.f32 v28, v22;
	v23 =	vmul.f32 v23, v7  }
0x294: {  	v24 =	vmul.f32 v24, v6;
	v25 =	vadd.f32 v25, v27;
	v29 =	vmul.f32 v29, v22  }
0x295: {  	v26 =	vmul.f32 v26, v14;
	v28 =	vadd.f32 v28, v27;
	v30 =	vmul.f32 v30, v22  }
0x296: {  	v25 =	vmul.f32 v25, v13;
	v29 =	vadd.f32 v29, v27;
	v22 =	vmul.f32 v31, v22  }
0x297: {  	v26 =	vadd.f32 v26, v19;
	v28 =	vmul.f32 v28, v12;
	v30 =	vadd.f32 v30, v27  }
0x298: {  	v25 =	vadd.f32 v25, v20;
	v29 =	vmul.f32 v29, v11;
	v22 =	vadd.f32 v22, v27  }
0x299: {  	s9 =	sshrl.u32 s21, $0x3;
	v24 =	vadd.f32 v24, v8;
	[tilespmem:s22+$0x10] =	vst v26;
	v26 =	vadd.f32 v28, v21;
	v27 =	vmul.f32 v30, v10  }
0x29a: {  	s9 =	smul.u32 $0x6000, s9;
	v23 =	vadd.f32 v23, v18;
	[tilespmem:s22+$0x20] =	vst v25;
	v25 =	vadd.f32 v29, v16;
	v22 =	vmul.f32 v22, v9  }
0x29b: {  	[tilespmem:s22+$0x30] =	vst v26;
	v26 =	vadd.f32 v27, v15  }
0x29c: {  	s9 =	sshra.s32 s9, $0x2;
	[tilespmem:s22+$0x40] =	vst v25;
	v22 =	vadd.f32 v22, v17  }
0x29d: {  	s10 =	sadd.s32 $0xFFFFFF80, s5;
	s9 =	sadd.s32 s9, s0;
	[tilespmem:s22+$0x50] =	vst v26  }
0x29e: {  	s10 =	sand.u32 $0x300, s10;
	s23 =	sadd.s32 $0x800, s9;
	[tilespmem:s22+$0x60] =	vst v22  }
0x29f: {  	s9 =	sadd.s32 s10, s23;
	[tilespmem:s22+$0x0] =	vst v24  }
0x2a0: {  	[tilespmem:s22+$0x70] =	vst v23  }
0x2a1: {  	v22 =	vld [tilespmem:s9+$0x50]  }
0x2a2: {  	v23 =	vld [tilespmem:s9+$0x40]  }
0x2a3: {  	v24 =	vmov s21;
	v25 =	vld [tilespmem:s9+$0x10]  }
0x2a4: {  	v26 =	vperm.xlane v4, v24;
	v27 =	vld [tilespmem:s9+$0x20]  }
0x2a5: {  	v28 =	vld [tilespmem:s9+$0x30]  }
0x2a6: {  	v29 =	vld [tilespmem:s9+$0x0];
	v22 =	vmul.f32 v22, v26  }
0x2a7: {  	v24 =	vperm.xlane v5, v24;
	v23 =	vmul.f32 v23, v26;
	v30 =	vld [tilespmem:s9+$0x60]  }
0x2a8: {  	v25 =	vmul.f32 v25, v26;
	v31 =	vld [tilespmem:s9+$0x70]  }
0x2a9: {  	v22 =	vadd.f32 v22, v24;
	v27 =	vmul.f32 v27, v26  }
0x2aa: {  	v23 =	vadd.f32 v23, v24;
	v25 =	vadd.f32 v25, v24;
	v28 =	vmul.f32 v28, v26  }
0x2ab: {  	v22 =	vmul.f32 v22, v10;
	v29 =	vmul.f32 v29, v26  }
0x2ac: {  	v27 =	vadd.f32 v27, v24;
	v23 =	vmul.f32 v23, v11;
	v30 =	vmul.f32 v30, v26  }
0x2ad: {  	v25 =	vmul.f32 v25, v14;
	v22 =	vadd.f32 v22, v15;
	v29 =	vadd.f32 v29, v24  }
0x2ae: {  	v28 =	vadd.f32 v28, v24;
	v26 =	vmul.f32 v31, v26;
	v30 =	vadd.f32 v30, v24  }
0x2af: {  	v27 =	vmul.f32 v27, v13;
	v25 =	vadd.f32 v25, v19;
	v29 =	vmul.f32 v29, v6;
	[tilespmem:s9+$0x50] =	vst v22  }
0x2b0: {  	v22 =	vadd.f32 v23, v16;
	v24 =	vadd.f32 v26, v24;
	v23 =	vmul.f32 v30, v9  }
0x2b1: {  	v26 =	vadd.f32 v29, v8;
	[tilespmem:s9+$0x10] =	vst v25;
	v25 =	vadd.f32 v27, v20;
	v27 =	vmul.f32 v28, v12  }
0x2b2: {  	[tilespmem:s9+$0x40] =	vst v22;
	v22 =	vadd.f32 v23, v17;
	v23 =	vmul.f32 v24, v7  }
0x2b3: {  	[tilespmem:s9+$0x0] =	vst v26;
	v24 =	vadd.f32 v27, v21  }
0x2b4: {  	[tilespmem:s9+$0x60] =	vst v22;
	v22 =	vadd.f32 v23, v18  }
0x2b5: {  	s10 =	sand.u32 $0x380, s5;
	[tilespmem:s9+$0x20] =	vst v25  }
.Ltmp3:
0x2b6: {  	s22 =	sadd.s32 s10, s23;
	[tilespmem:s9+$0x70] =	vst v22;
	(pc) =	sbr.rel @p0 .LBB2_9-.Ltmp3, $4  }
0x2b7: {  	[tilespmem:s9+$0x30] =	vst v24;
	v23 =	vld [tilespmem:s22+$0x70]  }
0x2b8: {  	s9 =	sadd.s32 $0x1, s21;
	v24 =	vld [tilespmem:s22+$0x0]  }
0x2b9: {  	v27 =	vmov s9;
	v26 =	vld [tilespmem:s22+$0x10]  }
0x2ba: {  	v22 =	vperm.xlane v4, v27;
	v25 =	vld [tilespmem:s22+$0x20]  }
0x2bb: {  	v28 =	vld [tilespmem:s22+$0x30]  }
0x2bc: {  	v29 =	vld [tilespmem:s22+$0x40]  }
0x2bd: {  	v30 =	vld [tilespmem:s22+$0x50]  }
0x2be: {  	v27 =	vperm.xlane v5, v27;
	v31 =	vld [tilespmem:s22+$0x60];
	v26 =	vmul.f32 v26, v22  }
0x2bf: {  	v25 =	vmul.f32 v25, v22  }
0x2c0: {  	v23 =	vmul.f32 v23, v22;
	v26 =	vadd.f32 v26, v27;
	v28 =	vmul.f32 v28, v22  }
0x2c1: {  	v24 =	vmul.f32 v24, v22;
	v29 =	vmul.f32 v29, v22;
	v25 =	vadd.f32 v25, v27  }
0x2c2: {  	v14 =	vmul.f32 v26, v14;
	v26 =	vadd.f32 v28, v27;
	v28 =	vmul.f32 v30, v22  }
0x2c3: {  	v22 =	vmul.f32 v31, v22;
	v13 =	vmul.f32 v25, v13;
	v25 =	vadd.f32 v29, v27  }
0x2c4: {  	v14 =	vadd.f32 v14, v19;
	v12 =	vmul.f32 v26, v12;
	v19 =	vadd.f32 v28, v27  }
0x2c5: {  	v13 =	vadd.f32 v13, v20;
	v11 =	vmul.f32 v25, v11;
	v20 =	vadd.f32 v22, v27  }
0x2c6: {  	s5 =	simm.s32 $0x0;
	v22 =	vadd.f32 v24, v27;
	[tilespmem:s22+$0x10] =	vst v14;
	v12 =	vadd.f32 v12, v21;
	v10 =	vmul.f32 v19, v10  }
0x2c7: {  	s5 =	smul.u32 $0x6000, s5;
	v14 =	vadd.f32 v23, v27;
	[tilespmem:s22+$0x20] =	vst v13;
	v11 =	vadd.f32 v11, v16;
	v9 =	vmul.f32 v20, v9  }
0x2c8: {  	v6 =	vmul.f32 v22, v6;
	[tilespmem:s22+$0x30] =	vst v12;
	v10 =	vadd.f32 v10, v15  }
0x2c9: {  	s5 =	sshra.s32 s5, $0x2;
	v7 =	vmul.f32 v14, v7;
	[tilespmem:s22+$0x40] =	vst v11;
	v9 =	vadd.f32 v9, v17  }
0x2ca: {  	s9 =	simm.s32 $0x0;
	s5 =	sadd.s32 s5, s0;
	v6 =	vadd.f32 v6, v8;
	[tilespmem:s22+$0x50] =	vst v10  }
0x2cb: {  	s10 =	sand.u32 $0x300, s9;
	s21 =	sadd.s32 $0xC00, s5;
	v7 =	vadd.f32 v7, v18;
	[tilespmem:s22+$0x60] =	vst v9  }
0x2cc: {  	s10 =	sadd.s32 s10, s21;
	[tilespmem:s22+$0x0] =	vst v6  }
0x2cd: {  	[tilespmem:s22+$0x70] =	vst v7;
	v21 =	vld [tilespmem:s10+$0x30]  }
0x2ce: {  	v6 =	vld [tilespmem:$0x12380]  }
0x2cf: {  	v14 =	vld [tilespmem:$0x12390]  }
0x2d0: {  	v13 =	vld [tilespmem:$0x123A0]  }
0x2d1: {  	v12 =	vld [tilespmem:$0x123B0]  }
0x2d2: {  	v11 =	vld [tilespmem:$0x123C0]  }
0x2d3: {  	v10 =	vld [tilespmem:$0x123D0]  }
0x2d4: {  	v9 =	vld [tilespmem:$0x123E0]  }
0x2d5: {  	v7 =	vld [tilespmem:$0x123F0]  }
0x2d6: {  	v15 =	vld [tilespmem:s10+$0x50]  }
0x2d7: {  	v16 =	vld [tilespmem:s10+$0x40]  }
0x2d8: {  	s22 =	simm.s32 $0x0;
	v17 =	vld [tilespmem:s10+$0x10]  }
0x2d9: {  	v18 =	vmov s22;
	v20 =	vld [tilespmem:s10+$0x20]  }
0x2da: {  	v23 =	vld [tilespmem:s10+$0x0];
	v22 =	vperm.xlane v4, v18  }
0x2db: {  	v25 =	vld [tilespmem:s10+$0x60]  }
0x2dc: {  	v27 =	vld [tilespmem:s10+$0x70];
	v26 =	vperm.xlane v5, v18;
	v24 =	vmul.f32 v15, v22  }
0x2dd: {  	v15 =	vld [tilespmem:$0x126D0];
	v17 =	vmul.f32 v17, v22;
	v18 =	vmul.f32 v16, v22  }
0x2de: {  	v19 =	vld [tilespmem:$0x12690];
	v62 =	vmul.f32 v21, v22;
	v28 =	vmul.f32 v20, v22;
	v24 =	vadd.f32 v24, v26  }
0x2df: {  	v16 =	vld [tilespmem:$0x126C0];
	v21 =	vmul.f32 v23, v22;
	v29 =	vadd.f32 v17, v26;
	v18 =	vadd.f32 v18, v26  }
0x2e0: {  	v8 =	vld [tilespmem:$0x12680];
	v23 =	vmul.f32 v24, v10;
	v24 =	vmul.f32 v25, v22  }
0x2e1: {  	v17 =	vld [tilespmem:$0x126E0];
	v63 =	vadd.f32 v21, v26;
	v25 =	vmul.f32 v18, v11;
	v29 =	vmul.f32 v29, v14  }
0x2e2: {  	v20 =	vld [tilespmem:$0x126A0];
	v22 =	vmul.f32 v27, v22;
	v23 =	vadd.f32 v23, v15;
	v24 =	vadd.f32 v24, v26  }
0x2e3: {  	v18 =	vld [tilespmem:$0x126F0];
	v27 =	vadd.f32 v28, v26;
	v28 =	vmul.f32 v63, v6;
	v29 =	vadd.f32 v29, v19  }
0x2e4: {  	v21 =	vld [tilespmem:$0x126B0];
	v22 =	vadd.f32 v22, v26;
	[tilespmem:s10+$0x50] =	vst v23;
	v23 =	vadd.f32 v25, v16;
	v24 =	vmul.f32 v24, v9  }
0x2e5: {  	v25 =	vadd.f32 v62, v26;
	v26 =	vmul.f32 v27, v13;
	v27 =	vadd.f32 v28, v8;
	[tilespmem:s10+$0x10] =	vst v29  }
0x2e6: {  	v22 =	vmul.f32 v22, v7;
	[tilespmem:s10+$0x40] =	vst v23;
	v23 =	vadd.f32 v24, v17  }
0x2e7: {  	v24 =	vadd.f32 v26, v20;
	v25 =	vmul.f32 v25, v12;
	[tilespmem:s10+$0x0] =	vst v27  }
0x2e8: {  	s5 =	simm.s32 $0x80;
	v22 =	vadd.f32 v22, v18;
	[tilespmem:s10+$0x60] =	vst v23  }
0x2e9: {  	s19 =	sand.u32 $0x380, s5;
	v23 =	vadd.f32 v25, v21;
	[tilespmem:s10+$0x20] =	vst v24  }
0x2ea: {  	s22 =	sadd.s32 s19, s21;
	[tilespmem:s10+$0x70] =	vst v22  }
0x2eb: {  	[tilespmem:s10+$0x30] =	vst v23;
	v23 =	vld [tilespmem:s22+$0x70]  }
0x2ec: {  	s23 =	simm.s32 $0x1;
	v24 =	vld [tilespmem:s22+$0x0]  }
0x2ed: {  	v27 =	vmov s23;
	v26 =	vld [tilespmem:s22+$0x10]  }
0x2ee: {  	s19 =	simm.s32 $0x2;
	v22 =	vperm.xlane v4, v27;
	v25 =	vld [tilespmem:s22+$0x20]  }
.LBB2_11:
0x2ef: {  	p0 =	slt.u32 s19, $0xE  }
0x2f0: {  	v28 =	vld [tilespmem:s22+$0x30];
	s5 =	sadd.s32 $0x100, s5;
	s21 =	smov.u32 s19;
	s19 =	sadd.s32 $0x2, s19  }
0x2f1: {  	v27 =	vperm.xlane v5, v27;
	v29 =	vld [tilespmem:s22+$0x40];
	v23 =	vmul.f32 v23, v22  }
0x2f2: {  	v24 =	vmul.f32 v24, v22;
	v30 =	vld [tilespmem:s22+$0x50]  }
0x2f3: {  	v26 =	vmul.f32 v26, v22;
	v31 =	vld [tilespmem:s22+$0x60];
	v23 =	vadd.f32 v23, v27  }
0x2f4: {  	v24 =	vadd.f32 v24, v27;
	v25 =	vmul.f32 v25, v22  }
0x2f5: {  	v26 =	vadd.f32 v26, v27;
	v28 =	vmul.f32 v28, v22;
	v23 =	vmul.f32 v23, v7  }
0x2f6: {  	v24 =	vmul.f32 v24, v6;
	v25 =	vadd.f32 v25, v27;
	v29 =	vmul.f32 v29, v22  }
0x2f7: {  	v26 =	vmul.f32 v26, v14;
	v28 =	vadd.f32 v28, v27;
	v30 =	vmul.f32 v30, v22  }
0x2f8: {  	v25 =	vmul.f32 v25, v13;
	v29 =	vadd.f32 v29, v27;
	v22 =	vmul.f32 v31, v22  }
0x2f9: {  	v26 =	vadd.f32 v26, v19;
	v28 =	vmul.f32 v28, v12;
	v30 =	vadd.f32 v30, v27  }
0x2fa: {  	v25 =	vadd.f32 v25, v20;
	v29 =	vmul.f32 v29, v11;
	v22 =	vadd.f32 v22, v27  }
0x2fb: {  	s9 =	sshrl.u32 s21, $0x3;
	v24 =	vadd.f32 v24, v8;
	[tilespmem:s22+$0x10] =	vst v26;
	v26 =	vadd.f32 v28, v21;
	v27 =	vmul.f32 v30, v10  }
0x2fc: {  	s9 =	smul.u32 $0x6000, s9;
	v23 =	vadd.f32 v23, v18;
	[tilespmem:s22+$0x20] =	vst v25;
	v25 =	vadd.f32 v29, v16;
	v22 =	vmul.f32 v22, v9  }
0x2fd: {  	[tilespmem:s22+$0x30] =	vst v26;
	v26 =	vadd.f32 v27, v15  }
0x2fe: {  	s9 =	sshra.s32 s9, $0x2;
	[tilespmem:s22+$0x40] =	vst v25;
	v22 =	vadd.f32 v22, v17  }
0x2ff: {  	s10 =	sadd.s32 $0xFFFFFF80, s5;
	s9 =	sadd.s32 s9, s0;
	[tilespmem:s22+$0x50] =	vst v26  }
0x300: {  	s10 =	sand.u32 $0x300, s10;
	s23 =	sadd.s32 $0xC00, s9;
	[tilespmem:s22+$0x60] =	vst v22  }
0x301: {  	s9 =	sadd.s32 s10, s23;
	[tilespmem:s22+$0x0] =	vst v24  }
0x302: {  	[tilespmem:s22+$0x70] =	vst v23  }
0x303: {  	v22 =	vld [tilespmem:s9+$0x50]  }
0x304: {  	v23 =	vld [tilespmem:s9+$0x40]  }
0x305: {  	v24 =	vmov s21;
	v25 =	vld [tilespmem:s9+$0x10]  }
0x306: {  	v26 =	vperm.xlane v4, v24;
	v27 =	vld [tilespmem:s9+$0x20]  }
0x307: {  	v28 =	vld [tilespmem:s9+$0x30]  }
0x308: {  	v29 =	vld [tilespmem:s9+$0x0];
	v22 =	vmul.f32 v22, v26  }
0x309: {  	v24 =	vperm.xlane v5, v24;
	v23 =	vmul.f32 v23, v26;
	v30 =	vld [tilespmem:s9+$0x60]  }
0x30a: {  	v25 =	vmul.f32 v25, v26;
	v31 =	vld [tilespmem:s9+$0x70]  }
0x30b: {  	v22 =	vadd.f32 v22, v24;
	v27 =	vmul.f32 v27, v26  }
0x30c: {  	v23 =	vadd.f32 v23, v24;
	v25 =	vadd.f32 v25, v24;
	v28 =	vmul.f32 v28, v26  }
0x30d: {  	v22 =	vmul.f32 v22, v10;
	v29 =	vmul.f32 v29, v26  }
0x30e: {  	v27 =	vadd.f32 v27, v24;
	v23 =	vmul.f32 v23, v11;
	v30 =	vmul.f32 v30, v26  }
0x30f: {  	v25 =	vmul.f32 v25, v14;
	v22 =	vadd.f32 v22, v15;
	v29 =	vadd.f32 v29, v24  }
0x310: {  	v28 =	vadd.f32 v28, v24;
	v26 =	vmul.f32 v31, v26;
	v30 =	vadd.f32 v30, v24  }
0x311: {  	v27 =	vmul.f32 v27, v13;
	v25 =	vadd.f32 v25, v19;
	v29 =	vmul.f32 v29, v6;
	[tilespmem:s9+$0x50] =	vst v22  }
0x312: {  	v22 =	vadd.f32 v23, v16;
	v24 =	vadd.f32 v26, v24;
	v23 =	vmul.f32 v30, v9  }
0x313: {  	v26 =	vadd.f32 v29, v8;
	[tilespmem:s9+$0x10] =	vst v25;
	v25 =	vadd.f32 v27, v20;
	v27 =	vmul.f32 v28, v12  }
0x314: {  	[tilespmem:s9+$0x40] =	vst v22;
	v22 =	vadd.f32 v23, v17;
	v23 =	vmul.f32 v24, v7  }
0x315: {  	[tilespmem:s9+$0x0] =	vst v26;
	v24 =	vadd.f32 v27, v21  }
0x316: {  	[tilespmem:s9+$0x60] =	vst v22;
	v22 =	vadd.f32 v23, v18  }
0x317: {  	s10 =	sand.u32 $0x380, s5;
	[tilespmem:s9+$0x20] =	vst v25  }
.Ltmp4:
0x318: {  	s22 =	sadd.s32 s10, s23;
	[tilespmem:s9+$0x70] =	vst v22;
	(pc) =	sbr.rel @p0 .LBB2_11-.Ltmp4, $4  }
0x319: {  	[tilespmem:s9+$0x30] =	vst v24;
	v23 =	vld [tilespmem:s22+$0x70]  }
0x31a: {  	s9 =	sadd.s32 $0x1, s21;
	v24 =	vld [tilespmem:s22+$0x0]  }
0x31b: {  	v27 =	vmov s9;
	v26 =	vld [tilespmem:s22+$0x10]  }
0x31c: {  	v22 =	vperm.xlane v4, v27;
	v25 =	vld [tilespmem:s22+$0x20]  }
0x31d: {  	v28 =	vld [tilespmem:s22+$0x30]  }
0x31e: {  	v29 =	vld [tilespmem:s22+$0x40]  }
0x31f: {  	v30 =	vld [tilespmem:s22+$0x50]  }
0x320: {  	v27 =	vperm.xlane v5, v27;
	v31 =	vld [tilespmem:s22+$0x60];
	v26 =	vmul.f32 v26, v22  }
0x321: {  	v25 =	vmul.f32 v25, v22  }
0x322: {  	v23 =	vmul.f32 v23, v22;
	v26 =	vadd.f32 v26, v27;
	v28 =	vmul.f32 v28, v22  }
0x323: {  	v24 =	vmul.f32 v24, v22;
	v29 =	vmul.f32 v29, v22;
	v25 =	vadd.f32 v25, v27  }
0x324: {  	v14 =	vmul.f32 v26, v14;
	v26 =	vadd.f32 v28, v27;
	v28 =	vmul.f32 v30, v22  }
0x325: {  	v22 =	vmul.f32 v31, v22;
	v13 =	vmul.f32 v25, v13;
	v25 =	vadd.f32 v29, v27  }
0x326: {  	v14 =	vadd.f32 v14, v19;
	v12 =	vmul.f32 v26, v12;
	v19 =	vadd.f32 v28, v27  }
0x327: {  	v13 =	vadd.f32 v13, v20;
	v11 =	vmul.f32 v25, v11;
	v20 =	vadd.f32 v22, v27  }
0x328: {  	s5 =	simm.s32 $0x0;
	v22 =	vadd.f32 v24, v27;
	[tilespmem:s22+$0x10] =	vst v14;
	v12 =	vadd.f32 v12, v21;
	v10 =	vmul.f32 v19, v10  }
0x329: {  	s5 =	smul.u32 $0x6000, s5;
	v14 =	vadd.f32 v23, v27;
	[tilespmem:s22+$0x20] =	vst v13;
	v11 =	vadd.f32 v11, v16;
	v9 =	vmul.f32 v20, v9  }
0x32a: {  	v6 =	vmul.f32 v22, v6;
	[tilespmem:s22+$0x30] =	vst v12;
	v10 =	vadd.f32 v10, v15  }
0x32b: {  	s5 =	sshra.s32 s5, $0x2;
	v7 =	vmul.f32 v14, v7;
	[tilespmem:s22+$0x40] =	vst v11;
	v9 =	vadd.f32 v9, v17  }
0x32c: {  	s9 =	simm.s32 $0x0;
	s5 =	sadd.s32 s5, s0;
	v6 =	vadd.f32 v6, v8;
	[tilespmem:s22+$0x50] =	vst v10  }
0x32d: {  	s10 =	sand.u32 $0x300, s9;
	s21 =	sadd.s32 $0x1000, s5;
	v7 =	vadd.f32 v7, v18;
	[tilespmem:s22+$0x60] =	vst v9  }
0x32e: {  	s10 =	sadd.s32 s10, s21;
	[tilespmem:s22+$0x0] =	vst v6  }
0x32f: {  	[tilespmem:s22+$0x70] =	vst v7;
	v21 =	vld [tilespmem:s10+$0x30]  }
0x330: {  	v6 =	vld [tilespmem:$0x12400]  }
0x331: {  	v14 =	vld [tilespmem:$0x12410]  }
0x332: {  	v13 =	vld [tilespmem:$0x12420]  }
0x333: {  	v12 =	vld [tilespmem:$0x12430]  }
0x334: {  	v11 =	vld [tilespmem:$0x12440]  }
0x335: {  	v10 =	vld [tilespmem:$0x12450]  }
0x336: {  	v9 =	vld [tilespmem:$0x12460]  }
0x337: {  	v7 =	vld [tilespmem:$0x12470]  }
0x338: {  	v15 =	vld [tilespmem:s10+$0x50]  }
0x339: {  	v16 =	vld [tilespmem:s10+$0x40]  }
0x33a: {  	s22 =	simm.s32 $0x0;
	v17 =	vld [tilespmem:s10+$0x10]  }
0x33b: {  	v18 =	vmov s22;
	v20 =	vld [tilespmem:s10+$0x20]  }
0x33c: {  	v23 =	vld [tilespmem:s10+$0x0];
	v22 =	vperm.xlane v4, v18  }
0x33d: {  	v25 =	vld [tilespmem:s10+$0x60]  }
0x33e: {  	v27 =	vld [tilespmem:s10+$0x70];
	v26 =	vperm.xlane v5, v18;
	v24 =	vmul.f32 v15, v22  }
0x33f: {  	v15 =	vld [tilespmem:$0x12750];
	v17 =	vmul.f32 v17, v22;
	v18 =	vmul.f32 v16, v22  }
0x340: {  	v19 =	vld [tilespmem:$0x12710];
	v62 =	vmul.f32 v21, v22;
	v28 =	vmul.f32 v20, v22;
	v24 =	vadd.f32 v24, v26  }
0x341: {  	v16 =	vld [tilespmem:$0x12740];
	v21 =	vmul.f32 v23, v22;
	v29 =	vadd.f32 v17, v26;
	v18 =	vadd.f32 v18, v26  }
0x342: {  	v8 =	vld [tilespmem:$0x12700];
	v23 =	vmul.f32 v24, v10;
	v24 =	vmul.f32 v25, v22  }
0x343: {  	v17 =	vld [tilespmem:$0x12760];
	v63 =	vadd.f32 v21, v26;
	v25 =	vmul.f32 v18, v11;
	v29 =	vmul.f32 v29, v14  }
0x344: {  	v20 =	vld [tilespmem:$0x12720];
	v22 =	vmul.f32 v27, v22;
	v23 =	vadd.f32 v23, v15;
	v24 =	vadd.f32 v24, v26  }
0x345: {  	v18 =	vld [tilespmem:$0x12770];
	v27 =	vadd.f32 v28, v26;
	v28 =	vmul.f32 v63, v6;
	v29 =	vadd.f32 v29, v19  }
0x346: {  	v21 =	vld [tilespmem:$0x12730];
	v22 =	vadd.f32 v22, v26;
	[tilespmem:s10+$0x50] =	vst v23;
	v23 =	vadd.f32 v25, v16;
	v24 =	vmul.f32 v24, v9  }
0x347: {  	v25 =	vadd.f32 v62, v26;
	v26 =	vmul.f32 v27, v13;
	v27 =	vadd.f32 v28, v8;
	[tilespmem:s10+$0x10] =	vst v29  }
0x348: {  	v22 =	vmul.f32 v22, v7;
	[tilespmem:s10+$0x40] =	vst v23;
	v23 =	vadd.f32 v24, v17  }
0x349: {  	v24 =	vadd.f32 v26, v20;
	v25 =	vmul.f32 v25, v12;
	[tilespmem:s10+$0x0] =	vst v27  }
0x34a: {  	s5 =	simm.s32 $0x80;
	v22 =	vadd.f32 v22, v18;
	[tilespmem:s10+$0x60] =	vst v23  }
0x34b: {  	s19 =	sand.u32 $0x380, s5;
	v23 =	vadd.f32 v25, v21;
	[tilespmem:s10+$0x20] =	vst v24  }
0x34c: {  	s22 =	sadd.s32 s19, s21;
	[tilespmem:s10+$0x70] =	vst v22  }
0x34d: {  	[tilespmem:s10+$0x30] =	vst v23;
	v23 =	vld [tilespmem:s22+$0x70]  }
0x34e: {  	s23 =	simm.s32 $0x1;
	v24 =	vld [tilespmem:s22+$0x0]  }
0x34f: {  	v27 =	vmov s23;
	v26 =	vld [tilespmem:s22+$0x10]  }
0x350: {  	s19 =	simm.s32 $0x2;
	v22 =	vperm.xlane v4, v27;
	v25 =	vld [tilespmem:s22+$0x20]  }
.LBB2_13:
0x351: {  	p0 =	slt.u32 s19, $0xE  }
0x352: {  	v28 =	vld [tilespmem:s22+$0x30];
	s5 =	sadd.s32 $0x100, s5;
	s21 =	smov.u32 s19;
	s19 =	sadd.s32 $0x2, s19  }
0x353: {  	v27 =	vperm.xlane v5, v27;
	v29 =	vld [tilespmem:s22+$0x40];
	v23 =	vmul.f32 v23, v22  }
0x354: {  	v24 =	vmul.f32 v24, v22;
	v30 =	vld [tilespmem:s22+$0x50]  }
0x355: {  	v26 =	vmul.f32 v26, v22;
	v31 =	vld [tilespmem:s22+$0x60];
	v23 =	vadd.f32 v23, v27  }
0x356: {  	v24 =	vadd.f32 v24, v27;
	v25 =	vmul.f32 v25, v22  }
0x357: {  	v26 =	vadd.f32 v26, v27;
	v28 =	vmul.f32 v28, v22;
	v23 =	vmul.f32 v23, v7  }
0x358: {  	v24 =	vmul.f32 v24, v6;
	v25 =	vadd.f32 v25, v27;
	v29 =	vmul.f32 v29, v22  }
0x359: {  	v26 =	vmul.f32 v26, v14;
	v28 =	vadd.f32 v28, v27;
	v30 =	vmul.f32 v30, v22  }
0x35a: {  	v25 =	vmul.f32 v25, v13;
	v29 =	vadd.f32 v29, v27;
	v22 =	vmul.f32 v31, v22  }
0x35b: {  	v26 =	vadd.f32 v26, v19;
	v28 =	vmul.f32 v28, v12;
	v30 =	vadd.f32 v30, v27  }
0x35c: {  	v25 =	vadd.f32 v25, v20;
	v29 =	vmul.f32 v29, v11;
	v22 =	vadd.f32 v22, v27  }
0x35d: {  	s9 =	sshrl.u32 s21, $0x3;
	v24 =	vadd.f32 v24, v8;
	[tilespmem:s22+$0x10] =	vst v26;
	v26 =	vadd.f32 v28, v21;
	v27 =	vmul.f32 v30, v10  }
0x35e: {  	s9 =	smul.u32 $0x6000, s9;
	v23 =	vadd.f32 v23, v18;
	[tilespmem:s22+$0x20] =	vst v25;
	v25 =	vadd.f32 v29, v16;
	v22 =	vmul.f32 v22, v9  }
0x35f: {  	[tilespmem:s22+$0x30] =	vst v26;
	v26 =	vadd.f32 v27, v15  }
0x360: {  	s9 =	sshra.s32 s9, $0x2;
	[tilespmem:s22+$0x40] =	vst v25;
	v22 =	vadd.f32 v22, v17  }
0x361: {  	s10 =	sadd.s32 $0xFFFFFF80, s5;
	s9 =	sadd.s32 s9, s0;
	[tilespmem:s22+$0x50] =	vst v26  }
0x362: {  	s10 =	sand.u32 $0x300, s10;
	s23 =	sadd.s32 $0x1000, s9;
	[tilespmem:s22+$0x60] =	vst v22  }
0x363: {  	s9 =	sadd.s32 s10, s23;
	[tilespmem:s22+$0x0] =	vst v24  }
0x364: {  	[tilespmem:s22+$0x70] =	vst v23  }
0x365: {  	v22 =	vld [tilespmem:s9+$0x50]  }
0x366: {  	v23 =	vld [tilespmem:s9+$0x40]  }
0x367: {  	v24 =	vmov s21;
	v25 =	vld [tilespmem:s9+$0x10]  }
0x368: {  	v26 =	vperm.xlane v4, v24;
	v27 =	vld [tilespmem:s9+$0x20]  }
0x369: {  	v28 =	vld [tilespmem:s9+$0x30]  }
0x36a: {  	v29 =	vld [tilespmem:s9+$0x0];
	v22 =	vmul.f32 v22, v26  }
0x36b: {  	v24 =	vperm.xlane v5, v24;
	v23 =	vmul.f32 v23, v26;
	v30 =	vld [tilespmem:s9+$0x60]  }
0x36c: {  	v25 =	vmul.f32 v25, v26;
	v31 =	vld [tilespmem:s9+$0x70]  }
0x36d: {  	v22 =	vadd.f32 v22, v24;
	v27 =	vmul.f32 v27, v26  }
0x36e: {  	v23 =	vadd.f32 v23, v24;
	v25 =	vadd.f32 v25, v24;
	v28 =	vmul.f32 v28, v26  }
0x36f: {  	v22 =	vmul.f32 v22, v10;
	v29 =	vmul.f32 v29, v26  }
0x370: {  	v27 =	vadd.f32 v27, v24;
	v23 =	vmul.f32 v23, v11;
	v30 =	vmul.f32 v30, v26  }
0x371: {  	v25 =	vmul.f32 v25, v14;
	v22 =	vadd.f32 v22, v15;
	v29 =	vadd.f32 v29, v24  }
0x372: {  	v28 =	vadd.f32 v28, v24;
	v26 =	vmul.f32 v31, v26;
	v30 =	vadd.f32 v30, v24  }
0x373: {  	v27 =	vmul.f32 v27, v13;
	v25 =	vadd.f32 v25, v19;
	v29 =	vmul.f32 v29, v6;
	[tilespmem:s9+$0x50] =	vst v22  }
0x374: {  	v22 =	vadd.f32 v23, v16;
	v24 =	vadd.f32 v26, v24;
	v23 =	vmul.f32 v30, v9  }
0x375: {  	v26 =	vadd.f32 v29, v8;
	[tilespmem:s9+$0x10] =	vst v25;
	v25 =	vadd.f32 v27, v20;
	v27 =	vmul.f32 v28, v12  }
0x376: {  	[tilespmem:s9+$0x40] =	vst v22;
	v22 =	vadd.f32 v23, v17;
	v23 =	vmul.f32 v24, v7  }
0x377: {  	[tilespmem:s9+$0x0] =	vst v26;
	v24 =	vadd.f32 v27, v21  }
0x378: {  	[tilespmem:s9+$0x60] =	vst v22;
	v22 =	vadd.f32 v23, v18  }
0x379: {  	s10 =	sand.u32 $0x380, s5;
	[tilespmem:s9+$0x20] =	vst v25  }
.Ltmp5:
0x37a: {  	s22 =	sadd.s32 s10, s23;
	[tilespmem:s9+$0x70] =	vst v22;
	(pc) =	sbr.rel @p0 .LBB2_13-.Ltmp5, $4  }
0x37b: {  	[tilespmem:s9+$0x30] =	vst v24;
	v23 =	vld [tilespmem:s22+$0x70]  }
0x37c: {  	s9 =	sadd.s32 $0x1, s21;
	v24 =	vld [tilespmem:s22+$0x0]  }
0x37d: {  	v27 =	vmov s9;
	v26 =	vld [tilespmem:s22+$0x10]  }
0x37e: {  	v22 =	vperm.xlane v4, v27;
	v25 =	vld [tilespmem:s22+$0x20]  }
0x37f: {  	v28 =	vld [tilespmem:s22+$0x30]  }
0x380: {  	v29 =	vld [tilespmem:s22+$0x40]  }
0x381: {  	v30 =	vld [tilespmem:s22+$0x50]  }
0x382: {  	v27 =	vperm.xlane v5, v27;
	v31 =	vld [tilespmem:s22+$0x60];
	v26 =	vmul.f32 v26, v22  }
0x383: {  	v25 =	vmul.f32 v25, v22  }
0x384: {  	v23 =	vmul.f32 v23, v22;
	v26 =	vadd.f32 v26, v27;
	v28 =	vmul.f32 v28, v22  }
0x385: {  	v24 =	vmul.f32 v24, v22;
	v29 =	vmul.f32 v29, v22;
	v25 =	vadd.f32 v25, v27  }
0x386: {  	v14 =	vmul.f32 v26, v14;
	v26 =	vadd.f32 v28, v27;
	v28 =	vmul.f32 v30, v22  }
0x387: {  	v22 =	vmul.f32 v31, v22;
	v13 =	vmul.f32 v25, v13;
	v25 =	vadd.f32 v29, v27  }
0x388: {  	v14 =	vadd.f32 v14, v19;
	v12 =	vmul.f32 v26, v12;
	v19 =	vadd.f32 v28, v27  }
0x389: {  	v13 =	vadd.f32 v13, v20;
	v11 =	vmul.f32 v25, v11;
	v20 =	vadd.f32 v22, v27  }
0x38a: {  	s5 =	simm.s32 $0x0;
	v22 =	vadd.f32 v24, v27;
	[tilespmem:s22+$0x10] =	vst v14;
	v12 =	vadd.f32 v12, v21;
	v10 =	vmul.f32 v19, v10  }
0x38b: {  	s5 =	smul.u32 $0x6000, s5;
	v14 =	vadd.f32 v23, v27;
	[tilespmem:s22+$0x20] =	vst v13;
	v11 =	vadd.f32 v11, v16;
	v9 =	vmul.f32 v20, v9  }
0x38c: {  	v6 =	vmul.f32 v22, v6;
	[tilespmem:s22+$0x30] =	vst v12;
	v10 =	vadd.f32 v10, v15  }
0x38d: {  	s5 =	sshra.s32 s5, $0x2;
	v7 =	vmul.f32 v14, v7;
	[tilespmem:s22+$0x40] =	vst v11;
	v9 =	vadd.f32 v9, v17  }
0x38e: {  	s9 =	simm.s32 $0x0;
	s5 =	sadd.s32 s5, s0;
	v6 =	vadd.f32 v6, v8;
	[tilespmem:s22+$0x50] =	vst v10  }
0x38f: {  	s10 =	sand.u32 $0x300, s9;
	s21 =	sadd.s32 $0x1400, s5;
	v7 =	vadd.f32 v7, v18;
	[tilespmem:s22+$0x60] =	vst v9  }
0x390: {  	s10 =	sadd.s32 s10, s21;
	[tilespmem:s22+$0x0] =	vst v6  }
0x391: {  	[tilespmem:s22+$0x70] =	vst v7;
	v21 =	vld [tilespmem:s10+$0x30]  }
0x392: {  	v6 =	vld [tilespmem:$0x12480]  }
0x393: {  	v14 =	vld [tilespmem:$0x12490]  }
0x394: {  	v13 =	vld [tilespmem:$0x124A0]  }
0x395: {  	v12 =	vld [tilespmem:$0x124B0]  }
0x396: {  	v11 =	vld [tilespmem:$0x124C0]  }
0x397: {  	v10 =	vld [tilespmem:$0x124D0]  }
0x398: {  	v9 =	vld [tilespmem:$0x124E0]  }
0x399: {  	v15 =	vld [tilespmem:s10+$0x50]  }
0x39a: {  	v16 =	vld [tilespmem:s10+$0x40]  }
0x39b: {  	v17 =	vld [tilespmem:s10+$0x10]  }
0x39c: {  	s22 =	simm.s32 $0x0;
	v20 =	vld [tilespmem:s10+$0x20]  }
0x39d: {  	v18 =	vmov s22;
	v23 =	vld [tilespmem:s10+$0x0]  }
0x39e: {  	v25 =	vld [tilespmem:s10+$0x60];
	v22 =	vperm.xlane v4, v18  }
0x39f: {  	v27 =	vld [tilespmem:s10+$0x70]  }
0x3a0: {  	v8 =	vld [tilespmem:$0x124F0];
	v26 =	vperm.xlane v5, v18;
	v24 =	vmul.f32 v15, v22  }
0x3a1: {  	v29 =	vmul.f32 v21, v22;
	v15 =	vld [tilespmem:$0x127D0];
	v17 =	vmul.f32 v17, v22  }
0x3a2: {  	v19 =	vld [tilespmem:$0x12790];
	v16 =	vmul.f32 v16, v22;
	v23 =	vmul.f32 v23, v22;
	v24 =	vadd.f32 v24, v26  }
0x3a3: {  	v7 =	vld [tilespmem:$0x12780];
	v28 =	vmul.f32 v20, v22;
	v25 =	vmul.f32 v25, v22;
	v17 =	vadd.f32 v17, v26  }
0x3a4: {  	v18 =	vld [tilespmem:$0x127C0];
	v22 =	vmul.f32 v27, v22;
	v23 =	vadd.f32 v23, v26;
	v24 =	vmul.f32 v24, v10  }
0x3a5: {  	v21 =	vadd.f32 v16, v26;
	v25 =	vadd.f32 v25, v26;
	v63 =	vmul.f32 v17, v14;
	v17 =	vld [tilespmem:$0x127F0]  }
0x3a6: {  	v16 =	vld [tilespmem:$0x127E0];
	v22 =	vadd.f32 v22, v26;
	v23 =	vmul.f32 v23, v6;
	v24 =	vadd.f32 v24, v15  }
0x3a7: {  	v20 =	vld [tilespmem:$0x127A0];
	v27 =	vadd.f32 v28, v26;
	v62 =	vmul.f32 v21, v11;
	v28 =	vadd.f32 v63, v19  }
0x3a8: {  	v21 =	vld [tilespmem:$0x127B0];
	v22 =	vmul.f32 v22, v8;
	v23 =	vadd.f32 v23, v7;
	[tilespmem:s10+$0x50] =	vst v24  }
0x3a9: {  	v26 =	vadd.f32 v29, v26;
	v25 =	vmul.f32 v25, v9;
	v24 =	vadd.f32 v62, v18;
	[tilespmem:s10+$0x10] =	vst v28  }
0x3aa: {  	v27 =	vmul.f32 v27, v13;
	[tilespmem:s10+$0x0] =	vst v23;
	v22 =	vadd.f32 v22, v17  }
0x3ab: {  	v26 =	vmul.f32 v26, v12;
	[tilespmem:s10+$0x40] =	vst v24;
	v24 =	vadd.f32 v25, v16  }
0x3ac: {  	s5 =	simm.s32 $0x80;
	v25 =	vadd.f32 v27, v20;
	[tilespmem:s10+$0x70] =	vst v22  }
0x3ad: {  	s19 =	sand.u32 $0x380, s5;
	v23 =	vadd.f32 v26, v21;
	[tilespmem:s10+$0x60] =	vst v24  }
0x3ae: {  	s21 =	sadd.s32 s19, s21;
	[tilespmem:s10+$0x20] =	vst v25  }
0x3af: {  	[tilespmem:s10+$0x30] =	vst v23;
	v23 =	vld [tilespmem:s21+$0x70]  }
0x3b0: {  	s23 =	simm.s32 $0x1;
	v24 =	vld [tilespmem:s21+$0x0]  }
0x3b1: {  	v27 =	vmov s23;
	v26 =	vld [tilespmem:s21+$0x10]  }
0x3b2: {  	s19 =	simm.s32 $0x2;
	v22 =	vperm.xlane v4, v27;
	v25 =	vld [tilespmem:s21+$0x20]  }
.LBB2_15:
0x3b3: {  	p0 =	slt.u32 s19, $0xE  }
0x3b4: {  	v28 =	vld [tilespmem:s21+$0x30];
	s5 =	sadd.s32 $0x100, s5;
	s22 =	smov.u32 s19;
	s19 =	sadd.s32 $0x2, s19  }
0x3b5: {  	v27 =	vperm.xlane v5, v27;
	v29 =	vld [tilespmem:s21+$0x40];
	v23 =	vmul.f32 v23, v22  }
0x3b6: {  	v24 =	vmul.f32 v24, v22;
	v30 =	vld [tilespmem:s21+$0x50]  }
0x3b7: {  	v26 =	vmul.f32 v26, v22;
	v31 =	vld [tilespmem:s21+$0x60];
	v23 =	vadd.f32 v23, v27  }
0x3b8: {  	v24 =	vadd.f32 v24, v27;
	v25 =	vmul.f32 v25, v22  }
0x3b9: {  	v26 =	vadd.f32 v26, v27;
	v28 =	vmul.f32 v28, v22;
	v23 =	vmul.f32 v23, v8  }
0x3ba: {  	v24 =	vmul.f32 v24, v6;
	v25 =	vadd.f32 v25, v27;
	v29 =	vmul.f32 v29, v22  }
0x3bb: {  	v26 =	vmul.f32 v26, v14;
	v28 =	vadd.f32 v28, v27;
	v30 =	vmul.f32 v30, v22  }
0x3bc: {  	v25 =	vmul.f32 v25, v13;
	v29 =	vadd.f32 v29, v27;
	v22 =	vmul.f32 v31, v22  }
0x3bd: {  	v26 =	vadd.f32 v26, v19;
	v28 =	vmul.f32 v28, v12;
	v30 =	vadd.f32 v30, v27  }
0x3be: {  	v25 =	vadd.f32 v25, v20;
	v29 =	vmul.f32 v29, v11;
	v22 =	vadd.f32 v22, v27  }
0x3bf: {  	s9 =	sshrl.u32 s22, $0x3;
	v24 =	vadd.f32 v24, v7;
	[tilespmem:s21+$0x10] =	vst v26;
	v26 =	vadd.f32 v28, v21;
	v27 =	vmul.f32 v30, v10  }
0x3c0: {  	s9 =	smul.u32 $0x6000, s9;
	v23 =	vadd.f32 v23, v17;
	[tilespmem:s21+$0x20] =	vst v25;
	v25 =	vadd.f32 v29, v18;
	v22 =	vmul.f32 v22, v9  }
0x3c1: {  	[tilespmem:s21+$0x30] =	vst v26;
	v26 =	vadd.f32 v27, v15  }
0x3c2: {  	s9 =	sshra.s32 s9, $0x2;
	[tilespmem:s21+$0x40] =	vst v25;
	v22 =	vadd.f32 v22, v16  }
0x3c3: {  	s10 =	sadd.s32 $0xFFFFFF80, s5;
	s9 =	sadd.s32 s9, s0;
	[tilespmem:s21+$0x50] =	vst v26  }
0x3c4: {  	s10 =	sand.u32 $0x300, s10;
	s23 =	sadd.s32 $0x1400, s9;
	[tilespmem:s21+$0x60] =	vst v22  }
0x3c5: {  	s9 =	sadd.s32 s10, s23;
	[tilespmem:s21+$0x0] =	vst v24  }
0x3c6: {  	[tilespmem:s21+$0x70] =	vst v23  }
0x3c7: {  	v22 =	vld [tilespmem:s9+$0x50]  }
0x3c8: {  	v23 =	vld [tilespmem:s9+$0x40]  }
0x3c9: {  	v24 =	vmov s22;
	v25 =	vld [tilespmem:s9+$0x10]  }
0x3ca: {  	v26 =	vperm.xlane v4, v24;
	v27 =	vld [tilespmem:s9+$0x20]  }
0x3cb: {  	v28 =	vld [tilespmem:s9+$0x30]  }
0x3cc: {  	v29 =	vld [tilespmem:s9+$0x0];
	v22 =	vmul.f32 v22, v26  }
0x3cd: {  	v24 =	vperm.xlane v5, v24;
	v23 =	vmul.f32 v23, v26;
	v30 =	vld [tilespmem:s9+$0x60]  }
0x3ce: {  	v25 =	vmul.f32 v25, v26;
	v31 =	vld [tilespmem:s9+$0x70]  }
0x3cf: {  	v22 =	vadd.f32 v22, v24;
	v27 =	vmul.f32 v27, v26  }
0x3d0: {  	v23 =	vadd.f32 v23, v24;
	v25 =	vadd.f32 v25, v24;
	v28 =	vmul.f32 v28, v26  }
0x3d1: {  	v22 =	vmul.f32 v22, v10;
	v29 =	vmul.f32 v29, v26  }
0x3d2: {  	v27 =	vadd.f32 v27, v24;
	v23 =	vmul.f32 v23, v11;
	v30 =	vmul.f32 v30, v26  }
0x3d3: {  	v25 =	vmul.f32 v25, v14;
	v22 =	vadd.f32 v22, v15;
	v29 =	vadd.f32 v29, v24  }
0x3d4: {  	v28 =	vadd.f32 v28, v24;
	v26 =	vmul.f32 v31, v26;
	v30 =	vadd.f32 v30, v24  }
0x3d5: {  	v27 =	vmul.f32 v27, v13;
	v25 =	vadd.f32 v25, v19;
	v29 =	vmul.f32 v29, v6;
	[tilespmem:s9+$0x50] =	vst v22  }
0x3d6: {  	v22 =	vadd.f32 v23, v18;
	v24 =	vadd.f32 v26, v24;
	v23 =	vmul.f32 v30, v9  }
0x3d7: {  	v26 =	vadd.f32 v29, v7;
	[tilespmem:s9+$0x10] =	vst v25;
	v25 =	vadd.f32 v27, v20;
	v27 =	vmul.f32 v28, v12  }
0x3d8: {  	[tilespmem:s9+$0x40] =	vst v22;
	v22 =	vadd.f32 v23, v16;
	v23 =	vmul.f32 v24, v8  }
0x3d9: {  	[tilespmem:s9+$0x0] =	vst v26;
	v24 =	vadd.f32 v27, v21  }
0x3da: {  	[tilespmem:s9+$0x60] =	vst v22;
	v22 =	vadd.f32 v23, v17  }
0x3db: {  	s10 =	sand.u32 $0x380, s5;
	[tilespmem:s9+$0x20] =	vst v25  }
.Ltmp6:
0x3dc: {  	s21 =	sadd.s32 s10, s23;
	[tilespmem:s9+$0x70] =	vst v22;
	(pc) =	sbr.rel @p0 .LBB2_15-.Ltmp6, $4  }
0x3dd: {  	[tilespmem:s9+$0x30] =	vst v24;
	v23 =	vld [tilespmem:s21+$0x70]  }
0x3de: {  	s9 =	sadd.s32 $0x1, s22;
	v24 =	vld [tilespmem:s21+$0x0]  }
0x3df: {  	v27 =	vmov s9;
	v26 =	vld [tilespmem:s21+$0x10]  }
0x3e0: {  	v22 =	vperm.xlane v4, v27;
	v25 =	vld [tilespmem:s21+$0x20]  }
0x3e1: {  	v4 =	vld [tilespmem:s21+$0x30]  }
0x3e2: {  	v28 =	vld [tilespmem:s21+$0x40]  }
0x3e3: {  	v29 =	vld [tilespmem:s21+$0x50]  }
0x3e4: {  	v5 =	vperm.xlane v5, v27;
	v56 =	vld [tilespmem:s21+$0x60];
	v24 =	vmul.f32 v24, v22  }
0x3e5: {  	v26 =	vmul.f32 v26, v22  }
0x3e6: {  	v23 =	vmul.f32 v23, v22;
	v25 =	vmul.f32 v25, v22;
	v62 =	vadd.f32 v24, v5  }
0x3e7: {  	v26 =	vadd.f32 v26, v5;
	v4 =	vmul.f32 v4, v22;
	v28 =	vmul.f32 v28, v22  }
0x3e8: {  	v57 =	vmul.f32 v29, v22;
	v25 =	vadd.f32 v25, v5;
	v6 =	vmul.f32 v62, v6  }
0x3e9: {  	v59 =	vmul.f32 v56, v22;
	v14 =	vmul.f32 v26, v14;
	v4 =	vadd.f32 v4, v5  }
0x3ea: {  	v58 =	vadd.f32 v28, v5;
	v13 =	vmul.f32 v25, v13;
	v6 =	vadd.f32 v6, v7  }
0x3eb: {  	v60 =	vadd.f32 v57, v5;
	v14 =	vadd.f32 v14, v19;
	v4 =	vmul.f32 v4, v12  }
0x3ec: {  	v61 =	vadd.f32 v59, v5;
	v11 =	vmul.f32 v58, v11;
	v13 =	vadd.f32 v13, v20;
	[tilespmem:s21+$0x0] =	vst v6  }
0x3ed: {  	s5 =	sshll.u32 s4, $0xC;
	s3 =	sshll.u32 s3, $0x4;
	v5 =	vadd.f32 v23, v5;
	v10 =	vmul.f32 v60, v10;
	[tilespmem:s21+$0x10] =	vst v14;
	v4 =	vadd.f32 v4, v21  }
0x3ee: {  	p0 =	sgt.u32 s30, $0x17;
	s5 =	sadd.s32 s3, s5;
	v9 =	vmul.f32 v61, v9;
	v11 =	vadd.f32 v11, v18;
	[tilespmem:s21+$0x20] =	vst v13  }
0x3ef: {  	p1 =	sne.s32 @!p0 s4, $0x3;
	s23 =	sadd.s32 s8, s5;
	v5 =	vmul.f32 v5, v8;
	[tilespmem:s21+$0x30] =	vst v4;
	v4 =	vadd.f32 v10, v15  }
0x3f0: {  	p0 =	por p1, p0;
	s4 =	sshrl.u32 s23, $0x3;
	v63 =	vadd.f32 v9, v16;
	[tilespmem:s21+$0x40] =	vst v11  }
0x3f1: {  	s3 =	sadd.s32 @!p0 s3, s17;
	s4 =	smul.u32 $0x300, s4;
	[tilespmem:s21+$0x50] =	vst v4;
	v4 =	vadd.f32 v5, v17  }
0x3f2: {  	s3 =	sshrl.u32 @!p0 s3, $0x3;
	[tilespmem:s21+$0x60] =	vst v63  }
0x3f3: {  	s3 =	smul.u32 @!p0 $0x300, s3;
	s4 =	sadd.s32 s6, s4;
	[tilespmem:s21+$0x70] =	vst v4  }
0x3f4: {  	[hbm4b:s4+s7] =	stream.linear.scatter [tilespmem:s0], [sflag:$0x2], $0x3000, $0x38;
	[tilespmem:$0x13800] =	vst v63  }
0x3f5: {  	s30 =	sadd.s32 $0x1, s30;
	s0 =	sadd.s32 @!p0 s2, s3;
	s3 =	simm.s32 @!p0 $0x0  }
0x3f6: {  	[tilespmem:s31], [sflag:$0x3] =	stream.linear.gather @!p0 [hbm4b:s0+s3], $0x3000, $0x38;
	[tilespmem:$0x13800] =	vst v63  }
0x3f7: {  	p0 =	sne.s32 s30, $0x20  }
.Ltmp7:
0x3f8: {  	_ = 	snop;
	(pc) =	sbr.rel @p0 .LBB2_2-.Ltmp7, $1  }
0x3f9: {  	_ =	sdelay $0x3  }
0x3fa: {  	s29 =	sadd.s32 $0x1, s29  }
0x3fb: {  	_ =	swait.ge [sflag:s28], $0x3000;
	p0 =	sne.s32 s29, s18  }
.Ltmp8:
0x3fc: {  	[sflag:s28] =	ssyncset.done $0x0;
	(pc) =	sbr.rel @p0 .LBB2_1-.Ltmp8, $4  }
0x3fd: {  	[sflag:s28] =	ssyncadd.s32 $0xFFFFD000  }
0x3fe: {  	_ =	swait.ge [sflag:s28], $0x3000  }
0x3ff: {  	[sflag:s28] =	ssyncset.done $0x0  }
0x400: {  	[sflag:s28] =	ssyncadd.s32 $0xFFFFD000  }
0x401: {  	_ =	sfence.sel $0x180000  }
0x402: {  	[bflag:$0x0] =	sbarrier.arrive $0xFFFF  }
0x403: {  	_ =	strace $0x90000047  }
0x404: {  	s0 =	stileid.u32;
	[bflag:$0x2] =	sbarrier.arrive $0xFFFF  }
0x405: {  	p0 =	sne.s32 s0, $0x0;
	s0 =	rddreg [dreg:$0x6]  }
0x406: {  	s0 =	sadd.s32 @!p0 $0x100000, s0  }
0x407: {  	[sflag:s0] =	ssyncadd.tile.s32 @!p0 $0x1;
	_ =	shalt  }
.Lfunc_end2:
_tile_overlayer_lowered:
.L_overlay_start_2:
0x408: {  	(tag) =	ssettag $0x2  }
0x409: {  	s0 =	rddreg [dreg:$0x0];
	s2 =	stileid.u32  }
0x40a: {  	s1 =	rddreg [dreg:$0x1];
	p0 =	sne.s32 s2, $0x0  }
0x40b: {  	s3 =	rddreg [dreg:$0x2];
	[bflag:$0x3] =	sbarrier.arrive $0xFFFF;
	s2 =	simm.s32 @!p0 $0x1C04  }
0x40c: {  	[timem:s3], [sflag:s2] =	dma.local @!p0 [hbm:s0], s1  }
0x40d: {  	s0 =	simm.s32 @!p0 $0x4  }
0x40e: {  	_ =	swait.ge @!p0 [sflag:s0], s1  }
0x40f: {  	s1 =	ssub.s32 @!p0 $0x0, s1;
	[sflag:s0] =	ssyncset.done @!p0 $0x0  }
0x410: {  	[sflag:s0] =	ssyncadd.s32 @!p0 s1  }
0x411: {  	[bflag:$0x3] =	sbarrier.arrive $0xFFFF  }
0x412: {  	_ =	shalt  }

</sc_bundles>
